<compile_context>
chip_gen: v7x
topology: tpu7x:2x2x1
jax: 0.10.2.dev20260603
libtpu: 0.0.44.dev20260713+nightly
codegen_flags: <defaults>
</compile_context>

<pallas_src>
import functools

import jax
import jax.numpy as jnp
from jax import lax
from jax.experimental import pallas as pl
from jax.experimental.pallas import tpu as pltpu
from jax.experimental.pallas import tpu_sc as plsc

B = 16384
LX = 200
V = 1_000_000
D = 16

RBLK = 126976
NROWP = 8 * RBLK

NC, NS, L = 2, 16, 16
NW = NC * NS
RPW = B // NW
C = 256
NCHUNK = RPW // C
F = 10

_ROUND_MAGIC = 8388608.0


def _stage1_body(e_ref, w_ref, b_ref, o_ref):
    o_ref[...] = (
        jnp.sum(e_ref[...] * w_ref[...], axis=0, keepdims=True) + b_ref[0, 0]
    )


def _stage1(embT, w1, bscal):
    return pl.pallas_call(
        _stage1_body,
        grid=(NROWP // RBLK,),
        in_specs=[
            pl.BlockSpec((D, RBLK), lambda i: (0, i)),
            pl.BlockSpec((D, 1), lambda i: (0, 0)),
            pl.BlockSpec(memory_space=pltpu.SMEM),
        ],
        out_specs=pl.BlockSpec((1, RBLK), lambda i: (0, i)),
        out_shape=jax.ShapeDtypeStruct((1, NROWP), jnp.float32),
    )(embT, w1, bscal)


_MESH = plsc.VectorSubcoreMesh(core_axis_name="c", subcore_axis_name="s")


@functools.partial(
    pl.kernel,
    mesh=_MESH,
    out_type=jax.ShapeDtypeStruct((B,), jnp.float32),
    scratch_types=[
        pltpu.VMEM((LX * C,), jnp.int32),
        pltpu.VMEM((LX * C,), jnp.float32),
        pltpu.VMEM((RPW,), jnp.float32),
        pltpu.SemaphoreType.DMA((F,)),
        pltpu.SemaphoreType.DMA((F,)),
    ],
)
def _stage2(xt_hbm, s_hbm, out_hbm, idx_v, val_v, out_v, semA, semB):
    wid = lax.axis_index("s") * NC + lax.axis_index("c")
    col0w = wid * RPW
    nacc = C // L

    def idx_row(l):
        return idx_v.at[pl.ds(l * C, C)]

    def val_row(l):
        return val_v.at[pl.ds(l * C, C)]

    def chunk_body(ci, carry):
        col0 = col0w + ci * C
        for j in range(F):
            pltpu.async_copy(
                xt_hbm.at[j, pl.ds(col0, C)], idx_row(j), semA.at[j]
            )
        for j in range(F):
            pltpu.make_async_copy(
                xt_hbm.at[j, pl.ds(col0, C)], idx_row(j), semA.at[j]
            ).wait()
            pltpu.async_copy(s_hbm.at[idx_row(j)], val_row(j), semB.at[j])
            pltpu.async_copy(
                xt_hbm.at[j + F, pl.ds(col0, C)], idx_row(j + F), semA.at[j]
            )

        def grp_body(k, accs):
            new = list(accs)
            for j in range(F):
                l = k * F + j
                pltpu.make_async_copy(
                    s_hbm.at[idx_row(l)], val_row(l), semB.at[j]
                ).wait()

                @pl.when(k < LX // F - 1)
                def _():
                    pltpu.make_async_copy(
                        xt_hbm.at[j, pl.ds(col0, C)],
                        idx_row(l + F),
                        semA.at[j],
                    ).wait()
                    pltpu.async_copy(
                        s_hbm.at[idx_row(l + F)], val_row(l + F), semB.at[j]
                    )

                @pl.when(k < LX // F - 2)
                def _():
                    pltpu.async_copy(
                        xt_hbm.at[l + 2 * F, pl.ds(col0, C)],
                        idx_row(l + 2 * F),
                        semA.at[j],
                    )

                for a in range(nacc):
                    new[a] = new[a] + val_v[pl.ds(l * C + a * L, L)]
            return tuple(new)

        accs = lax.fori_loop(
            0,
            LX // F,
            grp_body,
            tuple(jnp.zeros((L,), jnp.float32) for _ in range(nacc)),
        )
        for a in range(nacc):
            y = jnp.float32(1.0) / (jnp.float32(1.0) + jnp.exp(-accs[a]))
            y = y * jnp.float32(1e4)
            y = (y + jnp.float32(_ROUND_MAGIC)) - jnp.float32(_ROUND_MAGIC)
            y = y * jnp.float32(1e-4)
            out_v[pl.ds(ci * C + a * L, L)] = y
        return carry

    lax.fori_loop(0, NCHUNK, chunk_body, 0)
    pltpu.sync_copy(out_v, out_hbm.at[pl.ds(col0w, RPW)])


def kernel(x, emb, W, b):
    w1 = (W.astype(jnp.float32) / LX).reshape(1, D).T
    bscal = (b.astype(jnp.float32) / LX).reshape(1, 1)
    s = _stage1(emb.T, w1, bscal).reshape(NROWP)
    xt = x.astype(jnp.int32).T
    return _stage2(xt, s).reshape(B, 1)

# --- scband reference (transcript-rebuilt; emitter-appended) ---
"""Pipeline reference for scband-solution-26113401159837 (READ-ONLY COPY).

The authoritative reference and input builder live on the scoring server;
editing this copy changes nothing except your own understanding.
"""

import jax, jax.numpy as jnp
import numpy as np


def setup_inputs(seed: int = 0) -> dict:
    key = jax.random.key(seed)
    k1, k2, k3, k4 = jax.random.split(key, 4)
    x = jax.random.randint(k1, (16384, 200), 0, 1000000)
    emb = jax.random.normal(k2, (1000000, 16), dtype=jnp.float32) * 0.05
    W = jax.random.normal(k3, (1, 16), dtype=jnp.float32) * 0.25
    b = jax.random.normal(k4, (1,), dtype=jnp.float32) * 0.1
    return {"x": x, "emb": emb, "W": W, "b": b}


def reference(x, emb, W, b):
    # nn.Embedding lookup -> gather rows
    embeddings = jnp.take(emb, x, axis=0)            # [B, L, 16]
    averaged = jnp.mean(embeddings, axis=1)          # [B, 16]
    projected = averaged @ W.T + b                   # [B, 1] (torch Linear: x @ W.T + b)
    out = jnp.round(jax.nn.sigmoid(projected), decimals=4)
    return out

if __name__ == "__main__":
    import jax
    _d = setup_inputs()
    print(jax.jit(kernel)(*tuple(_d.values())))

</pallas_src>

<mosaic_0001>
#map = affine_map<(d0, d1) -> (0, 0)>
#map1 = affine_map<(d0, d1) -> (0)>
module attributes {stable_mosaic.version = 14 : i64} {
  func.func @_stage2(%arg0: i32, %arg1: i32, %arg2: memref<200x16384xi32, #tpu.memory_space<hbm>>, %arg3: memref<1015808xf32, #tpu.memory_space<hbm>>, %arg4: memref<16384xf32, #tpu.memory_space<hbm>>, %arg5: memref<51200xi32, #tpu.memory_space<vmem>>, %arg6: memref<51200xf32, #tpu.memory_space<vmem>>, %arg7: memref<512xf32, #tpu.memory_space<vmem>>, %arg8: memref<10x!tpu.dma_semaphore, #tpu.memory_space<semaphore_mem>>, %arg9: memref<10x!tpu.dma_semaphore, #tpu.memory_space<semaphore_mem>>) attributes {dimension_semantics = [#tpu.dimension_semantics<core_parallel>, #tpu.dimension_semantics<subcore_parallel>], iteration_bounds = array<i64: 2, 16>, scalar_prefetch = 0 : i64, scratch_operands = 5 : i64, tpu.core_type = #tpu.core_type<sc_vector_subcore>, window_params = [{transform_indices = #map}, {transform_indices = #map1}, {transform_indices = #map1}]} {
    %mul3A = arith.constant 2 : i32
    %mul3A_0 = arith.muli %arg1, %mul3A : i32
    %add3A = arith.addi %mul3A_0, %arg0 : i32
    %mul3A_1 = arith.constant 512 : i32
    %mul3A_2 = arith.muli %add3A, %mul3A_1 : i32
    %scan3A = arith.constant 0 : i32
    %scan3A_3 = arith.constant 0 : i32
    %scan3A_4 = arith.constant 2 : i32
    %scan3A_5 = arith.addi %scan3A_3, %scan3A_4 : i32
    %scan3A_6 = arith.constant 1 : i32
    scf.for %scan3A_8 = %scan3A_3 to %scan3A_5 step %scan3A_6  : i32 {
      %mul3A_9 = arith.constant 256 : i32
      %mul3A_10 = arith.muli %scan3A_8, %mul3A_9 : i32
      %add3A_11 = arith.addi %mul3A_2, %mul3A_10 : i32
      %dma_start3A = arith.constant 0 : i32
      %dma_start3A_12 = arith.constant 0 : i32
      %dma_start3A_13 = arith.constant 0 : i32
      %dma_start3A_14 = tpu.memref_slice %arg5[%dma_start3A_13] : memref<51200xi32, #tpu.memory_space<vmem>> -> memref<256xi32, #tpu.memory_space<vmem>>
      %dma_start3A_15 = tpu.memref_slice %arg2[%dma_start3A, %add3A_11] : memref<200x16384xi32, #tpu.memory_space<hbm>> -> memref<1x256xi32, #tpu.memory_space<hbm>>
      %dma_start3A_16 = tpu.memref_squeeze %dma_start3A_15 : memref<1x256xi32, #tpu.memory_space<hbm>> -> memref<256xi32, #tpu.memory_space<hbm>>
      %dma_start3A_17 = tpu.memref_slice %arg8[%dma_start3A_12] : memref<10x!tpu.dma_semaphore, #tpu.memory_space<semaphore_mem>> -> memref<1x!tpu.dma_semaphore, #tpu.memory_space<semaphore_mem>>
      %dma_start3A_18 = tpu.memref_squeeze %dma_start3A_17 : memref<1x!tpu.dma_semaphore, #tpu.memory_space<semaphore_mem>> -> memref<!tpu.dma_semaphore, #tpu.memory_space<semaphore_mem>>
      %dma_start3A_19 = arith.constant 0 : i32
      %dma_start3A_20 = tpu.memref_slice %arg5[%dma_start3A_19] : memref<51200xi32, #tpu.memory_space<vmem>> -> memref<256xi32, #tpu.memory_space<vmem>>
      %dma_start3A_21 = tpu.memref_slice %arg2[%dma_start3A, %add3A_11] : memref<200x16384xi32, #tpu.memory_space<hbm>> -> memref<1x256xi32, #tpu.memory_space<hbm>>
      %dma_start3A_22 = tpu.memref_squeeze %dma_start3A_21 : memref<1x256xi32, #tpu.memory_space<hbm>> -> memref<256xi32, #tpu.memory_space<hbm>>
      tpu.enqueue_dma source(%dma_start3A_22 : memref<256xi32, #tpu.memory_space<hbm>>) target(%dma_start3A_20 : memref<256xi32, #tpu.memory_space<vmem>>) target_semaphore(%dma_start3A_18 : memref<!tpu.dma_semaphore, #tpu.memory_space<semaphore_mem>>)
      %dma_start3A_23 = arith.constant 1 : i32
      %dma_start3A_24 = arith.constant 1 : i32
      %dma_start3A_25 = arith.constant 256 : i32
      %dma_start3A_26 = tpu.memref_slice %arg5[%dma_start3A_25] : memref<51200xi32, #tpu.memory_space<vmem>> -> memref<256xi32, #tpu.memory_space<vmem>>
      %dma_start3A_27 = tpu.memref_slice %arg2[%dma_start3A_23, %add3A_11] : memref<200x16384xi32, #tpu.memory_space<hbm>> -> memref<1x256xi32, #tpu.memory_space<hbm>>
      %dma_start3A_28 = tpu.memref_squeeze %dma_start3A_27 : memref<1x256xi32, #tpu.memory_space<hbm>> -> memref<256xi32, #tpu.memory_space<hbm>>
      %dma_start3A_29 = tpu.memref_slice %arg8[%dma_start3A_24] : memref<10x!tpu.dma_semaphore, #tpu.memory_space<semaphore_mem>> -> memref<1x!tpu.dma_semaphore, #tpu.memory_space<semaphore_mem>>
      %dma_start3A_30 = tpu.memref_squeeze %dma_start3A_29 : memref<1x!tpu.dma_semaphore, #tpu.memory_space<semaphore_mem>> -> memref<!tpu.dma_semaphore, #tpu.memory_space<semaphore_mem>>
      %dma_start3A_31 = arith.constant 256 : i32
      %dma_start3A_32 = tpu.memref_slice %arg5[%dma_start3A_31] : memref<51200xi32, #tpu.memory_space<vmem>> -> memref<256xi32, #tpu.memory_space<vmem>>
      %dma_start3A_33 = tpu.memref_slice %arg2[%dma_start3A_23, %add3A_11] : memref<200x16384xi32, #tpu.memory_space<hbm>> -> memref<1x256xi32, #tpu.memory_space<hbm>>
      %dma_start3A_34 = tpu.memref_squeeze %dma_start3A_33 : memref<1x256xi32, #tpu.memory_space<hbm>> -> memref<256xi32, #tpu.memory_space<hbm>>
      tpu.enqueue_dma source(%dma_start3A_34 : memref<256xi32, #tpu.memory_space<hbm>>) target(%dma_start3A_32 : memref<256xi32, #tpu.memory_space<vmem>>) target_semaphore(%dma_start3A_30 : memref<!tpu.dma_semaphore, #tpu.memory_space<semaphore_mem>>)
      %dma_start3A_35 = arith.constant 2 : i32
      %dma_start3A_36 = arith.constant 2 : i32
      %dma_start3A_37 = arith.constant 512 : i32
      %dma_start3A_38 = tpu.memref_slice %arg5[%dma_start3A_37] : memref<51200xi32, #tpu.memory_space<vmem>> -> memref<256xi32, #tpu.memory_space<vmem>>
      %dma_start3A_39 = tpu.memref_slice %arg2[%dma_start3A_35, %add3A_11] : memref<200x16384xi32, #tpu.memory_space<hbm>> -> memref<1x256xi32, #tpu.memory_space<hbm>>
      %dma_start3A_40 = tpu.memref_squeeze %dma_start3A_39 : memref<1x256xi32, #tpu.memory_space<hbm>> -> memref<256xi32, #tpu.memory_space<hbm>>
      %dma_start3A_41 = tpu.memref_slice %arg8[%dma_start3A_36] : memref<10x!tpu.dma_semaphore, #tpu.memory_space<semaphore_mem>> -> memref<1x!tpu.dma_semaphore, #tpu.memory_space<semaphore_mem>>
      %dma_start3A_42 = tpu.memref_squeeze %dma_start3A_41 : memref<1x!tpu.dma_semaphore, #tpu.memory_space<semaphore_mem>> -> memref<!tpu.dma_semaphore, #tpu.memory_space<semaphore_mem>>
      %dma_start3A_43 = arith.constant 512 : i32
      %dma_start3A_44 = tpu.memref_slice %arg5[%dma_start3A_43] : memref<51200xi32, #tpu.memory_space<vmem>> -> memref<256xi32, #tpu.memory_space<vmem>>
      %dma_start3A_45 = tpu.memref_slice %arg2[%dma_start3A_35, %add3A_11] : memref<200x16384xi32, #tpu.memory_space<hbm>> -> memref<1x256xi32, #tpu.memory_space<hbm>>
      %dma_start3A_46 = tpu.memref_squeeze %dma_start3A_45 : memref<1x256xi32, #tpu.memory_space<hbm>> -> memref<256xi32, #tpu.memory_space<hbm>>
      tpu.enqueue_dma source(%dma_start3A_46 : memref<256xi32, #tpu.memory_space<hbm>>) target(%dma_start3A_44 : memref<256xi32, #tpu.memory_space<vmem>>) target_semaphore(%dma_start3A_42 : memref<!tpu.dma_semaphore, #tpu.memory_space<semaphore_mem>>)
      %dma_start3A_47 = arith.constant 3 : i32
      %dma_start3A_48 = arith.constant 3 : i32
      %dma_start3A_49 = arith.constant 768 : i32
      %dma_start3A_50 = tpu.memref_slice %arg5[%dma_start3A_49] : memref<51200xi32, #tpu.memory_space<vmem>> -> memref<256xi32, #tpu.memory_space<vmem>>
      %dma_start3A_51 = tpu.memref_slice %arg2[%dma_start3A_47, %add3A_11] : memref<200x16384xi32, #tpu.memory_space<hbm>> -> memref<1x256xi32, #tpu.memory_space<hbm>>
      %dma_start3A_52 = tpu.memref_squeeze %dma_start3A_51 : memref<1x256xi32, #tpu.memory_space<hbm>> -> memref<256xi32, #tpu.memory_space<hbm>>
      %dma_start3A_53 = tpu.memref_slice %arg8[%dma_start3A_48] : memref<10x!tpu.dma_semaphore, #tpu.memory_space<semaphore_mem>> -> memref<1x!tpu.dma_semaphore, #tpu.memory_space<semaphore_mem>>
      %dma_start3A_54 = tpu.memref_squeeze %dma_start3A_53 : memref<1x!tpu.dma_semaphore, #tpu.memory_space<semaphore_mem>> -> memref<!tpu.dma_semaphore, #tpu.memory_space<semaphore_mem>>
      %dma_start3A_55 = arith.constant 768 : i32
      %dma_start3A_56 = tpu.memref_slice %arg5[%dma_start3A_55] : memref<51200xi32, #tpu.memory_space<vmem>> -> memref<256xi32, #tpu.memory_space<vmem>>
      %dma_start3A_57 = tpu.memref_slice %arg2[%dma_start3A_47, %add3A_11] : memref<200x16384xi32, #tpu.memory_space<hbm>> -> memref<1x256xi32, #tpu.memory_space<hbm>>
      %dma_start3A_58 = tpu.memref_squeeze %dma_start3A_57 : memref<1x256xi32, #tpu.memory_space<hbm>> -> memref<256xi32, #tpu.memory_space<hbm>>
      tpu.enqueue_dma source(%dma_start3A_58 : memref<256xi32, #tpu.memory_space<hbm>>) target(%dma_start3A_56 : memref<256xi32, #tpu.memory_space<vmem>>) target_semaphore(%dma_start3A_54 : memref<!tpu.dma_semaphore, #tpu.memory_space<semaphore_mem>>)
      %dma_start3A_59 = arith.constant 4 : i32
      %dma_start3A_60 = arith.constant 4 : i32
      %dma_start3A_61 = arith.constant 1024 : i32
      %dma_start3A_62 = tpu.memref_slice %arg5[%dma_start3A_61] : memref<51200xi32, #tpu.memory_space<vmem>> -> memref<256xi32, #tpu.memory_space<vmem>>
      %dma_start3A_63 = tpu.memref_slice %arg2[%dma_start3A_59, %add3A_11] : memref<200x16384xi32, #tpu.memory_space<hbm>> -> memref<1x256xi32, #tpu.memory_space<hbm>>
      %dma_start3A_64 = tpu.memref_squeeze %dma_start3A_63 : memref<1x256xi32, #tpu.memory_space<hbm>> -> memref<256xi32, #tpu.memory_space<hbm>>
      %dma_start3A_65 = tpu.memref_slice %arg8[%dma_start3A_60] : memref<10x!tpu.dma_semaphore, #tpu.memory_space<semaphore_mem>> -> memref<1x!tpu.dma_semaphore, #tpu.memory_space<semaphore_mem>>
      %dma_start3A_66 = tpu.memref_squeeze %dma_start3A_65 : memref<1x!tpu.dma_semaphore, #tpu.memory_space<semaphore_mem>> -> memref<!tpu.dma_semaphore, #tpu.memory_space<semaphore_mem>>
      %dma_start3A_67 = arith.constant 1024 : i32
      %dma_start3A_68 = tpu.memref_slice %arg5[%dma_start3A_67] : memref<51200xi32, #tpu.memory_space<vmem>> -> memref<256xi32, #tpu.memory_space<vmem>>
      %dma_start3A_69 = tpu.memref_slice %arg2[%dma_start3A_59, %add3A_11] : memref<200x16384xi32, #tpu.memory_space<hbm>> -> memref<1x256xi32, #tpu.memory_space<hbm>>
      %dma_start3A_70 = tpu.memref_squeeze %dma_start3A_69 : memref<1x256xi32, #tpu.memory_space<hbm>> -> memref<256xi32, #tpu.memory_space<hbm>>
      tpu.enqueue_dma source(%dma_start3A_70 : memref<256xi32, #tpu.memory_space<hbm>>) target(%dma_start3A_68 : memref<256xi32, #tpu.memory_space<vmem>>) target_semaphore(%dma_start3A_66 : memref<!tpu.dma_semaphore, #tpu.memory_space<semaphore_mem>>)
      %dma_start3A_71 = arith.constant 5 : i32
      %dma_start3A_72 = arith.constant 5 : i32
      %dma_start3A_73 = arith.constant 1280 : i32
      %dma_start3A_74 = tpu.memref_slice %arg5[%dma_start3A_73] : memref<51200xi32, #tpu.memory_space<vmem>> -> memref<256xi32, #tpu.memory_space<vmem>>
      %dma_start3A_75 = tpu.memref_slice %arg2[%dma_start3A_71, %add3A_11] : memref<200x16384xi32, #tpu.memory_space<hbm>> -> memref<1x256xi32, #tpu.memory_space<hbm>>
      %dma_start3A_76 = tpu.memref_squeeze %dma_start3A_75 : memref<1x256xi32, #tpu.memory_space<hbm>> -> memref<256xi32, #tpu.memory_space<hbm>>
      %dma_start3A_77 = tpu.memref_slice %arg8[%dma_start3A_72] : memref<10x!tpu.dma_semaphore, #tpu.memory_space<semaphore_mem>> -> memref<1x!tpu.dma_semaphore, #tpu.memory_space<semaphore_mem>>
      %dma_start3A_78 = tpu.memref_squeeze %dma_start3A_77 : memref<1x!tpu.dma_semaphore, #tpu.memory_space<semaphore_mem>> -> memref<!tpu.dma_semaphore, #tpu.memory_space<semaphore_mem>>
      %dma_start3A_79 = arith.constant 1280 : i32
      %dma_start3A_80 = tpu.memref_slice %arg5[%dma_start3A_79] : memref<51200xi32, #tpu.memory_space<vmem>> -> memref<256xi32, #tpu.memory_space<vmem>>
      %dma_start3A_81 = tpu.memref_slice %arg2[%dma_start3A_71, %add3A_11] : memref<200x16384xi32, #tpu.memory_space<hbm>> -> memref<1x256xi32, #tpu.memory_space<hbm>>
      %dma_start3A_82 = tpu.memref_squeeze %dma_start3A_81 : memref<1x256xi32, #tpu.memory_space<hbm>> -> memref<256xi32, #tpu.memory_space<hbm>>
      tpu.enqueue_dma source(%dma_start3A_82 : memref<256xi32, #tpu.memory_space<hbm>>) target(%dma_start3A_80 : memref<256xi32, #tpu.memory_space<vmem>>) target_semaphore(%dma_start3A_78 : memref<!tpu.dma_semaphore, #tpu.memory_space<semaphore_mem>>)
      %dma_start3A_83 = arith.constant 6 : i32
      %dma_start3A_84 = arith.constant 6 : i32
      %dma_start3A_85 = arith.constant 1536 : i32
      %dma_start3A_86 = tpu.memref_slice %arg5[%dma_start3A_85] : memref<51200xi32, #tpu.memory_space<vmem>> -> memref<256xi32, #tpu.memory_space<vmem>>
      %dma_start3A_87 = tpu.memref_slice %arg2[%dma_start3A_83, %add3A_11] : memref<200x16384xi32, #tpu.memory_space<hbm>> -> memref<1x256xi32, #tpu.memory_space<hbm>>
      %dma_start3A_88 = tpu.memref_squeeze %dma_start3A_87 : memref<1x256xi32, #tpu.memory_space<hbm>> -> memref<256xi32, #tpu.memory_space<hbm>>
      %dma_start3A_89 = tpu.memref_slice %arg8[%dma_start3A_84] : memref<10x!tpu.dma_semaphore, #tpu.memory_space<semaphore_mem>> -> memref<1x!tpu.dma_semaphore, #tpu.memory_space<semaphore_mem>>
      %dma_start3A_90 = tpu.memref_squeeze %dma_start3A_89 : memref<1x!tpu.dma_semaphore, #tpu.memory_space<semaphore_mem>> -> memref<!tpu.dma_semaphore, #tpu.memory_space<semaphore_mem>>
      %dma_start3A_91 = arith.constant 1536 : i32
      %dma_start3A_92 = tpu.memref_slice %arg5[%dma_start3A_91] : memref<51200xi32, #tpu.memory_space<vmem>> -> memref<256xi32, #tpu.memory_space<vmem>>
      %dma_start3A_93 = tpu.memref_slice %arg2[%dma_start3A_83, %add3A_11] : memref<200x16384xi32, #tpu.memory_space<hbm>> -> memref<1x256xi32, #tpu.memory_space<hbm>>
      %dma_start3A_94 = tpu.memref_squeeze %dma_start3A_93 : memref<1x256xi32, #tpu.memory_space<hbm>> -> memref<256xi32, #tpu.memory_space<hbm>>
      tpu.enqueue_dma source(%dma_start3A_94 : memref<256xi32, #tpu.memory_space<hbm>>) target(%dma_start3A_92 : memref<256xi32, #tpu.memory_space<vmem>>) target_semaphore(%dma_start3A_90 : memref<!tpu.dma_semaphore, #tpu.memory_space<semaphore_mem>>)
      %dma_start3A_95 = arith.constant 7 : i32
      %dma_start3A_96 = arith.constant 7 : i32
      %dma_start3A_97 = arith.constant 1792 : i32
      %dma_start3A_98 = tpu.memref_slice %arg5[%dma_start3A_97] : memref<51200xi32, #tpu.memory_space<vmem>> -> memref<256xi32, #tpu.memory_space<vmem>>
      %dma_start3A_99 = tpu.memref_slice %arg2[%dma_start3A_95, %add3A_11] : memref<200x16384xi32, #tpu.memory_space<hbm>> -> memref<1x256xi32, #tpu.memory_space<hbm>>
      %dma_start3A_100 = tpu.memref_squeeze %dma_start3A_99 : memref<1x256xi32, #tpu.memory_space<hbm>> -> memref<256xi32, #tpu.memory_space<hbm>>
      %dma_start3A_101 = tpu.memref_slice %arg8[%dma_start3A_96] : memref<10x!tpu.dma_semaphore, #tpu.memory_space<semaphore_mem>> -> memref<1x!tpu.dma_semaphore, #tpu.memory_space<semaphore_mem>>
      %dma_start3A_102 = tpu.memref_squeeze %dma_start3A_101 : memref<1x!tpu.dma_semaphore, #tpu.memory_space<semaphore_mem>> -> memref<!tpu.dma_semaphore, #tpu.memory_space<semaphore_mem>>
      %dma_start3A_103 = arith.constant 1792 : i32
      %dma_start3A_104 = tpu.memref_slice %arg5[%dma_start3A_103] : memref<51200xi32, #tpu.memory_space<vmem>> -> memref<256xi32, #tpu.memory_space<vmem>>
      %dma_start3A_105 = tpu.memref_slice %arg2[%dma_start3A_95, %add3A_11] : memref<200x16384xi32, #tpu.memory_space<hbm>> -> memref<1x256xi32, #tpu.memory_space<hbm>>
      %dma_start3A_106 = tpu.memref_squeeze %dma_start3A_105 : memref<1x256xi32, #tpu.memory_space<hbm>> -> memref<256xi32, #tpu.memory_space<hbm>>
      tpu.enqueue_dma source(%dma_start3A_106 : memref<256xi32, #tpu.memory_space<hbm>>) target(%dma_start3A_104 : memref<256xi32, #tpu.memory_space<vmem>>) target_semaphore(%dma_start3A_102 : memref<!tpu.dma_semaphore, #tpu.memory_space<semaphore_mem>>)
      %dma_start3A_107 = arith.constant 8 : i32
      %dma_start3A_108 = arith.constant 8 : i32
      %dma_start3A_109 = arith.constant 2048 : i32
      %dma_start3A_110 = tpu.memref_slice %arg5[%dma_start3A_109] : memref<51200xi32, #tpu.memory_space<vmem>> -> memref<256xi32, #tpu.memory_space<vmem>>
      %dma_start3A_111 = tpu.memref_slice %arg2[%dma_start3A_107, %add3A_11] : memref<200x16384xi32, #tpu.memory_space<hbm>> -> memref<1x256xi32, #tpu.memory_space<hbm>>
      %dma_start3A_112 = tpu.memref_squeeze %dma_start3A_111 : memref<1x256xi32, #tpu.memory_space<hbm>> -> memref<256xi32, #tpu.memory_space<hbm>>
      %dma_start3A_113 = tpu.memref_slice %arg8[%dma_start3A_108] : memref<10x!tpu.dma_semaphore, #tpu.memory_space<semaphore_mem>> -> memref<1x!tpu.dma_semaphore, #tpu.memory_space<semaphore_mem>>
      %dma_start3A_114 = tpu.memref_squeeze %dma_start3A_113 : memref<1x!tpu.dma_semaphore, #tpu.memory_space<semaphore_mem>> -> memref<!tpu.dma_semaphore, #tpu.memory_space<semaphore_mem>>
      %dma_start3A_115 = arith.constant 2048 : i32
      %dma_start3A_116 = tpu.memref_slice %arg5[%dma_start3A_115] : memref<51200xi32, #tpu.memory_space<vmem>> -> memref<256xi32, #tpu.memory_space<vmem>>
      %dma_start3A_117 = tpu.memref_slice %arg2[%dma_start3A_107, %add3A_11] : memref<200x16384xi32, #tpu.memory_space<hbm>> -> memref<1x256xi32, #tpu.memory_space<hbm>>
      %dma_start3A_118 = tpu.memref_squeeze %dma_start3A_117 : memref<1x256xi32, #tpu.memory_space<hbm>> -> memref<256xi32, #tpu.memory_space<hbm>>
      tpu.enqueue_dma source(%dma_start3A_118 : memref<256xi32, #tpu.memory_space<hbm>>) target(%dma_start3A_116 : memref<256xi32, #tpu.memory_space<vmem>>) target_semaphore(%dma_start3A_114 : memref<!tpu.dma_semaphore, #tpu.memory_space<semaphore_mem>>)
      %dma_start3A_119 = arith.constant 9 : i32
      %dma_start3A_120 = arith.constant 9 : i32
      %dma_start3A_121 = arith.constant 2304 : i32
      %dma_start3A_122 = tpu.memref_slice %arg5[%dma_start3A_121] : memref<51200xi32, #tpu.memory_space<vmem>> -> memref<256xi32, #tpu.memory_space<vmem>>
      %dma_start3A_123 = tpu.memref_slice %arg2[%dma_start3A_119, %add3A_11] : memref<200x16384xi32, #tpu.memory_space<hbm>> -> memref<1x256xi32, #tpu.memory_space<hbm>>
      %dma_start3A_124 = tpu.memref_squeeze %dma_start3A_123 : memref<1x256xi32, #tpu.memory_space<hbm>> -> memref<256xi32, #tpu.memory_space<hbm>>
      %dma_start3A_125 = tpu.memref_slice %arg8[%dma_start3A_120] : memref<10x!tpu.dma_semaphore, #tpu.memory_space<semaphore_mem>> -> memref<1x!tpu.dma_semaphore, #tpu.memory_space<semaphore_mem>>
      %dma_start3A_126 = tpu.memref_squeeze %dma_start3A_125 : memref<1x!tpu.dma_semaphore, #tpu.memory_space<semaphore_mem>> -> memref<!tpu.dma_semaphore, #tpu.memory_space<semaphore_mem>>
      %dma_start3A_127 = arith.constant 2304 : i32
      %dma_start3A_128 = tpu.memref_slice %arg5[%dma_start3A_127] : memref<51200xi32, #tpu.memory_space<vmem>> -> memref<256xi32, #tpu.memory_space<vmem>>
      %dma_start3A_129 = tpu.memref_slice %arg2[%dma_start3A_119, %add3A_11] : memref<200x16384xi32, #tpu.memory_space<hbm>> -> memref<1x256xi32, #tpu.memory_space<hbm>>
      %dma_start3A_130 = tpu.memref_squeeze %dma_start3A_129 : memref<1x256xi32, #tpu.memory_space<hbm>> -> memref<256xi32, #tpu.memory_space<hbm>>
      tpu.enqueue_dma source(%dma_start3A_130 : memref<256xi32, #tpu.memory_space<hbm>>) target(%dma_start3A_128 : memref<256xi32, #tpu.memory_space<vmem>>) target_semaphore(%dma_start3A_126 : memref<!tpu.dma_semaphore, #tpu.memory_space<semaphore_mem>>)
      %dma_wait3A = arith.constant 0 : i32
      %dma_wait3A_131 = arith.constant 0 : i32
      %dma_wait3A_132 = arith.constant 0 : i32
      %dma_wait3A_133 = tpu.memref_slice %arg5[%dma_wait3A_132] : memref<51200xi32, #tpu.memory_space<vmem>> -> memref<256xi32, #tpu.memory_space<vmem>>
      %dma_wait3A_134 = tpu.memref_slice %arg2[%dma_wait3A, %add3A_11] : memref<200x16384xi32, #tpu.memory_space<hbm>> -> memref<1x256xi32, #tpu.memory_space<hbm>>
      %dma_wait3A_135 = tpu.memref_squeeze %dma_wait3A_134 : memref<1x256xi32, #tpu.memory_space<hbm>> -> memref<256xi32, #tpu.memory_space<hbm>>
      %dma_wait3A_136 = tpu.memref_slice %arg8[%dma_wait3A_131] : memref<10x!tpu.dma_semaphore, #tpu.memory_space<semaphore_mem>> -> memref<1x!tpu.dma_semaphore, #tpu.memory_space<semaphore_mem>>
      %dma_wait3A_137 = tpu.memref_squeeze %dma_wait3A_136 : memref<1x!tpu.dma_semaphore, #tpu.memory_space<semaphore_mem>> -> memref<!tpu.dma_semaphore, #tpu.memory_space<semaphore_mem>>
      %dma_wait3A_138 = arith.constant 0 : i32
      %dma_wait3A_139 = tpu.memref_slice %arg5[%dma_wait3A_138] : memref<51200xi32, #tpu.memory_space<vmem>> -> memref<256xi32, #tpu.memory_space<vmem>>
      %dma_wait3A_140 = tpu.memref_slice %arg2[%dma_wait3A, %add3A_11] : memref<200x16384xi32, #tpu.memory_space<hbm>> -> memref<1x256xi32, #tpu.memory_space<hbm>>
      %dma_wait3A_141 = tpu.memref_squeeze %dma_wait3A_140 : memref<1x256xi32, #tpu.memory_space<hbm>> -> memref<256xi32, #tpu.memory_space<hbm>>
      tpu.wait_dma2 semaphore(%dma_wait3A_137 : memref<!tpu.dma_semaphore, #tpu.memory_space<semaphore_mem>>) src(%dma_wait3A_141 : memref<256xi32, #tpu.memory_space<hbm>>) dst(%dma_wait3A_139 : memref<256xi32, #tpu.memory_space<vmem>>)
      %dma_start3A_142 = arith.constant 0 : i32
      %dma_start3A_143 = arith.constant 0 : i32
      %dma_start3A_144 = tpu.memref_slice %arg6[%dma_start3A_143] : memref<51200xf32, #tpu.memory_space<vmem>> -> memref<256xf32, #tpu.memory_space<vmem>>
      %dma_start3A_145 = arith.constant 0 : i32
      %dma_start3A_146 = tpu.memref_slice %arg5[%dma_start3A_145] : memref<51200xi32, #tpu.memory_space<vmem>> -> memref<256xi32, #tpu.memory_space<vmem>>
      %dma_start3A_147 = arith.constant 0 : i32
      %dma_start3A_148 = tpu.memref_slice %arg3[%dma_start3A_147] : memref<1015808xf32, #tpu.memory_space<hbm>> -> memref<1015808xf32, #tpu.memory_space<hbm>>
      %dma_start3A_149 = tpu.memref_slice %arg9[%dma_start3A_142] : memref<10x!tpu.dma_semaphore, #tpu.memory_space<semaphore_mem>> -> memref<1x!tpu.dma_semaphore, #tpu.memory_space<semaphore_mem>>
      %dma_start3A_150 = tpu.memref_squeeze %dma_start3A_149 : memref<1x!tpu.dma_semaphore, #tpu.memory_space<semaphore_mem>> -> memref<!tpu.dma_semaphore, #tpu.memory_space<semaphore_mem>>
      tpu.enqueue_indirect_dma source(%dma_start3A_148 : memref<1015808xf32, #tpu.memory_space<hbm>>) target(%dma_start3A_144 : memref<256xf32, #tpu.memory_space<vmem>>) offsets(%dma_start3A_146 : memref<256xi32, #tpu.memory_space<vmem>>) semaphore(%dma_start3A_150 : memref<!tpu.dma_semaphore, #tpu.memory_space<semaphore_mem>>)
      %dma_start3A_151 = arith.constant 10 : i32
      %dma_start3A_152 = arith.constant 0 : i32
      %dma_start3A_153 = arith.constant 2560 : i32
      %dma_start3A_154 = tpu.memref_slice %arg5[%dma_start3A_153] : memref<51200xi32, #tpu.memory_space<vmem>> -> memref<256xi32, #tpu.memory_space<vmem>>
      %dma_start3A_155 = tpu.memref_slice %arg2[%dma_start3A_151, %add3A_11] : memref<200x16384xi32, #tpu.memory_space<hbm>> -> memref<1x256xi32, #tpu.memory_space<hbm>>
      %dma_start3A_156 = tpu.memref_squeeze %dma_start3A_155 : memref<1x256xi32, #tpu.memory_space<hbm>> -> memref<256xi32, #tpu.memory_space<hbm>>
      %dma_start3A_157 = tpu.memref_slice %arg8[%dma_start3A_152] : memref<10x!tpu.dma_semaphore, #tpu.memory_space<semaphore_mem>> -> memref<1x!tpu.dma_semaphore, #tpu.memory_space<semaphore_mem>>
      %dma_start3A_158 = tpu.memref_squeeze %dma_start3A_157 : memref<1x!tpu.dma_semaphore, #tpu.memory_space<semaphore_mem>> -> memref<!tpu.dma_semaphore, #tpu.memory_space<semaphore_mem>>
      %dma_start3A_159 = arith.constant 2560 : i32
      %dma_start3A_160 = tpu.memref_slice %arg5[%dma_start3A_159] : memref<51200xi32, #tpu.memory_space<vmem>> -> memref<256xi32, #tpu.memory_space<vmem>>
      %dma_start3A_161 = tpu.memref_slice %arg2[%dma_start3A_151, %add3A_11] : memref<200x16384xi32, #tpu.memory_space<hbm>> -> memref<1x256xi32, #tpu.memory_space<hbm>>
      %dma_start3A_162 = tpu.memref_squeeze %dma_start3A_161 : memref<1x256xi32, #tpu.memory_space<hbm>> -> memref<256xi32, #tpu.memory_space<hbm>>
      tpu.enqueue_dma source(%dma_start3A_162 : memref<256xi32, #tpu.memory_space<hbm>>) target(%dma_start3A_160 : memref<256xi32, #tpu.memory_space<vmem>>) target_semaphore(%dma_start3A_158 : memref<!tpu.dma_semaphore, #tpu.memory_space<semaphore_mem>>)
      %dma_wait3A_163 = arith.constant 1 : i32
      %dma_wait3A_164 = arith.constant 1 : i32
      %dma_wait3A_165 = arith.constant 256 : i32
      %dma_wait3A_166 = tpu.memref_slice %arg5[%dma_wait3A_165] : memref<51200xi32, #tpu.memory_space<vmem>> -> memref<256xi32, #tpu.memory_space<vmem>>
      %dma_wait3A_167 = tpu.memref_slice %arg2[%dma_wait3A_163, %add3A_11] : memref<200x16384xi32, #tpu.memory_space<hbm>> -> memref<1x256xi32, #tpu.memory_space<hbm>>
      %dma_wait3A_168 = tpu.memref_squeeze %dma_wait3A_167 : memref<1x256xi32, #tpu.memory_space<hbm>> -> memref<256xi32, #tpu.memory_space<hbm>>
      %dma_wait3A_169 = tpu.memref_slice %arg8[%dma_wait3A_164] : memref<10x!tpu.dma_semaphore, #tpu.memory_space<semaphore_mem>> -> memref<1x!tpu.dma_semaphore, #tpu.memory_space<semaphore_mem>>
      %dma_wait3A_170 = tpu.memref_squeeze %dma_wait3A_169 : memref<1x!tpu.dma_semaphore, #tpu.memory_space<semaphore_mem>> -> memref<!tpu.dma_semaphore, #tpu.memory_space<semaphore_mem>>
      %dma_wait3A_171 = arith.constant 256 : i32
      %dma_wait3A_172 = tpu.memref_slice %arg5[%dma_wait3A_171] : memref<51200xi32, #tpu.memory_space<vmem>> -> memref<256xi32, #tpu.memory_space<vmem>>
      %dma_wait3A_173 = tpu.memref_slice %arg2[%dma_wait3A_163, %add3A_11] : memref<200x16384xi32, #tpu.memory_space<hbm>> -> memref<1x256xi32, #tpu.memory_space<hbm>>
      %dma_wait3A_174 = tpu.memref_squeeze %dma_wait3A_173 : memref<1x256xi32, #tpu.memory_space<hbm>> -> memref<256xi32, #tpu.memory_space<hbm>>
      tpu.wait_dma2 semaphore(%dma_wait3A_170 : memref<!tpu.dma_semaphore, #tpu.memory_space<semaphore_mem>>) src(%dma_wait3A_174 : memref<256xi32, #tpu.memory_space<hbm>>) dst(%dma_wait3A_172 : memref<256xi32, #tpu.memory_space<vmem>>)
      %dma_start3A_175 = arith.constant 1 : i32
      %dma_start3A_176 = arith.constant 256 : i32
      %dma_start3A_177 = tpu.memref_slice %arg6[%dma_start3A_176] : memref<51200xf32, #tpu.memory_space<vmem>> -> memref<256xf32, #tpu.memory_space<vmem>>
      %dma_start3A_178 = arith.constant 256 : i32
      %dma_start3A_179 = tpu.memref_slice %arg5[%dma_start3A_178] : memref<51200xi32, #tpu.memory_space<vmem>> -> memref<256xi32, #tpu.memory_space<vmem>>
      %dma_start3A_180 = arith.constant 0 : i32
      %dma_start3A_181 = tpu.memref_slice %arg3[%dma_start3A_180] : memref<1015808xf32, #tpu.memory_space<hbm>> -> memref<1015808xf32, #tpu.memory_space<hbm>>
      %dma_start3A_182 = tpu.memref_slice %arg9[%dma_start3A_175] : memref<10x!tpu.dma_semaphore, #tpu.memory_space<semaphore_mem>> -> memref<1x!tpu.dma_semaphore, #tpu.memory_space<semaphore_mem>>
      %dma_start3A_183 = tpu.memref_squeeze %dma_start3A_182 : memref<1x!tpu.dma_semaphore, #tpu.memory_space<semaphore_mem>> -> memref<!tpu.dma_semaphore, #tpu.memory_space<semaphore_mem>>
      tpu.enqueue_indirect_dma source(%dma_start3A_181 : memref<1015808xf32, #tpu.memory_space<hbm>>) target(%dma_start3A_177 : memref<256xf32, #tpu.memory_space<vmem>>) offsets(%dma_start3A_179 : memref<256xi32, #tpu.memory_space<vmem>>) semaphore(%dma_start3A_183 : memref<!tpu.dma_semaphore, #tpu.memory_space<semaphore_mem>>)
      %dma_start3A_184 = arith.constant 11 : i32
      %dma_start3A_185 = arith.constant 1 : i32
      %dma_start3A_186 = arith.constant 2816 : i32
      %dma_start3A_187 = tpu.memref_slice %arg5[%dma_start3A_186] : memref<51200xi32, #tpu.memory_space<vmem>> -> memref<256xi32, #tpu.memory_space<vmem>>
      %dma_start3A_188 = tpu.memref_slice %arg2[%dma_start3A_184, %add3A_11] : memref<200x16384xi32, #tpu.memory_space<hbm>> -> memref<1x256xi32, #tpu.memory_space<hbm>>
      %dma_start3A_189 = tpu.memref_squeeze %dma_start3A_188 : memref<1x256xi32, #tpu.memory_space<hbm>> -> memref<256xi32, #tpu.memory_space<hbm>>
      %dma_start3A_190 = tpu.memref_slice %arg8[%dma_start3A_185] : memref<10x!tpu.dma_semaphore, #tpu.memory_space<semaphore_mem>> -> memref<1x!tpu.dma_semaphore, #tpu.memory_space<semaphore_mem>>
      %dma_start3A_191 = tpu.memref_squeeze %dma_start3A_190 : memref<1x!tpu.dma_semaphore, #tpu.memory_space<semaphore_mem>> -> memref<!tpu.dma_semaphore, #tpu.memory_space<semaphore_mem>>
      %dma_start3A_192 = arith.constant 2816 : i32
      %dma_start3A_193 = tpu.memref_slice %arg5[%dma_start3A_192] : memref<51200xi32, #tpu.memory_space<vmem>> -> memref<256xi32, #tpu.memory_space<vmem>>
      %dma_start3A_194 = tpu.memref_slice %arg2[%dma_start3A_184, %add3A_11] : memref<200x16384xi32, #tpu.memory_space<hbm>> -> memref<1x256xi32, #tpu.memory_space<hbm>>
      %dma_start3A_195 = tpu.memref_squeeze %dma_start3A_194 : memref<1x256xi32, #tpu.memory_space<hbm>> -> memref<256xi32, #tpu.memory_space<hbm>>
      tpu.enqueue_dma source(%dma_start3A_195 : memref<256xi32, #tpu.memory_space<hbm>>) target(%dma_start3A_193 : memref<256xi32, #tpu.memory_space<vmem>>) target_semaphore(%dma_start3A_191 : memref<!tpu.dma_semaphore, #tpu.memory_space<semaphore_mem>>)
      %dma_wait3A_196 = arith.constant 2 : i32
      %dma_wait3A_197 = arith.constant 2 : i32
      %dma_wait3A_198 = arith.constant 512 : i32
      %dma_wait3A_199 = tpu.memref_slice %arg5[%dma_wait3A_198] : memref<51200xi32, #tpu.memory_space<vmem>> -> memref<256xi32, #tpu.memory_space<vmem>>
      %dma_wait3A_200 = tpu.memref_slice %arg2[%dma_wait3A_196, %add3A_11] : memref<200x16384xi32, #tpu.memory_space<hbm>> -> memref<1x256xi32, #tpu.memory_space<hbm>>
      %dma_wait3A_201 = tpu.memref_squeeze %dma_wait3A_200 : memref<1x256xi32, #tpu.memory_space<hbm>> -> memref<256xi32, #tpu.memory_space<hbm>>
      %dma_wait3A_202 = tpu.memref_slice %arg8[%dma_wait3A_197] : memref<10x!tpu.dma_semaphore, #tpu.memory_space<semaphore_mem>> -> memref<1x!tpu.dma_semaphore, #tpu.memory_space<semaphore_mem>>
      %dma_wait3A_203 = tpu.memref_squeeze %dma_wait3A_202 : memref<1x!tpu.dma_semaphore, #tpu.memory_space<semaphore_mem>> -> memref<!tpu.dma_semaphore, #tpu.memory_space<semaphore_mem>>
      %dma_wait3A_204 = arith.constant 512 : i32
      %dma_wait3A_205 = tpu.memref_slice %arg5[%dma_wait3A_204] : memref<51200xi32, #tpu.memory_space<vmem>> -> memref<256xi32, #tpu.memory_space<vmem>>
      %dma_wait3A_206 = tpu.memref_slice %arg2[%dma_wait3A_196, %add3A_11] : memref<200x16384xi32, #tpu.memory_space<hbm>> -> memref<1x256xi32, #tpu.memory_space<hbm>>
      %dma_wait3A_207 = tpu.memref_squeeze %dma_wait3A_206 : memref<1x256xi32, #tpu.memory_space<hbm>> -> memref<256xi32, #tpu.memory_space<hbm>>
      tpu.wait_dma2 semaphore(%dma_wait3A_203 : memref<!tpu.dma_semaphore, #tpu.memory_space<semaphore_mem>>) src(%dma_wait3A_207 : memref<256xi32, #tpu.memory_space<hbm>>) dst(%dma_wait3A_205 : memref<256xi32, #tpu.memory_space<vmem>>)
      %dma_start3A_208 = arith.constant 2 : i32
      %dma_start3A_209 = arith.constant 512 : i32
      %dma_start3A_210 = tpu.memref_slice %arg6[%dma_start3A_209] : memref<51200xf32, #tpu.memory_space<vmem>> -> memref<256xf32, #tpu.memory_space<vmem>>
      %dma_start3A_211 = arith.constant 512 : i32
      %dma_start3A_212 = tpu.memref_slice %arg5[%dma_start3A_211] : memref<51200xi32, #tpu.memory_space<vmem>> -> memref<256xi32, #tpu.memory_space<vmem>>
      %dma_start3A_213 = arith.constant 0 : i32
      %dma_start3A_214 = tpu.memref_slice %arg3[%dma_start3A_213] : memref<1015808xf32, #tpu.memory_space<hbm>> -> memref<1015808xf32, #tpu.memory_space<hbm>>
      %dma_start3A_215 = tpu.memref_slice %arg9[%dma_start3A_208] : memref<10x!tpu.dma_semaphore, #tpu.memory_space<semaphore_mem>> -> memref<1x!tpu.dma_semaphore, #tpu.memory_space<semaphore_mem>>
      %dma_start3A_216 = tpu.memref_squeeze %dma_start3A_215 : memref<1x!tpu.dma_semaphore, #tpu.memory_space<semaphore_mem>> -> memref<!tpu.dma_semaphore, #tpu.memory_space<semaphore_mem>>
      tpu.enqueue_indirect_dma source(%dma_start3A_214 : memref<1015808xf32, #tpu.memory_space<hbm>>) target(%dma_start3A_210 : memref<256xf32, #tpu.memory_space<vmem>>) offsets(%dma_start3A_212 : memref<256xi32, #tpu.memory_space<vmem>>) semaphore(%dma_start3A_216 : memref<!tpu.dma_semaphore, #tpu.memory_space<semaphore_mem>>)
      %dma_start3A_217 = arith.constant 12 : i32
      %dma_start3A_218 = arith.constant 2 : i32
      %dma_start3A_219 = arith.constant 3072 : i32
      %dma_start3A_220 = tpu.memref_slice %arg5[%dma_start3A_219] : memref<51200xi32, #tpu.memory_space<vmem>> -> memref<256xi32, #tpu.memory_space<vmem>>
      %dma_start3A_221 = tpu.memref_slice %arg2[%dma_start3A_217, %add3A_11] : memref<200x16384xi32, #tpu.memory_space<hbm>> -> memref<1x256xi32, #tpu.memory_space<hbm>>
      %dma_start3A_222 = tpu.memref_squeeze %dma_start3A_221 : memref<1x256xi32, #tpu.memory_space<hbm>> -> memref<256xi32, #tpu.memory_space<hbm>>
      %dma_start3A_223 = tpu.memref_slice %arg8[%dma_start3A_218] : memref<10x!tpu.dma_semaphore, #tpu.memory_space<semaphore_mem>> -> memref<1x!tpu.dma_semaphore, #tpu.memory_space<semaphore_mem>>
      %dma_start3A_224 = tpu.memref_squeeze %dma_start3A_223 : memref<1x!tpu.dma_semaphore, #tpu.memory_space<semaphore_mem>> -> memref<!tpu.dma_semaphore, #tpu.memory_space<semaphore_mem>>
      %dma_start3A_225 = arith.constant 3072 : i32
      %dma_start3A_226 = tpu.memref_slice %arg5[%dma_start3A_225] : memref<51200xi32, #tpu.memory_space<vmem>> -> memref<256xi32, #tpu.memory_space<vmem>>
      %dma_start3A_227 = tpu.memref_slice %arg2[%dma_start3A_217, %add3A_11] : memref<200x16384xi32, #tpu.memory_space<hbm>> -> memref<1x256xi32, #tpu.memory_space<hbm>>
      %dma_start3A_228 = tpu.memref_squeeze %dma_start3A_227 : memref<1x256xi32, #tpu.memory_space<hbm>> -> memref<256xi32, #tpu.memory_space<hbm>>
      tpu.enqueue_dma source(%dma_start3A_228 : memref<256xi32, #tpu.memory_space<hbm>>) target(%dma_start3A_226 : memref<256xi32, #tpu.memory_space<vmem>>) target_semaphore(%dma_start3A_224 : memref<!tpu.dma_semaphore, #tpu.memory_space<semaphore_mem>>)
      %dma_wait3A_229 = arith.constant 3 : i32
      %dma_wait3A_230 = arith.constant 3 : i32
      %dma_wait3A_231 = arith.constant 768 : i32
      %dma_wait3A_232 = tpu.memref_slice %arg5[%dma_wait3A_231] : memref<51200xi32, #tpu.memory_space<vmem>> -> memref<256xi32, #tpu.memory_space<vmem>>
      %dma_wait3A_233 = tpu.memref_slice %arg2[%dma_wait3A_229, %add3A_11] : memref<200x16384xi32, #tpu.memory_space<hbm>> -> memref<1x256xi32, #tpu.memory_space<hbm>>
      %dma_wait3A_234 = tpu.memref_squeeze %dma_wait3A_233 : memref<1x256xi32, #tpu.memory_space<hbm>> -> memref<256xi32, #tpu.memory_space<hbm>>
      %dma_wait3A_235 = tpu.memref_slice %arg8[%dma_wait3A_230] : memref<10x!tpu.dma_semaphore, #tpu.memory_space<semaphore_mem>> -> memref<1x!tpu.dma_semaphore, #tpu.memory_space<semaphore_mem>>
      %dma_wait3A_236 = tpu.memref_squeeze %dma_wait3A_235 : memref<1x!tpu.dma_semaphore, #tpu.memory_space<semaphore_mem>> -> memref<!tpu.dma_semaphore, #tpu.memory_space<semaphore_mem>>
      %dma_wait3A_237 = arith.constant 768 : i32
      %dma_wait3A_238 = tpu.memref_slice %arg5[%dma_wait3A_237] : memref<51200xi32, #tpu.memory_space<vmem>> -> memref<256xi32, #tpu.memory_space<vmem>>
      %dma_wait3A_239 = tpu.memref_slice %arg2[%dma_wait3A_229, %add3A_11] : memref<200x16384xi32, #tpu.memory_space<hbm>> -> memref<1x256xi32, #tpu.memory_space<hbm>>
      %dma_wait3A_240 = tpu.memref_squeeze %dma_wait3A_239 : memref<1x256xi32, #tpu.memory_space<hbm>> -> memref<256xi32, #tpu.memory_space<hbm>>
      tpu.wait_dma2 semaphore(%dma_wait3A_236 : memref<!tpu.dma_semaphore, #tpu.memory_space<semaphore_mem>>) src(%dma_wait3A_240 : memref<256xi32, #tpu.memory_space<hbm>>) dst(%dma_wait3A_238 : memref<256xi32, #tpu.memory_space<vmem>>)
      %dma_start3A_241 = arith.constant 3 : i32
      %dma_start3A_242 = arith.constant 768 : i32
      %dma_start3A_243 = tpu.memref_slice %arg6[%dma_start3A_242] : memref<51200xf32, #tpu.memory_space<vmem>> -> memref<256xf32, #tpu.memory_space<vmem>>
      %dma_start3A_244 = arith.constant 768 : i32
      %dma_start3A_245 = tpu.memref_slice %arg5[%dma_start3A_244] : memref<51200xi32, #tpu.memory_space<vmem>> -> memref<256xi32, #tpu.memory_space<vmem>>
      %dma_start3A_246 = arith.constant 0 : i32
      %dma_start3A_247 = tpu.memref_slice %arg3[%dma_start3A_246] : memref<1015808xf32, #tpu.memory_space<hbm>> -> memref<1015808xf32, #tpu.memory_space<hbm>>
      %dma_start3A_248 = tpu.memref_slice %arg9[%dma_start3A_241] : memref<10x!tpu.dma_semaphore, #tpu.memory_space<semaphore_mem>> -> memref<1x!tpu.dma_semaphore, #tpu.memory_space<semaphore_mem>>
      %dma_start3A_249 = tpu.memref_squeeze %dma_start3A_248 : memref<1x!tpu.dma_semaphore, #tpu.memory_space<semaphore_mem>> -> memref<!tpu.dma_semaphore, #tpu.memory_space<semaphore_mem>>
      tpu.enqueue_indirect_dma source(%dma_start3A_247 : memref<1015808xf32, #tpu.memory_space<hbm>>) target(%dma_start3A_243 : memref<256xf32, #tpu.memory_space<vmem>>) offsets(%dma_start3A_245 : memref<256xi32, #tpu.memory_space<vmem>>) semaphore(%dma_start3A_249 : memref<!tpu.dma_semaphore, #tpu.memory_space<semaphore_mem>>)
      %dma_start3A_250 = arith.constant 13 : i32
      %dma_start3A_251 = arith.constant 3 : i32
      %dma_start3A_252 = arith.constant 3328 : i32
      %dma_start3A_253 = tpu.memref_slice %arg5[%dma_start3A_252] : memref<51200xi32, #tpu.memory_space<vmem>> -> memref<256xi32, #tpu.memory_space<vmem>>
      %dma_start3A_254 = tpu.memref_slice %arg2[%dma_start3A_250, %add3A_11] : memref<200x16384xi32, #tpu.memory_space<hbm>> -> memref<1x256xi32, #tpu.memory_space<hbm>>
      %dma_start3A_255 = tpu.memref_squeeze %dma_start3A_254 : memref<1x256xi32, #tpu.memory_space<hbm>> -> memref<256xi32, #tpu.memory_space<hbm>>
      %dma_start3A_256 = tpu.memref_slice %arg8[%dma_start3A_251] : memref<10x!tpu.dma_semaphore, #tpu.memory_space<semaphore_mem>> -> memref<1x!tpu.dma_semaphore, #tpu.memory_space<semaphore_mem>>
      %dma_start3A_257 = tpu.memref_squeeze %dma_start3A_256 : memref<1x!tpu.dma_semaphore, #tpu.memory_space<semaphore_mem>> -> memref<!tpu.dma_semaphore, #tpu.memory_space<semaphore_mem>>
      %dma_start3A_258 = arith.constant 3328 : i32
      %dma_start3A_259 = tpu.memref_slice %arg5[%dma_start3A_258] : memref<51200xi32, #tpu.memory_space<vmem>> -> memref<256xi32, #tpu.memory_space<vmem>>
      %dma_start3A_260 = tpu.memref_slice %arg2[%dma_start3A_250, %add3A_11] : memref<200x16384xi32, #tpu.memory_space<hbm>> -> memref<1x256xi32, #tpu.memory_space<hbm>>
      %dma_start3A_261 = tpu.memref_squeeze %dma_start3A_260 : memref<1x256xi32, #tpu.memory_space<hbm>> -> memref<256xi32, #tpu.memory_space<hbm>>
      tpu.enqueue_dma source(%dma_start3A_261 : memref<256xi32, #tpu.memory_space<hbm>>) target(%dma_start3A_259 : memref<256xi32, #tpu.memory_space<vmem>>) target_semaphore(%dma_start3A_257 : memref<!tpu.dma_semaphore, #tpu.memory_space<semaphore_mem>>)
      %dma_wait3A_262 = arith.constant 4 : i32
      %dma_wait3A_263 = arith.constant 4 : i32
      %dma_wait3A_264 = arith.constant 1024 : i32
      %dma_wait3A_265 = tpu.memref_slice %arg5[%dma_wait3A_264] : memref<51200xi32, #tpu.memory_space<vmem>> -> memref<256xi32, #tpu.memory_space<vmem>>
      %dma_wait3A_266 = tpu.memref_slice %arg2[%dma_wait3A_262, %add3A_11] : memref<200x16384xi32, #tpu.memory_space<hbm>> -> memref<1x256xi32, #tpu.memory_space<hbm>>
      %dma_wait3A_267 = tpu.memref_squeeze %dma_wait3A_266 : memref<1x256xi32, #tpu.memory_space<hbm>> -> memref<256xi32, #tpu.memory_space<hbm>>
      %dma_wait3A_268 = tpu.memref_slice %arg8[%dma_wait3A_263] : memref<10x!tpu.dma_semaphore, #tpu.memory_space<semaphore_mem>> -> memref<1x!tpu.dma_semaphore, #tpu.memory_space<semaphore_mem>>
      %dma_wait3A_269 = tpu.memref_squeeze %dma_wait3A_268 : memref<1x!tpu.dma_semaphore, #tpu.memory_space<semaphore_mem>> -> memref<!tpu.dma_semaphore, #tpu.memory_space<semaphore_mem>>
      %dma_wait3A_270 = arith.constant 1024 : i32
      %dma_wait3A_271 = tpu.memref_slice %arg5[%dma_wait3A_270] : memref<51200xi32, #tpu.memory_space<vmem>> -> memref<256xi32, #tpu.memory_space<vmem>>
      %dma_wait3A_272 = tpu.memref_slice %arg2[%dma_wait3A_262, %add3A_11] : memref<200x16384xi32, #tpu.memory_space<hbm>> -> memref<1x256xi32, #tpu.memory_space<hbm>>
      %dma_wait3A_273 = tpu.memref_squeeze %dma_wait3A_272 : memref<1x256xi32, #tpu.memory_space<hbm>> -> memref<256xi32, #tpu.memory_space<hbm>>
      tpu.wait_dma2 semaphore(%dma_wait3A_269 : memref<!tpu.dma_semaphore, #tpu.memory_space<semaphore_mem>>) src(%dma_wait3A_273 : memref<256xi32, #tpu.memory_space<hbm>>) dst(%dma_wait3A_271 : memref<256xi32, #tpu.memory_space<vmem>>)
      %dma_start3A_274 = arith.constant 4 : i32
      %dma_start3A_275 = arith.constant 1024 : i32
      %dma_start3A_276 = tpu.memref_slice %arg6[%dma_start3A_275] : memref<51200xf32, #tpu.memory_space<vmem>> -> memref<256xf32, #tpu.memory_space<vmem>>
      %dma_start3A_277 = arith.constant 1024 : i32
      %dma_start3A_278 = tpu.memref_slice %arg5[%dma_start3A_277] : memref<51200xi32, #tpu.memory_space<vmem>> -> memref<256xi32, #tpu.memory_space<vmem>>
      %dma_start3A_279 = arith.constant 0 : i32
      %dma_start3A_280 = tpu.memref_slice %arg3[%dma_start3A_279] : memref<1015808xf32, #tpu.memory_space<hbm>> -> memref<1015808xf32, #tpu.memory_space<hbm>>
      %dma_start3A_281 = tpu.memref_slice %arg9[%dma_start3A_274] : memref<10x!tpu.dma_semaphore, #tpu.memory_space<semaphore_mem>> -> memref<1x!tpu.dma_semaphore, #tpu.memory_space<semaphore_mem>>
      %dma_start3A_282 = tpu.memref_squeeze %dma_start3A_281 : memref<1x!tpu.dma_semaphore, #tpu.memory_space<semaphore_mem>> -> memref<!tpu.dma_semaphore, #tpu.memory_space<semaphore_mem>>
      tpu.enqueue_indirect_dma source(%dma_start3A_280 : memref<1015808xf32, #tpu.memory_space<hbm>>) target(%dma_start3A_276 : memref<256xf32, #tpu.memory_space<vmem>>) offsets(%dma_start3A_278 : memref<256xi32, #tpu.memory_space<vmem>>) semaphore(%dma_start3A_282 : memref<!tpu.dma_semaphore, #tpu.memory_space<semaphore_mem>>)
      %dma_start3A_283 = arith.constant 14 : i32
      %dma_start3A_284 = arith.constant 4 : i32
      %dma_start3A_285 = arith.constant 3584 : i32
      %dma_start3A_286 = tpu.memref_slice %arg5[%dma_start3A_285] : memref<51200xi32, #tpu.memory_space<vmem>> -> memref<256xi32, #tpu.memory_space<vmem>>
      %dma_start3A_287 = tpu.memref_slice %arg2[%dma_start3A_283, %add3A_11] : memref<200x16384xi32, #tpu.memory_space<hbm>> -> memref<1x256xi32, #tpu.memory_space<hbm>>
      %dma_start3A_288 = tpu.memref_squeeze %dma_start3A_287 : memref<1x256xi32, #tpu.memory_space<hbm>> -> memref<256xi32, #tpu.memory_space<hbm>>
      %dma_start3A_289 = tpu.memref_slice %arg8[%dma_start3A_284] : memref<10x!tpu.dma_semaphore, #tpu.memory_space<semaphore_mem>> -> memref<1x!tpu.dma_semaphore, #tpu.memory_space<semaphore_mem>>
      %dma_start3A_290 = tpu.memref_squeeze %dma_start3A_289 : memref<1x!tpu.dma_semaphore, #tpu.memory_space<semaphore_mem>> -> memref<!tpu.dma_semaphore, #tpu.memory_space<semaphore_mem>>
      %dma_start3A_291 = arith.constant 3584 : i32
      %dma_start3A_292 = tpu.memref_slice %arg5[%dma_start3A_291] : memref<51200xi32, #tpu.memory_space<vmem>> -> memref<256xi32, #tpu.memory_space<vmem>>
      %dma_start3A_293 = tpu.memref_slice %arg2[%dma_start3A_283, %add3A_11] : memref<200x16384xi32, #tpu.memory_space<hbm>> -> memref<1x256xi32, #tpu.memory_space<hbm>>
      %dma_start3A_294 = tpu.memref_squeeze %dma_start3A_293 : memref<1x256xi32, #tpu.memory_space<hbm>> -> memref<256xi32, #tpu.memory_space<hbm>>
      tpu.enqueue_dma source(%dma_start3A_294 : memref<256xi32, #tpu.memory_space<hbm>>) target(%dma_start3A_292 : memref<256xi32, #tpu.memory_space<vmem>>) target_semaphore(%dma_start3A_290 : memref<!tpu.dma_semaphore, #tpu.memory_space<semaphore_mem>>)
      %dma_wait3A_295 = arith.constant 5 : i32
      %dma_wait3A_296 = arith.constant 5 : i32
      %dma_wait3A_297 = arith.constant 1280 : i32
      %dma_wait3A_298 = tpu.memref_slice %arg5[%dma_wait3A_297] : memref<51200xi32, #tpu.memory_space<vmem>> -> memref<256xi32, #tpu.memory_space<vmem>>
      %dma_wait3A_299 = tpu.memref_slice %arg2[%dma_wait3A_295, %add3A_11] : memref<200x16384xi32, #tpu.memory_space<hbm>> -> memref<1x256xi32, #tpu.memory_space<hbm>>
      %dma_wait3A_300 = tpu.memref_squeeze %dma_wait3A_299 : memref<1x256xi32, #tpu.memory_space<hbm>> -> memref<256xi32, #tpu.memory_space<hbm>>
      %dma_wait3A_301 = tpu.memref_slice %arg8[%dma_wait3A_296] : memref<10x!tpu.dma_semaphore, #tpu.memory_space<semaphore_mem>> -> memref<1x!tpu.dma_semaphore, #tpu.memory_space<semaphore_mem>>
      %dma_wait3A_302 = tpu.memref_squeeze %dma_wait3A_301 : memref<1x!tpu.dma_semaphore, #tpu.memory_space<semaphore_mem>> -> memref<!tpu.dma_semaphore, #tpu.memory_space<semaphore_mem>>
      %dma_wait3A_303 = arith.constant 1280 : i32
      %dma_wait3A_304 = tpu.memref_slice %arg5[%dma_wait3A_303] : memref<51200xi32, #tpu.memory_space<vmem>> -> memref<256xi32, #tpu.memory_space<vmem>>
      %dma_wait3A_305 = tpu.memref_slice %arg2[%dma_wait3A_295, %add3A_11] : memref<200x16384xi32, #tpu.memory_space<hbm>> -> memref<1x256xi32, #tpu.memory_space<hbm>>
      %dma_wait3A_306 = tpu.memref_squeeze %dma_wait3A_305 : memref<1x256xi32, #tpu.memory_space<hbm>> -> memref<256xi32, #tpu.memory_space<hbm>>
      tpu.wait_dma2 semaphore(%dma_wait3A_302 : memref<!tpu.dma_semaphore, #tpu.memory_space<semaphore_mem>>) src(%dma_wait3A_306 : memref<256xi32, #tpu.memory_space<hbm>>) dst(%dma_wait3A_304 : memref<256xi32, #tpu.memory_space<vmem>>)
      %dma_start3A_307 = arith.constant 5 : i32
      %dma_start3A_308 = arith.constant 1280 : i32
      %dma_start3A_309 = tpu.memref_slice %arg6[%dma_start3A_308] : memref<51200xf32, #tpu.memory_space<vmem>> -> memref<256xf32, #tpu.memory_space<vmem>>
      %dma_start3A_310 = arith.constant 1280 : i32
      %dma_start3A_311 = tpu.memref_slice %arg5[%dma_start3A_310] : memref<51200xi32, #tpu.memory_space<vmem>> -> memref<256xi32, #tpu.memory_space<vmem>>
      %dma_start3A_312 = arith.constant 0 : i32
      %dma_start3A_313 = tpu.memref_slice %arg3[%dma_start3A_312] : memref<1015808xf32, #tpu.memory_space<hbm>> -> memref<1015808xf32, #tpu.memory_space<hbm>>
      %dma_start3A_314 = tpu.memref_slice %arg9[%dma_start3A_307] : memref<10x!tpu.dma_semaphore, #tpu.memory_space<semaphore_mem>> -> memref<1x!tpu.dma_semaphore, #tpu.memory_space<semaphore_mem>>
      %dma_start3A_315 = tpu.memref_squeeze %dma_start3A_314 : memref<1x!tpu.dma_semaphore, #tpu.memory_space<semaphore_mem>> -> memref<!tpu.dma_semaphore, #tpu.memory_space<semaphore_mem>>
      tpu.enqueue_indirect_dma source(%dma_start3A_313 : memref<1015808xf32, #tpu.memory_space<hbm>>) target(%dma_start3A_309 : memref<256xf32, #tpu.memory_space<vmem>>) offsets(%dma_start3A_311 : memref<256xi32, #tpu.memory_space<vmem>>) semaphore(%dma_start3A_315 : memref<!tpu.dma_semaphore, #tpu.memory_space<semaphore_mem>>)
      %dma_start3A_316 = arith.constant 15 : i32
      %dma_start3A_317 = arith.constant 5 : i32
      %dma_start3A_318 = arith.constant 3840 : i32
      %dma_start3A_319 = tpu.memref_slice %arg5[%dma_start3A_318] : memref<51200xi32, #tpu.memory_space<vmem>> -> memref<256xi32, #tpu.memory_space<vmem>>
      %dma_start3A_320 = tpu.memref_slice %arg2[%dma_start3A_316, %add3A_11] : memref<200x16384xi32, #tpu.memory_space<hbm>> -> memref<1x256xi32, #tpu.memory_space<hbm>>
      %dma_start3A_321 = tpu.memref_squeeze %dma_start3A_320 : memref<1x256xi32, #tpu.memory_space<hbm>> -> memref<256xi32, #tpu.memory_space<hbm>>
      %dma_start3A_322 = tpu.memref_slice %arg8[%dma_start3A_317] : memref<10x!tpu.dma_semaphore, #tpu.memory_space<semaphore_mem>> -> memref<1x!tpu.dma_semaphore, #tpu.memory_space<semaphore_mem>>
      %dma_start3A_323 = tpu.memref_squeeze %dma_start3A_322 : memref<1x!tpu.dma_semaphore, #tpu.memory_space<semaphore_mem>> -> memref<!tpu.dma_semaphore, #tpu.memory_space<semaphore_mem>>
      %dma_start3A_324 = arith.constant 3840 : i32
      %dma_start3A_325 = tpu.memref_slice %arg5[%dma_start3A_324] : memref<51200xi32, #tpu.memory_space<vmem>> -> memref<256xi32, #tpu.memory_space<vmem>>
      %dma_start3A_326 = tpu.memref_slice %arg2[%dma_start3A_316, %add3A_11] : memref<200x16384xi32, #tpu.memory_space<hbm>> -> memref<1x256xi32, #tpu.memory_space<hbm>>
      %dma_start3A_327 = tpu.memref_squeeze %dma_start3A_326 : memref<1x256xi32, #tpu.memory_space<hbm>> -> memref<256xi32, #tpu.memory_space<hbm>>
      tpu.enqueue_dma source(%dma_start3A_327 : memref<256xi32, #tpu.memory_space<hbm>>) target(%dma_start3A_325 : memref<256xi32, #tpu.memory_space<vmem>>) target_semaphore(%dma_start3A_323 : memref<!tpu.dma_semaphore, #tpu.memory_space<semaphore_mem>>)
      %dma_wait3A_328 = arith.constant 6 : i32
      %dma_wait3A_329 = arith.constant 6 : i32
      %dma_wait3A_330 = arith.constant 1536 : i32
      %dma_wait3A_331 = tpu.memref_slice %arg5[%dma_wait3A_330] : memref<51200xi32, #tpu.memory_space<vmem>> -> memref<256xi32, #tpu.memory_space<vmem>>
      %dma_wait3A_332 = tpu.memref_slice %arg2[%dma_wait3A_328, %add3A_11] : memref<200x16384xi32, #tpu.memory_space<hbm>> -> memref<1x256xi32, #tpu.memory_space<hbm>>
      %dma_wait3A_333 = tpu.memref_squeeze %dma_wait3A_332 : memref<1x256xi32, #tpu.memory_space<hbm>> -> memref<256xi32, #tpu.memory_space<hbm>>
      %dma_wait3A_334 = tpu.memref_slice %arg8[%dma_wait3A_329] : memref<10x!tpu.dma_semaphore, #tpu.memory_space<semaphore_mem>> -> memref<1x!tpu.dma_semaphore, #tpu.memory_space<semaphore_mem>>
      %dma_wait3A_335 = tpu.memref_squeeze %dma_wait3A_334 : memref<1x!tpu.dma_semaphore, #tpu.memory_space<semaphore_mem>> -> memref<!tpu.dma_semaphore, #tpu.memory_space<semaphore_mem>>
      %dma_wait3A_336 = arith.constant 1536 : i32
      %dma_wait3A_337 = tpu.memref_slice %arg5[%dma_wait3A_336] : memref<51200xi32, #tpu.memory_space<vmem>> -> memref<256xi32, #tpu.memory_space<vmem>>
      %dma_wait3A_338 = tpu.memref_slice %arg2[%dma_wait3A_328, %add3A_11] : memref<200x16384xi32, #tpu.memory_space<hbm>> -> memref<1x256xi32, #tpu.memory_space<hbm>>
      %dma_wait3A_339 = tpu.memref_squeeze %dma_wait3A_338 : memref<1x256xi32, #tpu.memory_space<hbm>> -> memref<256xi32, #tpu.memory_space<hbm>>
      tpu.wait_dma2 semaphore(%dma_wait3A_335 : memref<!tpu.dma_semaphore, #tpu.memory_space<semaphore_mem>>) src(%dma_wait3A_339 : memref<256xi32, #tpu.memory_space<hbm>>) dst(%dma_wait3A_337 : memref<256xi32, #tpu.memory_space<vmem>>)
      %dma_start3A_340 = arith.constant 6 : i32
      %dma_start3A_341 = arith.constant 1536 : i32
      %dma_start3A_342 = tpu.memref_slice %arg6[%dma_start3A_341] : memref<51200xf32, #tpu.memory_space<vmem>> -> memref<256xf32, #tpu.memory_space<vmem>>
      %dma_start3A_343 = arith.constant 1536 : i32
      %dma_start3A_344 = tpu.memref_slice %arg5[%dma_start3A_343] : memref<51200xi32, #tpu.memory_space<vmem>> -> memref<256xi32, #tpu.memory_space<vmem>>
      %dma_start3A_345 = arith.constant 0 : i32
      %dma_start3A_346 = tpu.memref_slice %arg3[%dma_start3A_345] : memref<1015808xf32, #tpu.memory_space<hbm>> -> memref<1015808xf32, #tpu.memory_space<hbm>>
      %dma_start3A_347 = tpu.memref_slice %arg9[%dma_start3A_340] : memref<10x!tpu.dma_semaphore, #tpu.memory_space<semaphore_mem>> -> memref<1x!tpu.dma_semaphore, #tpu.memory_space<semaphore_mem>>
      %dma_start3A_348 = tpu.memref_squeeze %dma_start3A_347 : memref<1x!tpu.dma_semaphore, #tpu.memory_space<semaphore_mem>> -> memref<!tpu.dma_semaphore, #tpu.memory_space<semaphore_mem>>
      tpu.enqueue_indirect_dma source(%dma_start3A_346 : memref<1015808xf32, #tpu.memory_space<hbm>>) target(%dma_start3A_342 : memref<256xf32, #tpu.memory_space<vmem>>) offsets(%dma_start3A_344 : memref<256xi32, #tpu.memory_space<vmem>>) semaphore(%dma_start3A_348 : memref<!tpu.dma_semaphore, #tpu.memory_space<semaphore_mem>>)
      %dma_start3A_349 = arith.constant 16 : i32
      %dma_start3A_350 = arith.constant 6 : i32
      %dma_start3A_351 = arith.constant 4096 : i32
      %dma_start3A_352 = tpu.memref_slice %arg5[%dma_start3A_351] : memref<51200xi32, #tpu.memory_space<vmem>> -> memref<256xi32, #tpu.memory_space<vmem>>
      %dma_start3A_353 = tpu.memref_slice %arg2[%dma_start3A_349, %add3A_11] : memref<200x16384xi32, #tpu.memory_space<hbm>> -> memref<1x256xi32, #tpu.memory_space<hbm>>
      %dma_start3A_354 = tpu.memref_squeeze %dma_start3A_353 : memref<1x256xi32, #tpu.memory_space<hbm>> -> memref<256xi32, #tpu.memory_space<hbm>>
      %dma_start3A_355 = tpu.memref_slice %arg8[%dma_start3A_350] : memref<10x!tpu.dma_semaphore, #tpu.memory_space<semaphore_mem>> -> memref<1x!tpu.dma_semaphore, #tpu.memory_space<semaphore_mem>>
      %dma_start3A_356 = tpu.memref_squeeze %dma_start3A_355 : memref<1x!tpu.dma_semaphore, #tpu.memory_space<semaphore_mem>> -> memref<!tpu.dma_semaphore, #tpu.memory_space<semaphore_mem>>
      %dma_start3A_357 = arith.constant 4096 : i32
      %dma_start3A_358 = tpu.memref_slice %arg5[%dma_start3A_357] : memref<51200xi32, #tpu.memory_space<vmem>> -> memref<256xi32, #tpu.memory_space<vmem>>
      %dma_start3A_359 = tpu.memref_slice %arg2[%dma_start3A_349, %add3A_11] : memref<200x16384xi32, #tpu.memory_space<hbm>> -> memref<1x256xi32, #tpu.memory_space<hbm>>
      %dma_start3A_360 = tpu.memref_squeeze %dma_start3A_359 : memref<1x256xi32, #tpu.memory_space<hbm>> -> memref<256xi32, #tpu.memory_space<hbm>>
      tpu.enqueue_dma source(%dma_start3A_360 : memref<256xi32, #tpu.memory_space<hbm>>) target(%dma_start3A_358 : memref<256xi32, #tpu.memory_space<vmem>>) target_semaphore(%dma_start3A_356 : memref<!tpu.dma_semaphore, #tpu.memory_space<semaphore_mem>>)
      %dma_wait3A_361 = arith.constant 7 : i32
      %dma_wait3A_362 = arith.constant 7 : i32
      %dma_wait3A_363 = arith.constant 1792 : i32
      %dma_wait3A_364 = tpu.memref_slice %arg5[%dma_wait3A_363] : memref<51200xi32, #tpu.memory_space<vmem>> -> memref<256xi32, #tpu.memory_space<vmem>>
      %dma_wait3A_365 = tpu.memref_slice %arg2[%dma_wait3A_361, %add3A_11] : memref<200x16384xi32, #tpu.memory_space<hbm>> -> memref<1x256xi32, #tpu.memory_space<hbm>>
      %dma_wait3A_366 = tpu.memref_squeeze %dma_wait3A_365 : memref<1x256xi32, #tpu.memory_space<hbm>> -> memref<256xi32, #tpu.memory_space<hbm>>
      %dma_wait3A_367 = tpu.memref_slice %arg8[%dma_wait3A_362] : memref<10x!tpu.dma_semaphore, #tpu.memory_space<semaphore_mem>> -> memref<1x!tpu.dma_semaphore, #tpu.memory_space<semaphore_mem>>
      %dma_wait3A_368 = tpu.memref_squeeze %dma_wait3A_367 : memref<1x!tpu.dma_semaphore, #tpu.memory_space<semaphore_mem>> -> memref<!tpu.dma_semaphore, #tpu.memory_space<semaphore_mem>>
      %dma_wait3A_369 = arith.constant 1792 : i32
      %dma_wait3A_370 = tpu.memref_slice %arg5[%dma_wait3A_369] : memref<51200xi32, #tpu.memory_space<vmem>> -> memref<256xi32, #tpu.memory_space<vmem>>
      %dma_wait3A_371 = tpu.memref_slice %arg2[%dma_wait3A_361, %add3A_11] : memref<200x16384xi32, #tpu.memory_space<hbm>> -> memref<1x256xi32, #tpu.memory_space<hbm>>
      %dma_wait3A_372 = tpu.memref_squeeze %dma_wait3A_371 : memref<1x256xi32, #tpu.memory_space<hbm>> -> memref<256xi32, #tpu.memory_space<hbm>>
      tpu.wait_dma2 semaphore(%dma_wait3A_368 : memref<!tpu.dma_semaphore, #tpu.memory_space<semaphore_mem>>) src(%dma_wait3A_372 : memref<256xi32, #tpu.memory_space<hbm>>) dst(%dma_wait3A_370 : memref<256xi32, #tpu.memory_space<vmem>>)
      %dma_start3A_373 = arith.constant 7 : i32
      %dma_start3A_374 = arith.constant 1792 : i32
      %dma_start3A_375 = tpu.memref_slice %arg6[%dma_start3A_374] : memref<51200xf32, #tpu.memory_space<vmem>> -> memref<256xf32, #tpu.memory_space<vmem>>
      %dma_start3A_376 = arith.constant 1792 : i32
      %dma_start3A_377 = tpu.memref_slice %arg5[%dma_start3A_376] : memref<51200xi32, #tpu.memory_space<vmem>> -> memref<256xi32, #tpu.memory_space<vmem>>
      %dma_start3A_378 = arith.constant 0 : i32
      %dma_start3A_379 = tpu.memref_slice %arg3[%dma_start3A_378] : memref<1015808xf32, #tpu.memory_space<hbm>> -> memref<1015808xf32, #tpu.memory_space<hbm>>
      %dma_start3A_380 = tpu.memref_slice %arg9[%dma_start3A_373] : memref<10x!tpu.dma_semaphore, #tpu.memory_space<semaphore_mem>> -> memref<1x!tpu.dma_semaphore, #tpu.memory_space<semaphore_mem>>
      %dma_start3A_381 = tpu.memref_squeeze %dma_start3A_380 : memref<1x!tpu.dma_semaphore, #tpu.memory_space<semaphore_mem>> -> memref<!tpu.dma_semaphore, #tpu.memory_space<semaphore_mem>>
      tpu.enqueue_indirect_dma source(%dma_start3A_379 : memref<1015808xf32, #tpu.memory_space<hbm>>) target(%dma_start3A_375 : memref<256xf32, #tpu.memory_space<vmem>>) offsets(%dma_start3A_377 : memref<256xi32, #tpu.memory_space<vmem>>) semaphore(%dma_start3A_381 : memref<!tpu.dma_semaphore, #tpu.memory_space<semaphore_mem>>)
      %dma_start3A_382 = arith.constant 17 : i32
      %dma_start3A_383 = arith.constant 7 : i32
      %dma_start3A_384 = arith.constant 4352 : i32
      %dma_start3A_385 = tpu.memref_slice %arg5[%dma_start3A_384] : memref<51200xi32, #tpu.memory_space<vmem>> -> memref<256xi32, #tpu.memory_space<vmem>>
      %dma_start3A_386 = tpu.memref_slice %arg2[%dma_start3A_382, %add3A_11] : memref<200x16384xi32, #tpu.memory_space<hbm>> -> memref<1x256xi32, #tpu.memory_space<hbm>>
      %dma_start3A_387 = tpu.memref_squeeze %dma_start3A_386 : memref<1x256xi32, #tpu.memory_space<hbm>> -> memref<256xi32, #tpu.memory_space<hbm>>
      %dma_start3A_388 = tpu.memref_slice %arg8[%dma_start3A_383] : memref<10x!tpu.dma_semaphore, #tpu.memory_space<semaphore_mem>> -> memref<1x!tpu.dma_semaphore, #tpu.memory_space<semaphore_mem>>
      %dma_start3A_389 = tpu.memref_squeeze %dma_start3A_388 : memref<1x!tpu.dma_semaphore, #tpu.memory_space<semaphore_mem>> -> memref<!tpu.dma_semaphore, #tpu.memory_space<semaphore_mem>>
      %dma_start3A_390 = arith.constant 4352 : i32
      %dma_start3A_391 = tpu.memref_slice %arg5[%dma_start3A_390] : memref<51200xi32, #tpu.memory_space<vmem>> -> memref<256xi32, #tpu.memory_space<vmem>>
      %dma_start3A_392 = tpu.memref_slice %arg2[%dma_start3A_382, %add3A_11] : memref<200x16384xi32, #tpu.memory_space<hbm>> -> memref<1x256xi32, #tpu.memory_space<hbm>>
      %dma_start3A_393 = tpu.memref_squeeze %dma_start3A_392 : memref<1x256xi32, #tpu.memory_space<hbm>> -> memref<256xi32, #tpu.memory_space<hbm>>
      tpu.enqueue_dma source(%dma_start3A_393 : memref<256xi32, #tpu.memory_space<hbm>>) target(%dma_start3A_391 : memref<256xi32, #tpu.memory_space<vmem>>) target_semaphore(%dma_start3A_389 : memref<!tpu.dma_semaphore, #tpu.memory_space<semaphore_mem>>)
      %dma_wait3A_394 = arith.constant 8 : i32
      %dma_wait3A_395 = arith.constant 8 : i32
      %dma_wait3A_396 = arith.constant 2048 : i32
      %dma_wait3A_397 = tpu.memref_slice %arg5[%dma_wait3A_396] : memref<51200xi32, #tpu.memory_space<vmem>> -> memref<256xi32, #tpu.memory_space<vmem>>
      %dma_wait3A_398 = tpu.memref_slice %arg2[%dma_wait3A_394, %add3A_11] : memref<200x16384xi32, #tpu.memory_space<hbm>> -> memref<1x256xi32, #tpu.memory_space<hbm>>
      %dma_wait3A_399 = tpu.memref_squeeze %dma_wait3A_398 : memref<1x256xi32, #tpu.memory_space<hbm>> -> memref<256xi32, #tpu.memory_space<hbm>>
      %dma_wait3A_400 = tpu.memref_slice %arg8[%dma_wait3A_395] : memref<10x!tpu.dma_semaphore, #tpu.memory_space<semaphore_mem>> -> memref<1x!tpu.dma_semaphore, #tpu.memory_space<semaphore_mem>>
      %dma_wait3A_401 = tpu.memref_squeeze %dma_wait3A_400 : memref<1x!tpu.dma_semaphore, #tpu.memory_space<semaphore_mem>> -> memref<!tpu.dma_semaphore, #tpu.memory_space<semaphore_mem>>
      %dma_wait3A_402 = arith.constant 2048 : i32
      %dma_wait3A_403 = tpu.memref_slice %arg5[%dma_wait3A_402] : memref<51200xi32, #tpu.memory_space<vmem>> -> memref<256xi32, #tpu.memory_space<vmem>>
      %dma_wait3A_404 = tpu.memref_slice %arg2[%dma_wait3A_394, %add3A_11] : memref<200x16384xi32, #tpu.memory_space<hbm>> -> memref<1x256xi32, #tpu.memory_space<hbm>>
      %dma_wait3A_405 = tpu.memref_squeeze %dma_wait3A_404 : memref<1x256xi32, #tpu.memory_space<hbm>> -> memref<256xi32, #tpu.memory_space<hbm>>
      tpu.wait_dma2 semaphore(%dma_wait3A_401 : memref<!tpu.dma_semaphore, #tpu.memory_space<semaphore_mem>>) src(%dma_wait3A_405 : memref<256xi32, #tpu.memory_space<hbm>>) dst(%dma_wait3A_403 : memref<256xi32, #tpu.memory_space<vmem>>)
      %dma_start3A_406 = arith.constant 8 : i32
      %dma_start3A_407 = arith.constant 2048 : i32
      %dma_start3A_408 = tpu.memref_slice %arg6[%dma_start3A_407] : memref<51200xf32, #tpu.memory_space<vmem>> -> memref<256xf32, #tpu.memory_space<vmem>>
      %dma_start3A_409 = arith.constant 2048 : i32
      %dma_start3A_410 = tpu.memref_slice %arg5[%dma_start3A_409] : memref<51200xi32, #tpu.memory_space<vmem>> -> memref<256xi32, #tpu.memory_space<vmem>>
      %dma_start3A_411 = arith.constant 0 : i32
      %dma_start3A_412 = tpu.memref_slice %arg3[%dma_start3A_411] : memref<1015808xf32, #tpu.memory_space<hbm>> -> memref<1015808xf32, #tpu.memory_space<hbm>>
      %dma_start3A_413 = tpu.memref_slice %arg9[%dma_start3A_406] : memref<10x!tpu.dma_semaphore, #tpu.memory_space<semaphore_mem>> -> memref<1x!tpu.dma_semaphore, #tpu.memory_space<semaphore_mem>>
      %dma_start3A_414 = tpu.memref_squeeze %dma_start3A_413 : memref<1x!tpu.dma_semaphore, #tpu.memory_space<semaphore_mem>> -> memref<!tpu.dma_semaphore, #tpu.memory_space<semaphore_mem>>
      tpu.enqueue_indirect_dma source(%dma_start3A_412 : memref<1015808xf32, #tpu.memory_space<hbm>>) target(%dma_start3A_408 : memref<256xf32, #tpu.memory_space<vmem>>) offsets(%dma_start3A_410 : memref<256xi32, #tpu.memory_space<vmem>>) semaphore(%dma_start3A_414 : memref<!tpu.dma_semaphore, #tpu.memory_space<semaphore_mem>>)
      %dma_start3A_415 = arith.constant 18 : i32
      %dma_start3A_416 = arith.constant 8 : i32
      %dma_start3A_417 = arith.constant 4608 : i32
      %dma_start3A_418 = tpu.memref_slice %arg5[%dma_start3A_417] : memref<51200xi32, #tpu.memory_space<vmem>> -> memref<256xi32, #tpu.memory_space<vmem>>
      %dma_start3A_419 = tpu.memref_slice %arg2[%dma_start3A_415, %add3A_11] : memref<200x16384xi32, #tpu.memory_space<hbm>> -> memref<1x256xi32, #tpu.memory_space<hbm>>
      %dma_start3A_420 = tpu.memref_squeeze %dma_start3A_419 : memref<1x256xi32, #tpu.memory_space<hbm>> -> memref<256xi32, #tpu.memory_space<hbm>>
      %dma_start3A_421 = tpu.memref_slice %arg8[%dma_start3A_416] : memref<10x!tpu.dma_semaphore, #tpu.memory_space<semaphore_mem>> -> memref<1x!tpu.dma_semaphore, #tpu.memory_space<semaphore_mem>>
      %dma_start3A_422 = tpu.memref_squeeze %dma_start3A_421 : memref<1x!tpu.dma_semaphore, #tpu.memory_space<semaphore_mem>> -> memref<!tpu.dma_semaphore, #tpu.memory_space<semaphore_mem>>
      %dma_start3A_423 = arith.constant 4608 : i32
      %dma_start3A_424 = tpu.memref_slice %arg5[%dma_start3A_423] : memref<51200xi32, #tpu.memory_space<vmem>> -> memref<256xi32, #tpu.memory_space<vmem>>
      %dma_start3A_425 = tpu.memref_slice %arg2[%dma_start3A_415, %add3A_11] : memref<200x16384xi32, #tpu.memory_space<hbm>> -> memref<1x256xi32, #tpu.memory_space<hbm>>
      %dma_start3A_426 = tpu.memref_squeeze %dma_start3A_425 : memref<1x256xi32, #tpu.memory_space<hbm>> -> memref<256xi32, #tpu.memory_space<hbm>>
      tpu.enqueue_dma source(%dma_start3A_426 : memref<256xi32, #tpu.memory_space<hbm>>) target(%dma_start3A_424 : memref<256xi32, #tpu.memory_space<vmem>>) target_semaphore(%dma_start3A_422 : memref<!tpu.dma_semaphore, #tpu.memory_space<semaphore_mem>>)
      %dma_wait3A_427 = arith.constant 9 : i32
      %dma_wait3A_428 = arith.constant 9 : i32
      %dma_wait3A_429 = arith.constant 2304 : i32
      %dma_wait3A_430 = tpu.memref_slice %arg5[%dma_wait3A_429] : memref<51200xi32, #tpu.memory_space<vmem>> -> memref<256xi32, #tpu.memory_space<vmem>>
      %dma_wait3A_431 = tpu.memref_slice %arg2[%dma_wait3A_427, %add3A_11] : memref<200x16384xi32, #tpu.memory_space<hbm>> -> memref<1x256xi32, #tpu.memory_space<hbm>>
      %dma_wait3A_432 = tpu.memref_squeeze %dma_wait3A_431 : memref<1x256xi32, #tpu.memory_space<hbm>> -> memref<256xi32, #tpu.memory_space<hbm>>
      %dma_wait3A_433 = tpu.memref_slice %arg8[%dma_wait3A_428] : memref<10x!tpu.dma_semaphore, #tpu.memory_space<semaphore_mem>> -> memref<1x!tpu.dma_semaphore, #tpu.memory_space<semaphore_mem>>
      %dma_wait3A_434 = tpu.memref_squeeze %dma_wait3A_433 : memref<1x!tpu.dma_semaphore, #tpu.memory_space<semaphore_mem>> -> memref<!tpu.dma_semaphore, #tpu.memory_space<semaphore_mem>>
      %dma_wait3A_435 = arith.constant 2304 : i32
      %dma_wait3A_436 = tpu.memref_slice %arg5[%dma_wait3A_435] : memref<51200xi32, #tpu.memory_space<vmem>> -> memref<256xi32, #tpu.memory_space<vmem>>
      %dma_wait3A_437 = tpu.memref_slice %arg2[%dma_wait3A_427, %add3A_11] : memref<200x16384xi32, #tpu.memory_space<hbm>> -> memref<1x256xi32, #tpu.memory_space<hbm>>
      %dma_wait3A_438 = tpu.memref_squeeze %dma_wait3A_437 : memref<1x256xi32, #tpu.memory_space<hbm>> -> memref<256xi32, #tpu.memory_space<hbm>>
      tpu.wait_dma2 semaphore(%dma_wait3A_434 : memref<!tpu.dma_semaphore, #tpu.memory_space<semaphore_mem>>) src(%dma_wait3A_438 : memref<256xi32, #tpu.memory_space<hbm>>) dst(%dma_wait3A_436 : memref<256xi32, #tpu.memory_space<vmem>>)
      %dma_start3A_439 = arith.constant 9 : i32
      %dma_start3A_440 = arith.constant 2304 : i32
      %dma_start3A_441 = tpu.memref_slice %arg6[%dma_start3A_440] : memref<51200xf32, #tpu.memory_space<vmem>> -> memref<256xf32, #tpu.memory_space<vmem>>
      %dma_start3A_442 = arith.constant 2304 : i32
      %dma_start3A_443 = tpu.memref_slice %arg5[%dma_start3A_442] : memref<51200xi32, #tpu.memory_space<vmem>> -> memref<256xi32, #tpu.memory_space<vmem>>
      %dma_start3A_444 = arith.constant 0 : i32
      %dma_start3A_445 = tpu.memref_slice %arg3[%dma_start3A_444] : memref<1015808xf32, #tpu.memory_space<hbm>> -> memref<1015808xf32, #tpu.memory_space<hbm>>
      %dma_start3A_446 = tpu.memref_slice %arg9[%dma_start3A_439] : memref<10x!tpu.dma_semaphore, #tpu.memory_space<semaphore_mem>> -> memref<1x!tpu.dma_semaphore, #tpu.memory_space<semaphore_mem>>
      %dma_start3A_447 = tpu.memref_squeeze %dma_start3A_446 : memref<1x!tpu.dma_semaphore, #tpu.memory_space<semaphore_mem>> -> memref<!tpu.dma_semaphore, #tpu.memory_space<semaphore_mem>>
      tpu.enqueue_indirect_dma source(%dma_start3A_445 : memref<1015808xf32, #tpu.memory_space<hbm>>) target(%dma_start3A_441 : memref<256xf32, #tpu.memory_space<vmem>>) offsets(%dma_start3A_443 : memref<256xi32, #tpu.memory_space<vmem>>) semaphore(%dma_start3A_447 : memref<!tpu.dma_semaphore, #tpu.memory_space<semaphore_mem>>)
      %dma_start3A_448 = arith.constant 19 : i32
      %dma_start3A_449 = arith.constant 9 : i32
      %dma_start3A_450 = arith.constant 4864 : i32
      %dma_start3A_451 = tpu.memref_slice %arg5[%dma_start3A_450] : memref<51200xi32, #tpu.memory_space<vmem>> -> memref<256xi32, #tpu.memory_space<vmem>>
      %dma_start3A_452 = tpu.memref_slice %arg2[%dma_start3A_448, %add3A_11] : memref<200x16384xi32, #tpu.memory_space<hbm>> -> memref<1x256xi32, #tpu.memory_space<hbm>>
      %dma_start3A_453 = tpu.memref_squeeze %dma_start3A_452 : memref<1x256xi32, #tpu.memory_space<hbm>> -> memref<256xi32, #tpu.memory_space<hbm>>
      %dma_start3A_454 = tpu.memref_slice %arg8[%dma_start3A_449] : memref<10x!tpu.dma_semaphore, #tpu.memory_space<semaphore_mem>> -> memref<1x!tpu.dma_semaphore, #tpu.memory_space<semaphore_mem>>
      %dma_start3A_455 = tpu.memref_squeeze %dma_start3A_454 : memref<1x!tpu.dma_semaphore, #tpu.memory_space<semaphore_mem>> -> memref<!tpu.dma_semaphore, #tpu.memory_space<semaphore_mem>>
      %dma_start3A_456 = arith.constant 4864 : i32
      %dma_start3A_457 = tpu.memref_slice %arg5[%dma_start3A_456] : memref<51200xi32, #tpu.memory_space<vmem>> -> memref<256xi32, #tpu.memory_space<vmem>>
      %dma_start3A_458 = tpu.memref_slice %arg2[%dma_start3A_448, %add3A_11] : memref<200x16384xi32, #tpu.memory_space<hbm>> -> memref<1x256xi32, #tpu.memory_space<hbm>>
      %dma_start3A_459 = tpu.memref_squeeze %dma_start3A_458 : memref<1x256xi32, #tpu.memory_space<hbm>> -> memref<256xi32, #tpu.memory_space<hbm>>
      tpu.enqueue_dma source(%dma_start3A_459 : memref<256xi32, #tpu.memory_space<hbm>>) target(%dma_start3A_457 : memref<256xi32, #tpu.memory_space<vmem>>) target_semaphore(%dma_start3A_455 : memref<!tpu.dma_semaphore, #tpu.memory_space<semaphore_mem>>)
      %broadcast_in_dim3A = arith.constant 0.000000e+00 : f32
      %broadcast_in_dim3A_460 = vector.broadcast %broadcast_in_dim3A : f32 to vector<16xf32>
      %broadcast_in_dim3A_461 = arith.constant 0.000000e+00 : f32
      %broadcast_in_dim3A_462 = vector.broadcast %broadcast_in_dim3A_461 : f32 to vector<16xf32>
      %broadcast_in_dim3A_463 = arith.constant 0.000000e+00 : f32
      %broadcast_in_dim3A_464 = vector.broadcast %broadcast_in_dim3A_463 : f32 to vector<16xf32>
      %broadcast_in_dim3A_465 = arith.constant 0.000000e+00 : f32
      %broadcast_in_dim3A_466 = vector.broadcast %broadcast_in_dim3A_465 : f32 to vector<16xf32>
      %broadcast_in_dim3A_467 = arith.constant 0.000000e+00 : f32
      %broadcast_in_dim3A_468 = vector.broadcast %broadcast_in_dim3A_467 : f32 to vector<16xf32>
      %broadcast_in_dim3A_469 = arith.constant 0.000000e+00 : f32
      %broadcast_in_dim3A_470 = vector.broadcast %broadcast_in_dim3A_469 : f32 to vector<16xf32>
      %broadcast_in_dim3A_471 = arith.constant 0.000000e+00 : f32
      %broadcast_in_dim3A_472 = vector.broadcast %broadcast_in_dim3A_471 : f32 to vector<16xf32>
      %broadcast_in_dim3A_473 = arith.constant 0.000000e+00 : f32
      %broadcast_in_dim3A_474 = vector.broadcast %broadcast_in_dim3A_473 : f32 to vector<16xf32>
      %broadcast_in_dim3A_475 = arith.constant 0.000000e+00 : f32
      %broadcast_in_dim3A_476 = vector.broadcast %broadcast_in_dim3A_475 : f32 to vector<16xf32>
      %broadcast_in_dim3A_477 = arith.constant 0.000000e+00 : f32
      %broadcast_in_dim3A_478 = vector.broadcast %broadcast_in_dim3A_477 : f32 to vector<16xf32>
      %broadcast_in_dim3A_479 = arith.constant 0.000000e+00 : f32
      %broadcast_in_dim3A_480 = vector.broadcast %broadcast_in_dim3A_479 : f32 to vector<16xf32>
      %broadcast_in_dim3A_481 = arith.constant 0.000000e+00 : f32
      %broadcast_in_dim3A_482 = vector.broadcast %broadcast_in_dim3A_481 : f32 to vector<16xf32>
      %broadcast_in_dim3A_483 = arith.constant 0.000000e+00 : f32
      %broadcast_in_dim3A_484 = vector.broadcast %broadcast_in_dim3A_483 : f32 to vector<16xf32>
      %broadcast_in_dim3A_485 = arith.constant 0.000000e+00 : f32
      %broadcast_in_dim3A_486 = vector.broadcast %broadcast_in_dim3A_485 : f32 to vector<16xf32>
      %broadcast_in_dim3A_487 = arith.constant 0.000000e+00 : f32
      %broadcast_in_dim3A_488 = vector.broadcast %broadcast_in_dim3A_487 : f32 to vector<16xf32>
      %broadcast_in_dim3A_489 = arith.constant 0.000000e+00 : f32
      %broadcast_in_dim3A_490 = vector.broadcast %broadcast_in_dim3A_489 : f32 to vector<16xf32>
      %scan3A_491 = arith.constant 0 : i32
      %scan3A_492 = arith.constant 20 : i32
      %scan3A_493 = arith.addi %scan3A_491, %scan3A_492 : i32
      %scan3A_494 = arith.constant 1 : i32
      %scan3A_495:16 = scf.for %scan3A_972 = %scan3A_491 to %scan3A_493 step %scan3A_494 iter_args(%scan3A_973 = %broadcast_in_dim3A_460, %scan3A_974 = %broadcast_in_dim3A_462, %scan3A_975 = %broadcast_in_dim3A_464, %scan3A_976 = %broadcast_in_dim3A_466, %scan3A_977 = %broadcast_in_dim3A_468, %scan3A_978 = %broadcast_in_dim3A_470, %scan3A_979 = %broadcast_in_dim3A_472, %scan3A_980 = %broadcast_in_dim3A_474, %scan3A_981 = %broadcast_in_dim3A_476, %scan3A_982 = %broadcast_in_dim3A_478, %scan3A_983 = %broadcast_in_dim3A_480, %scan3A_984 = %broadcast_in_dim3A_482, %scan3A_985 = %broadcast_in_dim3A_484, %scan3A_986 = %broadcast_in_dim3A_486, %scan3A_987 = %broadcast_in_dim3A_488, %scan3A_988 = %broadcast_in_dim3A_490) -> (vector<16xf32>, vector<16xf32>, vector<16xf32>, vector<16xf32>, vector<16xf32>, vector<16xf32>, vector<16xf32>, vector<16xf32>, vector<16xf32>, vector<16xf32>, vector<16xf32>, vector<16xf32>, vector<16xf32>, vector<16xf32>, vector<16xf32>, vector<16xf32>)  : i32 {
        %mul3A_989 = arith.constant 10 : i32
        %mul3A_990 = arith.muli %scan3A_972, %mul3A_989 : i32
        %add3A_991 = arith.constant 0 : i32
        %add3A_992 = arith.addi %mul3A_990, %add3A_991 : i32
        %mul3A_993 = arith.constant 256 : i32
        %mul3A_994 = arith.muli %add3A_992, %mul3A_993 : i32
        %mul3A_995 = arith.constant 256 : i32
        %mul3A_996 = arith.muli %add3A_992, %mul3A_995 : i32
        %dma_wait3A_997 = arith.constant 0 : i32
        %dma_wait3A_998 = tpu.memref_slice %arg6[%mul3A_996] : memref<51200xf32, #tpu.memory_space<vmem>> -> memref<256xf32, #tpu.memory_space<vmem>>
        %dma_wait3A_999 = tpu.memref_slice %arg5[%mul3A_994] : memref<51200xi32, #tpu.memory_space<vmem>> -> memref<256xi32, #tpu.memory_space<vmem>>
        %dma_wait3A_1000 = arith.constant 0 : i32
        %dma_wait3A_1001 = tpu.memref_slice %arg3[%dma_wait3A_1000] : memref<1015808xf32, #tpu.memory_space<hbm>> -> memref<1015808xf32, #tpu.memory_space<hbm>>
        %dma_wait3A_1002 = tpu.memref_slice %arg9[%dma_wait3A_997] : memref<10x!tpu.dma_semaphore, #tpu.memory_space<semaphore_mem>> -> memref<1x!tpu.dma_semaphore, #tpu.memory_space<semaphore_mem>>
        %dma_wait3A_1003 = tpu.memref_squeeze %dma_wait3A_1002 : memref<1x!tpu.dma_semaphore, #tpu.memory_space<semaphore_mem>> -> memref<!tpu.dma_semaphore, #tpu.memory_space<semaphore_mem>>
        tpu.wait_indirect_dma semaphore(%dma_wait3A_1003 : memref<!tpu.dma_semaphore, #tpu.memory_space<semaphore_mem>>) src(%dma_wait3A_1001 : memref<1015808xf32, #tpu.memory_space<hbm>>) dst(%dma_wait3A_998 : memref<256xf32, #tpu.memory_space<vmem>>)
        %lt3A = arith.constant 19 : i32
        %lt3A_1004 = arith.cmpi slt, %scan3A_972, %lt3A : i32
        %convert_element_type3A = arith.extui %lt3A_1004 : i1 to i32
        %cond3A = arith.constant 0 : i32
        %cond3A_1005 = arith.cmpi ne, %convert_element_type3A, %cond3A : i32
        scf.if %cond3A_1005 {
          %add3A_2515 = arith.constant 10 : i32
          %add3A_2516 = arith.addi %add3A_992, %add3A_2515 : i32
          %mul3A_2517 = arith.constant 256 : i32
          %mul3A_2518 = arith.muli %add3A_2516, %mul3A_2517 : i32
          %dma_wait3A_2519 = arith.constant 0 : i32
          %dma_wait3A_2520 = arith.constant 0 : i32
          %dma_wait3A_2521 = tpu.memref_slice %arg5[%mul3A_2518] : memref<51200xi32, #tpu.memory_space<vmem>> -> memref<256xi32, #tpu.memory_space<vmem>>
          %dma_wait3A_2522 = tpu.memref_slice %arg2[%dma_wait3A_2519, %add3A_11] : memref<200x16384xi32, #tpu.memory_space<hbm>> -> memref<1x256xi32, #tpu.memory_space<hbm>>
          %dma_wait3A_2523 = tpu.memref_squeeze %dma_wait3A_2522 : memref<1x256xi32, #tpu.memory_space<hbm>> -> memref<256xi32, #tpu.memory_space<hbm>>
          %dma_wait3A_2524 = tpu.memref_slice %arg8[%dma_wait3A_2520] : memref<10x!tpu.dma_semaphore, #tpu.memory_space<semaphore_mem>> -> memref<1x!tpu.dma_semaphore, #tpu.memory_space<semaphore_mem>>
          %dma_wait3A_2525 = tpu.memref_squeeze %dma_wait3A_2524 : memref<1x!tpu.dma_semaphore, #tpu.memory_space<semaphore_mem>> -> memref<!tpu.dma_semaphore, #tpu.memory_space<semaphore_mem>>
          %dma_wait3A_2526 = tpu.memref_slice %arg5[%mul3A_2518] : memref<51200xi32, #tpu.memory_space<vmem>> -> memref<256xi32, #tpu.memory_space<vmem>>
          %dma_wait3A_2527 = tpu.memref_slice %arg2[%dma_wait3A_2519, %add3A_11] : memref<200x16384xi32, #tpu.memory_space<hbm>> -> memref<1x256xi32, #tpu.memory_space<hbm>>
          %dma_wait3A_2528 = tpu.memref_squeeze %dma_wait3A_2527 : memref<1x256xi32, #tpu.memory_space<hbm>> -> memref<256xi32, #tpu.memory_space<hbm>>
          tpu.wait_dma2 semaphore(%dma_wait3A_2525 : memref<!tpu.dma_semaphore, #tpu.memory_space<semaphore_mem>>) src(%dma_wait3A_2528 : memref<256xi32, #tpu.memory_space<hbm>>) dst(%dma_wait3A_2526 : memref<256xi32, #tpu.memory_space<vmem>>)
          %add3A_2529 = arith.constant 10 : i32
          %add3A_2530 = arith.addi %add3A_992, %add3A_2529 : i32
          %mul3A_2531 = arith.constant 256 : i32
          %mul3A_2532 = arith.muli %add3A_2530, %mul3A_2531 : i32
          %add3A_2533 = arith.constant 10 : i32
          %add3A_2534 = arith.addi %add3A_992, %add3A_2533 : i32
          %mul3A_2535 = arith.constant 256 : i32
          %mul3A_2536 = arith.muli %add3A_2534, %mul3A_2535 : i32
          %dma_start3A_2537 = arith.constant 0 : i32
          %dma_start3A_2538 = tpu.memref_slice %arg6[%mul3A_2536] : memref<51200xf32, #tpu.memory_space<vmem>> -> memref<256xf32, #tpu.memory_space<vmem>>
          %dma_start3A_2539 = tpu.memref_slice %arg5[%mul3A_2532] : memref<51200xi32, #tpu.memory_space<vmem>> -> memref<256xi32, #tpu.memory_space<vmem>>
          %dma_start3A_2540 = arith.constant 0 : i32
          %dma_start3A_2541 = tpu.memref_slice %arg3[%dma_start3A_2540] : memref<1015808xf32, #tpu.memory_space<hbm>> -> memref<1015808xf32, #tpu.memory_space<hbm>>
          %dma_start3A_2542 = tpu.memref_slice %arg9[%dma_start3A_2537] : memref<10x!tpu.dma_semaphore, #tpu.memory_space<semaphore_mem>> -> memref<1x!tpu.dma_semaphore, #tpu.memory_space<semaphore_mem>>
          %dma_start3A_2543 = tpu.memref_squeeze %dma_start3A_2542 : memref<1x!tpu.dma_semaphore, #tpu.memory_space<semaphore_mem>> -> memref<!tpu.dma_semaphore, #tpu.memory_space<semaphore_mem>>
          tpu.enqueue_indirect_dma source(%dma_start3A_2541 : memref<1015808xf32, #tpu.memory_space<hbm>>) target(%dma_start3A_2538 : memref<256xf32, #tpu.memory_space<vmem>>) offsets(%dma_start3A_2539 : memref<256xi32, #tpu.memory_space<vmem>>) semaphore(%dma_start3A_2543 : memref<!tpu.dma_semaphore, #tpu.memory_space<semaphore_mem>>)
        } else {
        }
        %lt3A_1006 = arith.constant 18 : i32
        %lt3A_1007 = arith.cmpi slt, %scan3A_972, %lt3A_1006 : i32
        %convert_element_type3A_1008 = arith.extui %lt3A_1007 : i1 to i32
        %cond3A_1009 = arith.constant 0 : i32
        %cond3A_1010 = arith.cmpi ne, %convert_element_type3A_1008, %cond3A_1009 : i32
        scf.if %cond3A_1010 {
          %add3A_2515 = arith.constant 20 : i32
          %add3A_2516 = arith.addi %add3A_992, %add3A_2515 : i32
          %add3A_2517 = arith.constant 20 : i32
          %add3A_2518 = arith.addi %add3A_992, %add3A_2517 : i32
          %mul3A_2519 = arith.constant 256 : i32
          %mul3A_2520 = arith.muli %add3A_2518, %mul3A_2519 : i32
          %dma_start3A_2521 = arith.constant 0 : i32
          %dma_start3A_2522 = tpu.memref_slice %arg5[%mul3A_2520] : memref<51200xi32, #tpu.memory_space<vmem>> -> memref<256xi32, #tpu.memory_space<vmem>>
          %dma_start3A_2523 = tpu.memref_slice %arg2[%add3A_2516, %add3A_11] : memref<200x16384xi32, #tpu.memory_space<hbm>> -> memref<1x256xi32, #tpu.memory_space<hbm>>
          %dma_start3A_2524 = tpu.memref_squeeze %dma_start3A_2523 : memref<1x256xi32, #tpu.memory_space<hbm>> -> memref<256xi32, #tpu.memory_space<hbm>>
          %dma_start3A_2525 = tpu.memref_slice %arg8[%dma_start3A_2521] : memref<10x!tpu.dma_semaphore, #tpu.memory_space<semaphore_mem>> -> memref<1x!tpu.dma_semaphore, #tpu.memory_space<semaphore_mem>>
          %dma_start3A_2526 = tpu.memref_squeeze %dma_start3A_2525 : memref<1x!tpu.dma_semaphore, #tpu.memory_space<semaphore_mem>> -> memref<!tpu.dma_semaphore, #tpu.memory_space<semaphore_mem>>
          %dma_start3A_2527 = tpu.memref_slice %arg5[%mul3A_2520] : memref<51200xi32, #tpu.memory_space<vmem>> -> memref<256xi32, #tpu.memory_space<vmem>>
          %dma_start3A_2528 = tpu.memref_slice %arg2[%add3A_2516, %add3A_11] : memref<200x16384xi32, #tpu.memory_space<hbm>> -> memref<1x256xi32, #tpu.memory_space<hbm>>
          %dma_start3A_2529 = tpu.memref_squeeze %dma_start3A_2528 : memref<1x256xi32, #tpu.memory_space<hbm>> -> memref<256xi32, #tpu.memory_space<hbm>>
          tpu.enqueue_dma source(%dma_start3A_2529 : memref<256xi32, #tpu.memory_space<hbm>>) target(%dma_start3A_2527 : memref<256xi32, #tpu.memory_space<vmem>>) target_semaphore(%dma_start3A_2526 : memref<!tpu.dma_semaphore, #tpu.memory_space<semaphore_mem>>)
        } else {
        }
        %mul3A_1011 = arith.constant 256 : i32
        %mul3A_1012 = arith.muli %add3A_992, %mul3A_1011 : i32
        %add3A_1013 = arith.constant 0 : i32
        %add3A_1014 = arith.addi %mul3A_1012, %add3A_1013 : i32
        %get3A = arith.index_cast %add3A_1014 : i32 to index
        %get3A_1015 = tpu.vector_load %arg6[%get3A] {strides = array<i32>} : memref<51200xf32, #tpu.memory_space<vmem>>, vector<16xf32>,
        %get3A_1016 = vector.shape_cast %get3A_1015 : vector<16xf32> to vector<16xf32>
        %add3A_1017 = arith.addf %scan3A_973, %get3A_1016 : vector<16xf32>
        %mul3A_1018 = arith.constant 256 : i32
        %mul3A_1019 = arith.muli %add3A_992, %mul3A_1018 : i32
        %add3A_1020 = arith.constant 16 : i32
        %add3A_1021 = arith.addi %mul3A_1019, %add3A_1020 : i32
        %get3A_1022 = arith.index_cast %add3A_1021 : i32 to index
        %get3A_1023 = tpu.vector_load %arg6[%get3A_1022] {strides = array<i32>} : memref<51200xf32, #tpu.memory_space<vmem>>, vector<16xf32>,
        %get3A_1024 = vector.shape_cast %get3A_1023 : vector<16xf32> to vector<16xf32>
        %add3A_1025 = arith.addf %scan3A_974, %get3A_1024 : vector<16xf32>
        %mul3A_1026 = arith.constant 256 : i32
        %mul3A_1027 = arith.muli %add3A_992, %mul3A_1026 : i32
        %add3A_1028 = arith.constant 32 : i32
        %add3A_1029 = arith.addi %mul3A_1027, %add3A_1028 : i32
        %get3A_1030 = arith.index_cast %add3A_1029 : i32 to index
        %get3A_1031 = tpu.vector_load %arg6[%get3A_1030] {strides = array<i32>} : memref<51200xf32, #tpu.memory_space<vmem>>, vector<16xf32>,
        %get3A_1032 = vector.shape_cast %get3A_1031 : vector<16xf32> to vector<16xf32>
        %add3A_1033 = arith.addf %scan3A_975, %get3A_1032 : vector<16xf32>
        %mul3A_1034 = arith.constant 256 : i32
        %mul3A_1035 = arith.muli %add3A_992, %mul3A_1034 : i32
        %add3A_1036 = arith.constant 48 : i32
        %add3A_1037 = arith.addi %mul3A_1035, %add3A_1036 : i32
        %get3A_1038 = arith.index_cast %add3A_1037 : i32 to index
        %get3A_1039 = tpu.vector_load %arg6[%get3A_1038] {strides = array<i32>} : memref<51200xf32, #tpu.memory_space<vmem>>, vector<16xf32>,
        %get3A_1040 = vector.shape_cast %get3A_1039 : vector<16xf32> to vector<16xf32>
        %add3A_1041 = arith.addf %scan3A_976, %get3A_1040 : vector<16xf32>
        %mul3A_1042 = arith.constant 256 : i32
        %mul3A_1043 = arith.muli %add3A_992, %mul3A_1042 : i32
        %add3A_1044 = arith.constant 64 : i32
        %add3A_1045 = arith.addi %mul3A_1043, %add3A_1044 : i32
        %get3A_1046 = arith.index_cast %add3A_1045 : i32 to index
        %get3A_1047 = tpu.vector_load %arg6[%get3A_1046] {strides = array<i32>} : memref<51200xf32, #tpu.memory_space<vmem>>, vector<16xf32>,
        %get3A_1048 = vector.shape_cast %get3A_1047 : vector<16xf32> to vector<16xf32>
        %add3A_1049 = arith.addf %scan3A_977, %get3A_1048 : vector<16xf32>
        %mul3A_1050 = arith.constant 256 : i32
        %mul3A_1051 = arith.muli %add3A_992, %mul3A_1050 : i32
        %add3A_1052 = arith.constant 80 : i32
        %add3A_1053 = arith.addi %mul3A_1051, %add3A_1052 : i32
        %get3A_1054 = arith.index_cast %add3A_1053 : i32 to index
        %get3A_1055 = tpu.vector_load %arg6[%get3A_1054] {strides = array<i32>} : memref<51200xf32, #tpu.memory_space<vmem>>, vector<16xf32>,
        %get3A_1056 = vector.shape_cast %get3A_1055 : vector<16xf32> to vector<16xf32>
        %add3A_1057 = arith.addf %scan3A_978, %get3A_1056 : vector<16xf32>
        %mul3A_1058 = arith.constant 256 : i32
        %mul3A_1059 = arith.muli %add3A_992, %mul3A_1058 : i32
        %add3A_1060 = arith.constant 96 : i32
        %add3A_1061 = arith.addi %mul3A_1059, %add3A_1060 : i32
        %get3A_1062 = arith.index_cast %add3A_1061 : i32 to index
        %get3A_1063 = tpu.vector_load %arg6[%get3A_1062] {strides = array<i32>} : memref<51200xf32, #tpu.memory_space<vmem>>, vector<16xf32>,
        %get3A_1064 = vector.shape_cast %get3A_1063 : vector<16xf32> to vector<16xf32>
        %add3A_1065 = arith.addf %scan3A_979, %get3A_1064 : vector<16xf32>
        %mul3A_1066 = arith.constant 256 : i32
        %mul3A_1067 = arith.muli %add3A_992, %mul3A_1066 : i32
        %add3A_1068 = arith.constant 112 : i32
        %add3A_1069 = arith.addi %mul3A_1067, %add3A_1068 : i32
        %get3A_1070 = arith.index_cast %add3A_1069 : i32 to index
        %get3A_1071 = tpu.vector_load %arg6[%get3A_1070] {strides = array<i32>} : memref<51200xf32, #tpu.memory_space<vmem>>, vector<16xf32>,
        %get3A_1072 = vector.shape_cast %get3A_1071 : vector<16xf32> to vector<16xf32>
        %add3A_1073 = arith.addf %scan3A_980, %get3A_1072 : vector<16xf32>
        %mul3A_1074 = arith.constant 256 : i32
        %mul3A_1075 = arith.muli %add3A_992, %mul3A_1074 : i32
        %add3A_1076 = arith.constant 128 : i32
        %add3A_1077 = arith.addi %mul3A_1075, %add3A_1076 : i32
        %get3A_1078 = arith.index_cast %add3A_1077 : i32 to index
        %get3A_1079 = tpu.vector_load %arg6[%get3A_1078] {strides = array<i32>} : memref<51200xf32, #tpu.memory_space<vmem>>, vector<16xf32>,
        %get3A_1080 = vector.shape_cast %get3A_1079 : vector<16xf32> to vector<16xf32>
        %add3A_1081 = arith.addf %scan3A_981, %get3A_1080 : vector<16xf32>
        %mul3A_1082 = arith.constant 256 : i32
        %mul3A_1083 = arith.muli %add3A_992, %mul3A_1082 : i32
        %add3A_1084 = arith.constant 144 : i32
        %add3A_1085 = arith.addi %mul3A_1083, %add3A_1084 : i32
        %get3A_1086 = arith.index_cast %add3A_1085 : i32 to index
        %get3A_1087 = tpu.vector_load %arg6[%get3A_1086] {strides = array<i32>} : memref<51200xf32, #tpu.memory_space<vmem>>, vector<16xf32>,
        %get3A_1088 = vector.shape_cast %get3A_1087 : vector<16xf32> to vector<16xf32>
        %add3A_1089 = arith.addf %scan3A_982, %get3A_1088 : vector<16xf32>
        %mul3A_1090 = arith.constant 256 : i32
        %mul3A_1091 = arith.muli %add3A_992, %mul3A_1090 : i32
        %add3A_1092 = arith.constant 160 : i32
        %add3A_1093 = arith.addi %mul3A_1091, %add3A_1092 : i32
        %get3A_1094 = arith.index_cast %add3A_1093 : i32 to index
        %get3A_1095 = tpu.vector_load %arg6[%get3A_1094] {strides = array<i32>} : memref<51200xf32, #tpu.memory_space<vmem>>, vector<16xf32>,
        %get3A_1096 = vector.shape_cast %get3A_1095 : vector<16xf32> to vector<16xf32>
        %add3A_1097 = arith.addf %scan3A_983, %get3A_1096 : vector<16xf32>
        %mul3A_1098 = arith.constant 256 : i32
        %mul3A_1099 = arith.muli %add3A_992, %mul3A_1098 : i32
        %add3A_1100 = arith.constant 176 : i32
        %add3A_1101 = arith.addi %mul3A_1099, %add3A_1100 : i32
        %get3A_1102 = arith.index_cast %add3A_1101 : i32 to index
        %get3A_1103 = tpu.vector_load %arg6[%get3A_1102] {strides = array<i32>} : memref<51200xf32, #tpu.memory_space<vmem>>, vector<16xf32>,
        %get3A_1104 = vector.shape_cast %get3A_1103 : vector<16xf32> to vector<16xf32>
        %add3A_1105 = arith.addf %scan3A_984, %get3A_1104 : vector<16xf32>
        %mul3A_1106 = arith.constant 256 : i32
        %mul3A_1107 = arith.muli %add3A_992, %mul3A_1106 : i32
        %add3A_1108 = arith.constant 192 : i32
        %add3A_1109 = arith.addi %mul3A_1107, %add3A_1108 : i32
        %get3A_1110 = arith.index_cast %add3A_1109 : i32 to index
        %get3A_1111 = tpu.vector_load %arg6[%get3A_1110] {strides = array<i32>} : memref<51200xf32, #tpu.memory_space<vmem>>, vector<16xf32>,
        %get3A_1112 = vector.shape_cast %get3A_1111 : vector<16xf32> to vector<16xf32>
        %add3A_1113 = arith.addf %scan3A_985, %get3A_1112 : vector<16xf32>
        %mul3A_1114 = arith.constant 256 : i32
        %mul3A_1115 = arith.muli %add3A_992, %mul3A_1114 : i32
        %add3A_1116 = arith.constant 208 : i32
        %add3A_1117 = arith.addi %mul3A_1115, %add3A_1116 : i32
        %get3A_1118 = arith.index_cast %add3A_1117 : i32 to index
        %get3A_1119 = tpu.vector_load %arg6[%get3A_1118] {strides = array<i32>} : memref<51200xf32, #tpu.memory_space<vmem>>, vector<16xf32>,
        %get3A_1120 = vector.shape_cast %get3A_1119 : vector<16xf32> to vector<16xf32>
        %add3A_1121 = arith.addf %scan3A_986, %get3A_1120 : vector<16xf32>
        %mul3A_1122 = arith.constant 256 : i32
        %mul3A_1123 = arith.muli %add3A_992, %mul3A_1122 : i32
        %add3A_1124 = arith.constant 224 : i32
        %add3A_1125 = arith.addi %mul3A_1123, %add3A_1124 : i32
        %get3A_1126 = arith.index_cast %add3A_1125 : i32 to index
        %get3A_1127 = tpu.vector_load %arg6[%get3A_1126] {strides = array<i32>} : memref<51200xf32, #tpu.memory_space<vmem>>, vector<16xf32>,
        %get3A_1128 = vector.shape_cast %get3A_1127 : vector<16xf32> to vector<16xf32>
        %add3A_1129 = arith.addf %scan3A_987, %get3A_1128 : vector<16xf32>
        %mul3A_1130 = arith.constant 256 : i32
        %mul3A_1131 = arith.muli %add3A_992, %mul3A_1130 : i32
        %add3A_1132 = arith.constant 240 : i32
        %add3A_1133 = arith.addi %mul3A_1131, %add3A_1132 : i32
        %get3A_1134 = arith.index_cast %add3A_1133 : i32 to index
        %get3A_1135 = tpu.vector_load %arg6[%get3A_1134] {strides = array<i32>} : memref<51200xf32, #tpu.memory_space<vmem>>, vector<16xf32>,
        %get3A_1136 = vector.shape_cast %get3A_1135 : vector<16xf32> to vector<16xf32>
        %add3A_1137 = arith.addf %scan3A_988, %get3A_1136 : vector<16xf32>
        %mul3A_1138 = arith.constant 10 : i32
        %mul3A_1139 = arith.muli %scan3A_972, %mul3A_1138 : i32
        %add3A_1140 = arith.constant 1 : i32
        %add3A_1141 = arith.addi %mul3A_1139, %add3A_1140 : i32
        %mul3A_1142 = arith.constant 256 : i32
        %mul3A_1143 = arith.muli %add3A_1141, %mul3A_1142 : i32
        %mul3A_1144 = arith.constant 256 : i32
        %mul3A_1145 = arith.muli %add3A_1141, %mul3A_1144 : i32
        %dma_wait3A_1146 = arith.constant 1 : i32
        %dma_wait3A_1147 = tpu.memref_slice %arg6[%mul3A_1145] : memref<51200xf32, #tpu.memory_space<vmem>> -> memref<256xf32, #tpu.memory_space<vmem>>
        %dma_wait3A_1148 = tpu.memref_slice %arg5[%mul3A_1143] : memref<51200xi32, #tpu.memory_space<vmem>> -> memref<256xi32, #tpu.memory_space<vmem>>
        %dma_wait3A_1149 = arith.constant 0 : i32
        %dma_wait3A_1150 = tpu.memref_slice %arg3[%dma_wait3A_1149] : memref<1015808xf32, #tpu.memory_space<hbm>> -> memref<1015808xf32, #tpu.memory_space<hbm>>
        %dma_wait3A_1151 = tpu.memref_slice %arg9[%dma_wait3A_1146] : memref<10x!tpu.dma_semaphore, #tpu.memory_space<semaphore_mem>> -> memref<1x!tpu.dma_semaphore, #tpu.memory_space<semaphore_mem>>
        %dma_wait3A_1152 = tpu.memref_squeeze %dma_wait3A_1151 : memref<1x!tpu.dma_semaphore, #tpu.memory_space<semaphore_mem>> -> memref<!tpu.dma_semaphore, #tpu.memory_space<semaphore_mem>>
        tpu.wait_indirect_dma semaphore(%dma_wait3A_1152 : memref<!tpu.dma_semaphore, #tpu.memory_space<semaphore_mem>>) src(%dma_wait3A_1150 : memref<1015808xf32, #tpu.memory_space<hbm>>) dst(%dma_wait3A_1147 : memref<256xf32, #tpu.memory_space<vmem>>)
        %lt3A_1153 = arith.constant 19 : i32
        %lt3A_1154 = arith.cmpi slt, %scan3A_972, %lt3A_1153 : i32
        %convert_element_type3A_1155 = arith.extui %lt3A_1154 : i1 to i32
        %cond3A_1156 = arith.constant 0 : i32
        %cond3A_1157 = arith.cmpi ne, %convert_element_type3A_1155, %cond3A_1156 : i32
        scf.if %cond3A_1157 {
          %add3A_2515 = arith.constant 10 : i32
          %add3A_2516 = arith.addi %add3A_1141, %add3A_2515 : i32
          %mul3A_2517 = arith.constant 256 : i32
          %mul3A_2518 = arith.muli %add3A_2516, %mul3A_2517 : i32
          %dma_wait3A_2519 = arith.constant 1 : i32
          %dma_wait3A_2520 = arith.constant 1 : i32
          %dma_wait3A_2521 = tpu.memref_slice %arg5[%mul3A_2518] : memref<51200xi32, #tpu.memory_space<vmem>> -> memref<256xi32, #tpu.memory_space<vmem>>
          %dma_wait3A_2522 = tpu.memref_slice %arg2[%dma_wait3A_2519, %add3A_11] : memref<200x16384xi32, #tpu.memory_space<hbm>> -> memref<1x256xi32, #tpu.memory_space<hbm>>
          %dma_wait3A_2523 = tpu.memref_squeeze %dma_wait3A_2522 : memref<1x256xi32, #tpu.memory_space<hbm>> -> memref<256xi32, #tpu.memory_space<hbm>>
          %dma_wait3A_2524 = tpu.memref_slice %arg8[%dma_wait3A_2520] : memref<10x!tpu.dma_semaphore, #tpu.memory_space<semaphore_mem>> -> memref<1x!tpu.dma_semaphore, #tpu.memory_space<semaphore_mem>>
          %dma_wait3A_2525 = tpu.memref_squeeze %dma_wait3A_2524 : memref<1x!tpu.dma_semaphore, #tpu.memory_space<semaphore_mem>> -> memref<!tpu.dma_semaphore, #tpu.memory_space<semaphore_mem>>
          %dma_wait3A_2526 = tpu.memref_slice %arg5[%mul3A_2518] : memref<51200xi32, #tpu.memory_space<vmem>> -> memref<256xi32, #tpu.memory_space<vmem>>
          %dma_wait3A_2527 = tpu.memref_slice %arg2[%dma_wait3A_2519, %add3A_11] : memref<200x16384xi32, #tpu.memory_space<hbm>> -> memref<1x256xi32, #tpu.memory_space<hbm>>
          %dma_wait3A_2528 = tpu.memref_squeeze %dma_wait3A_2527 : memref<1x256xi32, #tpu.memory_space<hbm>> -> memref<256xi32, #tpu.memory_space<hbm>>
          tpu.wait_dma2 semaphore(%dma_wait3A_2525 : memref<!tpu.dma_semaphore, #tpu.memory_space<semaphore_mem>>) src(%dma_wait3A_2528 : memref<256xi32, #tpu.memory_space<hbm>>) dst(%dma_wait3A_2526 : memref<256xi32, #tpu.memory_space<vmem>>)
          %add3A_2529 = arith.constant 10 : i32
          %add3A_2530 = arith.addi %add3A_1141, %add3A_2529 : i32
          %mul3A_2531 = arith.constant 256 : i32
          %mul3A_2532 = arith.muli %add3A_2530, %mul3A_2531 : i32
          %add3A_2533 = arith.constant 10 : i32
          %add3A_2534 = arith.addi %add3A_1141, %add3A_2533 : i32
          %mul3A_2535 = arith.constant 256 : i32
          %mul3A_2536 = arith.muli %add3A_2534, %mul3A_2535 : i32
          %dma_start3A_2537 = arith.constant 1 : i32
          %dma_start3A_2538 = tpu.memref_slice %arg6[%mul3A_2536] : memref<51200xf32, #tpu.memory_space<vmem>> -> memref<256xf32, #tpu.memory_space<vmem>>
          %dma_start3A_2539 = tpu.memref_slice %arg5[%mul3A_2532] : memref<51200xi32, #tpu.memory_space<vmem>> -> memref<256xi32, #tpu.memory_space<vmem>>
          %dma_start3A_2540 = arith.constant 0 : i32
          %dma_start3A_2541 = tpu.memref_slice %arg3[%dma_start3A_2540] : memref<1015808xf32, #tpu.memory_space<hbm>> -> memref<1015808xf32, #tpu.memory_space<hbm>>
          %dma_start3A_2542 = tpu.memref_slice %arg9[%dma_start3A_2537] : memref<10x!tpu.dma_semaphore, #tpu.memory_space<semaphore_mem>> -> memref<1x!tpu.dma_semaphore, #tpu.memory_space<semaphore_mem>>
          %dma_start3A_2543 = tpu.memref_squeeze %dma_start3A_2542 : memref<1x!tpu.dma_semaphore, #tpu.memory_space<semaphore_mem>> -> memref<!tpu.dma_semaphore, #tpu.memory_space<semaphore_mem>>
          tpu.enqueue_indirect_dma source(%dma_start3A_2541 : memref<1015808xf32, #tpu.memory_space<hbm>>) target(%dma_start3A_2538 : memref<256xf32, #tpu.memory_space<vmem>>) offsets(%dma_start3A_2539 : memref<256xi32, #tpu.memory_space<vmem>>) semaphore(%dma_start3A_2543 : memref<!tpu.dma_semaphore, #tpu.memory_space<semaphore_mem>>)
        } else {
        }
        %lt3A_1158 = arith.constant 18 : i32
        %lt3A_1159 = arith.cmpi slt, %scan3A_972, %lt3A_1158 : i32
        %convert_element_type3A_1160 = arith.extui %lt3A_1159 : i1 to i32
        %cond3A_1161 = arith.constant 0 : i32
        %cond3A_1162 = arith.cmpi ne, %convert_element_type3A_1160, %cond3A_1161 : i32
        scf.if %cond3A_1162 {
          %add3A_2515 = arith.constant 20 : i32
          %add3A_2516 = arith.addi %add3A_1141, %add3A_2515 : i32
          %add3A_2517 = arith.constant 20 : i32
          %add3A_2518 = arith.addi %add3A_1141, %add3A_2517 : i32
          %mul3A_2519 = arith.constant 256 : i32
          %mul3A_2520 = arith.muli %add3A_2518, %mul3A_2519 : i32
          %dma_start3A_2521 = arith.constant 1 : i32
          %dma_start3A_2522 = tpu.memref_slice %arg5[%mul3A_2520] : memref<51200xi32, #tpu.memory_space<vmem>> -> memref<256xi32, #tpu.memory_space<vmem>>
          %dma_start3A_2523 = tpu.memref_slice %arg2[%add3A_2516, %add3A_11] : memref<200x16384xi32, #tpu.memory_space<hbm>> -> memref<1x256xi32, #tpu.memory_space<hbm>>
          %dma_start3A_2524 = tpu.memref_squeeze %dma_start3A_2523 : memref<1x256xi32, #tpu.memory_space<hbm>> -> memref<256xi32, #tpu.memory_space<hbm>>
          %dma_start3A_2525 = tpu.memref_slice %arg8[%dma_start3A_2521] : memref<10x!tpu.dma_semaphore, #tpu.memory_space<semaphore_mem>> -> memref<1x!tpu.dma_semaphore, #tpu.memory_space<semaphore_mem>>
          %dma_start3A_2526 = tpu.memref_squeeze %dma_start3A_2525 : memref<1x!tpu.dma_semaphore, #tpu.memory_space<semaphore_mem>> -> memref<!tpu.dma_semaphore, #tpu.memory_space<semaphore_mem>>
          %dma_start3A_2527 = tpu.memref_slice %arg5[%mul3A_2520] : memref<51200xi32, #tpu.memory_space<vmem>> -> memref<256xi32, #tpu.memory_space<vmem>>
          %dma_start3A_2528 = tpu.memref_slice %arg2[%add3A_2516, %add3A_11] : memref<200x16384xi32, #tpu.memory_space<hbm>> -> memref<1x256xi32, #tpu.memory_space<hbm>>
          %dma_start3A_2529 = tpu.memref_squeeze %dma_start3A_2528 : memref<1x256xi32, #tpu.memory_space<hbm>> -> memref<256xi32, #tpu.memory_space<hbm>>
          tpu.enqueue_dma source(%dma_start3A_2529 : memref<256xi32, #tpu.memory_space<hbm>>) target(%dma_start3A_2527 : memref<256xi32, #tpu.memory_space<vmem>>) target_semaphore(%dma_start3A_2526 : memref<!tpu.dma_semaphore, #tpu.memory_space<semaphore_mem>>)
        } else {
        }
        %mul3A_1163 = arith.constant 256 : i32
        %mul3A_1164 = arith.muli %add3A_1141, %mul3A_1163 : i32
        %add3A_1165 = arith.constant 0 : i32
        %add3A_1166 = arith.addi %mul3A_1164, %add3A_1165 : i32
        %get3A_1167 = arith.index_cast %add3A_1166 : i32 to index
        %get3A_1168 = tpu.vector_load %arg6[%get3A_1167] {strides = array<i32>} : memref<51200xf32, #tpu.memory_space<vmem>>, vector<16xf32>,
        %get3A_1169 = vector.shape_cast %get3A_1168 : vector<16xf32> to vector<16xf32>
        %add3A_1170 = arith.addf %add3A_1017, %get3A_1169 : vector<16xf32>
        %mul3A_1171 = arith.constant 256 : i32
        %mul3A_1172 = arith.muli %add3A_1141, %mul3A_1171 : i32
        %add3A_1173 = arith.constant 16 : i32
        %add3A_1174 = arith.addi %mul3A_1172, %add3A_1173 : i32
        %get3A_1175 = arith.index_cast %add3A_1174 : i32 to index
        %get3A_1176 = tpu.vector_load %arg6[%get3A_1175] {strides = array<i32>} : memref<51200xf32, #tpu.memory_space<vmem>>, vector<16xf32>,
        %get3A_1177 = vector.shape_cast %get3A_1176 : vector<16xf32> to vector<16xf32>
        %add3A_1178 = arith.addf %add3A_1025, %get3A_1177 : vector<16xf32>
        %mul3A_1179 = arith.constant 256 : i32
        %mul3A_1180 = arith.muli %add3A_1141, %mul3A_1179 : i32
        %add3A_1181 = arith.constant 32 : i32
        %add3A_1182 = arith.addi %mul3A_1180, %add3A_1181 : i32
        %get3A_1183 = arith.index_cast %add3A_1182 : i32 to index
        %get3A_1184 = tpu.vector_load %arg6[%get3A_1183] {strides = array<i32>} : memref<51200xf32, #tpu.memory_space<vmem>>, vector<16xf32>,
        %get3A_1185 = vector.shape_cast %get3A_1184 : vector<16xf32> to vector<16xf32>
        %add3A_1186 = arith.addf %add3A_1033, %get3A_1185 : vector<16xf32>
        %mul3A_1187 = arith.constant 256 : i32
        %mul3A_1188 = arith.muli %add3A_1141, %mul3A_1187 : i32
        %add3A_1189 = arith.constant 48 : i32
        %add3A_1190 = arith.addi %mul3A_1188, %add3A_1189 : i32
        %get3A_1191 = arith.index_cast %add3A_1190 : i32 to index
        %get3A_1192 = tpu.vector_load %arg6[%get3A_1191] {strides = array<i32>} : memref<51200xf32, #tpu.memory_space<vmem>>, vector<16xf32>,
        %get3A_1193 = vector.shape_cast %get3A_1192 : vector<16xf32> to vector<16xf32>
        %add3A_1194 = arith.addf %add3A_1041, %get3A_1193 : vector<16xf32>
        %mul3A_1195 = arith.constant 256 : i32
        %mul3A_1196 = arith.muli %add3A_1141, %mul3A_1195 : i32
        %add3A_1197 = arith.constant 64 : i32
        %add3A_1198 = arith.addi %mul3A_1196, %add3A_1197 : i32
        %get3A_1199 = arith.index_cast %add3A_1198 : i32 to index
        %get3A_1200 = tpu.vector_load %arg6[%get3A_1199] {strides = array<i32>} : memref<51200xf32, #tpu.memory_space<vmem>>, vector<16xf32>,
        %get3A_1201 = vector.shape_cast %get3A_1200 : vector<16xf32> to vector<16xf32>
        %add3A_1202 = arith.addf %add3A_1049, %get3A_1201 : vector<16xf32>
        %mul3A_1203 = arith.constant 256 : i32
        %mul3A_1204 = arith.muli %add3A_1141, %mul3A_1203 : i32
        %add3A_1205 = arith.constant 80 : i32
        %add3A_1206 = arith.addi %mul3A_1204, %add3A_1205 : i32
        %get3A_1207 = arith.index_cast %add3A_1206 : i32 to index
        %get3A_1208 = tpu.vector_load %arg6[%get3A_1207] {strides = array<i32>} : memref<51200xf32, #tpu.memory_space<vmem>>, vector<16xf32>,
        %get3A_1209 = vector.shape_cast %get3A_1208 : vector<16xf32> to vector<16xf32>
        %add3A_1210 = arith.addf %add3A_1057, %get3A_1209 : vector<16xf32>
        %mul3A_1211 = arith.constant 256 : i32
        %mul3A_1212 = arith.muli %add3A_1141, %mul3A_1211 : i32
        %add3A_1213 = arith.constant 96 : i32
        %add3A_1214 = arith.addi %mul3A_1212, %add3A_1213 : i32
        %get3A_1215 = arith.index_cast %add3A_1214 : i32 to index
        %get3A_1216 = tpu.vector_load %arg6[%get3A_1215] {strides = array<i32>} : memref<51200xf32, #tpu.memory_space<vmem>>, vector<16xf32>,
        %get3A_1217 = vector.shape_cast %get3A_1216 : vector<16xf32> to vector<16xf32>
        %add3A_1218 = arith.addf %add3A_1065, %get3A_1217 : vector<16xf32>
        %mul3A_1219 = arith.constant 256 : i32
        %mul3A_1220 = arith.muli %add3A_1141, %mul3A_1219 : i32
        %add3A_1221 = arith.constant 112 : i32
        %add3A_1222 = arith.addi %mul3A_1220, %add3A_1221 : i32
        %get3A_1223 = arith.index_cast %add3A_1222 : i32 to index
        %get3A_1224 = tpu.vector_load %arg6[%get3A_1223] {strides = array<i32>} : memref<51200xf32, #tpu.memory_space<vmem>>, vector<16xf32>,
        %get3A_1225 = vector.shape_cast %get3A_1224 : vector<16xf32> to vector<16xf32>
        %add3A_1226 = arith.addf %add3A_1073, %get3A_1225 : vector<16xf32>
        %mul3A_1227 = arith.constant 256 : i32
        %mul3A_1228 = arith.muli %add3A_1141, %mul3A_1227 : i32
        %add3A_1229 = arith.constant 128 : i32
        %add3A_1230 = arith.addi %mul3A_1228, %add3A_1229 : i32
        %get3A_1231 = arith.index_cast %add3A_1230 : i32 to index
        %get3A_1232 = tpu.vector_load %arg6[%get3A_1231] {strides = array<i32>} : memref<51200xf32, #tpu.memory_space<vmem>>, vector<16xf32>,
        %get3A_1233 = vector.shape_cast %get3A_1232 : vector<16xf32> to vector<16xf32>
        %add3A_1234 = arith.addf %add3A_1081, %get3A_1233 : vector<16xf32>
        %mul3A_1235 = arith.constant 256 : i32
        %mul3A_1236 = arith.muli %add3A_1141, %mul3A_1235 : i32
        %add3A_1237 = arith.constant 144 : i32
        %add3A_1238 = arith.addi %mul3A_1236, %add3A_1237 : i32
        %get3A_1239 = arith.index_cast %add3A_1238 : i32 to index
        %get3A_1240 = tpu.vector_load %arg6[%get3A_1239] {strides = array<i32>} : memref<51200xf32, #tpu.memory_space<vmem>>, vector<16xf32>,
        %get3A_1241 = vector.shape_cast %get3A_1240 : vector<16xf32> to vector<16xf32>
        %add3A_1242 = arith.addf %add3A_1089, %get3A_1241 : vector<16xf32>
        %mul3A_1243 = arith.constant 256 : i32
        %mul3A_1244 = arith.muli %add3A_1141, %mul3A_1243 : i32
        %add3A_1245 = arith.constant 160 : i32
        %add3A_1246 = arith.addi %mul3A_1244, %add3A_1245 : i32
        %get3A_1247 = arith.index_cast %add3A_1246 : i32 to index
        %get3A_1248 = tpu.vector_load %arg6[%get3A_1247] {strides = array<i32>} : memref<51200xf32, #tpu.memory_space<vmem>>, vector<16xf32>,
        %get3A_1249 = vector.shape_cast %get3A_1248 : vector<16xf32> to vector<16xf32>
        %add3A_1250 = arith.addf %add3A_1097, %get3A_1249 : vector<16xf32>
        %mul3A_1251 = arith.constant 256 : i32
        %mul3A_1252 = arith.muli %add3A_1141, %mul3A_1251 : i32
        %add3A_1253 = arith.constant 176 : i32
        %add3A_1254 = arith.addi %mul3A_1252, %add3A_1253 : i32
        %get3A_1255 = arith.index_cast %add3A_1254 : i32 to index
        %get3A_1256 = tpu.vector_load %arg6[%get3A_1255] {strides = array<i32>} : memref<51200xf32, #tpu.memory_space<vmem>>, vector<16xf32>,
        %get3A_1257 = vector.shape_cast %get3A_1256 : vector<16xf32> to vector<16xf32>
        %add3A_1258 = arith.addf %add3A_1105, %get3A_1257 : vector<16xf32>
        %mul3A_1259 = arith.constant 256 : i32
        %mul3A_1260 = arith.muli %add3A_1141, %mul3A_1259 : i32
        %add3A_1261 = arith.constant 192 : i32
        %add3A_1262 = arith.addi %mul3A_1260, %add3A_1261 : i32
        %get3A_1263 = arith.index_cast %add3A_1262 : i32 to index
        %get3A_1264 = tpu.vector_load %arg6[%get3A_1263] {strides = array<i32>} : memref<51200xf32, #tpu.memory_space<vmem>>, vector<16xf32>,
        %get3A_1265 = vector.shape_cast %get3A_1264 : vector<16xf32> to vector<16xf32>
        %add3A_1266 = arith.addf %add3A_1113, %get3A_1265 : vector<16xf32>
        %mul3A_1267 = arith.constant 256 : i32
        %mul3A_1268 = arith.muli %add3A_1141, %mul3A_1267 : i32
        %add3A_1269 = arith.constant 208 : i32
        %add3A_1270 = arith.addi %mul3A_1268, %add3A_1269 : i32
        %get3A_1271 = arith.index_cast %add3A_1270 : i32 to index
        %get3A_1272 = tpu.vector_load %arg6[%get3A_1271] {strides = array<i32>} : memref<51200xf32, #tpu.memory_space<vmem>>, vector<16xf32>,
        %get3A_1273 = vector.shape_cast %get3A_1272 : vector<16xf32> to vector<16xf32>
        %add3A_1274 = arith.addf %add3A_1121, %get3A_1273 : vector<16xf32>
        %mul3A_1275 = arith.constant 256 : i32
        %mul3A_1276 = arith.muli %add3A_1141, %mul3A_1275 : i32
        %add3A_1277 = arith.constant 224 : i32
        %add3A_1278 = arith.addi %mul3A_1276, %add3A_1277 : i32
        %get3A_1279 = arith.index_cast %add3A_1278 : i32 to index
        %get3A_1280 = tpu.vector_load %arg6[%get3A_1279] {strides = array<i32>} : memref<51200xf32, #tpu.memory_space<vmem>>, vector<16xf32>,
        %get3A_1281 = vector.shape_cast %get3A_1280 : vector<16xf32> to vector<16xf32>
        %add3A_1282 = arith.addf %add3A_1129, %get3A_1281 : vector<16xf32>
        %mul3A_1283 = arith.constant 256 : i32
        %mul3A_1284 = arith.muli %add3A_1141, %mul3A_1283 : i32
        %add3A_1285 = arith.constant 240 : i32
        %add3A_1286 = arith.addi %mul3A_1284, %add3A_1285 : i32
        %get3A_1287 = arith.index_cast %add3A_1286 : i32 to index
        %get3A_1288 = tpu.vector_load %arg6[%get3A_1287] {strides = array<i32>} : memref<51200xf32, #tpu.memory_space<vmem>>, vector<16xf32>,
        %get3A_1289 = vector.shape_cast %get3A_1288 : vector<16xf32> to vector<16xf32>
        %add3A_1290 = arith.addf %add3A_1137, %get3A_1289 : vector<16xf32>
        %mul3A_1291 = arith.constant 10 : i32
        %mul3A_1292 = arith.muli %scan3A_972, %mul3A_1291 : i32
        %add3A_1293 = arith.constant 2 : i32
        %add3A_1294 = arith.addi %mul3A_1292, %add3A_1293 : i32
        %mul3A_1295 = arith.constant 256 : i32
        %mul3A_1296 = arith.muli %add3A_1294, %mul3A_1295 : i32
        %mul3A_1297 = arith.constant 256 : i32
        %mul3A_1298 = arith.muli %add3A_1294, %mul3A_1297 : i32
        %dma_wait3A_1299 = arith.constant 2 : i32
        %dma_wait3A_1300 = tpu.memref_slice %arg6[%mul3A_1298] : memref<51200xf32, #tpu.memory_space<vmem>> -> memref<256xf32, #tpu.memory_space<vmem>>
        %dma_wait3A_1301 = tpu.memref_slice %arg5[%mul3A_1296] : memref<51200xi32, #tpu.memory_space<vmem>> -> memref<256xi32, #tpu.memory_space<vmem>>
        %dma_wait3A_1302 = arith.constant 0 : i32
        %dma_wait3A_1303 = tpu.memref_slice %arg3[%dma_wait3A_1302] : memref<1015808xf32, #tpu.memory_space<hbm>> -> memref<1015808xf32, #tpu.memory_space<hbm>>
        %dma_wait3A_1304 = tpu.memref_slice %arg9[%dma_wait3A_1299] : memref<10x!tpu.dma_semaphore, #tpu.memory_space<semaphore_mem>> -> memref<1x!tpu.dma_semaphore, #tpu.memory_space<semaphore_mem>>
        %dma_wait3A_1305 = tpu.memref_squeeze %dma_wait3A_1304 : memref<1x!tpu.dma_semaphore, #tpu.memory_space<semaphore_mem>> -> memref<!tpu.dma_semaphore, #tpu.memory_space<semaphore_mem>>
        tpu.wait_indirect_dma semaphore(%dma_wait3A_1305 : memref<!tpu.dma_semaphore, #tpu.memory_space<semaphore_mem>>) src(%dma_wait3A_1303 : memref<1015808xf32, #tpu.memory_space<hbm>>) dst(%dma_wait3A_1300 : memref<256xf32, #tpu.memory_space<vmem>>)
        %lt3A_1306 = arith.constant 19 : i32
        %lt3A_1307 = arith.cmpi slt, %scan3A_972, %lt3A_1306 : i32
        %convert_element_type3A_1308 = arith.extui %lt3A_1307 : i1 to i32
        %cond3A_1309 = arith.constant 0 : i32
        %cond3A_1310 = arith.cmpi ne, %convert_element_type3A_1308, %cond3A_1309 : i32
        scf.if %cond3A_1310 {
          %add3A_2515 = arith.constant 10 : i32
          %add3A_2516 = arith.addi %add3A_1294, %add3A_2515 : i32
          %mul3A_2517 = arith.constant 256 : i32
          %mul3A_2518 = arith.muli %add3A_2516, %mul3A_2517 : i32
          %dma_wait3A_2519 = arith.constant 2 : i32
          %dma_wait3A_2520 = arith.constant 2 : i32
          %dma_wait3A_2521 = tpu.memref_slice %arg5[%mul3A_2518] : memref<51200xi32, #tpu.memory_space<vmem>> -> memref<256xi32, #tpu.memory_space<vmem>>
          %dma_wait3A_2522 = tpu.memref_slice %arg2[%dma_wait3A_2519, %add3A_11] : memref<200x16384xi32, #tpu.memory_space<hbm>> -> memref<1x256xi32, #tpu.memory_space<hbm>>
          %dma_wait3A_2523 = tpu.memref_squeeze %dma_wait3A_2522 : memref<1x256xi32, #tpu.memory_space<hbm>> -> memref<256xi32, #tpu.memory_space<hbm>>
          %dma_wait3A_2524 = tpu.memref_slice %arg8[%dma_wait3A_2520] : memref<10x!tpu.dma_semaphore, #tpu.memory_space<semaphore_mem>> -> memref<1x!tpu.dma_semaphore, #tpu.memory_space<semaphore_mem>>
          %dma_wait3A_2525 = tpu.memref_squeeze %dma_wait3A_2524 : memref<1x!tpu.dma_semaphore, #tpu.memory_space<semaphore_mem>> -> memref<!tpu.dma_semaphore, #tpu.memory_space<semaphore_mem>>
          %dma_wait3A_2526 = tpu.memref_slice %arg5[%mul3A_2518] : memref<51200xi32, #tpu.memory_space<vmem>> -> memref<256xi32, #tpu.memory_space<vmem>>
          %dma_wait3A_2527 = tpu.memref_slice %arg2[%dma_wait3A_2519, %add3A_11] : memref<200x16384xi32, #tpu.memory_space<hbm>> -> memref<1x256xi32, #tpu.memory_space<hbm>>
          %dma_wait3A_2528 = tpu.memref_squeeze %dma_wait3A_2527 : memref<1x256xi32, #tpu.memory_space<hbm>> -> memref<256xi32, #tpu.memory_space<hbm>>
          tpu.wait_dma2 semaphore(%dma_wait3A_2525 : memref<!tpu.dma_semaphore, #tpu.memory_space<semaphore_mem>>) src(%dma_wait3A_2528 : memref<256xi32, #tpu.memory_space<hbm>>) dst(%dma_wait3A_2526 : memref<256xi32, #tpu.memory_space<vmem>>)
          %add3A_2529 = arith.constant 10 : i32
          %add3A_2530 = arith.addi %add3A_1294, %add3A_2529 : i32
          %mul3A_2531 = arith.constant 256 : i32
          %mul3A_2532 = arith.muli %add3A_2530, %mul3A_2531 : i32
          %add3A_2533 = arith.constant 10 : i32
          %add3A_2534 = arith.addi %add3A_1294, %add3A_2533 : i32
          %mul3A_2535 = arith.constant 256 : i32
          %mul3A_2536 = arith.muli %add3A_2534, %mul3A_2535 : i32
          %dma_start3A_2537 = arith.constant 2 : i32
          %dma_start3A_2538 = tpu.memref_slice %arg6[%mul3A_2536] : memref<51200xf32, #tpu.memory_space<vmem>> -> memref<256xf32, #tpu.memory_space<vmem>>
          %dma_start3A_2539 = tpu.memref_slice %arg5[%mul3A_2532] : memref<51200xi32, #tpu.memory_space<vmem>> -> memref<256xi32, #tpu.memory_space<vmem>>
          %dma_start3A_2540 = arith.constant 0 : i32
          %dma_start3A_2541 = tpu.memref_slice %arg3[%dma_start3A_2540] : memref<1015808xf32, #tpu.memory_space<hbm>> -> memref<1015808xf32, #tpu.memory_space<hbm>>
          %dma_start3A_2542 = tpu.memref_slice %arg9[%dma_start3A_2537] : memref<10x!tpu.dma_semaphore, #tpu.memory_space<semaphore_mem>> -> memref<1x!tpu.dma_semaphore, #tpu.memory_space<semaphore_mem>>
          %dma_start3A_2543 = tpu.memref_squeeze %dma_start3A_2542 : memref<1x!tpu.dma_semaphore, #tpu.memory_space<semaphore_mem>> -> memref<!tpu.dma_semaphore, #tpu.memory_space<semaphore_mem>>
          tpu.enqueue_indirect_dma source(%dma_start3A_2541 : memref<1015808xf32, #tpu.memory_space<hbm>>) target(%dma_start3A_2538 : memref<256xf32, #tpu.memory_space<vmem>>) offsets(%dma_start3A_2539 : memref<256xi32, #tpu.memory_space<vmem>>) semaphore(%dma_start3A_2543 : memref<!tpu.dma_semaphore, #tpu.memory_space<semaphore_mem>>)
        } else {
        }
        %lt3A_1311 = arith.constant 18 : i32
        %lt3A_1312 = arith.cmpi slt, %scan3A_972, %lt3A_1311 : i32
        %convert_element_type3A_1313 = arith.extui %lt3A_1312 : i1 to i32
        %cond3A_1314 = arith.constant 0 : i32
        %cond3A_1315 = arith.cmpi ne, %convert_element_type3A_1313, %cond3A_1314 : i32
        scf.if %cond3A_1315 {
          %add3A_2515 = arith.constant 20 : i32
          %add3A_2516 = arith.addi %add3A_1294, %add3A_2515 : i32
          %add3A_2517 = arith.constant 20 : i32
          %add3A_2518 = arith.addi %add3A_1294, %add3A_2517 : i32
          %mul3A_2519 = arith.constant 256 : i32
          %mul3A_2520 = arith.muli %add3A_2518, %mul3A_2519 : i32
          %dma_start3A_2521 = arith.constant 2 : i32
          %dma_start3A_2522 = tpu.memref_slice %arg5[%mul3A_2520] : memref<51200xi32, #tpu.memory_space<vmem>> -> memref<256xi32, #tpu.memory_space<vmem>>
          %dma_start3A_2523 = tpu.memref_slice %arg2[%add3A_2516, %add3A_11] : memref<200x16384xi32, #tpu.memory_space<hbm>> -> memref<1x256xi32, #tpu.memory_space<hbm>>
          %dma_start3A_2524 = tpu.memref_squeeze %dma_start3A_2523 : memref<1x256xi32, #tpu.memory_space<hbm>> -> memref<256xi32, #tpu.memory_space<hbm>>
          %dma_start3A_2525 = tpu.memref_slice %arg8[%dma_start3A_2521] : memref<10x!tpu.dma_semaphore, #tpu.memory_space<semaphore_mem>> -> memref<1x!tpu.dma_semaphore, #tpu.memory_space<semaphore_mem>>
          %dma_start3A_2526 = tpu.memref_squeeze %dma_start3A_2525 : memref<1x!tpu.dma_semaphore, #tpu.memory_space<semaphore_mem>> -> memref<!tpu.dma_semaphore, #tpu.memory_space<semaphore_mem>>
          %dma_start3A_2527 = tpu.memref_slice %arg5[%mul3A_2520] : memref<51200xi32, #tpu.memory_space<vmem>> -> memref<256xi32, #tpu.memory_space<vmem>>
          %dma_start3A_2528 = tpu.memref_slice %arg2[%add3A_2516, %add3A_11] : memref<200x16384xi32, #tpu.memory_space<hbm>> -> memref<1x256xi32, #tpu.memory_space<hbm>>
          %dma_start3A_2529 = tpu.memref_squeeze %dma_start3A_2528 : memref<1x256xi32, #tpu.memory_space<hbm>> -> memref<256xi32, #tpu.memory_space<hbm>>
          tpu.enqueue_dma source(%dma_start3A_2529 : memref<256xi32, #tpu.memory_space<hbm>>) target(%dma_start3A_2527 : memref<256xi32, #tpu.memory_space<vmem>>) target_semaphore(%dma_start3A_2526 : memref<!tpu.dma_semaphore, #tpu.memory_space<semaphore_mem>>)
        } else {
        }
        %mul3A_1316 = arith.constant 256 : i32
        %mul3A_1317 = arith.muli %add3A_1294, %mul3A_1316 : i32
        %add3A_1318 = arith.constant 0 : i32
        %add3A_1319 = arith.addi %mul3A_1317, %add3A_1318 : i32
        %get3A_1320 = arith.index_cast %add3A_1319 : i32 to index
        %get3A_1321 = tpu.vector_load %arg6[%get3A_1320] {strides = array<i32>} : memref<51200xf32, #tpu.memory_space<vmem>>, vector<16xf32>,
        %get3A_1322 = vector.shape_cast %get3A_1321 : vector<16xf32> to vector<16xf32>
        %add3A_1323 = arith.addf %add3A_1170, %get3A_1322 : vector<16xf32>
        %mul3A_1324 = arith.constant 256 : i32
        %mul3A_1325 = arith.muli %add3A_1294, %mul3A_1324 : i32
        %add3A_1326 = arith.constant 16 : i32
        %add3A_1327 = arith.addi %mul3A_1325, %add3A_1326 : i32
        %get3A_1328 = arith.index_cast %add3A_1327 : i32 to index
        %get3A_1329 = tpu.vector_load %arg6[%get3A_1328] {strides = array<i32>} : memref<51200xf32, #tpu.memory_space<vmem>>, vector<16xf32>,
        %get3A_1330 = vector.shape_cast %get3A_1329 : vector<16xf32> to vector<16xf32>
        %add3A_1331 = arith.addf %add3A_1178, %get3A_1330 : vector<16xf32>
        %mul3A_1332 = arith.constant 256 : i32
        %mul3A_1333 = arith.muli %add3A_1294, %mul3A_1332 : i32
        %add3A_1334 = arith.constant 32 : i32
        %add3A_1335 = arith.addi %mul3A_1333, %add3A_1334 : i32
        %get3A_1336 = arith.index_cast %add3A_1335 : i32 to index
        %get3A_1337 = tpu.vector_load %arg6[%get3A_1336] {strides = array<i32>} : memref<51200xf32, #tpu.memory_space<vmem>>, vector<16xf32>,
        %get3A_1338 = vector.shape_cast %get3A_1337 : vector<16xf32> to vector<16xf32>
        %add3A_1339 = arith.addf %add3A_1186, %get3A_1338 : vector<16xf32>
        %mul3A_1340 = arith.constant 256 : i32
        %mul3A_1341 = arith.muli %add3A_1294, %mul3A_1340 : i32
        %add3A_1342 = arith.constant 48 : i32
        %add3A_1343 = arith.addi %mul3A_1341, %add3A_1342 : i32
        %get3A_1344 = arith.index_cast %add3A_1343 : i32 to index
        %get3A_1345 = tpu.vector_load %arg6[%get3A_1344] {strides = array<i32>} : memref<51200xf32, #tpu.memory_space<vmem>>, vector<16xf32>,
        %get3A_1346 = vector.shape_cast %get3A_1345 : vector<16xf32> to vector<16xf32>
        %add3A_1347 = arith.addf %add3A_1194, %get3A_1346 : vector<16xf32>
        %mul3A_1348 = arith.constant 256 : i32
        %mul3A_1349 = arith.muli %add3A_1294, %mul3A_1348 : i32
        %add3A_1350 = arith.constant 64 : i32
        %add3A_1351 = arith.addi %mul3A_1349, %add3A_1350 : i32
        %get3A_1352 = arith.index_cast %add3A_1351 : i32 to index
        %get3A_1353 = tpu.vector_load %arg6[%get3A_1352] {strides = array<i32>} : memref<51200xf32, #tpu.memory_space<vmem>>, vector<16xf32>,
        %get3A_1354 = vector.shape_cast %get3A_1353 : vector<16xf32> to vector<16xf32>
        %add3A_1355 = arith.addf %add3A_1202, %get3A_1354 : vector<16xf32>
        %mul3A_1356 = arith.constant 256 : i32
        %mul3A_1357 = arith.muli %add3A_1294, %mul3A_1356 : i32
        %add3A_1358 = arith.constant 80 : i32
        %add3A_1359 = arith.addi %mul3A_1357, %add3A_1358 : i32
        %get3A_1360 = arith.index_cast %add3A_1359 : i32 to index
        %get3A_1361 = tpu.vector_load %arg6[%get3A_1360] {strides = array<i32>} : memref<51200xf32, #tpu.memory_space<vmem>>, vector<16xf32>,
        %get3A_1362 = vector.shape_cast %get3A_1361 : vector<16xf32> to vector<16xf32>
        %add3A_1363 = arith.addf %add3A_1210, %get3A_1362 : vector<16xf32>
        %mul3A_1364 = arith.constant 256 : i32
        %mul3A_1365 = arith.muli %add3A_1294, %mul3A_1364 : i32
        %add3A_1366 = arith.constant 96 : i32
        %add3A_1367 = arith.addi %mul3A_1365, %add3A_1366 : i32
        %get3A_1368 = arith.index_cast %add3A_1367 : i32 to index
        %get3A_1369 = tpu.vector_load %arg6[%get3A_1368] {strides = array<i32>} : memref<51200xf32, #tpu.memory_space<vmem>>, vector<16xf32>,
        %get3A_1370 = vector.shape_cast %get3A_1369 : vector<16xf32> to vector<16xf32>
        %add3A_1371 = arith.addf %add3A_1218, %get3A_1370 : vector<16xf32>
        %mul3A_1372 = arith.constant 256 : i32
        %mul3A_1373 = arith.muli %add3A_1294, %mul3A_1372 : i32
        %add3A_1374 = arith.constant 112 : i32
        %add3A_1375 = arith.addi %mul3A_1373, %add3A_1374 : i32
        %get3A_1376 = arith.index_cast %add3A_1375 : i32 to index
        %get3A_1377 = tpu.vector_load %arg6[%get3A_1376] {strides = array<i32>} : memref<51200xf32, #tpu.memory_space<vmem>>, vector<16xf32>,
        %get3A_1378 = vector.shape_cast %get3A_1377 : vector<16xf32> to vector<16xf32>
        %add3A_1379 = arith.addf %add3A_1226, %get3A_1378 : vector<16xf32>
        %mul3A_1380 = arith.constant 256 : i32
        %mul3A_1381 = arith.muli %add3A_1294, %mul3A_1380 : i32
        %add3A_1382 = arith.constant 128 : i32
        %add3A_1383 = arith.addi %mul3A_1381, %add3A_1382 : i32
        %get3A_1384 = arith.index_cast %add3A_1383 : i32 to index
        %get3A_1385 = tpu.vector_load %arg6[%get3A_1384] {strides = array<i32>} : memref<51200xf32, #tpu.memory_space<vmem>>, vector<16xf32>,
        %get3A_1386 = vector.shape_cast %get3A_1385 : vector<16xf32> to vector<16xf32>
        %add3A_1387 = arith.addf %add3A_1234, %get3A_1386 : vector<16xf32>
        %mul3A_1388 = arith.constant 256 : i32
        %mul3A_1389 = arith.muli %add3A_1294, %mul3A_1388 : i32
        %add3A_1390 = arith.constant 144 : i32
        %add3A_1391 = arith.addi %mul3A_1389, %add3A_1390 : i32
        %get3A_1392 = arith.index_cast %add3A_1391 : i32 to index
        %get3A_1393 = tpu.vector_load %arg6[%get3A_1392] {strides = array<i32>} : memref<51200xf32, #tpu.memory_space<vmem>>, vector<16xf32>,
        %get3A_1394 = vector.shape_cast %get3A_1393 : vector<16xf32> to vector<16xf32>
        %add3A_1395 = arith.addf %add3A_1242, %get3A_1394 : vector<16xf32>
        %mul3A_1396 = arith.constant 256 : i32
        %mul3A_1397 = arith.muli %add3A_1294, %mul3A_1396 : i32
        %add3A_1398 = arith.constant 160 : i32
        %add3A_1399 = arith.addi %mul3A_1397, %add3A_1398 : i32
        %get3A_1400 = arith.index_cast %add3A_1399 : i32 to index
        %get3A_1401 = tpu.vector_load %arg6[%get3A_1400] {strides = array<i32>} : memref<51200xf32, #tpu.memory_space<vmem>>, vector<16xf32>,
        %get3A_1402 = vector.shape_cast %get3A_1401 : vector<16xf32> to vector<16xf32>
        %add3A_1403 = arith.addf %add3A_1250, %get3A_1402 : vector<16xf32>
        %mul3A_1404 = arith.constant 256 : i32
        %mul3A_1405 = arith.muli %add3A_1294, %mul3A_1404 : i32
        %add3A_1406 = arith.constant 176 : i32
        %add3A_1407 = arith.addi %mul3A_1405, %add3A_1406 : i32
        %get3A_1408 = arith.index_cast %add3A_1407 : i32 to index
        %get3A_1409 = tpu.vector_load %arg6[%get3A_1408] {strides = array<i32>} : memref<51200xf32, #tpu.memory_space<vmem>>, vector<16xf32>,
        %get3A_1410 = vector.shape_cast %get3A_1409 : vector<16xf32> to vector<16xf32>
        %add3A_1411 = arith.addf %add3A_1258, %get3A_1410 : vector<16xf32>
        %mul3A_1412 = arith.constant 256 : i32
        %mul3A_1413 = arith.muli %add3A_1294, %mul3A_1412 : i32
        %add3A_1414 = arith.constant 192 : i32
        %add3A_1415 = arith.addi %mul3A_1413, %add3A_1414 : i32
        %get3A_1416 = arith.index_cast %add3A_1415 : i32 to index
        %get3A_1417 = tpu.vector_load %arg6[%get3A_1416] {strides = array<i32>} : memref<51200xf32, #tpu.memory_space<vmem>>, vector<16xf32>,
        %get3A_1418 = vector.shape_cast %get3A_1417 : vector<16xf32> to vector<16xf32>
        %add3A_1419 = arith.addf %add3A_1266, %get3A_1418 : vector<16xf32>
        %mul3A_1420 = arith.constant 256 : i32
        %mul3A_1421 = arith.muli %add3A_1294, %mul3A_1420 : i32
        %add3A_1422 = arith.constant 208 : i32
        %add3A_1423 = arith.addi %mul3A_1421, %add3A_1422 : i32
        %get3A_1424 = arith.index_cast %add3A_1423 : i32 to index
        %get3A_1425 = tpu.vector_load %arg6[%get3A_1424] {strides = array<i32>} : memref<51200xf32, #tpu.memory_space<vmem>>, vector<16xf32>,
        %get3A_1426 = vector.shape_cast %get3A_1425 : vector<16xf32> to vector<16xf32>
        %add3A_1427 = arith.addf %add3A_1274, %get3A_1426 : vector<16xf32>
        %mul3A_1428 = arith.constant 256 : i32
        %mul3A_1429 = arith.muli %add3A_1294, %mul3A_1428 : i32
        %add3A_1430 = arith.constant 224 : i32
        %add3A_1431 = arith.addi %mul3A_1429, %add3A_1430 : i32
        %get3A_1432 = arith.index_cast %add3A_1431 : i32 to index
        %get3A_1433 = tpu.vector_load %arg6[%get3A_1432] {strides = array<i32>} : memref<51200xf32, #tpu.memory_space<vmem>>, vector<16xf32>,
        %get3A_1434 = vector.shape_cast %get3A_1433 : vector<16xf32> to vector<16xf32>
        %add3A_1435 = arith.addf %add3A_1282, %get3A_1434 : vector<16xf32>
        %mul3A_1436 = arith.constant 256 : i32
        %mul3A_1437 = arith.muli %add3A_1294, %mul3A_1436 : i32
        %add3A_1438 = arith.constant 240 : i32
        %add3A_1439 = arith.addi %mul3A_1437, %add3A_1438 : i32
        %get3A_1440 = arith.index_cast %add3A_1439 : i32 to index
        %get3A_1441 = tpu.vector_load %arg6[%get3A_1440] {strides = array<i32>} : memref<51200xf32, #tpu.memory_space<vmem>>, vector<16xf32>,
        %get3A_1442 = vector.shape_cast %get3A_1441 : vector<16xf32> to vector<16xf32>
        %add3A_1443 = arith.addf %add3A_1290, %get3A_1442 : vector<16xf32>
        %mul3A_1444 = arith.constant 10 : i32
        %mul3A_1445 = arith.muli %scan3A_972, %mul3A_1444 : i32
        %add3A_1446 = arith.constant 3 : i32
        %add3A_1447 = arith.addi %mul3A_1445, %add3A_1446 : i32
        %mul3A_1448 = arith.constant 256 : i32
        %mul3A_1449 = arith.muli %add3A_1447, %mul3A_1448 : i32
        %mul3A_1450 = arith.constant 256 : i32
        %mul3A_1451 = arith.muli %add3A_1447, %mul3A_1450 : i32
        %dma_wait3A_1452 = arith.constant 3 : i32
        %dma_wait3A_1453 = tpu.memref_slice %arg6[%mul3A_1451] : memref<51200xf32, #tpu.memory_space<vmem>> -> memref<256xf32, #tpu.memory_space<vmem>>
        %dma_wait3A_1454 = tpu.memref_slice %arg5[%mul3A_1449] : memref<51200xi32, #tpu.memory_space<vmem>> -> memref<256xi32, #tpu.memory_space<vmem>>
        %dma_wait3A_1455 = arith.constant 0 : i32
        %dma_wait3A_1456 = tpu.memref_slice %arg3[%dma_wait3A_1455] : memref<1015808xf32, #tpu.memory_space<hbm>> -> memref<1015808xf32, #tpu.memory_space<hbm>>
        %dma_wait3A_1457 = tpu.memref_slice %arg9[%dma_wait3A_1452] : memref<10x!tpu.dma_semaphore, #tpu.memory_space<semaphore_mem>> -> memref<1x!tpu.dma_semaphore, #tpu.memory_space<semaphore_mem>>
        %dma_wait3A_1458 = tpu.memref_squeeze %dma_wait3A_1457 : memref<1x!tpu.dma_semaphore, #tpu.memory_space<semaphore_mem>> -> memref<!tpu.dma_semaphore, #tpu.memory_space<semaphore_mem>>
        tpu.wait_indirect_dma semaphore(%dma_wait3A_1458 : memref<!tpu.dma_semaphore, #tpu.memory_space<semaphore_mem>>) src(%dma_wait3A_1456 : memref<1015808xf32, #tpu.memory_space<hbm>>) dst(%dma_wait3A_1453 : memref<256xf32, #tpu.memory_space<vmem>>)
        %lt3A_1459 = arith.constant 19 : i32
        %lt3A_1460 = arith.cmpi slt, %scan3A_972, %lt3A_1459 : i32
        %convert_element_type3A_1461 = arith.extui %lt3A_1460 : i1 to i32
        %cond3A_1462 = arith.constant 0 : i32
        %cond3A_1463 = arith.cmpi ne, %convert_element_type3A_1461, %cond3A_1462 : i32
        scf.if %cond3A_1463 {
          %add3A_2515 = arith.constant 10 : i32
          %add3A_2516 = arith.addi %add3A_1447, %add3A_2515 : i32
          %mul3A_2517 = arith.constant 256 : i32
          %mul3A_2518 = arith.muli %add3A_2516, %mul3A_2517 : i32
          %dma_wait3A_2519 = arith.constant 3 : i32
          %dma_wait3A_2520 = arith.constant 3 : i32
          %dma_wait3A_2521 = tpu.memref_slice %arg5[%mul3A_2518] : memref<51200xi32, #tpu.memory_space<vmem>> -> memref<256xi32, #tpu.memory_space<vmem>>
          %dma_wait3A_2522 = tpu.memref_slice %arg2[%dma_wait3A_2519, %add3A_11] : memref<200x16384xi32, #tpu.memory_space<hbm>> -> memref<1x256xi32, #tpu.memory_space<hbm>>
          %dma_wait3A_2523 = tpu.memref_squeeze %dma_wait3A_2522 : memref<1x256xi32, #tpu.memory_space<hbm>> -> memref<256xi32, #tpu.memory_space<hbm>>
          %dma_wait3A_2524 = tpu.memref_slice %arg8[%dma_wait3A_2520] : memref<10x!tpu.dma_semaphore, #tpu.memory_space<semaphore_mem>> -> memref<1x!tpu.dma_semaphore, #tpu.memory_space<semaphore_mem>>
          %dma_wait3A_2525 = tpu.memref_squeeze %dma_wait3A_2524 : memref<1x!tpu.dma_semaphore, #tpu.memory_space<semaphore_mem>> -> memref<!tpu.dma_semaphore, #tpu.memory_space<semaphore_mem>>
          %dma_wait3A_2526 = tpu.memref_slice %arg5[%mul3A_2518] : memref<51200xi32, #tpu.memory_space<vmem>> -> memref<256xi32, #tpu.memory_space<vmem>>
          %dma_wait3A_2527 = tpu.memref_slice %arg2[%dma_wait3A_2519, %add3A_11] : memref<200x16384xi32, #tpu.memory_space<hbm>> -> memref<1x256xi32, #tpu.memory_space<hbm>>
          %dma_wait3A_2528 = tpu.memref_squeeze %dma_wait3A_2527 : memref<1x256xi32, #tpu.memory_space<hbm>> -> memref<256xi32, #tpu.memory_space<hbm>>
          tpu.wait_dma2 semaphore(%dma_wait3A_2525 : memref<!tpu.dma_semaphore, #tpu.memory_space<semaphore_mem>>) src(%dma_wait3A_2528 : memref<256xi32, #tpu.memory_space<hbm>>) dst(%dma_wait3A_2526 : memref<256xi32, #tpu.memory_space<vmem>>)
          %add3A_2529 = arith.constant 10 : i32
          %add3A_2530 = arith.addi %add3A_1447, %add3A_2529 : i32
          %mul3A_2531 = arith.constant 256 : i32
          %mul3A_2532 = arith.muli %add3A_2530, %mul3A_2531 : i32
          %add3A_2533 = arith.constant 10 : i32
          %add3A_2534 = arith.addi %add3A_1447, %add3A_2533 : i32
          %mul3A_2535 = arith.constant 256 : i32
          %mul3A_2536 = arith.muli %add3A_2534, %mul3A_2535 : i32
          %dma_start3A_2537 = arith.constant 3 : i32
          %dma_start3A_2538 = tpu.memref_slice %arg6[%mul3A_2536] : memref<51200xf32, #tpu.memory_space<vmem>> -> memref<256xf32, #tpu.memory_space<vmem>>
          %dma_start3A_2539 = tpu.memref_slice %arg5[%mul3A_2532] : memref<51200xi32, #tpu.memory_space<vmem>> -> memref<256xi32, #tpu.memory_space<vmem>>
          %dma_start3A_2540 = arith.constant 0 : i32
          %dma_start3A_2541 = tpu.memref_slice %arg3[%dma_start3A_2540] : memref<1015808xf32, #tpu.memory_space<hbm>> -> memref<1015808xf32, #tpu.memory_space<hbm>>
          %dma_start3A_2542 = tpu.memref_slice %arg9[%dma_start3A_2537] : memref<10x!tpu.dma_semaphore, #tpu.memory_space<semaphore_mem>> -> memref<1x!tpu.dma_semaphore, #tpu.memory_space<semaphore_mem>>
          %dma_start3A_2543 = tpu.memref_squeeze %dma_start3A_2542 : memref<1x!tpu.dma_semaphore, #tpu.memory_space<semaphore_mem>> -> memref<!tpu.dma_semaphore, #tpu.memory_space<semaphore_mem>>
          tpu.enqueue_indirect_dma source(%dma_start3A_2541 : memref<1015808xf32, #tpu.memory_space<hbm>>) target(%dma_start3A_2538 : memref<256xf32, #tpu.memory_space<vmem>>) offsets(%dma_start3A_2539 : memref<256xi32, #tpu.memory_space<vmem>>) semaphore(%dma_start3A_2543 : memref<!tpu.dma_semaphore, #tpu.memory_space<semaphore_mem>>)
        } else {
        }
        %lt3A_1464 = arith.constant 18 : i32
        %lt3A_1465 = arith.cmpi slt, %scan3A_972, %lt3A_1464 : i32
        %convert_element_type3A_1466 = arith.extui %lt3A_1465 : i1 to i32
        %cond3A_1467 = arith.constant 0 : i32
        %cond3A_1468 = arith.cmpi ne, %convert_element_type3A_1466, %cond3A_1467 : i32
        scf.if %cond3A_1468 {
          %add3A_2515 = arith.constant 20 : i32
          %add3A_2516 = arith.addi %add3A_1447, %add3A_2515 : i32
          %add3A_2517 = arith.constant 20 : i32
          %add3A_2518 = arith.addi %add3A_1447, %add3A_2517 : i32
          %mul3A_2519 = arith.constant 256 : i32
          %mul3A_2520 = arith.muli %add3A_2518, %mul3A_2519 : i32
          %dma_start3A_2521 = arith.constant 3 : i32
          %dma_start3A_2522 = tpu.memref_slice %arg5[%mul3A_2520] : memref<51200xi32, #tpu.memory_space<vmem>> -> memref<256xi32, #tpu.memory_space<vmem>>
          %dma_start3A_2523 = tpu.memref_slice %arg2[%add3A_2516, %add3A_11] : memref<200x16384xi32, #tpu.memory_space<hbm>> -> memref<1x256xi32, #tpu.memory_space<hbm>>
          %dma_start3A_2524 = tpu.memref_squeeze %dma_start3A_2523 : memref<1x256xi32, #tpu.memory_space<hbm>> -> memref<256xi32, #tpu.memory_space<hbm>>
          %dma_start3A_2525 = tpu.memref_slice %arg8[%dma_start3A_2521] : memref<10x!tpu.dma_semaphore, #tpu.memory_space<semaphore_mem>> -> memref<1x!tpu.dma_semaphore, #tpu.memory_space<semaphore_mem>>
          %dma_start3A_2526 = tpu.memref_squeeze %dma_start3A_2525 : memref<1x!tpu.dma_semaphore, #tpu.memory_space<semaphore_mem>> -> memref<!tpu.dma_semaphore, #tpu.memory_space<semaphore_mem>>
          %dma_start3A_2527 = tpu.memref_slice %arg5[%mul3A_2520] : memref<51200xi32, #tpu.memory_space<vmem>> -> memref<256xi32, #tpu.memory_space<vmem>>
          %dma_start3A_2528 = tpu.memref_slice %arg2[%add3A_2516, %add3A_11] : memref<200x16384xi32, #tpu.memory_space<hbm>> -> memref<1x256xi32, #tpu.memory_space<hbm>>
          %dma_start3A_2529 = tpu.memref_squeeze %dma_start3A_2528 : memref<1x256xi32, #tpu.memory_space<hbm>> -> memref<256xi32, #tpu.memory_space<hbm>>
          tpu.enqueue_dma source(%dma_start3A_2529 : memref<256xi32, #tpu.memory_space<hbm>>) target(%dma_start3A_2527 : memref<256xi32, #tpu.memory_space<vmem>>) target_semaphore(%dma_start3A_2526 : memref<!tpu.dma_semaphore, #tpu.memory_space<semaphore_mem>>)
        } else {
        }
        %mul3A_1469 = arith.constant 256 : i32
        %mul3A_1470 = arith.muli %add3A_1447, %mul3A_1469 : i32
        %add3A_1471 = arith.constant 0 : i32
        %add3A_1472 = arith.addi %mul3A_1470, %add3A_1471 : i32
        %get3A_1473 = arith.index_cast %add3A_1472 : i32 to index
        %get3A_1474 = tpu.vector_load %arg6[%get3A_1473] {strides = array<i32>} : memref<51200xf32, #tpu.memory_space<vmem>>, vector<16xf32>,
        %get3A_1475 = vector.shape_cast %get3A_1474 : vector<16xf32> to vector<16xf32>
        %add3A_1476 = arith.addf %add3A_1323, %get3A_1475 : vector<16xf32>
        %mul3A_1477 = arith.constant 256 : i32
        %mul3A_1478 = arith.muli %add3A_1447, %mul3A_1477 : i32
        %add3A_1479 = arith.constant 16 : i32
        %add3A_1480 = arith.addi %mul3A_1478, %add3A_1479 : i32
        %get3A_1481 = arith.index_cast %add3A_1480 : i32 to index
        %get3A_1482 = tpu.vector_load %arg6[%get3A_1481] {strides = array<i32>} : memref<51200xf32, #tpu.memory_space<vmem>>, vector<16xf32>,
        %get3A_1483 = vector.shape_cast %get3A_1482 : vector<16xf32> to vector<16xf32>
        %add3A_1484 = arith.addf %add3A_1331, %get3A_1483 : vector<16xf32>
        %mul3A_1485 = arith.constant 256 : i32
        %mul3A_1486 = arith.muli %add3A_1447, %mul3A_1485 : i32
        %add3A_1487 = arith.constant 32 : i32
        %add3A_1488 = arith.addi %mul3A_1486, %add3A_1487 : i32
        %get3A_1489 = arith.index_cast %add3A_1488 : i32 to index
        %get3A_1490 = tpu.vector_load %arg6[%get3A_1489] {strides = array<i32>} : memref<51200xf32, #tpu.memory_space<vmem>>, vector<16xf32>,
        %get3A_1491 = vector.shape_cast %get3A_1490 : vector<16xf32> to vector<16xf32>
        %add3A_1492 = arith.addf %add3A_1339, %get3A_1491 : vector<16xf32>
        %mul3A_1493 = arith.constant 256 : i32
        %mul3A_1494 = arith.muli %add3A_1447, %mul3A_1493 : i32
        %add3A_1495 = arith.constant 48 : i32
        %add3A_1496 = arith.addi %mul3A_1494, %add3A_1495 : i32
        %get3A_1497 = arith.index_cast %add3A_1496 : i32 to index
        %get3A_1498 = tpu.vector_load %arg6[%get3A_1497] {strides = array<i32>} : memref<51200xf32, #tpu.memory_space<vmem>>, vector<16xf32>,
        %get3A_1499 = vector.shape_cast %get3A_1498 : vector<16xf32> to vector<16xf32>
        %add3A_1500 = arith.addf %add3A_1347, %get3A_1499 : vector<16xf32>
        %mul3A_1501 = arith.constant 256 : i32
        %mul3A_1502 = arith.muli %add3A_1447, %mul3A_1501 : i32
        %add3A_1503 = arith.constant 64 : i32
        %add3A_1504 = arith.addi %mul3A_1502, %add3A_1503 : i32
        %get3A_1505 = arith.index_cast %add3A_1504 : i32 to index
        %get3A_1506 = tpu.vector_load %arg6[%get3A_1505] {strides = array<i32>} : memref<51200xf32, #tpu.memory_space<vmem>>, vector<16xf32>,
        %get3A_1507 = vector.shape_cast %get3A_1506 : vector<16xf32> to vector<16xf32>
        %add3A_1508 = arith.addf %add3A_1355, %get3A_1507 : vector<16xf32>
        %mul3A_1509 = arith.constant 256 : i32
        %mul3A_1510 = arith.muli %add3A_1447, %mul3A_1509 : i32
        %add3A_1511 = arith.constant 80 : i32
        %add3A_1512 = arith.addi %mul3A_1510, %add3A_1511 : i32
        %get3A_1513 = arith.index_cast %add3A_1512 : i32 to index
        %get3A_1514 = tpu.vector_load %arg6[%get3A_1513] {strides = array<i32>} : memref<51200xf32, #tpu.memory_space<vmem>>, vector<16xf32>,
        %get3A_1515 = vector.shape_cast %get3A_1514 : vector<16xf32> to vector<16xf32>
        %add3A_1516 = arith.addf %add3A_1363, %get3A_1515 : vector<16xf32>
        %mul3A_1517 = arith.constant 256 : i32
        %mul3A_1518 = arith.muli %add3A_1447, %mul3A_1517 : i32
        %add3A_1519 = arith.constant 96 : i32
        %add3A_1520 = arith.addi %mul3A_1518, %add3A_1519 : i32
        %get3A_1521 = arith.index_cast %add3A_1520 : i32 to index
        %get3A_1522 = tpu.vector_load %arg6[%get3A_1521] {strides = array<i32>} : memref<51200xf32, #tpu.memory_space<vmem>>, vector<16xf32>,
        %get3A_1523 = vector.shape_cast %get3A_1522 : vector<16xf32> to vector<16xf32>
        %add3A_1524 = arith.addf %add3A_1371, %get3A_1523 : vector<16xf32>
        %mul3A_1525 = arith.constant 256 : i32
        %mul3A_1526 = arith.muli %add3A_1447, %mul3A_1525 : i32
        %add3A_1527 = arith.constant 112 : i32
        %add3A_1528 = arith.addi %mul3A_1526, %add3A_1527 : i32
        %get3A_1529 = arith.index_cast %add3A_1528 : i32 to index
        %get3A_1530 = tpu.vector_load %arg6[%get3A_1529] {strides = array<i32>} : memref<51200xf32, #tpu.memory_space<vmem>>, vector<16xf32>,
        %get3A_1531 = vector.shape_cast %get3A_1530 : vector<16xf32> to vector<16xf32>
        %add3A_1532 = arith.addf %add3A_1379, %get3A_1531 : vector<16xf32>
        %mul3A_1533 = arith.constant 256 : i32
        %mul3A_1534 = arith.muli %add3A_1447, %mul3A_1533 : i32
        %add3A_1535 = arith.constant 128 : i32
        %add3A_1536 = arith.addi %mul3A_1534, %add3A_1535 : i32
        %get3A_1537 = arith.index_cast %add3A_1536 : i32 to index
        %get3A_1538 = tpu.vector_load %arg6[%get3A_1537] {strides = array<i32>} : memref<51200xf32, #tpu.memory_space<vmem>>, vector<16xf32>,
        %get3A_1539 = vector.shape_cast %get3A_1538 : vector<16xf32> to vector<16xf32>
        %add3A_1540 = arith.addf %add3A_1387, %get3A_1539 : vector<16xf32>
        %mul3A_1541 = arith.constant 256 : i32
        %mul3A_1542 = arith.muli %add3A_1447, %mul3A_1541 : i32
        %add3A_1543 = arith.constant 144 : i32
        %add3A_1544 = arith.addi %mul3A_1542, %add3A_1543 : i32
        %get3A_1545 = arith.index_cast %add3A_1544 : i32 to index
        %get3A_1546 = tpu.vector_load %arg6[%get3A_1545] {strides = array<i32>} : memref<51200xf32, #tpu.memory_space<vmem>>, vector<16xf32>,
        %get3A_1547 = vector.shape_cast %get3A_1546 : vector<16xf32> to vector<16xf32>
        %add3A_1548 = arith.addf %add3A_1395, %get3A_1547 : vector<16xf32>
        %mul3A_1549 = arith.constant 256 : i32
        %mul3A_1550 = arith.muli %add3A_1447, %mul3A_1549 : i32
        %add3A_1551 = arith.constant 160 : i32
        %add3A_1552 = arith.addi %mul3A_1550, %add3A_1551 : i32
        %get3A_1553 = arith.index_cast %add3A_1552 : i32 to index
        %get3A_1554 = tpu.vector_load %arg6[%get3A_1553] {strides = array<i32>} : memref<51200xf32, #tpu.memory_space<vmem>>, vector<16xf32>,
        %get3A_1555 = vector.shape_cast %get3A_1554 : vector<16xf32> to vector<16xf32>
        %add3A_1556 = arith.addf %add3A_1403, %get3A_1555 : vector<16xf32>
        %mul3A_1557 = arith.constant 256 : i32
        %mul3A_1558 = arith.muli %add3A_1447, %mul3A_1557 : i32
        %add3A_1559 = arith.constant 176 : i32
        %add3A_1560 = arith.addi %mul3A_1558, %add3A_1559 : i32
        %get3A_1561 = arith.index_cast %add3A_1560 : i32 to index
        %get3A_1562 = tpu.vector_load %arg6[%get3A_1561] {strides = array<i32>} : memref<51200xf32, #tpu.memory_space<vmem>>, vector<16xf32>,
        %get3A_1563 = vector.shape_cast %get3A_1562 : vector<16xf32> to vector<16xf32>
        %add3A_1564 = arith.addf %add3A_1411, %get3A_1563 : vector<16xf32>
        %mul3A_1565 = arith.constant 256 : i32
        %mul3A_1566 = arith.muli %add3A_1447, %mul3A_1565 : i32
        %add3A_1567 = arith.constant 192 : i32
        %add3A_1568 = arith.addi %mul3A_1566, %add3A_1567 : i32
        %get3A_1569 = arith.index_cast %add3A_1568 : i32 to index
        %get3A_1570 = tpu.vector_load %arg6[%get3A_1569] {strides = array<i32>} : memref<51200xf32, #tpu.memory_space<vmem>>, vector<16xf32>,
        %get3A_1571 = vector.shape_cast %get3A_1570 : vector<16xf32> to vector<16xf32>
        %add3A_1572 = arith.addf %add3A_1419, %get3A_1571 : vector<16xf32>
        %mul3A_1573 = arith.constant 256 : i32
        %mul3A_1574 = arith.muli %add3A_1447, %mul3A_1573 : i32
        %add3A_1575 = arith.constant 208 : i32
        %add3A_1576 = arith.addi %mul3A_1574, %add3A_1575 : i32
        %get3A_1577 = arith.index_cast %add3A_1576 : i32 to index
        %get3A_1578 = tpu.vector_load %arg6[%get3A_1577] {strides = array<i32>} : memref<51200xf32, #tpu.memory_space<vmem>>, vector<16xf32>,
        %get3A_1579 = vector.shape_cast %get3A_1578 : vector<16xf32> to vector<16xf32>
        %add3A_1580 = arith.addf %add3A_1427, %get3A_1579 : vector<16xf32>
        %mul3A_1581 = arith.constant 256 : i32
        %mul3A_1582 = arith.muli %add3A_1447, %mul3A_1581 : i32
        %add3A_1583 = arith.constant 224 : i32
        %add3A_1584 = arith.addi %mul3A_1582, %add3A_1583 : i32
        %get3A_1585 = arith.index_cast %add3A_1584 : i32 to index
        %get3A_1586 = tpu.vector_load %arg6[%get3A_1585] {strides = array<i32>} : memref<51200xf32, #tpu.memory_space<vmem>>, vector<16xf32>,
        %get3A_1587 = vector.shape_cast %get3A_1586 : vector<16xf32> to vector<16xf32>
        %add3A_1588 = arith.addf %add3A_1435, %get3A_1587 : vector<16xf32>
        %mul3A_1589 = arith.constant 256 : i32
        %mul3A_1590 = arith.muli %add3A_1447, %mul3A_1589 : i32
        %add3A_1591 = arith.constant 240 : i32
        %add3A_1592 = arith.addi %mul3A_1590, %add3A_1591 : i32
        %get3A_1593 = arith.index_cast %add3A_1592 : i32 to index
        %get3A_1594 = tpu.vector_load %arg6[%get3A_1593] {strides = array<i32>} : memref<51200xf32, #tpu.memory_space<vmem>>, vector<16xf32>,
        %get3A_1595 = vector.shape_cast %get3A_1594 : vector<16xf32> to vector<16xf32>
        %add3A_1596 = arith.addf %add3A_1443, %get3A_1595 : vector<16xf32>
        %mul3A_1597 = arith.constant 10 : i32
        %mul3A_1598 = arith.muli %scan3A_972, %mul3A_1597 : i32
        %add3A_1599 = arith.constant 4 : i32
        %add3A_1600 = arith.addi %mul3A_1598, %add3A_1599 : i32
        %mul3A_1601 = arith.constant 256 : i32
        %mul3A_1602 = arith.muli %add3A_1600, %mul3A_1601 : i32
        %mul3A_1603 = arith.constant 256 : i32
        %mul3A_1604 = arith.muli %add3A_1600, %mul3A_1603 : i32
        %dma_wait3A_1605 = arith.constant 4 : i32
        %dma_wait3A_1606 = tpu.memref_slice %arg6[%mul3A_1604] : memref<51200xf32, #tpu.memory_space<vmem>> -> memref<256xf32, #tpu.memory_space<vmem>>
        %dma_wait3A_1607 = tpu.memref_slice %arg5[%mul3A_1602] : memref<51200xi32, #tpu.memory_space<vmem>> -> memref<256xi32, #tpu.memory_space<vmem>>
        %dma_wait3A_1608 = arith.constant 0 : i32
        %dma_wait3A_1609 = tpu.memref_slice %arg3[%dma_wait3A_1608] : memref<1015808xf32, #tpu.memory_space<hbm>> -> memref<1015808xf32, #tpu.memory_space<hbm>>
        %dma_wait3A_1610 = tpu.memref_slice %arg9[%dma_wait3A_1605] : memref<10x!tpu.dma_semaphore, #tpu.memory_space<semaphore_mem>> -> memref<1x!tpu.dma_semaphore, #tpu.memory_space<semaphore_mem>>
        %dma_wait3A_1611 = tpu.memref_squeeze %dma_wait3A_1610 : memref<1x!tpu.dma_semaphore, #tpu.memory_space<semaphore_mem>> -> memref<!tpu.dma_semaphore, #tpu.memory_space<semaphore_mem>>
        tpu.wait_indirect_dma semaphore(%dma_wait3A_1611 : memref<!tpu.dma_semaphore, #tpu.memory_space<semaphore_mem>>) src(%dma_wait3A_1609 : memref<1015808xf32, #tpu.memory_space<hbm>>) dst(%dma_wait3A_1606 : memref<256xf32, #tpu.memory_space<vmem>>)
        %lt3A_1612 = arith.constant 19 : i32
        %lt3A_1613 = arith.cmpi slt, %scan3A_972, %lt3A_1612 : i32
        %convert_element_type3A_1614 = arith.extui %lt3A_1613 : i1 to i32
        %cond3A_1615 = arith.constant 0 : i32
        %cond3A_1616 = arith.cmpi ne, %convert_element_type3A_1614, %cond3A_1615 : i32
        scf.if %cond3A_1616 {
          %add3A_2515 = arith.constant 10 : i32
          %add3A_2516 = arith.addi %add3A_1600, %add3A_2515 : i32
          %mul3A_2517 = arith.constant 256 : i32
          %mul3A_2518 = arith.muli %add3A_2516, %mul3A_2517 : i32
          %dma_wait3A_2519 = arith.constant 4 : i32
          %dma_wait3A_2520 = arith.constant 4 : i32
          %dma_wait3A_2521 = tpu.memref_slice %arg5[%mul3A_2518] : memref<51200xi32, #tpu.memory_space<vmem>> -> memref<256xi32, #tpu.memory_space<vmem>>
          %dma_wait3A_2522 = tpu.memref_slice %arg2[%dma_wait3A_2519, %add3A_11] : memref<200x16384xi32, #tpu.memory_space<hbm>> -> memref<1x256xi32, #tpu.memory_space<hbm>>
          %dma_wait3A_2523 = tpu.memref_squeeze %dma_wait3A_2522 : memref<1x256xi32, #tpu.memory_space<hbm>> -> memref<256xi32, #tpu.memory_space<hbm>>
          %dma_wait3A_2524 = tpu.memref_slice %arg8[%dma_wait3A_2520] : memref<10x!tpu.dma_semaphore, #tpu.memory_space<semaphore_mem>> -> memref<1x!tpu.dma_semaphore, #tpu.memory_space<semaphore_mem>>
          %dma_wait3A_2525 = tpu.memref_squeeze %dma_wait3A_2524 : memref<1x!tpu.dma_semaphore, #tpu.memory_space<semaphore_mem>> -> memref<!tpu.dma_semaphore, #tpu.memory_space<semaphore_mem>>
          %dma_wait3A_2526 = tpu.memref_slice %arg5[%mul3A_2518] : memref<51200xi32, #tpu.memory_space<vmem>> -> memref<256xi32, #tpu.memory_space<vmem>>
          %dma_wait3A_2527 = tpu.memref_slice %arg2[%dma_wait3A_2519, %add3A_11] : memref<200x16384xi32, #tpu.memory_space<hbm>> -> memref<1x256xi32, #tpu.memory_space<hbm>>
          %dma_wait3A_2528 = tpu.memref_squeeze %dma_wait3A_2527 : memref<1x256xi32, #tpu.memory_space<hbm>> -> memref<256xi32, #tpu.memory_space<hbm>>
          tpu.wait_dma2 semaphore(%dma_wait3A_2525 : memref<!tpu.dma_semaphore, #tpu.memory_space<semaphore_mem>>) src(%dma_wait3A_2528 : memref<256xi32, #tpu.memory_space<hbm>>) dst(%dma_wait3A_2526 : memref<256xi32, #tpu.memory_space<vmem>>)
          %add3A_2529 = arith.constant 10 : i32
          %add3A_2530 = arith.addi %add3A_1600, %add3A_2529 : i32
          %mul3A_2531 = arith.constant 256 : i32
          %mul3A_2532 = arith.muli %add3A_2530, %mul3A_2531 : i32
          %add3A_2533 = arith.constant 10 : i32
          %add3A_2534 = arith.addi %add3A_1600, %add3A_2533 : i32
          %mul3A_2535 = arith.constant 256 : i32
          %mul3A_2536 = arith.muli %add3A_2534, %mul3A_2535 : i32
          %dma_start3A_2537 = arith.constant 4 : i32
          %dma_start3A_2538 = tpu.memref_slice %arg6[%mul3A_2536] : memref<51200xf32, #tpu.memory_space<vmem>> -> memref<256xf32, #tpu.memory_space<vmem>>
          %dma_start3A_2539 = tpu.memref_slice %arg5[%mul3A_2532] : memref<51200xi32, #tpu.memory_space<vmem>> -> memref<256xi32, #tpu.memory_space<vmem>>
          %dma_start3A_2540 = arith.constant 0 : i32
          %dma_start3A_2541 = tpu.memref_slice %arg3[%dma_start3A_2540] : memref<1015808xf32, #tpu.memory_space<hbm>> -> memref<1015808xf32, #tpu.memory_space<hbm>>
          %dma_start3A_2542 = tpu.memref_slice %arg9[%dma_start3A_2537] : memref<10x!tpu.dma_semaphore, #tpu.memory_space<semaphore_mem>> -> memref<1x!tpu.dma_semaphore, #tpu.memory_space<semaphore_mem>>
          %dma_start3A_2543 = tpu.memref_squeeze %dma_start3A_2542 : memref<1x!tpu.dma_semaphore, #tpu.memory_space<semaphore_mem>> -> memref<!tpu.dma_semaphore, #tpu.memory_space<semaphore_mem>>
          tpu.enqueue_indirect_dma source(%dma_start3A_2541 : memref<1015808xf32, #tpu.memory_space<hbm>>) target(%dma_start3A_2538 : memref<256xf32, #tpu.memory_space<vmem>>) offsets(%dma_start3A_2539 : memref<256xi32, #tpu.memory_space<vmem>>) semaphore(%dma_start3A_2543 : memref<!tpu.dma_semaphore, #tpu.memory_space<semaphore_mem>>)
        } else {
        }
        %lt3A_1617 = arith.constant 18 : i32
        %lt3A_1618 = arith.cmpi slt, %scan3A_972, %lt3A_1617 : i32
        %convert_element_type3A_1619 = arith.extui %lt3A_1618 : i1 to i32
        %cond3A_1620 = arith.constant 0 : i32
        %cond3A_1621 = arith.cmpi ne, %convert_element_type3A_1619, %cond3A_1620 : i32
        scf.if %cond3A_1621 {
          %add3A_2515 = arith.constant 20 : i32
          %add3A_2516 = arith.addi %add3A_1600, %add3A_2515 : i32
          %add3A_2517 = arith.constant 20 : i32
          %add3A_2518 = arith.addi %add3A_1600, %add3A_2517 : i32
          %mul3A_2519 = arith.constant 256 : i32
          %mul3A_2520 = arith.muli %add3A_2518, %mul3A_2519 : i32
          %dma_start3A_2521 = arith.constant 4 : i32
          %dma_start3A_2522 = tpu.memref_slice %arg5[%mul3A_2520] : memref<51200xi32, #tpu.memory_space<vmem>> -> memref<256xi32, #tpu.memory_space<vmem>>
          %dma_start3A_2523 = tpu.memref_slice %arg2[%add3A_2516, %add3A_11] : memref<200x16384xi32, #tpu.memory_space<hbm>> -> memref<1x256xi32, #tpu.memory_space<hbm>>
          %dma_start3A_2524 = tpu.memref_squeeze %dma_start3A_2523 : memref<1x256xi32, #tpu.memory_space<hbm>> -> memref<256xi32, #tpu.memory_space<hbm>>
          %dma_start3A_2525 = tpu.memref_slice %arg8[%dma_start3A_2521] : memref<10x!tpu.dma_semaphore, #tpu.memory_space<semaphore_mem>> -> memref<1x!tpu.dma_semaphore, #tpu.memory_space<semaphore_mem>>
          %dma_start3A_2526 = tpu.memref_squeeze %dma_start3A_2525 : memref<1x!tpu.dma_semaphore, #tpu.memory_space<semaphore_mem>> -> memref<!tpu.dma_semaphore, #tpu.memory_space<semaphore_mem>>
          %dma_start3A_2527 = tpu.memref_slice %arg5[%mul3A_2520] : memref<51200xi32, #tpu.memory_space<vmem>> -> memref<256xi32, #tpu.memory_space<vmem>>
          %dma_start3A_2528 = tpu.memref_slice %arg2[%add3A_2516, %add3A_11] : memref<200x16384xi32, #tpu.memory_space<hbm>> -> memref<1x256xi32, #tpu.memory_space<hbm>>
          %dma_start3A_2529 = tpu.memref_squeeze %dma_start3A_2528 : memref<1x256xi32, #tpu.memory_space<hbm>> -> memref<256xi32, #tpu.memory_space<hbm>>
          tpu.enqueue_dma source(%dma_start3A_2529 : memref<256xi32, #tpu.memory_space<hbm>>) target(%dma_start3A_2527 : memref<256xi32, #tpu.memory_space<vmem>>) target_semaphore(%dma_start3A_2526 : memref<!tpu.dma_semaphore, #tpu.memory_space<semaphore_mem>>)
        } else {
        }
        %mul3A_1622 = arith.constant 256 : i32
        %mul3A_1623 = arith.muli %add3A_1600, %mul3A_1622 : i32
        %add3A_1624 = arith.constant 0 : i32
        %add3A_1625 = arith.addi %mul3A_1623, %add3A_1624 : i32
        %get3A_1626 = arith.index_cast %add3A_1625 : i32 to index
        %get3A_1627 = tpu.vector_load %arg6[%get3A_1626] {strides = array<i32>} : memref<51200xf32, #tpu.memory_space<vmem>>, vector<16xf32>,
        %get3A_1628 = vector.shape_cast %get3A_1627 : vector<16xf32> to vector<16xf32>
        %add3A_1629 = arith.addf %add3A_1476, %get3A_1628 : vector<16xf32>
        %mul3A_1630 = arith.constant 256 : i32
        %mul3A_1631 = arith.muli %add3A_1600, %mul3A_1630 : i32
        %add3A_1632 = arith.constant 16 : i32
        %add3A_1633 = arith.addi %mul3A_1631, %add3A_1632 : i32
        %get3A_1634 = arith.index_cast %add3A_1633 : i32 to index
        %get3A_1635 = tpu.vector_load %arg6[%get3A_1634] {strides = array<i32>} : memref<51200xf32, #tpu.memory_space<vmem>>, vector<16xf32>,
        %get3A_1636 = vector.shape_cast %get3A_1635 : vector<16xf32> to vector<16xf32>
        %add3A_1637 = arith.addf %add3A_1484, %get3A_1636 : vector<16xf32>
        %mul3A_1638 = arith.constant 256 : i32
        %mul3A_1639 = arith.muli %add3A_1600, %mul3A_1638 : i32
        %add3A_1640 = arith.constant 32 : i32
        %add3A_1641 = arith.addi %mul3A_1639, %add3A_1640 : i32
        %get3A_1642 = arith.index_cast %add3A_1641 : i32 to index
        %get3A_1643 = tpu.vector_load %arg6[%get3A_1642] {strides = array<i32>} : memref<51200xf32, #tpu.memory_space<vmem>>, vector<16xf32>,
        %get3A_1644 = vector.shape_cast %get3A_1643 : vector<16xf32> to vector<16xf32>
        %add3A_1645 = arith.addf %add3A_1492, %get3A_1644 : vector<16xf32>
        %mul3A_1646 = arith.constant 256 : i32
        %mul3A_1647 = arith.muli %add3A_1600, %mul3A_1646 : i32
        %add3A_1648 = arith.constant 48 : i32
        %add3A_1649 = arith.addi %mul3A_1647, %add3A_1648 : i32
        %get3A_1650 = arith.index_cast %add3A_1649 : i32 to index
        %get3A_1651 = tpu.vector_load %arg6[%get3A_1650] {strides = array<i32>} : memref<51200xf32, #tpu.memory_space<vmem>>, vector<16xf32>,
        %get3A_1652 = vector.shape_cast %get3A_1651 : vector<16xf32> to vector<16xf32>
        %add3A_1653 = arith.addf %add3A_1500, %get3A_1652 : vector<16xf32>
        %mul3A_1654 = arith.constant 256 : i32
        %mul3A_1655 = arith.muli %add3A_1600, %mul3A_1654 : i32
        %add3A_1656 = arith.constant 64 : i32
        %add3A_1657 = arith.addi %mul3A_1655, %add3A_1656 : i32
        %get3A_1658 = arith.index_cast %add3A_1657 : i32 to index
        %get3A_1659 = tpu.vector_load %arg6[%get3A_1658] {strides = array<i32>} : memref<51200xf32, #tpu.memory_space<vmem>>, vector<16xf32>,
        %get3A_1660 = vector.shape_cast %get3A_1659 : vector<16xf32> to vector<16xf32>
        %add3A_1661 = arith.addf %add3A_1508, %get3A_1660 : vector<16xf32>
        %mul3A_1662 = arith.constant 256 : i32
        %mul3A_1663 = arith.muli %add3A_1600, %mul3A_1662 : i32
        %add3A_1664 = arith.constant 80 : i32
        %add3A_1665 = arith.addi %mul3A_1663, %add3A_1664 : i32
        %get3A_1666 = arith.index_cast %add3A_1665 : i32 to index
        %get3A_1667 = tpu.vector_load %arg6[%get3A_1666] {strides = array<i32>} : memref<51200xf32, #tpu.memory_space<vmem>>, vector<16xf32>,
        %get3A_1668 = vector.shape_cast %get3A_1667 : vector<16xf32> to vector<16xf32>
        %add3A_1669 = arith.addf %add3A_1516, %get3A_1668 : vector<16xf32>
        %mul3A_1670 = arith.constant 256 : i32
        %mul3A_1671 = arith.muli %add3A_1600, %mul3A_1670 : i32
        %add3A_1672 = arith.constant 96 : i32
        %add3A_1673 = arith.addi %mul3A_1671, %add3A_1672 : i32
        %get3A_1674 = arith.index_cast %add3A_1673 : i32 to index
        %get3A_1675 = tpu.vector_load %arg6[%get3A_1674] {strides = array<i32>} : memref<51200xf32, #tpu.memory_space<vmem>>, vector<16xf32>,
        %get3A_1676 = vector.shape_cast %get3A_1675 : vector<16xf32> to vector<16xf32>
        %add3A_1677 = arith.addf %add3A_1524, %get3A_1676 : vector<16xf32>
        %mul3A_1678 = arith.constant 256 : i32
        %mul3A_1679 = arith.muli %add3A_1600, %mul3A_1678 : i32
        %add3A_1680 = arith.constant 112 : i32
        %add3A_1681 = arith.addi %mul3A_1679, %add3A_1680 : i32
        %get3A_1682 = arith.index_cast %add3A_1681 : i32 to index
        %get3A_1683 = tpu.vector_load %arg6[%get3A_1682] {strides = array<i32>} : memref<51200xf32, #tpu.memory_space<vmem>>, vector<16xf32>,
        %get3A_1684 = vector.shape_cast %get3A_1683 : vector<16xf32> to vector<16xf32>
        %add3A_1685 = arith.addf %add3A_1532, %get3A_1684 : vector<16xf32>
        %mul3A_1686 = arith.constant 256 : i32
        %mul3A_1687 = arith.muli %add3A_1600, %mul3A_1686 : i32
        %add3A_1688 = arith.constant 128 : i32
        %add3A_1689 = arith.addi %mul3A_1687, %add3A_1688 : i32
        %get3A_1690 = arith.index_cast %add3A_1689 : i32 to index
        %get3A_1691 = tpu.vector_load %arg6[%get3A_1690] {strides = array<i32>} : memref<51200xf32, #tpu.memory_space<vmem>>, vector<16xf32>,
        %get3A_1692 = vector.shape_cast %get3A_1691 : vector<16xf32> to vector<16xf32>
        %add3A_1693 = arith.addf %add3A_1540, %get3A_1692 : vector<16xf32>
        %mul3A_1694 = arith.constant 256 : i32
        %mul3A_1695 = arith.muli %add3A_1600, %mul3A_1694 : i32
        %add3A_1696 = arith.constant 144 : i32
        %add3A_1697 = arith.addi %mul3A_1695, %add3A_1696 : i32
        %get3A_1698 = arith.index_cast %add3A_1697 : i32 to index
        %get3A_1699 = tpu.vector_load %arg6[%get3A_1698] {strides = array<i32>} : memref<51200xf32, #tpu.memory_space<vmem>>, vector<16xf32>,
        %get3A_1700 = vector.shape_cast %get3A_1699 : vector<16xf32> to vector<16xf32>
        %add3A_1701 = arith.addf %add3A_1548, %get3A_1700 : vector<16xf32>
        %mul3A_1702 = arith.constant 256 : i32
        %mul3A_1703 = arith.muli %add3A_1600, %mul3A_1702 : i32
        %add3A_1704 = arith.constant 160 : i32
        %add3A_1705 = arith.addi %mul3A_1703, %add3A_1704 : i32
        %get3A_1706 = arith.index_cast %add3A_1705 : i32 to index
        %get3A_1707 = tpu.vector_load %arg6[%get3A_1706] {strides = array<i32>} : memref<51200xf32, #tpu.memory_space<vmem>>, vector<16xf32>,
        %get3A_1708 = vector.shape_cast %get3A_1707 : vector<16xf32> to vector<16xf32>
        %add3A_1709 = arith.addf %add3A_1556, %get3A_1708 : vector<16xf32>
        %mul3A_1710 = arith.constant 256 : i32
        %mul3A_1711 = arith.muli %add3A_1600, %mul3A_1710 : i32
        %add3A_1712 = arith.constant 176 : i32
        %add3A_1713 = arith.addi %mul3A_1711, %add3A_1712 : i32
        %get3A_1714 = arith.index_cast %add3A_1713 : i32 to index
        %get3A_1715 = tpu.vector_load %arg6[%get3A_1714] {strides = array<i32>} : memref<51200xf32, #tpu.memory_space<vmem>>, vector<16xf32>,
        %get3A_1716 = vector.shape_cast %get3A_1715 : vector<16xf32> to vector<16xf32>
        %add3A_1717 = arith.addf %add3A_1564, %get3A_1716 : vector<16xf32>
        %mul3A_1718 = arith.constant 256 : i32
        %mul3A_1719 = arith.muli %add3A_1600, %mul3A_1718 : i32
        %add3A_1720 = arith.constant 192 : i32
        %add3A_1721 = arith.addi %mul3A_1719, %add3A_1720 : i32
        %get3A_1722 = arith.index_cast %add3A_1721 : i32 to index
        %get3A_1723 = tpu.vector_load %arg6[%get3A_1722] {strides = array<i32>} : memref<51200xf32, #tpu.memory_space<vmem>>, vector<16xf32>,
        %get3A_1724 = vector.shape_cast %get3A_1723 : vector<16xf32> to vector<16xf32>
        %add3A_1725 = arith.addf %add3A_1572, %get3A_1724 : vector<16xf32>
        %mul3A_1726 = arith.constant 256 : i32
        %mul3A_1727 = arith.muli %add3A_1600, %mul3A_1726 : i32
        %add3A_1728 = arith.constant 208 : i32
        %add3A_1729 = arith.addi %mul3A_1727, %add3A_1728 : i32
        %get3A_1730 = arith.index_cast %add3A_1729 : i32 to index
        %get3A_1731 = tpu.vector_load %arg6[%get3A_1730] {strides = array<i32>} : memref<51200xf32, #tpu.memory_space<vmem>>, vector<16xf32>,
        %get3A_1732 = vector.shape_cast %get3A_1731 : vector<16xf32> to vector<16xf32>
        %add3A_1733 = arith.addf %add3A_1580, %get3A_1732 : vector<16xf32>
        %mul3A_1734 = arith.constant 256 : i32
        %mul3A_1735 = arith.muli %add3A_1600, %mul3A_1734 : i32
        %add3A_1736 = arith.constant 224 : i32
        %add3A_1737 = arith.addi %mul3A_1735, %add3A_1736 : i32
        %get3A_1738 = arith.index_cast %add3A_1737 : i32 to index
        %get3A_1739 = tpu.vector_load %arg6[%get3A_1738] {strides = array<i32>} : memref<51200xf32, #tpu.memory_space<vmem>>, vector<16xf32>,
        %get3A_1740 = vector.shape_cast %get3A_1739 : vector<16xf32> to vector<16xf32>
        %add3A_1741 = arith.addf %add3A_1588, %get3A_1740 : vector<16xf32>
        %mul3A_1742 = arith.constant 256 : i32
        %mul3A_1743 = arith.muli %add3A_1600, %mul3A_1742 : i32
        %add3A_1744 = arith.constant 240 : i32
        %add3A_1745 = arith.addi %mul3A_1743, %add3A_1744 : i32
        %get3A_1746 = arith.index_cast %add3A_1745 : i32 to index
        %get3A_1747 = tpu.vector_load %arg6[%get3A_1746] {strides = array<i32>} : memref<51200xf32, #tpu.memory_space<vmem>>, vector<16xf32>,
        %get3A_1748 = vector.shape_cast %get3A_1747 : vector<16xf32> to vector<16xf32>
        %add3A_1749 = arith.addf %add3A_1596, %get3A_1748 : vector<16xf32>
        %mul3A_1750 = arith.constant 10 : i32
        %mul3A_1751 = arith.muli %scan3A_972, %mul3A_1750 : i32
        %add3A_1752 = arith.constant 5 : i32
        %add3A_1753 = arith.addi %mul3A_1751, %add3A_1752 : i32
        %mul3A_1754 = arith.constant 256 : i32
        %mul3A_1755 = arith.muli %add3A_1753, %mul3A_1754 : i32
        %mul3A_1756 = arith.constant 256 : i32
        %mul3A_1757 = arith.muli %add3A_1753, %mul3A_1756 : i32
        %dma_wait3A_1758 = arith.constant 5 : i32
        %dma_wait3A_1759 = tpu.memref_slice %arg6[%mul3A_1757] : memref<51200xf32, #tpu.memory_space<vmem>> -> memref<256xf32, #tpu.memory_space<vmem>>
        %dma_wait3A_1760 = tpu.memref_slice %arg5[%mul3A_1755] : memref<51200xi32, #tpu.memory_space<vmem>> -> memref<256xi32, #tpu.memory_space<vmem>>
        %dma_wait3A_1761 = arith.constant 0 : i32
        %dma_wait3A_1762 = tpu.memref_slice %arg3[%dma_wait3A_1761] : memref<1015808xf32, #tpu.memory_space<hbm>> -> memref<1015808xf32, #tpu.memory_space<hbm>>
        %dma_wait3A_1763 = tpu.memref_slice %arg9[%dma_wait3A_1758] : memref<10x!tpu.dma_semaphore, #tpu.memory_space<semaphore_mem>> -> memref<1x!tpu.dma_semaphore, #tpu.memory_space<semaphore_mem>>
        %dma_wait3A_1764 = tpu.memref_squeeze %dma_wait3A_1763 : memref<1x!tpu.dma_semaphore, #tpu.memory_space<semaphore_mem>> -> memref<!tpu.dma_semaphore, #tpu.memory_space<semaphore_mem>>
        tpu.wait_indirect_dma semaphore(%dma_wait3A_1764 : memref<!tpu.dma_semaphore, #tpu.memory_space<semaphore_mem>>) src(%dma_wait3A_1762 : memref<1015808xf32, #tpu.memory_space<hbm>>) dst(%dma_wait3A_1759 : memref<256xf32, #tpu.memory_space<vmem>>)
        %lt3A_1765 = arith.constant 19 : i32
        %lt3A_1766 = arith.cmpi slt, %scan3A_972, %lt3A_1765 : i32
        %convert_element_type3A_1767 = arith.extui %lt3A_1766 : i1 to i32
        %cond3A_1768 = arith.constant 0 : i32
        %cond3A_1769 = arith.cmpi ne, %convert_element_type3A_1767, %cond3A_1768 : i32
        scf.if %cond3A_1769 {
          %add3A_2515 = arith.constant 10 : i32
          %add3A_2516 = arith.addi %add3A_1753, %add3A_2515 : i32
          %mul3A_2517 = arith.constant 256 : i32
          %mul3A_2518 = arith.muli %add3A_2516, %mul3A_2517 : i32
          %dma_wait3A_2519 = arith.constant 5 : i32
          %dma_wait3A_2520 = arith.constant 5 : i32
          %dma_wait3A_2521 = tpu.memref_slice %arg5[%mul3A_2518] : memref<51200xi32, #tpu.memory_space<vmem>> -> memref<256xi32, #tpu.memory_space<vmem>>
          %dma_wait3A_2522 = tpu.memref_slice %arg2[%dma_wait3A_2519, %add3A_11] : memref<200x16384xi32, #tpu.memory_space<hbm>> -> memref<1x256xi32, #tpu.memory_space<hbm>>
          %dma_wait3A_2523 = tpu.memref_squeeze %dma_wait3A_2522 : memref<1x256xi32, #tpu.memory_space<hbm>> -> memref<256xi32, #tpu.memory_space<hbm>>
          %dma_wait3A_2524 = tpu.memref_slice %arg8[%dma_wait3A_2520] : memref<10x!tpu.dma_semaphore, #tpu.memory_space<semaphore_mem>> -> memref<1x!tpu.dma_semaphore, #tpu.memory_space<semaphore_mem>>
          %dma_wait3A_2525 = tpu.memref_squeeze %dma_wait3A_2524 : memref<1x!tpu.dma_semaphore, #tpu.memory_space<semaphore_mem>> -> memref<!tpu.dma_semaphore, #tpu.memory_space<semaphore_mem>>
          %dma_wait3A_2526 = tpu.memref_slice %arg5[%mul3A_2518] : memref<51200xi32, #tpu.memory_space<vmem>> -> memref<256xi32, #tpu.memory_space<vmem>>
          %dma_wait3A_2527 = tpu.memref_slice %arg2[%dma_wait3A_2519, %add3A_11] : memref<200x16384xi32, #tpu.memory_space<hbm>> -> memref<1x256xi32, #tpu.memory_space<hbm>>
          %dma_wait3A_2528 = tpu.memref_squeeze %dma_wait3A_2527 : memref<1x256xi32, #tpu.memory_space<hbm>> -> memref<256xi32, #tpu.memory_space<hbm>>
          tpu.wait_dma2 semaphore(%dma_wait3A_2525 : memref<!tpu.dma_semaphore, #tpu.memory_space<semaphore_mem>>) src(%dma_wait3A_2528 : memref<256xi32, #tpu.memory_space<hbm>>) dst(%dma_wait3A_2526 : memref<256xi32, #tpu.memory_space<vmem>>)
          %add3A_2529 = arith.constant 10 : i32
          %add3A_2530 = arith.addi %add3A_1753, %add3A_2529 : i32
          %mul3A_2531 = arith.constant 256 : i32
          %mul3A_2532 = arith.muli %add3A_2530, %mul3A_2531 : i32
          %add3A_2533 = arith.constant 10 : i32
          %add3A_2534 = arith.addi %add3A_1753, %add3A_2533 : i32
          %mul3A_2535 = arith.constant 256 : i32
          %mul3A_2536 = arith.muli %add3A_2534, %mul3A_2535 : i32
          %dma_start3A_2537 = arith.constant 5 : i32
          %dma_start3A_2538 = tpu.memref_slice %arg6[%mul3A_2536] : memref<51200xf32, #tpu.memory_space<vmem>> -> memref<256xf32, #tpu.memory_space<vmem>>
          %dma_start3A_2539 = tpu.memref_slice %arg5[%mul3A_2532] : memref<51200xi32, #tpu.memory_space<vmem>> -> memref<256xi32, #tpu.memory_space<vmem>>
          %dma_start3A_2540 = arith.constant 0 : i32
          %dma_start3A_2541 = tpu.memref_slice %arg3[%dma_start3A_2540] : memref<1015808xf32, #tpu.memory_space<hbm>> -> memref<1015808xf32, #tpu.memory_space<hbm>>
          %dma_start3A_2542 = tpu.memref_slice %arg9[%dma_start3A_2537] : memref<10x!tpu.dma_semaphore, #tpu.memory_space<semaphore_mem>> -> memref<1x!tpu.dma_semaphore, #tpu.memory_space<semaphore_mem>>
          %dma_start3A_2543 = tpu.memref_squeeze %dma_start3A_2542 : memref<1x!tpu.dma_semaphore, #tpu.memory_space<semaphore_mem>> -> memref<!tpu.dma_semaphore, #tpu.memory_space<semaphore_mem>>
          tpu.enqueue_indirect_dma source(%dma_start3A_2541 : memref<1015808xf32, #tpu.memory_space<hbm>>) target(%dma_start3A_2538 : memref<256xf32, #tpu.memory_space<vmem>>) offsets(%dma_start3A_2539 : memref<256xi32, #tpu.memory_space<vmem>>) semaphore(%dma_start3A_2543 : memref<!tpu.dma_semaphore, #tpu.memory_space<semaphore_mem>>)
        } else {
        }
        %lt3A_1770 = arith.constant 18 : i32
        %lt3A_1771 = arith.cmpi slt, %scan3A_972, %lt3A_1770 : i32
        %convert_element_type3A_1772 = arith.extui %lt3A_1771 : i1 to i32
        %cond3A_1773 = arith.constant 0 : i32
        %cond3A_1774 = arith.cmpi ne, %convert_element_type3A_1772, %cond3A_1773 : i32
        scf.if %cond3A_1774 {
          %add3A_2515 = arith.constant 20 : i32
          %add3A_2516 = arith.addi %add3A_1753, %add3A_2515 : i32
          %add3A_2517 = arith.constant 20 : i32
          %add3A_2518 = arith.addi %add3A_1753, %add3A_2517 : i32
          %mul3A_2519 = arith.constant 256 : i32
          %mul3A_2520 = arith.muli %add3A_2518, %mul3A_2519 : i32
          %dma_start3A_2521 = arith.constant 5 : i32
          %dma_start3A_2522 = tpu.memref_slice %arg5[%mul3A_2520] : memref<51200xi32, #tpu.memory_space<vmem>> -> memref<256xi32, #tpu.memory_space<vmem>>
          %dma_start3A_2523 = tpu.memref_slice %arg2[%add3A_2516, %add3A_11] : memref<200x16384xi32, #tpu.memory_space<hbm>> -> memref<1x256xi32, #tpu.memory_space<hbm>>
          %dma_start3A_2524 = tpu.memref_squeeze %dma_start3A_2523 : memref<1x256xi32, #tpu.memory_space<hbm>> -> memref<256xi32, #tpu.memory_space<hbm>>
          %dma_start3A_2525 = tpu.memref_slice %arg8[%dma_start3A_2521] : memref<10x!tpu.dma_semaphore, #tpu.memory_space<semaphore_mem>> -> memref<1x!tpu.dma_semaphore, #tpu.memory_space<semaphore_mem>>
          %dma_start3A_2526 = tpu.memref_squeeze %dma_start3A_2525 : memref<1x!tpu.dma_semaphore, #tpu.memory_space<semaphore_mem>> -> memref<!tpu.dma_semaphore, #tpu.memory_space<semaphore_mem>>
          %dma_start3A_2527 = tpu.memref_slice %arg5[%mul3A_2520] : memref<51200xi32, #tpu.memory_space<vmem>> -> memref<256xi32, #tpu.memory_space<vmem>>
          %dma_start3A_2528 = tpu.memref_slice %arg2[%add3A_2516, %add3A_11] : memref<200x16384xi32, #tpu.memory_space<hbm>> -> memref<1x256xi32, #tpu.memory_space<hbm>>
          %dma_start3A_2529 = tpu.memref_squeeze %dma_start3A_2528 : memref<1x256xi32, #tpu.memory_space<hbm>> -> memref<256xi32, #tpu.memory_space<hbm>>
          tpu.enqueue_dma source(%dma_start3A_2529 : memref<256xi32, #tpu.memory_space<hbm>>) target(%dma_start3A_2527 : memref<256xi32, #tpu.memory_space<vmem>>) target_semaphore(%dma_start3A_2526 : memref<!tpu.dma_semaphore, #tpu.memory_space<semaphore_mem>>)
        } else {
        }
        %mul3A_1775 = arith.constant 256 : i32
        %mul3A_1776 = arith.muli %add3A_1753, %mul3A_1775 : i32
        %add3A_1777 = arith.constant 0 : i32
        %add3A_1778 = arith.addi %mul3A_1776, %add3A_1777 : i32
        %get3A_1779 = arith.index_cast %add3A_1778 : i32 to index
        %get3A_1780 = tpu.vector_load %arg6[%get3A_1779] {strides = array<i32>} : memref<51200xf32, #tpu.memory_space<vmem>>, vector<16xf32>,
        %get3A_1781 = vector.shape_cast %get3A_1780 : vector<16xf32> to vector<16xf32>
        %add3A_1782 = arith.addf %add3A_1629, %get3A_1781 : vector<16xf32>
        %mul3A_1783 = arith.constant 256 : i32
        %mul3A_1784 = arith.muli %add3A_1753, %mul3A_1783 : i32
        %add3A_1785 = arith.constant 16 : i32
        %add3A_1786 = arith.addi %mul3A_1784, %add3A_1785 : i32
        %get3A_1787 = arith.index_cast %add3A_1786 : i32 to index
        %get3A_1788 = tpu.vector_load %arg6[%get3A_1787] {strides = array<i32>} : memref<51200xf32, #tpu.memory_space<vmem>>, vector<16xf32>,
        %get3A_1789 = vector.shape_cast %get3A_1788 : vector<16xf32> to vector<16xf32>
        %add3A_1790 = arith.addf %add3A_1637, %get3A_1789 : vector<16xf32>
        %mul3A_1791 = arith.constant 256 : i32
        %mul3A_1792 = arith.muli %add3A_1753, %mul3A_1791 : i32
        %add3A_1793 = arith.constant 32 : i32
        %add3A_1794 = arith.addi %mul3A_1792, %add3A_1793 : i32
        %get3A_1795 = arith.index_cast %add3A_1794 : i32 to index
        %get3A_1796 = tpu.vector_load %arg6[%get3A_1795] {strides = array<i32>} : memref<51200xf32, #tpu.memory_space<vmem>>, vector<16xf32>,
        %get3A_1797 = vector.shape_cast %get3A_1796 : vector<16xf32> to vector<16xf32>
        %add3A_1798 = arith.addf %add3A_1645, %get3A_1797 : vector<16xf32>
        %mul3A_1799 = arith.constant 256 : i32
        %mul3A_1800 = arith.muli %add3A_1753, %mul3A_1799 : i32
        %add3A_1801 = arith.constant 48 : i32
        %add3A_1802 = arith.addi %mul3A_1800, %add3A_1801 : i32
        %get3A_1803 = arith.index_cast %add3A_1802 : i32 to index
        %get3A_1804 = tpu.vector_load %arg6[%get3A_1803] {strides = array<i32>} : memref<51200xf32, #tpu.memory_space<vmem>>, vector<16xf32>,
        %get3A_1805 = vector.shape_cast %get3A_1804 : vector<16xf32> to vector<16xf32>
        %add3A_1806 = arith.addf %add3A_1653, %get3A_1805 : vector<16xf32>
        %mul3A_1807 = arith.constant 256 : i32
        %mul3A_1808 = arith.muli %add3A_1753, %mul3A_1807 : i32
        %add3A_1809 = arith.constant 64 : i32
        %add3A_1810 = arith.addi %mul3A_1808, %add3A_1809 : i32
        %get3A_1811 = arith.index_cast %add3A_1810 : i32 to index
        %get3A_1812 = tpu.vector_load %arg6[%get3A_1811] {strides = array<i32>} : memref<51200xf32, #tpu.memory_space<vmem>>, vector<16xf32>,
        %get3A_1813 = vector.shape_cast %get3A_1812 : vector<16xf32> to vector<16xf32>
        %add3A_1814 = arith.addf %add3A_1661, %get3A_1813 : vector<16xf32>
        %mul3A_1815 = arith.constant 256 : i32
        %mul3A_1816 = arith.muli %add3A_1753, %mul3A_1815 : i32
        %add3A_1817 = arith.constant 80 : i32
        %add3A_1818 = arith.addi %mul3A_1816, %add3A_1817 : i32
        %get3A_1819 = arith.index_cast %add3A_1818 : i32 to index
        %get3A_1820 = tpu.vector_load %arg6[%get3A_1819] {strides = array<i32>} : memref<51200xf32, #tpu.memory_space<vmem>>, vector<16xf32>,
        %get3A_1821 = vector.shape_cast %get3A_1820 : vector<16xf32> to vector<16xf32>
        %add3A_1822 = arith.addf %add3A_1669, %get3A_1821 : vector<16xf32>
        %mul3A_1823 = arith.constant 256 : i32
        %mul3A_1824 = arith.muli %add3A_1753, %mul3A_1823 : i32
        %add3A_1825 = arith.constant 96 : i32
        %add3A_1826 = arith.addi %mul3A_1824, %add3A_1825 : i32
        %get3A_1827 = arith.index_cast %add3A_1826 : i32 to index
        %get3A_1828 = tpu.vector_load %arg6[%get3A_1827] {strides = array<i32>} : memref<51200xf32, #tpu.memory_space<vmem>>, vector<16xf32>,
        %get3A_1829 = vector.shape_cast %get3A_1828 : vector<16xf32> to vector<16xf32>
        %add3A_1830 = arith.addf %add3A_1677, %get3A_1829 : vector<16xf32>
        %mul3A_1831 = arith.constant 256 : i32
        %mul3A_1832 = arith.muli %add3A_1753, %mul3A_1831 : i32
        %add3A_1833 = arith.constant 112 : i32
        %add3A_1834 = arith.addi %mul3A_1832, %add3A_1833 : i32
        %get3A_1835 = arith.index_cast %add3A_1834 : i32 to index
        %get3A_1836 = tpu.vector_load %arg6[%get3A_1835] {strides = array<i32>} : memref<51200xf32, #tpu.memory_space<vmem>>, vector<16xf32>,
        %get3A_1837 = vector.shape_cast %get3A_1836 : vector<16xf32> to vector<16xf32>
        %add3A_1838 = arith.addf %add3A_1685, %get3A_1837 : vector<16xf32>
        %mul3A_1839 = arith.constant 256 : i32
        %mul3A_1840 = arith.muli %add3A_1753, %mul3A_1839 : i32
        %add3A_1841 = arith.constant 128 : i32
        %add3A_1842 = arith.addi %mul3A_1840, %add3A_1841 : i32
        %get3A_1843 = arith.index_cast %add3A_1842 : i32 to index
        %get3A_1844 = tpu.vector_load %arg6[%get3A_1843] {strides = array<i32>} : memref<51200xf32, #tpu.memory_space<vmem>>, vector<16xf32>,
        %get3A_1845 = vector.shape_cast %get3A_1844 : vector<16xf32> to vector<16xf32>
        %add3A_1846 = arith.addf %add3A_1693, %get3A_1845 : vector<16xf32>
        %mul3A_1847 = arith.constant 256 : i32
        %mul3A_1848 = arith.muli %add3A_1753, %mul3A_1847 : i32
        %add3A_1849 = arith.constant 144 : i32
        %add3A_1850 = arith.addi %mul3A_1848, %add3A_1849 : i32
        %get3A_1851 = arith.index_cast %add3A_1850 : i32 to index
        %get3A_1852 = tpu.vector_load %arg6[%get3A_1851] {strides = array<i32>} : memref<51200xf32, #tpu.memory_space<vmem>>, vector<16xf32>,
        %get3A_1853 = vector.shape_cast %get3A_1852 : vector<16xf32> to vector<16xf32>
        %add3A_1854 = arith.addf %add3A_1701, %get3A_1853 : vector<16xf32>
        %mul3A_1855 = arith.constant 256 : i32
        %mul3A_1856 = arith.muli %add3A_1753, %mul3A_1855 : i32
        %add3A_1857 = arith.constant 160 : i32
        %add3A_1858 = arith.addi %mul3A_1856, %add3A_1857 : i32
        %get3A_1859 = arith.index_cast %add3A_1858 : i32 to index
        %get3A_1860 = tpu.vector_load %arg6[%get3A_1859] {strides = array<i32>} : memref<51200xf32, #tpu.memory_space<vmem>>, vector<16xf32>,
        %get3A_1861 = vector.shape_cast %get3A_1860 : vector<16xf32> to vector<16xf32>
        %add3A_1862 = arith.addf %add3A_1709, %get3A_1861 : vector<16xf32>
        %mul3A_1863 = arith.constant 256 : i32
        %mul3A_1864 = arith.muli %add3A_1753, %mul3A_1863 : i32
        %add3A_1865 = arith.constant 176 : i32
        %add3A_1866 = arith.addi %mul3A_1864, %add3A_1865 : i32
        %get3A_1867 = arith.index_cast %add3A_1866 : i32 to index
        %get3A_1868 = tpu.vector_load %arg6[%get3A_1867] {strides = array<i32>} : memref<51200xf32, #tpu.memory_space<vmem>>, vector<16xf32>,
        %get3A_1869 = vector.shape_cast %get3A_1868 : vector<16xf32> to vector<16xf32>
        %add3A_1870 = arith.addf %add3A_1717, %get3A_1869 : vector<16xf32>
        %mul3A_1871 = arith.constant 256 : i32
        %mul3A_1872 = arith.muli %add3A_1753, %mul3A_1871 : i32
        %add3A_1873 = arith.constant 192 : i32
        %add3A_1874 = arith.addi %mul3A_1872, %add3A_1873 : i32
        %get3A_1875 = arith.index_cast %add3A_1874 : i32 to index
        %get3A_1876 = tpu.vector_load %arg6[%get3A_1875] {strides = array<i32>} : memref<51200xf32, #tpu.memory_space<vmem>>, vector<16xf32>,
        %get3A_1877 = vector.shape_cast %get3A_1876 : vector<16xf32> to vector<16xf32>
        %add3A_1878 = arith.addf %add3A_1725, %get3A_1877 : vector<16xf32>
        %mul3A_1879 = arith.constant 256 : i32
        %mul3A_1880 = arith.muli %add3A_1753, %mul3A_1879 : i32
        %add3A_1881 = arith.constant 208 : i32
        %add3A_1882 = arith.addi %mul3A_1880, %add3A_1881 : i32
        %get3A_1883 = arith.index_cast %add3A_1882 : i32 to index
        %get3A_1884 = tpu.vector_load %arg6[%get3A_1883] {strides = array<i32>} : memref<51200xf32, #tpu.memory_space<vmem>>, vector<16xf32>,
        %get3A_1885 = vector.shape_cast %get3A_1884 : vector<16xf32> to vector<16xf32>
        %add3A_1886 = arith.addf %add3A_1733, %get3A_1885 : vector<16xf32>
        %mul3A_1887 = arith.constant 256 : i32
        %mul3A_1888 = arith.muli %add3A_1753, %mul3A_1887 : i32
        %add3A_1889 = arith.constant 224 : i32
        %add3A_1890 = arith.addi %mul3A_1888, %add3A_1889 : i32
        %get3A_1891 = arith.index_cast %add3A_1890 : i32 to index
        %get3A_1892 = tpu.vector_load %arg6[%get3A_1891] {strides = array<i32>} : memref<51200xf32, #tpu.memory_space<vmem>>, vector<16xf32>,
        %get3A_1893 = vector.shape_cast %get3A_1892 : vector<16xf32> to vector<16xf32>
        %add3A_1894 = arith.addf %add3A_1741, %get3A_1893 : vector<16xf32>
        %mul3A_1895 = arith.constant 256 : i32
        %mul3A_1896 = arith.muli %add3A_1753, %mul3A_1895 : i32
        %add3A_1897 = arith.constant 240 : i32
        %add3A_1898 = arith.addi %mul3A_1896, %add3A_1897 : i32
        %get3A_1899 = arith.index_cast %add3A_1898 : i32 to index
        %get3A_1900 = tpu.vector_load %arg6[%get3A_1899] {strides = array<i32>} : memref<51200xf32, #tpu.memory_space<vmem>>, vector<16xf32>,
        %get3A_1901 = vector.shape_cast %get3A_1900 : vector<16xf32> to vector<16xf32>
        %add3A_1902 = arith.addf %add3A_1749, %get3A_1901 : vector<16xf32>
        %mul3A_1903 = arith.constant 10 : i32
        %mul3A_1904 = arith.muli %scan3A_972, %mul3A_1903 : i32
        %add3A_1905 = arith.constant 6 : i32
        %add3A_1906 = arith.addi %mul3A_1904, %add3A_1905 : i32
        %mul3A_1907 = arith.constant 256 : i32
        %mul3A_1908 = arith.muli %add3A_1906, %mul3A_1907 : i32
        %mul3A_1909 = arith.constant 256 : i32
        %mul3A_1910 = arith.muli %add3A_1906, %mul3A_1909 : i32
        %dma_wait3A_1911 = arith.constant 6 : i32
        %dma_wait3A_1912 = tpu.memref_slice %arg6[%mul3A_1910] : memref<51200xf32, #tpu.memory_space<vmem>> -> memref<256xf32, #tpu.memory_space<vmem>>
        %dma_wait3A_1913 = tpu.memref_slice %arg5[%mul3A_1908] : memref<51200xi32, #tpu.memory_space<vmem>> -> memref<256xi32, #tpu.memory_space<vmem>>
        %dma_wait3A_1914 = arith.constant 0 : i32
        %dma_wait3A_1915 = tpu.memref_slice %arg3[%dma_wait3A_1914] : memref<1015808xf32, #tpu.memory_space<hbm>> -> memref<1015808xf32, #tpu.memory_space<hbm>>
        %dma_wait3A_1916 = tpu.memref_slice %arg9[%dma_wait3A_1911] : memref<10x!tpu.dma_semaphore, #tpu.memory_space<semaphore_mem>> -> memref<1x!tpu.dma_semaphore, #tpu.memory_space<semaphore_mem>>
        %dma_wait3A_1917 = tpu.memref_squeeze %dma_wait3A_1916 : memref<1x!tpu.dma_semaphore, #tpu.memory_space<semaphore_mem>> -> memref<!tpu.dma_semaphore, #tpu.memory_space<semaphore_mem>>
        tpu.wait_indirect_dma semaphore(%dma_wait3A_1917 : memref<!tpu.dma_semaphore, #tpu.memory_space<semaphore_mem>>) src(%dma_wait3A_1915 : memref<1015808xf32, #tpu.memory_space<hbm>>) dst(%dma_wait3A_1912 : memref<256xf32, #tpu.memory_space<vmem>>)
        %lt3A_1918 = arith.constant 19 : i32
        %lt3A_1919 = arith.cmpi slt, %scan3A_972, %lt3A_1918 : i32
        %convert_element_type3A_1920 = arith.extui %lt3A_1919 : i1 to i32
        %cond3A_1921 = arith.constant 0 : i32
        %cond3A_1922 = arith.cmpi ne, %convert_element_type3A_1920, %cond3A_1921 : i32
        scf.if %cond3A_1922 {
          %add3A_2515 = arith.constant 10 : i32
          %add3A_2516 = arith.addi %add3A_1906, %add3A_2515 : i32
          %mul3A_2517 = arith.constant 256 : i32
          %mul3A_2518 = arith.muli %add3A_2516, %mul3A_2517 : i32
          %dma_wait3A_2519 = arith.constant 6 : i32
          %dma_wait3A_2520 = arith.constant 6 : i32
          %dma_wait3A_2521 = tpu.memref_slice %arg5[%mul3A_2518] : memref<51200xi32, #tpu.memory_space<vmem>> -> memref<256xi32, #tpu.memory_space<vmem>>
          %dma_wait3A_2522 = tpu.memref_slice %arg2[%dma_wait3A_2519, %add3A_11] : memref<200x16384xi32, #tpu.memory_space<hbm>> -> memref<1x256xi32, #tpu.memory_space<hbm>>
          %dma_wait3A_2523 = tpu.memref_squeeze %dma_wait3A_2522 : memref<1x256xi32, #tpu.memory_space<hbm>> -> memref<256xi32, #tpu.memory_space<hbm>>
          %dma_wait3A_2524 = tpu.memref_slice %arg8[%dma_wait3A_2520] : memref<10x!tpu.dma_semaphore, #tpu.memory_space<semaphore_mem>> -> memref<1x!tpu.dma_semaphore, #tpu.memory_space<semaphore_mem>>
          %dma_wait3A_2525 = tpu.memref_squeeze %dma_wait3A_2524 : memref<1x!tpu.dma_semaphore, #tpu.memory_space<semaphore_mem>> -> memref<!tpu.dma_semaphore, #tpu.memory_space<semaphore_mem>>
          %dma_wait3A_2526 = tpu.memref_slice %arg5[%mul3A_2518] : memref<51200xi32, #tpu.memory_space<vmem>> -> memref<256xi32, #tpu.memory_space<vmem>>
          %dma_wait3A_2527 = tpu.memref_slice %arg2[%dma_wait3A_2519, %add3A_11] : memref<200x16384xi32, #tpu.memory_space<hbm>> -> memref<1x256xi32, #tpu.memory_space<hbm>>
          %dma_wait3A_2528 = tpu.memref_squeeze %dma_wait3A_2527 : memref<1x256xi32, #tpu.memory_space<hbm>> -> memref<256xi32, #tpu.memory_space<hbm>>
          tpu.wait_dma2 semaphore(%dma_wait3A_2525 : memref<!tpu.dma_semaphore, #tpu.memory_space<semaphore_mem>>) src(%dma_wait3A_2528 : memref<256xi32, #tpu.memory_space<hbm>>) dst(%dma_wait3A_2526 : memref<256xi32, #tpu.memory_space<vmem>>)
          %add3A_2529 = arith.constant 10 : i32
          %add3A_2530 = arith.addi %add3A_1906, %add3A_2529 : i32
          %mul3A_2531 = arith.constant 256 : i32
          %mul3A_2532 = arith.muli %add3A_2530, %mul3A_2531 : i32
          %add3A_2533 = arith.constant 10 : i32
          %add3A_2534 = arith.addi %add3A_1906, %add3A_2533 : i32
          %mul3A_2535 = arith.constant 256 : i32
          %mul3A_2536 = arith.muli %add3A_2534, %mul3A_2535 : i32
          %dma_start3A_2537 = arith.constant 6 : i32
          %dma_start3A_2538 = tpu.memref_slice %arg6[%mul3A_2536] : memref<51200xf32, #tpu.memory_space<vmem>> -> memref<256xf32, #tpu.memory_space<vmem>>
          %dma_start3A_2539 = tpu.memref_slice %arg5[%mul3A_2532] : memref<51200xi32, #tpu.memory_space<vmem>> -> memref<256xi32, #tpu.memory_space<vmem>>
          %dma_start3A_2540 = arith.constant 0 : i32
          %dma_start3A_2541 = tpu.memref_slice %arg3[%dma_start3A_2540] : memref<1015808xf32, #tpu.memory_space<hbm>> -> memref<1015808xf32, #tpu.memory_space<hbm>>
          %dma_start3A_2542 = tpu.memref_slice %arg9[%dma_start3A_2537] : memref<10x!tpu.dma_semaphore, #tpu.memory_space<semaphore_mem>> -> memref<1x!tpu.dma_semaphore, #tpu.memory_space<semaphore_mem>>
          %dma_start3A_2543 = tpu.memref_squeeze %dma_start3A_2542 : memref<1x!tpu.dma_semaphore, #tpu.memory_space<semaphore_mem>> -> memref<!tpu.dma_semaphore, #tpu.memory_space<semaphore_mem>>
          tpu.enqueue_indirect_dma source(%dma_start3A_2541 : memref<1015808xf32, #tpu.memory_space<hbm>>) target(%dma_start3A_2538 : memref<256xf32, #tpu.memory_space<vmem>>) offsets(%dma_start3A_2539 : memref<256xi32, #tpu.memory_space<vmem>>) semaphore(%dma_start3A_2543 : memref<!tpu.dma_semaphore, #tpu.memory_space<semaphore_mem>>)
        } else {
        }
        %lt3A_1923 = arith.constant 18 : i32
        %lt3A_1924 = arith.cmpi slt, %scan3A_972, %lt3A_1923 : i32
        %convert_element_type3A_1925 = arith.extui %lt3A_1924 : i1 to i32
        %cond3A_1926 = arith.constant 0 : i32
        %cond3A_1927 = arith.cmpi ne, %convert_element_type3A_1925, %cond3A_1926 : i32
        scf.if %cond3A_1927 {
          %add3A_2515 = arith.constant 20 : i32
          %add3A_2516 = arith.addi %add3A_1906, %add3A_2515 : i32
          %add3A_2517 = arith.constant 20 : i32
          %add3A_2518 = arith.addi %add3A_1906, %add3A_2517 : i32
          %mul3A_2519 = arith.constant 256 : i32
          %mul3A_2520 = arith.muli %add3A_2518, %mul3A_2519 : i32
          %dma_start3A_2521 = arith.constant 6 : i32
          %dma_start3A_2522 = tpu.memref_slice %arg5[%mul3A_2520] : memref<51200xi32, #tpu.memory_space<vmem>> -> memref<256xi32, #tpu.memory_space<vmem>>
          %dma_start3A_2523 = tpu.memref_slice %arg2[%add3A_2516, %add3A_11] : memref<200x16384xi32, #tpu.memory_space<hbm>> -> memref<1x256xi32, #tpu.memory_space<hbm>>
          %dma_start3A_2524 = tpu.memref_squeeze %dma_start3A_2523 : memref<1x256xi32, #tpu.memory_space<hbm>> -> memref<256xi32, #tpu.memory_space<hbm>>
          %dma_start3A_2525 = tpu.memref_slice %arg8[%dma_start3A_2521] : memref<10x!tpu.dma_semaphore, #tpu.memory_space<semaphore_mem>> -> memref<1x!tpu.dma_semaphore, #tpu.memory_space<semaphore_mem>>
          %dma_start3A_2526 = tpu.memref_squeeze %dma_start3A_2525 : memref<1x!tpu.dma_semaphore, #tpu.memory_space<semaphore_mem>> -> memref<!tpu.dma_semaphore, #tpu.memory_space<semaphore_mem>>
          %dma_start3A_2527 = tpu.memref_slice %arg5[%mul3A_2520] : memref<51200xi32, #tpu.memory_space<vmem>> -> memref<256xi32, #tpu.memory_space<vmem>>
          %dma_start3A_2528 = tpu.memref_slice %arg2[%add3A_2516, %add3A_11] : memref<200x16384xi32, #tpu.memory_space<hbm>> -> memref<1x256xi32, #tpu.memory_space<hbm>>
          %dma_start3A_2529 = tpu.memref_squeeze %dma_start3A_2528 : memref<1x256xi32, #tpu.memory_space<hbm>> -> memref<256xi32, #tpu.memory_space<hbm>>
          tpu.enqueue_dma source(%dma_start3A_2529 : memref<256xi32, #tpu.memory_space<hbm>>) target(%dma_start3A_2527 : memref<256xi32, #tpu.memory_space<vmem>>) target_semaphore(%dma_start3A_2526 : memref<!tpu.dma_semaphore, #tpu.memory_space<semaphore_mem>>)
        } else {
        }
        %mul3A_1928 = arith.constant 256 : i32
        %mul3A_1929 = arith.muli %add3A_1906, %mul3A_1928 : i32
        %add3A_1930 = arith.constant 0 : i32
        %add3A_1931 = arith.addi %mul3A_1929, %add3A_1930 : i32
        %get3A_1932 = arith.index_cast %add3A_1931 : i32 to index
        %get3A_1933 = tpu.vector_load %arg6[%get3A_1932] {strides = array<i32>} : memref<51200xf32, #tpu.memory_space<vmem>>, vector<16xf32>,
        %get3A_1934 = vector.shape_cast %get3A_1933 : vector<16xf32> to vector<16xf32>
        %add3A_1935 = arith.addf %add3A_1782, %get3A_1934 : vector<16xf32>
        %mul3A_1936 = arith.constant 256 : i32
        %mul3A_1937 = arith.muli %add3A_1906, %mul3A_1936 : i32
        %add3A_1938 = arith.constant 16 : i32
        %add3A_1939 = arith.addi %mul3A_1937, %add3A_1938 : i32
        %get3A_1940 = arith.index_cast %add3A_1939 : i32 to index
        %get3A_1941 = tpu.vector_load %arg6[%get3A_1940] {strides = array<i32>} : memref<51200xf32, #tpu.memory_space<vmem>>, vector<16xf32>,
        %get3A_1942 = vector.shape_cast %get3A_1941 : vector<16xf32> to vector<16xf32>
        %add3A_1943 = arith.addf %add3A_1790, %get3A_1942 : vector<16xf32>
        %mul3A_1944 = arith.constant 256 : i32
        %mul3A_1945 = arith.muli %add3A_1906, %mul3A_1944 : i32
        %add3A_1946 = arith.constant 32 : i32
        %add3A_1947 = arith.addi %mul3A_1945, %add3A_1946 : i32
        %get3A_1948 = arith.index_cast %add3A_1947 : i32 to index
        %get3A_1949 = tpu.vector_load %arg6[%get3A_1948] {strides = array<i32>} : memref<51200xf32, #tpu.memory_space<vmem>>, vector<16xf32>,
        %get3A_1950 = vector.shape_cast %get3A_1949 : vector<16xf32> to vector<16xf32>
        %add3A_1951 = arith.addf %add3A_1798, %get3A_1950 : vector<16xf32>
        %mul3A_1952 = arith.constant 256 : i32
        %mul3A_1953 = arith.muli %add3A_1906, %mul3A_1952 : i32
        %add3A_1954 = arith.constant 48 : i32
        %add3A_1955 = arith.addi %mul3A_1953, %add3A_1954 : i32
        %get3A_1956 = arith.index_cast %add3A_1955 : i32 to index
        %get3A_1957 = tpu.vector_load %arg6[%get3A_1956] {strides = array<i32>} : memref<51200xf32, #tpu.memory_space<vmem>>, vector<16xf32>,
        %get3A_1958 = vector.shape_cast %get3A_1957 : vector<16xf32> to vector<16xf32>
        %add3A_1959 = arith.addf %add3A_1806, %get3A_1958 : vector<16xf32>
        %mul3A_1960 = arith.constant 256 : i32
        %mul3A_1961 = arith.muli %add3A_1906, %mul3A_1960 : i32
        %add3A_1962 = arith.constant 64 : i32
        %add3A_1963 = arith.addi %mul3A_1961, %add3A_1962 : i32
        %get3A_1964 = arith.index_cast %add3A_1963 : i32 to index
        %get3A_1965 = tpu.vector_load %arg6[%get3A_1964] {strides = array<i32>} : memref<51200xf32, #tpu.memory_space<vmem>>, vector<16xf32>,
        %get3A_1966 = vector.shape_cast %get3A_1965 : vector<16xf32> to vector<16xf32>
        %add3A_1967 = arith.addf %add3A_1814, %get3A_1966 : vector<16xf32>
        %mul3A_1968 = arith.constant 256 : i32
        %mul3A_1969 = arith.muli %add3A_1906, %mul3A_1968 : i32
        %add3A_1970 = arith.constant 80 : i32
        %add3A_1971 = arith.addi %mul3A_1969, %add3A_1970 : i32
        %get3A_1972 = arith.index_cast %add3A_1971 : i32 to index
        %get3A_1973 = tpu.vector_load %arg6[%get3A_1972] {strides = array<i32>} : memref<51200xf32, #tpu.memory_space<vmem>>, vector<16xf32>,
        %get3A_1974 = vector.shape_cast %get3A_1973 : vector<16xf32> to vector<16xf32>
        %add3A_1975 = arith.addf %add3A_1822, %get3A_1974 : vector<16xf32>
        %mul3A_1976 = arith.constant 256 : i32
        %mul3A_1977 = arith.muli %add3A_1906, %mul3A_1976 : i32
        %add3A_1978 = arith.constant 96 : i32
        %add3A_1979 = arith.addi %mul3A_1977, %add3A_1978 : i32
        %get3A_1980 = arith.index_cast %add3A_1979 : i32 to index
        %get3A_1981 = tpu.vector_load %arg6[%get3A_1980] {strides = array<i32>} : memref<51200xf32, #tpu.memory_space<vmem>>, vector<16xf32>,
        %get3A_1982 = vector.shape_cast %get3A_1981 : vector<16xf32> to vector<16xf32>
        %add3A_1983 = arith.addf %add3A_1830, %get3A_1982 : vector<16xf32>
        %mul3A_1984 = arith.constant 256 : i32
        %mul3A_1985 = arith.muli %add3A_1906, %mul3A_1984 : i32
        %add3A_1986 = arith.constant 112 : i32
        %add3A_1987 = arith.addi %mul3A_1985, %add3A_1986 : i32
        %get3A_1988 = arith.index_cast %add3A_1987 : i32 to index
        %get3A_1989 = tpu.vector_load %arg6[%get3A_1988] {strides = array<i32>} : memref<51200xf32, #tpu.memory_space<vmem>>, vector<16xf32>,
        %get3A_1990 = vector.shape_cast %get3A_1989 : vector<16xf32> to vector<16xf32>
        %add3A_1991 = arith.addf %add3A_1838, %get3A_1990 : vector<16xf32>
        %mul3A_1992 = arith.constant 256 : i32
        %mul3A_1993 = arith.muli %add3A_1906, %mul3A_1992 : i32
        %add3A_1994 = arith.constant 128 : i32
        %add3A_1995 = arith.addi %mul3A_1993, %add3A_1994 : i32
        %get3A_1996 = arith.index_cast %add3A_1995 : i32 to index
        %get3A_1997 = tpu.vector_load %arg6[%get3A_1996] {strides = array<i32>} : memref<51200xf32, #tpu.memory_space<vmem>>, vector<16xf32>,
        %get3A_1998 = vector.shape_cast %get3A_1997 : vector<16xf32> to vector<16xf32>
        %add3A_1999 = arith.addf %add3A_1846, %get3A_1998 : vector<16xf32>
        %mul3A_2000 = arith.constant 256 : i32
        %mul3A_2001 = arith.muli %add3A_1906, %mul3A_2000 : i32
        %add3A_2002 = arith.constant 144 : i32
        %add3A_2003 = arith.addi %mul3A_2001, %add3A_2002 : i32
        %get3A_2004 = arith.index_cast %add3A_2003 : i32 to index
        %get3A_2005 = tpu.vector_load %arg6[%get3A_2004] {strides = array<i32>} : memref<51200xf32, #tpu.memory_space<vmem>>, vector<16xf32>,
        %get3A_2006 = vector.shape_cast %get3A_2005 : vector<16xf32> to vector<16xf32>
        %add3A_2007 = arith.addf %add3A_1854, %get3A_2006 : vector<16xf32>
        %mul3A_2008 = arith.constant 256 : i32
        %mul3A_2009 = arith.muli %add3A_1906, %mul3A_2008 : i32
        %add3A_2010 = arith.constant 160 : i32
        %add3A_2011 = arith.addi %mul3A_2009, %add3A_2010 : i32
        %get3A_2012 = arith.index_cast %add3A_2011 : i32 to index
        %get3A_2013 = tpu.vector_load %arg6[%get3A_2012] {strides = array<i32>} : memref<51200xf32, #tpu.memory_space<vmem>>, vector<16xf32>,
        %get3A_2014 = vector.shape_cast %get3A_2013 : vector<16xf32> to vector<16xf32>
        %add3A_2015 = arith.addf %add3A_1862, %get3A_2014 : vector<16xf32>
        %mul3A_2016 = arith.constant 256 : i32
        %mul3A_2017 = arith.muli %add3A_1906, %mul3A_2016 : i32
        %add3A_2018 = arith.constant 176 : i32
        %add3A_2019 = arith.addi %mul3A_2017, %add3A_2018 : i32
        %get3A_2020 = arith.index_cast %add3A_2019 : i32 to index
        %get3A_2021 = tpu.vector_load %arg6[%get3A_2020] {strides = array<i32>} : memref<51200xf32, #tpu.memory_space<vmem>>, vector<16xf32>,
        %get3A_2022 = vector.shape_cast %get3A_2021 : vector<16xf32> to vector<16xf32>
        %add3A_2023 = arith.addf %add3A_1870, %get3A_2022 : vector<16xf32>
        %mul3A_2024 = arith.constant 256 : i32
        %mul3A_2025 = arith.muli %add3A_1906, %mul3A_2024 : i32
        %add3A_2026 = arith.constant 192 : i32
        %add3A_2027 = arith.addi %mul3A_2025, %add3A_2026 : i32
        %get3A_2028 = arith.index_cast %add3A_2027 : i32 to index
        %get3A_2029 = tpu.vector_load %arg6[%get3A_2028] {strides = array<i32>} : memref<51200xf32, #tpu.memory_space<vmem>>, vector<16xf32>,
        %get3A_2030 = vector.shape_cast %get3A_2029 : vector<16xf32> to vector<16xf32>
        %add3A_2031 = arith.addf %add3A_1878, %get3A_2030 : vector<16xf32>
        %mul3A_2032 = arith.constant 256 : i32
        %mul3A_2033 = arith.muli %add3A_1906, %mul3A_2032 : i32
        %add3A_2034 = arith.constant 208 : i32
        %add3A_2035 = arith.addi %mul3A_2033, %add3A_2034 : i32
        %get3A_2036 = arith.index_cast %add3A_2035 : i32 to index
        %get3A_2037 = tpu.vector_load %arg6[%get3A_2036] {strides = array<i32>} : memref<51200xf32, #tpu.memory_space<vmem>>, vector<16xf32>,
        %get3A_2038 = vector.shape_cast %get3A_2037 : vector<16xf32> to vector<16xf32>
        %add3A_2039 = arith.addf %add3A_1886, %get3A_2038 : vector<16xf32>
        %mul3A_2040 = arith.constant 256 : i32
        %mul3A_2041 = arith.muli %add3A_1906, %mul3A_2040 : i32
        %add3A_2042 = arith.constant 224 : i32
        %add3A_2043 = arith.addi %mul3A_2041, %add3A_2042 : i32
        %get3A_2044 = arith.index_cast %add3A_2043 : i32 to index
        %get3A_2045 = tpu.vector_load %arg6[%get3A_2044] {strides = array<i32>} : memref<51200xf32, #tpu.memory_space<vmem>>, vector<16xf32>,
        %get3A_2046 = vector.shape_cast %get3A_2045 : vector<16xf32> to vector<16xf32>
        %add3A_2047 = arith.addf %add3A_1894, %get3A_2046 : vector<16xf32>
        %mul3A_2048 = arith.constant 256 : i32
        %mul3A_2049 = arith.muli %add3A_1906, %mul3A_2048 : i32
        %add3A_2050 = arith.constant 240 : i32
        %add3A_2051 = arith.addi %mul3A_2049, %add3A_2050 : i32
        %get3A_2052 = arith.index_cast %add3A_2051 : i32 to index
        %get3A_2053 = tpu.vector_load %arg6[%get3A_2052] {strides = array<i32>} : memref<51200xf32, #tpu.memory_space<vmem>>, vector<16xf32>,
        %get3A_2054 = vector.shape_cast %get3A_2053 : vector<16xf32> to vector<16xf32>
        %add3A_2055 = arith.addf %add3A_1902, %get3A_2054 : vector<16xf32>
        %mul3A_2056 = arith.constant 10 : i32
        %mul3A_2057 = arith.muli %scan3A_972, %mul3A_2056 : i32
        %add3A_2058 = arith.constant 7 : i32
        %add3A_2059 = arith.addi %mul3A_2057, %add3A_2058 : i32
        %mul3A_2060 = arith.constant 256 : i32
        %mul3A_2061 = arith.muli %add3A_2059, %mul3A_2060 : i32
        %mul3A_2062 = arith.constant 256 : i32
        %mul3A_2063 = arith.muli %add3A_2059, %mul3A_2062 : i32
        %dma_wait3A_2064 = arith.constant 7 : i32
        %dma_wait3A_2065 = tpu.memref_slice %arg6[%mul3A_2063] : memref<51200xf32, #tpu.memory_space<vmem>> -> memref<256xf32, #tpu.memory_space<vmem>>
        %dma_wait3A_2066 = tpu.memref_slice %arg5[%mul3A_2061] : memref<51200xi32, #tpu.memory_space<vmem>> -> memref<256xi32, #tpu.memory_space<vmem>>
        %dma_wait3A_2067 = arith.constant 0 : i32
        %dma_wait3A_2068 = tpu.memref_slice %arg3[%dma_wait3A_2067] : memref<1015808xf32, #tpu.memory_space<hbm>> -> memref<1015808xf32, #tpu.memory_space<hbm>>
        %dma_wait3A_2069 = tpu.memref_slice %arg9[%dma_wait3A_2064] : memref<10x!tpu.dma_semaphore, #tpu.memory_space<semaphore_mem>> -> memref<1x!tpu.dma_semaphore, #tpu.memory_space<semaphore_mem>>
        %dma_wait3A_2070 = tpu.memref_squeeze %dma_wait3A_2069 : memref<1x!tpu.dma_semaphore, #tpu.memory_space<semaphore_mem>> -> memref<!tpu.dma_semaphore, #tpu.memory_space<semaphore_mem>>
        tpu.wait_indirect_dma semaphore(%dma_wait3A_2070 : memref<!tpu.dma_semaphore, #tpu.memory_space<semaphore_mem>>) src(%dma_wait3A_2068 : memref<1015808xf32, #tpu.memory_space<hbm>>) dst(%dma_wait3A_2065 : memref<256xf32, #tpu.memory_space<vmem>>)
        %lt3A_2071 = arith.constant 19 : i32
        %lt3A_2072 = arith.cmpi slt, %scan3A_972, %lt3A_2071 : i32
        %convert_element_type3A_2073 = arith.extui %lt3A_2072 : i1 to i32
        %cond3A_2074 = arith.constant 0 : i32
        %cond3A_2075 = arith.cmpi ne, %convert_element_type3A_2073, %cond3A_2074 : i32
        scf.if %cond3A_2075 {
          %add3A_2515 = arith.constant 10 : i32
          %add3A_2516 = arith.addi %add3A_2059, %add3A_2515 : i32
          %mul3A_2517 = arith.constant 256 : i32
          %mul3A_2518 = arith.muli %add3A_2516, %mul3A_2517 : i32
          %dma_wait3A_2519 = arith.constant 7 : i32
          %dma_wait3A_2520 = arith.constant 7 : i32
          %dma_wait3A_2521 = tpu.memref_slice %arg5[%mul3A_2518] : memref<51200xi32, #tpu.memory_space<vmem>> -> memref<256xi32, #tpu.memory_space<vmem>>
          %dma_wait3A_2522 = tpu.memref_slice %arg2[%dma_wait3A_2519, %add3A_11] : memref<200x16384xi32, #tpu.memory_space<hbm>> -> memref<1x256xi32, #tpu.memory_space<hbm>>
          %dma_wait3A_2523 = tpu.memref_squeeze %dma_wait3A_2522 : memref<1x256xi32, #tpu.memory_space<hbm>> -> memref<256xi32, #tpu.memory_space<hbm>>
          %dma_wait3A_2524 = tpu.memref_slice %arg8[%dma_wait3A_2520] : memref<10x!tpu.dma_semaphore, #tpu.memory_space<semaphore_mem>> -> memref<1x!tpu.dma_semaphore, #tpu.memory_space<semaphore_mem>>
          %dma_wait3A_2525 = tpu.memref_squeeze %dma_wait3A_2524 : memref<1x!tpu.dma_semaphore, #tpu.memory_space<semaphore_mem>> -> memref<!tpu.dma_semaphore, #tpu.memory_space<semaphore_mem>>
          %dma_wait3A_2526 = tpu.memref_slice %arg5[%mul3A_2518] : memref<51200xi32, #tpu.memory_space<vmem>> -> memref<256xi32, #tpu.memory_space<vmem>>
          %dma_wait3A_2527 = tpu.memref_slice %arg2[%dma_wait3A_2519, %add3A_11] : memref<200x16384xi32, #tpu.memory_space<hbm>> -> memref<1x256xi32, #tpu.memory_space<hbm>>
          %dma_wait3A_2528 = tpu.memref_squeeze %dma_wait3A_2527 : memref<1x256xi32, #tpu.memory_space<hbm>> -> memref<256xi32, #tpu.memory_space<hbm>>
          tpu.wait_dma2 semaphore(%dma_wait3A_2525 : memref<!tpu.dma_semaphore, #tpu.memory_space<semaphore_mem>>) src(%dma_wait3A_2528 : memref<256xi32, #tpu.memory_space<hbm>>) dst(%dma_wait3A_2526 : memref<256xi32, #tpu.memory_space<vmem>>)
          %add3A_2529 = arith.constant 10 : i32
          %add3A_2530 = arith.addi %add3A_2059, %add3A_2529 : i32
          %mul3A_2531 = arith.constant 256 : i32
          %mul3A_2532 = arith.muli %add3A_2530, %mul3A_2531 : i32
          %add3A_2533 = arith.constant 10 : i32
          %add3A_2534 = arith.addi %add3A_2059, %add3A_2533 : i32
          %mul3A_2535 = arith.constant 256 : i32
          %mul3A_2536 = arith.muli %add3A_2534, %mul3A_2535 : i32
          %dma_start3A_2537 = arith.constant 7 : i32
          %dma_start3A_2538 = tpu.memref_slice %arg6[%mul3A_2536] : memref<51200xf32, #tpu.memory_space<vmem>> -> memref<256xf32, #tpu.memory_space<vmem>>
          %dma_start3A_2539 = tpu.memref_slice %arg5[%mul3A_2532] : memref<51200xi32, #tpu.memory_space<vmem>> -> memref<256xi32, #tpu.memory_space<vmem>>
          %dma_start3A_2540 = arith.constant 0 : i32
          %dma_start3A_2541 = tpu.memref_slice %arg3[%dma_start3A_2540] : memref<1015808xf32, #tpu.memory_space<hbm>> -> memref<1015808xf32, #tpu.memory_space<hbm>>
          %dma_start3A_2542 = tpu.memref_slice %arg9[%dma_start3A_2537] : memref<10x!tpu.dma_semaphore, #tpu.memory_space<semaphore_mem>> -> memref<1x!tpu.dma_semaphore, #tpu.memory_space<semaphore_mem>>
          %dma_start3A_2543 = tpu.memref_squeeze %dma_start3A_2542 : memref<1x!tpu.dma_semaphore, #tpu.memory_space<semaphore_mem>> -> memref<!tpu.dma_semaphore, #tpu.memory_space<semaphore_mem>>
          tpu.enqueue_indirect_dma source(%dma_start3A_2541 : memref<1015808xf32, #tpu.memory_space<hbm>>) target(%dma_start3A_2538 : memref<256xf32, #tpu.memory_space<vmem>>) offsets(%dma_start3A_2539 : memref<256xi32, #tpu.memory_space<vmem>>) semaphore(%dma_start3A_2543 : memref<!tpu.dma_semaphore, #tpu.memory_space<semaphore_mem>>)
        } else {
        }
        %lt3A_2076 = arith.constant 18 : i32
        %lt3A_2077 = arith.cmpi slt, %scan3A_972, %lt3A_2076 : i32
        %convert_element_type3A_2078 = arith.extui %lt3A_2077 : i1 to i32
        %cond3A_2079 = arith.constant 0 : i32
        %cond3A_2080 = arith.cmpi ne, %convert_element_type3A_2078, %cond3A_2079 : i32
        scf.if %cond3A_2080 {
          %add3A_2515 = arith.constant 20 : i32
          %add3A_2516 = arith.addi %add3A_2059, %add3A_2515 : i32
          %add3A_2517 = arith.constant 20 : i32
          %add3A_2518 = arith.addi %add3A_2059, %add3A_2517 : i32
          %mul3A_2519 = arith.constant 256 : i32
          %mul3A_2520 = arith.muli %add3A_2518, %mul3A_2519 : i32
          %dma_start3A_2521 = arith.constant 7 : i32
          %dma_start3A_2522 = tpu.memref_slice %arg5[%mul3A_2520] : memref<51200xi32, #tpu.memory_space<vmem>> -> memref<256xi32, #tpu.memory_space<vmem>>
          %dma_start3A_2523 = tpu.memref_slice %arg2[%add3A_2516, %add3A_11] : memref<200x16384xi32, #tpu.memory_space<hbm>> -> memref<1x256xi32, #tpu.memory_space<hbm>>
          %dma_start3A_2524 = tpu.memref_squeeze %dma_start3A_2523 : memref<1x256xi32, #tpu.memory_space<hbm>> -> memref<256xi32, #tpu.memory_space<hbm>>
          %dma_start3A_2525 = tpu.memref_slice %arg8[%dma_start3A_2521] : memref<10x!tpu.dma_semaphore, #tpu.memory_space<semaphore_mem>> -> memref<1x!tpu.dma_semaphore, #tpu.memory_space<semaphore_mem>>
          %dma_start3A_2526 = tpu.memref_squeeze %dma_start3A_2525 : memref<1x!tpu.dma_semaphore, #tpu.memory_space<semaphore_mem>> -> memref<!tpu.dma_semaphore, #tpu.memory_space<semaphore_mem>>
          %dma_start3A_2527 = tpu.memref_slice %arg5[%mul3A_2520] : memref<51200xi32, #tpu.memory_space<vmem>> -> memref<256xi32, #tpu.memory_space<vmem>>
          %dma_start3A_2528 = tpu.memref_slice %arg2[%add3A_2516, %add3A_11] : memref<200x16384xi32, #tpu.memory_space<hbm>> -> memref<1x256xi32, #tpu.memory_space<hbm>>
          %dma_start3A_2529 = tpu.memref_squeeze %dma_start3A_2528 : memref<1x256xi32, #tpu.memory_space<hbm>> -> memref<256xi32, #tpu.memory_space<hbm>>
          tpu.enqueue_dma source(%dma_start3A_2529 : memref<256xi32, #tpu.memory_space<hbm>>) target(%dma_start3A_2527 : memref<256xi32, #tpu.memory_space<vmem>>) target_semaphore(%dma_start3A_2526 : memref<!tpu.dma_semaphore, #tpu.memory_space<semaphore_mem>>)
        } else {
        }
        %mul3A_2081 = arith.constant 256 : i32
        %mul3A_2082 = arith.muli %add3A_2059, %mul3A_2081 : i32
        %add3A_2083 = arith.constant 0 : i32
        %add3A_2084 = arith.addi %mul3A_2082, %add3A_2083 : i32
        %get3A_2085 = arith.index_cast %add3A_2084 : i32 to index
        %get3A_2086 = tpu.vector_load %arg6[%get3A_2085] {strides = array<i32>} : memref<51200xf32, #tpu.memory_space<vmem>>, vector<16xf32>,
        %get3A_2087 = vector.shape_cast %get3A_2086 : vector<16xf32> to vector<16xf32>
        %add3A_2088 = arith.addf %add3A_1935, %get3A_2087 : vector<16xf32>
        %mul3A_2089 = arith.constant 256 : i32
        %mul3A_2090 = arith.muli %add3A_2059, %mul3A_2089 : i32
        %add3A_2091 = arith.constant 16 : i32
        %add3A_2092 = arith.addi %mul3A_2090, %add3A_2091 : i32
        %get3A_2093 = arith.index_cast %add3A_2092 : i32 to index
        %get3A_2094 = tpu.vector_load %arg6[%get3A_2093] {strides = array<i32>} : memref<51200xf32, #tpu.memory_space<vmem>>, vector<16xf32>,
        %get3A_2095 = vector.shape_cast %get3A_2094 : vector<16xf32> to vector<16xf32>
        %add3A_2096 = arith.addf %add3A_1943, %get3A_2095 : vector<16xf32>
        %mul3A_2097 = arith.constant 256 : i32
        %mul3A_2098 = arith.muli %add3A_2059, %mul3A_2097 : i32
        %add3A_2099 = arith.constant 32 : i32
        %add3A_2100 = arith.addi %mul3A_2098, %add3A_2099 : i32
        %get3A_2101 = arith.index_cast %add3A_2100 : i32 to index
        %get3A_2102 = tpu.vector_load %arg6[%get3A_2101] {strides = array<i32>} : memref<51200xf32, #tpu.memory_space<vmem>>, vector<16xf32>,
        %get3A_2103 = vector.shape_cast %get3A_2102 : vector<16xf32> to vector<16xf32>
        %add3A_2104 = arith.addf %add3A_1951, %get3A_2103 : vector<16xf32>
        %mul3A_2105 = arith.constant 256 : i32
        %mul3A_2106 = arith.muli %add3A_2059, %mul3A_2105 : i32
        %add3A_2107 = arith.constant 48 : i32
        %add3A_2108 = arith.addi %mul3A_2106, %add3A_2107 : i32
        %get3A_2109 = arith.index_cast %add3A_2108 : i32 to index
        %get3A_2110 = tpu.vector_load %arg6[%get3A_2109] {strides = array<i32>} : memref<51200xf32, #tpu.memory_space<vmem>>, vector<16xf32>,
        %get3A_2111 = vector.shape_cast %get3A_2110 : vector<16xf32> to vector<16xf32>
        %add3A_2112 = arith.addf %add3A_1959, %get3A_2111 : vector<16xf32>
        %mul3A_2113 = arith.constant 256 : i32
        %mul3A_2114 = arith.muli %add3A_2059, %mul3A_2113 : i32
        %add3A_2115 = arith.constant 64 : i32
        %add3A_2116 = arith.addi %mul3A_2114, %add3A_2115 : i32
        %get3A_2117 = arith.index_cast %add3A_2116 : i32 to index
        %get3A_2118 = tpu.vector_load %arg6[%get3A_2117] {strides = array<i32>} : memref<51200xf32, #tpu.memory_space<vmem>>, vector<16xf32>,
        %get3A_2119 = vector.shape_cast %get3A_2118 : vector<16xf32> to vector<16xf32>
        %add3A_2120 = arith.addf %add3A_1967, %get3A_2119 : vector<16xf32>
        %mul3A_2121 = arith.constant 256 : i32
        %mul3A_2122 = arith.muli %add3A_2059, %mul3A_2121 : i32
        %add3A_2123 = arith.constant 80 : i32
        %add3A_2124 = arith.addi %mul3A_2122, %add3A_2123 : i32
        %get3A_2125 = arith.index_cast %add3A_2124 : i32 to index
        %get3A_2126 = tpu.vector_load %arg6[%get3A_2125] {strides = array<i32>} : memref<51200xf32, #tpu.memory_space<vmem>>, vector<16xf32>,
        %get3A_2127 = vector.shape_cast %get3A_2126 : vector<16xf32> to vector<16xf32>
        %add3A_2128 = arith.addf %add3A_1975, %get3A_2127 : vector<16xf32>
        %mul3A_2129 = arith.constant 256 : i32
        %mul3A_2130 = arith.muli %add3A_2059, %mul3A_2129 : i32
        %add3A_2131 = arith.constant 96 : i32
        %add3A_2132 = arith.addi %mul3A_2130, %add3A_2131 : i32
        %get3A_2133 = arith.index_cast %add3A_2132 : i32 to index
        %get3A_2134 = tpu.vector_load %arg6[%get3A_2133] {strides = array<i32>} : memref<51200xf32, #tpu.memory_space<vmem>>, vector<16xf32>,
        %get3A_2135 = vector.shape_cast %get3A_2134 : vector<16xf32> to vector<16xf32>
        %add3A_2136 = arith.addf %add3A_1983, %get3A_2135 : vector<16xf32>
        %mul3A_2137 = arith.constant 256 : i32
        %mul3A_2138 = arith.muli %add3A_2059, %mul3A_2137 : i32
        %add3A_2139 = arith.constant 112 : i32
        %add3A_2140 = arith.addi %mul3A_2138, %add3A_2139 : i32
        %get3A_2141 = arith.index_cast %add3A_2140 : i32 to index
        %get3A_2142 = tpu.vector_load %arg6[%get3A_2141] {strides = array<i32>} : memref<51200xf32, #tpu.memory_space<vmem>>, vector<16xf32>,
        %get3A_2143 = vector.shape_cast %get3A_2142 : vector<16xf32> to vector<16xf32>
        %add3A_2144 = arith.addf %add3A_1991, %get3A_2143 : vector<16xf32>
        %mul3A_2145 = arith.constant 256 : i32
        %mul3A_2146 = arith.muli %add3A_2059, %mul3A_2145 : i32
        %add3A_2147 = arith.constant 128 : i32
        %add3A_2148 = arith.addi %mul3A_2146, %add3A_2147 : i32
        %get3A_2149 = arith.index_cast %add3A_2148 : i32 to index
        %get3A_2150 = tpu.vector_load %arg6[%get3A_2149] {strides = array<i32>} : memref<51200xf32, #tpu.memory_space<vmem>>, vector<16xf32>,
        %get3A_2151 = vector.shape_cast %get3A_2150 : vector<16xf32> to vector<16xf32>
        %add3A_2152 = arith.addf %add3A_1999, %get3A_2151 : vector<16xf32>
        %mul3A_2153 = arith.constant 256 : i32
        %mul3A_2154 = arith.muli %add3A_2059, %mul3A_2153 : i32
        %add3A_2155 = arith.constant 144 : i32
        %add3A_2156 = arith.addi %mul3A_2154, %add3A_2155 : i32
        %get3A_2157 = arith.index_cast %add3A_2156 : i32 to index
        %get3A_2158 = tpu.vector_load %arg6[%get3A_2157] {strides = array<i32>} : memref<51200xf32, #tpu.memory_space<vmem>>, vector<16xf32>,
        %get3A_2159 = vector.shape_cast %get3A_2158 : vector<16xf32> to vector<16xf32>
        %add3A_2160 = arith.addf %add3A_2007, %get3A_2159 : vector<16xf32>
        %mul3A_2161 = arith.constant 256 : i32
        %mul3A_2162 = arith.muli %add3A_2059, %mul3A_2161 : i32
        %add3A_2163 = arith.constant 160 : i32
        %add3A_2164 = arith.addi %mul3A_2162, %add3A_2163 : i32
        %get3A_2165 = arith.index_cast %add3A_2164 : i32 to index
        %get3A_2166 = tpu.vector_load %arg6[%get3A_2165] {strides = array<i32>} : memref<51200xf32, #tpu.memory_space<vmem>>, vector<16xf32>,
        %get3A_2167 = vector.shape_cast %get3A_2166 : vector<16xf32> to vector<16xf32>
        %add3A_2168 = arith.addf %add3A_2015, %get3A_2167 : vector<16xf32>
        %mul3A_2169 = arith.constant 256 : i32
        %mul3A_2170 = arith.muli %add3A_2059, %mul3A_2169 : i32
        %add3A_2171 = arith.constant 176 : i32
        %add3A_2172 = arith.addi %mul3A_2170, %add3A_2171 : i32
        %get3A_2173 = arith.index_cast %add3A_2172 : i32 to index
        %get3A_2174 = tpu.vector_load %arg6[%get3A_2173] {strides = array<i32>} : memref<51200xf32, #tpu.memory_space<vmem>>, vector<16xf32>,
        %get3A_2175 = vector.shape_cast %get3A_2174 : vector<16xf32> to vector<16xf32>
        %add3A_2176 = arith.addf %add3A_2023, %get3A_2175 : vector<16xf32>
        %mul3A_2177 = arith.constant 256 : i32
        %mul3A_2178 = arith.muli %add3A_2059, %mul3A_2177 : i32
        %add3A_2179 = arith.constant 192 : i32
        %add3A_2180 = arith.addi %mul3A_2178, %add3A_2179 : i32
        %get3A_2181 = arith.index_cast %add3A_2180 : i32 to index
        %get3A_2182 = tpu.vector_load %arg6[%get3A_2181] {strides = array<i32>} : memref<51200xf32, #tpu.memory_space<vmem>>, vector<16xf32>,
        %get3A_2183 = vector.shape_cast %get3A_2182 : vector<16xf32> to vector<16xf32>
        %add3A_2184 = arith.addf %add3A_2031, %get3A_2183 : vector<16xf32>
        %mul3A_2185 = arith.constant 256 : i32
        %mul3A_2186 = arith.muli %add3A_2059, %mul3A_2185 : i32
        %add3A_2187 = arith.constant 208 : i32
        %add3A_2188 = arith.addi %mul3A_2186, %add3A_2187 : i32
        %get3A_2189 = arith.index_cast %add3A_2188 : i32 to index
        %get3A_2190 = tpu.vector_load %arg6[%get3A_2189] {strides = array<i32>} : memref<51200xf32, #tpu.memory_space<vmem>>, vector<16xf32>,
        %get3A_2191 = vector.shape_cast %get3A_2190 : vector<16xf32> to vector<16xf32>
        %add3A_2192 = arith.addf %add3A_2039, %get3A_2191 : vector<16xf32>
        %mul3A_2193 = arith.constant 256 : i32
        %mul3A_2194 = arith.muli %add3A_2059, %mul3A_2193 : i32
        %add3A_2195 = arith.constant 224 : i32
        %add3A_2196 = arith.addi %mul3A_2194, %add3A_2195 : i32
        %get3A_2197 = arith.index_cast %add3A_2196 : i32 to index
        %get3A_2198 = tpu.vector_load %arg6[%get3A_2197] {strides = array<i32>} : memref<51200xf32, #tpu.memory_space<vmem>>, vector<16xf32>,
        %get3A_2199 = vector.shape_cast %get3A_2198 : vector<16xf32> to vector<16xf32>
        %add3A_2200 = arith.addf %add3A_2047, %get3A_2199 : vector<16xf32>
        %mul3A_2201 = arith.constant 256 : i32
        %mul3A_2202 = arith.muli %add3A_2059, %mul3A_2201 : i32
        %add3A_2203 = arith.constant 240 : i32
        %add3A_2204 = arith.addi %mul3A_2202, %add3A_2203 : i32
        %get3A_2205 = arith.index_cast %add3A_2204 : i32 to index
        %get3A_2206 = tpu.vector_load %arg6[%get3A_2205] {strides = array<i32>} : memref<51200xf32, #tpu.memory_space<vmem>>, vector<16xf32>,
        %get3A_2207 = vector.shape_cast %get3A_2206 : vector<16xf32> to vector<16xf32>
        %add3A_2208 = arith.addf %add3A_2055, %get3A_2207 : vector<16xf32>
        %mul3A_2209 = arith.constant 10 : i32
        %mul3A_2210 = arith.muli %scan3A_972, %mul3A_2209 : i32
        %add3A_2211 = arith.constant 8 : i32
        %add3A_2212 = arith.addi %mul3A_2210, %add3A_2211 : i32
        %mul3A_2213 = arith.constant 256 : i32
        %mul3A_2214 = arith.muli %add3A_2212, %mul3A_2213 : i32
        %mul3A_2215 = arith.constant 256 : i32
        %mul3A_2216 = arith.muli %add3A_2212, %mul3A_2215 : i32
        %dma_wait3A_2217 = arith.constant 8 : i32
        %dma_wait3A_2218 = tpu.memref_slice %arg6[%mul3A_2216] : memref<51200xf32, #tpu.memory_space<vmem>> -> memref<256xf32, #tpu.memory_space<vmem>>
        %dma_wait3A_2219 = tpu.memref_slice %arg5[%mul3A_2214] : memref<51200xi32, #tpu.memory_space<vmem>> -> memref<256xi32, #tpu.memory_space<vmem>>
        %dma_wait3A_2220 = arith.constant 0 : i32
        %dma_wait3A_2221 = tpu.memref_slice %arg3[%dma_wait3A_2220] : memref<1015808xf32, #tpu.memory_space<hbm>> -> memref<1015808xf32, #tpu.memory_space<hbm>>
        %dma_wait3A_2222 = tpu.memref_slice %arg9[%dma_wait3A_2217] : memref<10x!tpu.dma_semaphore, #tpu.memory_space<semaphore_mem>> -> memref<1x!tpu.dma_semaphore, #tpu.memory_space<semaphore_mem>>
        %dma_wait3A_2223 = tpu.memref_squeeze %dma_wait3A_2222 : memref<1x!tpu.dma_semaphore, #tpu.memory_space<semaphore_mem>> -> memref<!tpu.dma_semaphore, #tpu.memory_space<semaphore_mem>>
        tpu.wait_indirect_dma semaphore(%dma_wait3A_2223 : memref<!tpu.dma_semaphore, #tpu.memory_space<semaphore_mem>>) src(%dma_wait3A_2221 : memref<1015808xf32, #tpu.memory_space<hbm>>) dst(%dma_wait3A_2218 : memref<256xf32, #tpu.memory_space<vmem>>)
        %lt3A_2224 = arith.constant 19 : i32
        %lt3A_2225 = arith.cmpi slt, %scan3A_972, %lt3A_2224 : i32
        %convert_element_type3A_2226 = arith.extui %lt3A_2225 : i1 to i32
        %cond3A_2227 = arith.constant 0 : i32
        %cond3A_2228 = arith.cmpi ne, %convert_element_type3A_2226, %cond3A_2227 : i32
        scf.if %cond3A_2228 {
          %add3A_2515 = arith.constant 10 : i32
          %add3A_2516 = arith.addi %add3A_2212, %add3A_2515 : i32
          %mul3A_2517 = arith.constant 256 : i32
          %mul3A_2518 = arith.muli %add3A_2516, %mul3A_2517 : i32
          %dma_wait3A_2519 = arith.constant 8 : i32
          %dma_wait3A_2520 = arith.constant 8 : i32
          %dma_wait3A_2521 = tpu.memref_slice %arg5[%mul3A_2518] : memref<51200xi32, #tpu.memory_space<vmem>> -> memref<256xi32, #tpu.memory_space<vmem>>
          %dma_wait3A_2522 = tpu.memref_slice %arg2[%dma_wait3A_2519, %add3A_11] : memref<200x16384xi32, #tpu.memory_space<hbm>> -> memref<1x256xi32, #tpu.memory_space<hbm>>
          %dma_wait3A_2523 = tpu.memref_squeeze %dma_wait3A_2522 : memref<1x256xi32, #tpu.memory_space<hbm>> -> memref<256xi32, #tpu.memory_space<hbm>>
          %dma_wait3A_2524 = tpu.memref_slice %arg8[%dma_wait3A_2520] : memref<10x!tpu.dma_semaphore, #tpu.memory_space<semaphore_mem>> -> memref<1x!tpu.dma_semaphore, #tpu.memory_space<semaphore_mem>>
          %dma_wait3A_2525 = tpu.memref_squeeze %dma_wait3A_2524 : memref<1x!tpu.dma_semaphore, #tpu.memory_space<semaphore_mem>> -> memref<!tpu.dma_semaphore, #tpu.memory_space<semaphore_mem>>
          %dma_wait3A_2526 = tpu.memref_slice %arg5[%mul3A_2518] : memref<51200xi32, #tpu.memory_space<vmem>> -> memref<256xi32, #tpu.memory_space<vmem>>
          %dma_wait3A_2527 = tpu.memref_slice %arg2[%dma_wait3A_2519, %add3A_11] : memref<200x16384xi32, #tpu.memory_space<hbm>> -> memref<1x256xi32, #tpu.memory_space<hbm>>
          %dma_wait3A_2528 = tpu.memref_squeeze %dma_wait3A_2527 : memref<1x256xi32, #tpu.memory_space<hbm>> -> memref<256xi32, #tpu.memory_space<hbm>>
          tpu.wait_dma2 semaphore(%dma_wait3A_2525 : memref<!tpu.dma_semaphore, #tpu.memory_space<semaphore_mem>>) src(%dma_wait3A_2528 : memref<256xi32, #tpu.memory_space<hbm>>) dst(%dma_wait3A_2526 : memref<256xi32, #tpu.memory_space<vmem>>)
          %add3A_2529 = arith.constant 10 : i32
          %add3A_2530 = arith.addi %add3A_2212, %add3A_2529 : i32
          %mul3A_2531 = arith.constant 256 : i32
          %mul3A_2532 = arith.muli %add3A_2530, %mul3A_2531 : i32
          %add3A_2533 = arith.constant 10 : i32
          %add3A_2534 = arith.addi %add3A_2212, %add3A_2533 : i32
          %mul3A_2535 = arith.constant 256 : i32
          %mul3A_2536 = arith.muli %add3A_2534, %mul3A_2535 : i32
          %dma_start3A_2537 = arith.constant 8 : i32
          %dma_start3A_2538 = tpu.memref_slice %arg6[%mul3A_2536] : memref<51200xf32, #tpu.memory_space<vmem>> -> memref<256xf32, #tpu.memory_space<vmem>>
          %dma_start3A_2539 = tpu.memref_slice %arg5[%mul3A_2532] : memref<51200xi32, #tpu.memory_space<vmem>> -> memref<256xi32, #tpu.memory_space<vmem>>
          %dma_start3A_2540 = arith.constant 0 : i32
          %dma_start3A_2541 = tpu.memref_slice %arg3[%dma_start3A_2540] : memref<1015808xf32, #tpu.memory_space<hbm>> -> memref<1015808xf32, #tpu.memory_space<hbm>>
          %dma_start3A_2542 = tpu.memref_slice %arg9[%dma_start3A_2537] : memref<10x!tpu.dma_semaphore, #tpu.memory_space<semaphore_mem>> -> memref<1x!tpu.dma_semaphore, #tpu.memory_space<semaphore_mem>>
          %dma_start3A_2543 = tpu.memref_squeeze %dma_start3A_2542 : memref<1x!tpu.dma_semaphore, #tpu.memory_space<semaphore_mem>> -> memref<!tpu.dma_semaphore, #tpu.memory_space<semaphore_mem>>
          tpu.enqueue_indirect_dma source(%dma_start3A_2541 : memref<1015808xf32, #tpu.memory_space<hbm>>) target(%dma_start3A_2538 : memref<256xf32, #tpu.memory_space<vmem>>) offsets(%dma_start3A_2539 : memref<256xi32, #tpu.memory_space<vmem>>) semaphore(%dma_start3A_2543 : memref<!tpu.dma_semaphore, #tpu.memory_space<semaphore_mem>>)
        } else {
        }
        %lt3A_2229 = arith.constant 18 : i32
        %lt3A_2230 = arith.cmpi slt, %scan3A_972, %lt3A_2229 : i32
        %convert_element_type3A_2231 = arith.extui %lt3A_2230 : i1 to i32
        %cond3A_2232 = arith.constant 0 : i32
        %cond3A_2233 = arith.cmpi ne, %convert_element_type3A_2231, %cond3A_2232 : i32
        scf.if %cond3A_2233 {
          %add3A_2515 = arith.constant 20 : i32
          %add3A_2516 = arith.addi %add3A_2212, %add3A_2515 : i32
          %add3A_2517 = arith.constant 20 : i32
          %add3A_2518 = arith.addi %add3A_2212, %add3A_2517 : i32
          %mul3A_2519 = arith.constant 256 : i32
          %mul3A_2520 = arith.muli %add3A_2518, %mul3A_2519 : i32
          %dma_start3A_2521 = arith.constant 8 : i32
          %dma_start3A_2522 = tpu.memref_slice %arg5[%mul3A_2520] : memref<51200xi32, #tpu.memory_space<vmem>> -> memref<256xi32, #tpu.memory_space<vmem>>
          %dma_start3A_2523 = tpu.memref_slice %arg2[%add3A_2516, %add3A_11] : memref<200x16384xi32, #tpu.memory_space<hbm>> -> memref<1x256xi32, #tpu.memory_space<hbm>>
          %dma_start3A_2524 = tpu.memref_squeeze %dma_start3A_2523 : memref<1x256xi32, #tpu.memory_space<hbm>> -> memref<256xi32, #tpu.memory_space<hbm>>
          %dma_start3A_2525 = tpu.memref_slice %arg8[%dma_start3A_2521] : memref<10x!tpu.dma_semaphore, #tpu.memory_space<semaphore_mem>> -> memref<1x!tpu.dma_semaphore, #tpu.memory_space<semaphore_mem>>
          %dma_start3A_2526 = tpu.memref_squeeze %dma_start3A_2525 : memref<1x!tpu.dma_semaphore, #tpu.memory_space<semaphore_mem>> -> memref<!tpu.dma_semaphore, #tpu.memory_space<semaphore_mem>>
          %dma_start3A_2527 = tpu.memref_slice %arg5[%mul3A_2520] : memref<51200xi32, #tpu.memory_space<vmem>> -> memref<256xi32, #tpu.memory_space<vmem>>
          %dma_start3A_2528 = tpu.memref_slice %arg2[%add3A_2516, %add3A_11] : memref<200x16384xi32, #tpu.memory_space<hbm>> -> memref<1x256xi32, #tpu.memory_space<hbm>>
          %dma_start3A_2529 = tpu.memref_squeeze %dma_start3A_2528 : memref<1x256xi32, #tpu.memory_space<hbm>> -> memref<256xi32, #tpu.memory_space<hbm>>
          tpu.enqueue_dma source(%dma_start3A_2529 : memref<256xi32, #tpu.memory_space<hbm>>) target(%dma_start3A_2527 : memref<256xi32, #tpu.memory_space<vmem>>) target_semaphore(%dma_start3A_2526 : memref<!tpu.dma_semaphore, #tpu.memory_space<semaphore_mem>>)
        } else {
        }
        %mul3A_2234 = arith.constant 256 : i32
        %mul3A_2235 = arith.muli %add3A_2212, %mul3A_2234 : i32
        %add3A_2236 = arith.constant 0 : i32
        %add3A_2237 = arith.addi %mul3A_2235, %add3A_2236 : i32
        %get3A_2238 = arith.index_cast %add3A_2237 : i32 to index
        %get3A_2239 = tpu.vector_load %arg6[%get3A_2238] {strides = array<i32>} : memref<51200xf32, #tpu.memory_space<vmem>>, vector<16xf32>,
        %get3A_2240 = vector.shape_cast %get3A_2239 : vector<16xf32> to vector<16xf32>
        %add3A_2241 = arith.addf %add3A_2088, %get3A_2240 : vector<16xf32>
        %mul3A_2242 = arith.constant 256 : i32
        %mul3A_2243 = arith.muli %add3A_2212, %mul3A_2242 : i32
        %add3A_2244 = arith.constant 16 : i32
        %add3A_2245 = arith.addi %mul3A_2243, %add3A_2244 : i32
        %get3A_2246 = arith.index_cast %add3A_2245 : i32 to index
        %get3A_2247 = tpu.vector_load %arg6[%get3A_2246] {strides = array<i32>} : memref<51200xf32, #tpu.memory_space<vmem>>, vector<16xf32>,
        %get3A_2248 = vector.shape_cast %get3A_2247 : vector<16xf32> to vector<16xf32>
        %add3A_2249 = arith.addf %add3A_2096, %get3A_2248 : vector<16xf32>
        %mul3A_2250 = arith.constant 256 : i32
        %mul3A_2251 = arith.muli %add3A_2212, %mul3A_2250 : i32
        %add3A_2252 = arith.constant 32 : i32
        %add3A_2253 = arith.addi %mul3A_2251, %add3A_2252 : i32
        %get3A_2254 = arith.index_cast %add3A_2253 : i32 to index
        %get3A_2255 = tpu.vector_load %arg6[%get3A_2254] {strides = array<i32>} : memref<51200xf32, #tpu.memory_space<vmem>>, vector<16xf32>,
        %get3A_2256 = vector.shape_cast %get3A_2255 : vector<16xf32> to vector<16xf32>
        %add3A_2257 = arith.addf %add3A_2104, %get3A_2256 : vector<16xf32>
        %mul3A_2258 = arith.constant 256 : i32
        %mul3A_2259 = arith.muli %add3A_2212, %mul3A_2258 : i32
        %add3A_2260 = arith.constant 48 : i32
        %add3A_2261 = arith.addi %mul3A_2259, %add3A_2260 : i32
        %get3A_2262 = arith.index_cast %add3A_2261 : i32 to index
        %get3A_2263 = tpu.vector_load %arg6[%get3A_2262] {strides = array<i32>} : memref<51200xf32, #tpu.memory_space<vmem>>, vector<16xf32>,
        %get3A_2264 = vector.shape_cast %get3A_2263 : vector<16xf32> to vector<16xf32>
        %add3A_2265 = arith.addf %add3A_2112, %get3A_2264 : vector<16xf32>
        %mul3A_2266 = arith.constant 256 : i32
        %mul3A_2267 = arith.muli %add3A_2212, %mul3A_2266 : i32
        %add3A_2268 = arith.constant 64 : i32
        %add3A_2269 = arith.addi %mul3A_2267, %add3A_2268 : i32
        %get3A_2270 = arith.index_cast %add3A_2269 : i32 to index
        %get3A_2271 = tpu.vector_load %arg6[%get3A_2270] {strides = array<i32>} : memref<51200xf32, #tpu.memory_space<vmem>>, vector<16xf32>,
        %get3A_2272 = vector.shape_cast %get3A_2271 : vector<16xf32> to vector<16xf32>
        %add3A_2273 = arith.addf %add3A_2120, %get3A_2272 : vector<16xf32>
        %mul3A_2274 = arith.constant 256 : i32
        %mul3A_2275 = arith.muli %add3A_2212, %mul3A_2274 : i32
        %add3A_2276 = arith.constant 80 : i32
        %add3A_2277 = arith.addi %mul3A_2275, %add3A_2276 : i32
        %get3A_2278 = arith.index_cast %add3A_2277 : i32 to index
        %get3A_2279 = tpu.vector_load %arg6[%get3A_2278] {strides = array<i32>} : memref<51200xf32, #tpu.memory_space<vmem>>, vector<16xf32>,
        %get3A_2280 = vector.shape_cast %get3A_2279 : vector<16xf32> to vector<16xf32>
        %add3A_2281 = arith.addf %add3A_2128, %get3A_2280 : vector<16xf32>
        %mul3A_2282 = arith.constant 256 : i32
        %mul3A_2283 = arith.muli %add3A_2212, %mul3A_2282 : i32
        %add3A_2284 = arith.constant 96 : i32
        %add3A_2285 = arith.addi %mul3A_2283, %add3A_2284 : i32
        %get3A_2286 = arith.index_cast %add3A_2285 : i32 to index
        %get3A_2287 = tpu.vector_load %arg6[%get3A_2286] {strides = array<i32>} : memref<51200xf32, #tpu.memory_space<vmem>>, vector<16xf32>,
        %get3A_2288 = vector.shape_cast %get3A_2287 : vector<16xf32> to vector<16xf32>
        %add3A_2289 = arith.addf %add3A_2136, %get3A_2288 : vector<16xf32>
        %mul3A_2290 = arith.constant 256 : i32
        %mul3A_2291 = arith.muli %add3A_2212, %mul3A_2290 : i32
        %add3A_2292 = arith.constant 112 : i32
        %add3A_2293 = arith.addi %mul3A_2291, %add3A_2292 : i32
        %get3A_2294 = arith.index_cast %add3A_2293 : i32 to index
        %get3A_2295 = tpu.vector_load %arg6[%get3A_2294] {strides = array<i32>} : memref<51200xf32, #tpu.memory_space<vmem>>, vector<16xf32>,
        %get3A_2296 = vector.shape_cast %get3A_2295 : vector<16xf32> to vector<16xf32>
        %add3A_2297 = arith.addf %add3A_2144, %get3A_2296 : vector<16xf32>
        %mul3A_2298 = arith.constant 256 : i32
        %mul3A_2299 = arith.muli %add3A_2212, %mul3A_2298 : i32
        %add3A_2300 = arith.constant 128 : i32
        %add3A_2301 = arith.addi %mul3A_2299, %add3A_2300 : i32
        %get3A_2302 = arith.index_cast %add3A_2301 : i32 to index
        %get3A_2303 = tpu.vector_load %arg6[%get3A_2302] {strides = array<i32>} : memref<51200xf32, #tpu.memory_space<vmem>>, vector<16xf32>,
        %get3A_2304 = vector.shape_cast %get3A_2303 : vector<16xf32> to vector<16xf32>
        %add3A_2305 = arith.addf %add3A_2152, %get3A_2304 : vector<16xf32>
        %mul3A_2306 = arith.constant 256 : i32
        %mul3A_2307 = arith.muli %add3A_2212, %mul3A_2306 : i32
        %add3A_2308 = arith.constant 144 : i32
        %add3A_2309 = arith.addi %mul3A_2307, %add3A_2308 : i32
        %get3A_2310 = arith.index_cast %add3A_2309 : i32 to index
        %get3A_2311 = tpu.vector_load %arg6[%get3A_2310] {strides = array<i32>} : memref<51200xf32, #tpu.memory_space<vmem>>, vector<16xf32>,
        %get3A_2312 = vector.shape_cast %get3A_2311 : vector<16xf32> to vector<16xf32>
        %add3A_2313 = arith.addf %add3A_2160, %get3A_2312 : vector<16xf32>
        %mul3A_2314 = arith.constant 256 : i32
        %mul3A_2315 = arith.muli %add3A_2212, %mul3A_2314 : i32
        %add3A_2316 = arith.constant 160 : i32
        %add3A_2317 = arith.addi %mul3A_2315, %add3A_2316 : i32
        %get3A_2318 = arith.index_cast %add3A_2317 : i32 to index
        %get3A_2319 = tpu.vector_load %arg6[%get3A_2318] {strides = array<i32>} : memref<51200xf32, #tpu.memory_space<vmem>>, vector<16xf32>,
        %get3A_2320 = vector.shape_cast %get3A_2319 : vector<16xf32> to vector<16xf32>
        %add3A_2321 = arith.addf %add3A_2168, %get3A_2320 : vector<16xf32>
        %mul3A_2322 = arith.constant 256 : i32
        %mul3A_2323 = arith.muli %add3A_2212, %mul3A_2322 : i32
        %add3A_2324 = arith.constant 176 : i32
        %add3A_2325 = arith.addi %mul3A_2323, %add3A_2324 : i32
        %get3A_2326 = arith.index_cast %add3A_2325 : i32 to index
        %get3A_2327 = tpu.vector_load %arg6[%get3A_2326] {strides = array<i32>} : memref<51200xf32, #tpu.memory_space<vmem>>, vector<16xf32>,
        %get3A_2328 = vector.shape_cast %get3A_2327 : vector<16xf32> to vector<16xf32>
        %add3A_2329 = arith.addf %add3A_2176, %get3A_2328 : vector<16xf32>
        %mul3A_2330 = arith.constant 256 : i32
        %mul3A_2331 = arith.muli %add3A_2212, %mul3A_2330 : i32
        %add3A_2332 = arith.constant 192 : i32
        %add3A_2333 = arith.addi %mul3A_2331, %add3A_2332 : i32
        %get3A_2334 = arith.index_cast %add3A_2333 : i32 to index
        %get3A_2335 = tpu.vector_load %arg6[%get3A_2334] {strides = array<i32>} : memref<51200xf32, #tpu.memory_space<vmem>>, vector<16xf32>,
        %get3A_2336 = vector.shape_cast %get3A_2335 : vector<16xf32> to vector<16xf32>
        %add3A_2337 = arith.addf %add3A_2184, %get3A_2336 : vector<16xf32>
        %mul3A_2338 = arith.constant 256 : i32
        %mul3A_2339 = arith.muli %add3A_2212, %mul3A_2338 : i32
        %add3A_2340 = arith.constant 208 : i32
        %add3A_2341 = arith.addi %mul3A_2339, %add3A_2340 : i32
        %get3A_2342 = arith.index_cast %add3A_2341 : i32 to index
        %get3A_2343 = tpu.vector_load %arg6[%get3A_2342] {strides = array<i32>} : memref<51200xf32, #tpu.memory_space<vmem>>, vector<16xf32>,
        %get3A_2344 = vector.shape_cast %get3A_2343 : vector<16xf32> to vector<16xf32>
        %add3A_2345 = arith.addf %add3A_2192, %get3A_2344 : vector<16xf32>
        %mul3A_2346 = arith.constant 256 : i32
        %mul3A_2347 = arith.muli %add3A_2212, %mul3A_2346 : i32
        %add3A_2348 = arith.constant 224 : i32
        %add3A_2349 = arith.addi %mul3A_2347, %add3A_2348 : i32
        %get3A_2350 = arith.index_cast %add3A_2349 : i32 to index
        %get3A_2351 = tpu.vector_load %arg6[%get3A_2350] {strides = array<i32>} : memref<51200xf32, #tpu.memory_space<vmem>>, vector<16xf32>,
        %get3A_2352 = vector.shape_cast %get3A_2351 : vector<16xf32> to vector<16xf32>
        %add3A_2353 = arith.addf %add3A_2200, %get3A_2352 : vector<16xf32>
        %mul3A_2354 = arith.constant 256 : i32
        %mul3A_2355 = arith.muli %add3A_2212, %mul3A_2354 : i32
        %add3A_2356 = arith.constant 240 : i32
        %add3A_2357 = arith.addi %mul3A_2355, %add3A_2356 : i32
        %get3A_2358 = arith.index_cast %add3A_2357 : i32 to index
        %get3A_2359 = tpu.vector_load %arg6[%get3A_2358] {strides = array<i32>} : memref<51200xf32, #tpu.memory_space<vmem>>, vector<16xf32>,
        %get3A_2360 = vector.shape_cast %get3A_2359 : vector<16xf32> to vector<16xf32>
        %add3A_2361 = arith.addf %add3A_2208, %get3A_2360 : vector<16xf32>
        %mul3A_2362 = arith.constant 10 : i32
        %mul3A_2363 = arith.muli %scan3A_972, %mul3A_2362 : i32
        %add3A_2364 = arith.constant 9 : i32
        %add3A_2365 = arith.addi %mul3A_2363, %add3A_2364 : i32
        %mul3A_2366 = arith.constant 256 : i32
        %mul3A_2367 = arith.muli %add3A_2365, %mul3A_2366 : i32
        %mul3A_2368 = arith.constant 256 : i32
        %mul3A_2369 = arith.muli %add3A_2365, %mul3A_2368 : i32
        %dma_wait3A_2370 = arith.constant 9 : i32
        %dma_wait3A_2371 = tpu.memref_slice %arg6[%mul3A_2369] : memref<51200xf32, #tpu.memory_space<vmem>> -> memref<256xf32, #tpu.memory_space<vmem>>
        %dma_wait3A_2372 = tpu.memref_slice %arg5[%mul3A_2367] : memref<51200xi32, #tpu.memory_space<vmem>> -> memref<256xi32, #tpu.memory_space<vmem>>
        %dma_wait3A_2373 = arith.constant 0 : i32
        %dma_wait3A_2374 = tpu.memref_slice %arg3[%dma_wait3A_2373] : memref<1015808xf32, #tpu.memory_space<hbm>> -> memref<1015808xf32, #tpu.memory_space<hbm>>
        %dma_wait3A_2375 = tpu.memref_slice %arg9[%dma_wait3A_2370] : memref<10x!tpu.dma_semaphore, #tpu.memory_space<semaphore_mem>> -> memref<1x!tpu.dma_semaphore, #tpu.memory_space<semaphore_mem>>
        %dma_wait3A_2376 = tpu.memref_squeeze %dma_wait3A_2375 : memref<1x!tpu.dma_semaphore, #tpu.memory_space<semaphore_mem>> -> memref<!tpu.dma_semaphore, #tpu.memory_space<semaphore_mem>>
        tpu.wait_indirect_dma semaphore(%dma_wait3A_2376 : memref<!tpu.dma_semaphore, #tpu.memory_space<semaphore_mem>>) src(%dma_wait3A_2374 : memref<1015808xf32, #tpu.memory_space<hbm>>) dst(%dma_wait3A_2371 : memref<256xf32, #tpu.memory_space<vmem>>)
        %lt3A_2377 = arith.constant 19 : i32
        %lt3A_2378 = arith.cmpi slt, %scan3A_972, %lt3A_2377 : i32
        %convert_element_type3A_2379 = arith.extui %lt3A_2378 : i1 to i32
        %cond3A_2380 = arith.constant 0 : i32
        %cond3A_2381 = arith.cmpi ne, %convert_element_type3A_2379, %cond3A_2380 : i32
        scf.if %cond3A_2381 {
          %add3A_2515 = arith.constant 10 : i32
          %add3A_2516 = arith.addi %add3A_2365, %add3A_2515 : i32
          %mul3A_2517 = arith.constant 256 : i32
          %mul3A_2518 = arith.muli %add3A_2516, %mul3A_2517 : i32
          %dma_wait3A_2519 = arith.constant 9 : i32
          %dma_wait3A_2520 = arith.constant 9 : i32
          %dma_wait3A_2521 = tpu.memref_slice %arg5[%mul3A_2518] : memref<51200xi32, #tpu.memory_space<vmem>> -> memref<256xi32, #tpu.memory_space<vmem>>
          %dma_wait3A_2522 = tpu.memref_slice %arg2[%dma_wait3A_2519, %add3A_11] : memref<200x16384xi32, #tpu.memory_space<hbm>> -> memref<1x256xi32, #tpu.memory_space<hbm>>
          %dma_wait3A_2523 = tpu.memref_squeeze %dma_wait3A_2522 : memref<1x256xi32, #tpu.memory_space<hbm>> -> memref<256xi32, #tpu.memory_space<hbm>>
          %dma_wait3A_2524 = tpu.memref_slice %arg8[%dma_wait3A_2520] : memref<10x!tpu.dma_semaphore, #tpu.memory_space<semaphore_mem>> -> memref<1x!tpu.dma_semaphore, #tpu.memory_space<semaphore_mem>>
          %dma_wait3A_2525 = tpu.memref_squeeze %dma_wait3A_2524 : memref<1x!tpu.dma_semaphore, #tpu.memory_space<semaphore_mem>> -> memref<!tpu.dma_semaphore, #tpu.memory_space<semaphore_mem>>
          %dma_wait3A_2526 = tpu.memref_slice %arg5[%mul3A_2518] : memref<51200xi32, #tpu.memory_space<vmem>> -> memref<256xi32, #tpu.memory_space<vmem>>
          %dma_wait3A_2527 = tpu.memref_slice %arg2[%dma_wait3A_2519, %add3A_11] : memref<200x16384xi32, #tpu.memory_space<hbm>> -> memref<1x256xi32, #tpu.memory_space<hbm>>
          %dma_wait3A_2528 = tpu.memref_squeeze %dma_wait3A_2527 : memref<1x256xi32, #tpu.memory_space<hbm>> -> memref<256xi32, #tpu.memory_space<hbm>>
          tpu.wait_dma2 semaphore(%dma_wait3A_2525 : memref<!tpu.dma_semaphore, #tpu.memory_space<semaphore_mem>>) src(%dma_wait3A_2528 : memref<256xi32, #tpu.memory_space<hbm>>) dst(%dma_wait3A_2526 : memref<256xi32, #tpu.memory_space<vmem>>)
          %add3A_2529 = arith.constant 10 : i32
          %add3A_2530 = arith.addi %add3A_2365, %add3A_2529 : i32
          %mul3A_2531 = arith.constant 256 : i32
          %mul3A_2532 = arith.muli %add3A_2530, %mul3A_2531 : i32
          %add3A_2533 = arith.constant 10 : i32
          %add3A_2534 = arith.addi %add3A_2365, %add3A_2533 : i32
          %mul3A_2535 = arith.constant 256 : i32
          %mul3A_2536 = arith.muli %add3A_2534, %mul3A_2535 : i32
          %dma_start3A_2537 = arith.constant 9 : i32
          %dma_start3A_2538 = tpu.memref_slice %arg6[%mul3A_2536] : memref<51200xf32, #tpu.memory_space<vmem>> -> memref<256xf32, #tpu.memory_space<vmem>>
          %dma_start3A_2539 = tpu.memref_slice %arg5[%mul3A_2532] : memref<51200xi32, #tpu.memory_space<vmem>> -> memref<256xi32, #tpu.memory_space<vmem>>
          %dma_start3A_2540 = arith.constant 0 : i32
          %dma_start3A_2541 = tpu.memref_slice %arg3[%dma_start3A_2540] : memref<1015808xf32, #tpu.memory_space<hbm>> -> memref<1015808xf32, #tpu.memory_space<hbm>>
          %dma_start3A_2542 = tpu.memref_slice %arg9[%dma_start3A_2537] : memref<10x!tpu.dma_semaphore, #tpu.memory_space<semaphore_mem>> -> memref<1x!tpu.dma_semaphore, #tpu.memory_space<semaphore_mem>>
          %dma_start3A_2543 = tpu.memref_squeeze %dma_start3A_2542 : memref<1x!tpu.dma_semaphore, #tpu.memory_space<semaphore_mem>> -> memref<!tpu.dma_semaphore, #tpu.memory_space<semaphore_mem>>
          tpu.enqueue_indirect_dma source(%dma_start3A_2541 : memref<1015808xf32, #tpu.memory_space<hbm>>) target(%dma_start3A_2538 : memref<256xf32, #tpu.memory_space<vmem>>) offsets(%dma_start3A_2539 : memref<256xi32, #tpu.memory_space<vmem>>) semaphore(%dma_start3A_2543 : memref<!tpu.dma_semaphore, #tpu.memory_space<semaphore_mem>>)
        } else {
        }
        %lt3A_2382 = arith.constant 18 : i32
        %lt3A_2383 = arith.cmpi slt, %scan3A_972, %lt3A_2382 : i32
        %convert_element_type3A_2384 = arith.extui %lt3A_2383 : i1 to i32
        %cond3A_2385 = arith.constant 0 : i32
        %cond3A_2386 = arith.cmpi ne, %convert_element_type3A_2384, %cond3A_2385 : i32
        scf.if %cond3A_2386 {
          %add3A_2515 = arith.constant 20 : i32
          %add3A_2516 = arith.addi %add3A_2365, %add3A_2515 : i32
          %add3A_2517 = arith.constant 20 : i32
          %add3A_2518 = arith.addi %add3A_2365, %add3A_2517 : i32
          %mul3A_2519 = arith.constant 256 : i32
          %mul3A_2520 = arith.muli %add3A_2518, %mul3A_2519 : i32
          %dma_start3A_2521 = arith.constant 9 : i32
          %dma_start3A_2522 = tpu.memref_slice %arg5[%mul3A_2520] : memref<51200xi32, #tpu.memory_space<vmem>> -> memref<256xi32, #tpu.memory_space<vmem>>
          %dma_start3A_2523 = tpu.memref_slice %arg2[%add3A_2516, %add3A_11] : memref<200x16384xi32, #tpu.memory_space<hbm>> -> memref<1x256xi32, #tpu.memory_space<hbm>>
          %dma_start3A_2524 = tpu.memref_squeeze %dma_start3A_2523 : memref<1x256xi32, #tpu.memory_space<hbm>> -> memref<256xi32, #tpu.memory_space<hbm>>
          %dma_start3A_2525 = tpu.memref_slice %arg8[%dma_start3A_2521] : memref<10x!tpu.dma_semaphore, #tpu.memory_space<semaphore_mem>> -> memref<1x!tpu.dma_semaphore, #tpu.memory_space<semaphore_mem>>
          %dma_start3A_2526 = tpu.memref_squeeze %dma_start3A_2525 : memref<1x!tpu.dma_semaphore, #tpu.memory_space<semaphore_mem>> -> memref<!tpu.dma_semaphore, #tpu.memory_space<semaphore_mem>>
          %dma_start3A_2527 = tpu.memref_slice %arg5[%mul3A_2520] : memref<51200xi32, #tpu.memory_space<vmem>> -> memref<256xi32, #tpu.memory_space<vmem>>
          %dma_start3A_2528 = tpu.memref_slice %arg2[%add3A_2516, %add3A_11] : memref<200x16384xi32, #tpu.memory_space<hbm>> -> memref<1x256xi32, #tpu.memory_space<hbm>>
          %dma_start3A_2529 = tpu.memref_squeeze %dma_start3A_2528 : memref<1x256xi32, #tpu.memory_space<hbm>> -> memref<256xi32, #tpu.memory_space<hbm>>
          tpu.enqueue_dma source(%dma_start3A_2529 : memref<256xi32, #tpu.memory_space<hbm>>) target(%dma_start3A_2527 : memref<256xi32, #tpu.memory_space<vmem>>) target_semaphore(%dma_start3A_2526 : memref<!tpu.dma_semaphore, #tpu.memory_space<semaphore_mem>>)
        } else {
        }
        %mul3A_2387 = arith.constant 256 : i32
        %mul3A_2388 = arith.muli %add3A_2365, %mul3A_2387 : i32
        %add3A_2389 = arith.constant 0 : i32
        %add3A_2390 = arith.addi %mul3A_2388, %add3A_2389 : i32
        %get3A_2391 = arith.index_cast %add3A_2390 : i32 to index
        %get3A_2392 = tpu.vector_load %arg6[%get3A_2391] {strides = array<i32>} : memref<51200xf32, #tpu.memory_space<vmem>>, vector<16xf32>,
        %get3A_2393 = vector.shape_cast %get3A_2392 : vector<16xf32> to vector<16xf32>
        %add3A_2394 = arith.addf %add3A_2241, %get3A_2393 : vector<16xf32>
        %mul3A_2395 = arith.constant 256 : i32
        %mul3A_2396 = arith.muli %add3A_2365, %mul3A_2395 : i32
        %add3A_2397 = arith.constant 16 : i32
        %add3A_2398 = arith.addi %mul3A_2396, %add3A_2397 : i32
        %get3A_2399 = arith.index_cast %add3A_2398 : i32 to index
        %get3A_2400 = tpu.vector_load %arg6[%get3A_2399] {strides = array<i32>} : memref<51200xf32, #tpu.memory_space<vmem>>, vector<16xf32>,
        %get3A_2401 = vector.shape_cast %get3A_2400 : vector<16xf32> to vector<16xf32>
        %add3A_2402 = arith.addf %add3A_2249, %get3A_2401 : vector<16xf32>
        %mul3A_2403 = arith.constant 256 : i32
        %mul3A_2404 = arith.muli %add3A_2365, %mul3A_2403 : i32
        %add3A_2405 = arith.constant 32 : i32
        %add3A_2406 = arith.addi %mul3A_2404, %add3A_2405 : i32
        %get3A_2407 = arith.index_cast %add3A_2406 : i32 to index
        %get3A_2408 = tpu.vector_load %arg6[%get3A_2407] {strides = array<i32>} : memref<51200xf32, #tpu.memory_space<vmem>>, vector<16xf32>,
        %get3A_2409 = vector.shape_cast %get3A_2408 : vector<16xf32> to vector<16xf32>
        %add3A_2410 = arith.addf %add3A_2257, %get3A_2409 : vector<16xf32>
        %mul3A_2411 = arith.constant 256 : i32
        %mul3A_2412 = arith.muli %add3A_2365, %mul3A_2411 : i32
        %add3A_2413 = arith.constant 48 : i32
        %add3A_2414 = arith.addi %mul3A_2412, %add3A_2413 : i32
        %get3A_2415 = arith.index_cast %add3A_2414 : i32 to index
        %get3A_2416 = tpu.vector_load %arg6[%get3A_2415] {strides = array<i32>} : memref<51200xf32, #tpu.memory_space<vmem>>, vector<16xf32>,
        %get3A_2417 = vector.shape_cast %get3A_2416 : vector<16xf32> to vector<16xf32>
        %add3A_2418 = arith.addf %add3A_2265, %get3A_2417 : vector<16xf32>
        %mul3A_2419 = arith.constant 256 : i32
        %mul3A_2420 = arith.muli %add3A_2365, %mul3A_2419 : i32
        %add3A_2421 = arith.constant 64 : i32
        %add3A_2422 = arith.addi %mul3A_2420, %add3A_2421 : i32
        %get3A_2423 = arith.index_cast %add3A_2422 : i32 to index
        %get3A_2424 = tpu.vector_load %arg6[%get3A_2423] {strides = array<i32>} : memref<51200xf32, #tpu.memory_space<vmem>>, vector<16xf32>,
        %get3A_2425 = vector.shape_cast %get3A_2424 : vector<16xf32> to vector<16xf32>
        %add3A_2426 = arith.addf %add3A_2273, %get3A_2425 : vector<16xf32>
        %mul3A_2427 = arith.constant 256 : i32
        %mul3A_2428 = arith.muli %add3A_2365, %mul3A_2427 : i32
        %add3A_2429 = arith.constant 80 : i32
        %add3A_2430 = arith.addi %mul3A_2428, %add3A_2429 : i32
        %get3A_2431 = arith.index_cast %add3A_2430 : i32 to index
        %get3A_2432 = tpu.vector_load %arg6[%get3A_2431] {strides = array<i32>} : memref<51200xf32, #tpu.memory_space<vmem>>, vector<16xf32>,
        %get3A_2433 = vector.shape_cast %get3A_2432 : vector<16xf32> to vector<16xf32>
        %add3A_2434 = arith.addf %add3A_2281, %get3A_2433 : vector<16xf32>
        %mul3A_2435 = arith.constant 256 : i32
        %mul3A_2436 = arith.muli %add3A_2365, %mul3A_2435 : i32
        %add3A_2437 = arith.constant 96 : i32
        %add3A_2438 = arith.addi %mul3A_2436, %add3A_2437 : i32
        %get3A_2439 = arith.index_cast %add3A_2438 : i32 to index
        %get3A_2440 = tpu.vector_load %arg6[%get3A_2439] {strides = array<i32>} : memref<51200xf32, #tpu.memory_space<vmem>>, vector<16xf32>,
        %get3A_2441 = vector.shape_cast %get3A_2440 : vector<16xf32> to vector<16xf32>
        %add3A_2442 = arith.addf %add3A_2289, %get3A_2441 : vector<16xf32>
        %mul3A_2443 = arith.constant 256 : i32
        %mul3A_2444 = arith.muli %add3A_2365, %mul3A_2443 : i32
        %add3A_2445 = arith.constant 112 : i32
        %add3A_2446 = arith.addi %mul3A_2444, %add3A_2445 : i32
        %get3A_2447 = arith.index_cast %add3A_2446 : i32 to index
        %get3A_2448 = tpu.vector_load %arg6[%get3A_2447] {strides = array<i32>} : memref<51200xf32, #tpu.memory_space<vmem>>, vector<16xf32>,
        %get3A_2449 = vector.shape_cast %get3A_2448 : vector<16xf32> to vector<16xf32>
        %add3A_2450 = arith.addf %add3A_2297, %get3A_2449 : vector<16xf32>
        %mul3A_2451 = arith.constant 256 : i32
        %mul3A_2452 = arith.muli %add3A_2365, %mul3A_2451 : i32
        %add3A_2453 = arith.constant 128 : i32
        %add3A_2454 = arith.addi %mul3A_2452, %add3A_2453 : i32
        %get3A_2455 = arith.index_cast %add3A_2454 : i32 to index
        %get3A_2456 = tpu.vector_load %arg6[%get3A_2455] {strides = array<i32>} : memref<51200xf32, #tpu.memory_space<vmem>>, vector<16xf32>,
        %get3A_2457 = vector.shape_cast %get3A_2456 : vector<16xf32> to vector<16xf32>
        %add3A_2458 = arith.addf %add3A_2305, %get3A_2457 : vector<16xf32>
        %mul3A_2459 = arith.constant 256 : i32
        %mul3A_2460 = arith.muli %add3A_2365, %mul3A_2459 : i32
        %add3A_2461 = arith.constant 144 : i32
        %add3A_2462 = arith.addi %mul3A_2460, %add3A_2461 : i32
        %get3A_2463 = arith.index_cast %add3A_2462 : i32 to index
        %get3A_2464 = tpu.vector_load %arg6[%get3A_2463] {strides = array<i32>} : memref<51200xf32, #tpu.memory_space<vmem>>, vector<16xf32>,
        %get3A_2465 = vector.shape_cast %get3A_2464 : vector<16xf32> to vector<16xf32>
        %add3A_2466 = arith.addf %add3A_2313, %get3A_2465 : vector<16xf32>
        %mul3A_2467 = arith.constant 256 : i32
        %mul3A_2468 = arith.muli %add3A_2365, %mul3A_2467 : i32
        %add3A_2469 = arith.constant 160 : i32
        %add3A_2470 = arith.addi %mul3A_2468, %add3A_2469 : i32
        %get3A_2471 = arith.index_cast %add3A_2470 : i32 to index
        %get3A_2472 = tpu.vector_load %arg6[%get3A_2471] {strides = array<i32>} : memref<51200xf32, #tpu.memory_space<vmem>>, vector<16xf32>,
        %get3A_2473 = vector.shape_cast %get3A_2472 : vector<16xf32> to vector<16xf32>
        %add3A_2474 = arith.addf %add3A_2321, %get3A_2473 : vector<16xf32>
        %mul3A_2475 = arith.constant 256 : i32
        %mul3A_2476 = arith.muli %add3A_2365, %mul3A_2475 : i32
        %add3A_2477 = arith.constant 176 : i32
        %add3A_2478 = arith.addi %mul3A_2476, %add3A_2477 : i32
        %get3A_2479 = arith.index_cast %add3A_2478 : i32 to index
        %get3A_2480 = tpu.vector_load %arg6[%get3A_2479] {strides = array<i32>} : memref<51200xf32, #tpu.memory_space<vmem>>, vector<16xf32>,
        %get3A_2481 = vector.shape_cast %get3A_2480 : vector<16xf32> to vector<16xf32>
        %add3A_2482 = arith.addf %add3A_2329, %get3A_2481 : vector<16xf32>
        %mul3A_2483 = arith.constant 256 : i32
        %mul3A_2484 = arith.muli %add3A_2365, %mul3A_2483 : i32
        %add3A_2485 = arith.constant 192 : i32
        %add3A_2486 = arith.addi %mul3A_2484, %add3A_2485 : i32
        %get3A_2487 = arith.index_cast %add3A_2486 : i32 to index
        %get3A_2488 = tpu.vector_load %arg6[%get3A_2487] {strides = array<i32>} : memref<51200xf32, #tpu.memory_space<vmem>>, vector<16xf32>,
        %get3A_2489 = vector.shape_cast %get3A_2488 : vector<16xf32> to vector<16xf32>
        %add3A_2490 = arith.addf %add3A_2337, %get3A_2489 : vector<16xf32>
        %mul3A_2491 = arith.constant 256 : i32
        %mul3A_2492 = arith.muli %add3A_2365, %mul3A_2491 : i32
        %add3A_2493 = arith.constant 208 : i32
        %add3A_2494 = arith.addi %mul3A_2492, %add3A_2493 : i32
        %get3A_2495 = arith.index_cast %add3A_2494 : i32 to index
        %get3A_2496 = tpu.vector_load %arg6[%get3A_2495] {strides = array<i32>} : memref<51200xf32, #tpu.memory_space<vmem>>, vector<16xf32>,
        %get3A_2497 = vector.shape_cast %get3A_2496 : vector<16xf32> to vector<16xf32>
        %add3A_2498 = arith.addf %add3A_2345, %get3A_2497 : vector<16xf32>
        %mul3A_2499 = arith.constant 256 : i32
        %mul3A_2500 = arith.muli %add3A_2365, %mul3A_2499 : i32
        %add3A_2501 = arith.constant 224 : i32
        %add3A_2502 = arith.addi %mul3A_2500, %add3A_2501 : i32
        %get3A_2503 = arith.index_cast %add3A_2502 : i32 to index
        %get3A_2504 = tpu.vector_load %arg6[%get3A_2503] {strides = array<i32>} : memref<51200xf32, #tpu.memory_space<vmem>>, vector<16xf32>,
        %get3A_2505 = vector.shape_cast %get3A_2504 : vector<16xf32> to vector<16xf32>
        %add3A_2506 = arith.addf %add3A_2353, %get3A_2505 : vector<16xf32>
        %mul3A_2507 = arith.constant 256 : i32
        %mul3A_2508 = arith.muli %add3A_2365, %mul3A_2507 : i32
        %add3A_2509 = arith.constant 240 : i32
        %add3A_2510 = arith.addi %mul3A_2508, %add3A_2509 : i32
        %get3A_2511 = arith.index_cast %add3A_2510 : i32 to index
        %get3A_2512 = tpu.vector_load %arg6[%get3A_2511] {strides = array<i32>} : memref<51200xf32, #tpu.memory_space<vmem>>, vector<16xf32>,
        %get3A_2513 = vector.shape_cast %get3A_2512 : vector<16xf32> to vector<16xf32>
        %add3A_2514 = arith.addf %add3A_2361, %get3A_2513 : vector<16xf32>
        scf.yield %add3A_2394, %add3A_2402, %add3A_2410, %add3A_2418, %add3A_2426, %add3A_2434, %add3A_2442, %add3A_2450, %add3A_2458, %add3A_2466, %add3A_2474, %add3A_2482, %add3A_2490, %add3A_2498, %add3A_2506, %add3A_2514 : vector<16xf32>, vector<16xf32>, vector<16xf32>, vector<16xf32>, vector<16xf32>, vector<16xf32>, vector<16xf32>, vector<16xf32>, vector<16xf32>, vector<16xf32>, vector<16xf32>, vector<16xf32>, vector<16xf32>, vector<16xf32>, vector<16xf32>, vector<16xf32>
      }
      %scan3A_496 = arith.constant 20 : i32
      %neg3A = arith.constant 0.000000e+00 : f32
      %neg3A_497 = vector.broadcast %neg3A : f32 to vector<16xf32>
      %neg3A_498 = arith.subf %neg3A_497, %scan3A_495#0 : vector<16xf32>
      %exp3A = math.exp %neg3A_498 : vector<16xf32>
      %add3A_499 = arith.constant 1.000000e+00 : f32
      %add3A_500 = vector.broadcast %add3A_499 : f32 to vector<16xf32>
      %add3A_501 = arith.addf %add3A_500, %exp3A : vector<16xf32>
      %div3A = arith.constant 1.000000e+00 : f32
      %div3A_502 = vector.broadcast %div3A : f32 to vector<16xf32>
      %div3A_503 = arith.divf %div3A_502, %add3A_501 : vector<16xf32>
      %mul3A_504 = arith.constant 1.000000e+04 : f32
      %mul3A_505 = vector.broadcast %mul3A_504 : f32 to vector<16xf32>
      %mul3A_506 = arith.mulf %div3A_503, %mul3A_505 : vector<16xf32>
      %add3A_507 = arith.constant 0x4B000000 : f32
      %add3A_508 = vector.broadcast %add3A_507 : f32 to vector<16xf32>
      %add3A_509 = arith.addf %mul3A_506, %add3A_508 : vector<16xf32>
      %sub3A = arith.constant 0x4B000000 : f32
      %sub3A_510 = vector.broadcast %sub3A : f32 to vector<16xf32>
      %sub3A_511 = arith.subf %add3A_509, %sub3A_510 : vector<16xf32>
      %mul3A_512 = arith.constant 9.99999974E-5 : f32
      %mul3A_513 = vector.broadcast %mul3A_512 : f32 to vector<16xf32>
      %mul3A_514 = arith.mulf %sub3A_511, %mul3A_513 : vector<16xf32>
      %mul3A_515 = arith.constant 256 : i32
      %mul3A_516 = arith.muli %scan3A_8, %mul3A_515 : i32
      %add3A_517 = arith.constant 0 : i32
      %add3A_518 = arith.addi %mul3A_516, %add3A_517 : i32
      %swap3A = arith.index_cast %add3A_518 : i32 to index
      %swap3A_519 = tpu.vector_load %arg7[%swap3A] {strides = array<i32>} : memref<512xf32, #tpu.memory_space<vmem>>, vector<16xf32>,
      %swap3A_520 = vector.shape_cast %swap3A_519 : vector<16xf32> to vector<16xf32>
      %swap3A_521 = vector.shape_cast %mul3A_514 : vector<16xf32> to vector<16xf32>
      tpu.vector_store %arg7[%swap3A], %swap3A_521 {strides = array<i32>} : memref<512xf32, #tpu.memory_space<vmem>>, vector<16xf32>,
      %neg3A_522 = arith.constant 0.000000e+00 : f32
      %neg3A_523 = vector.broadcast %neg3A_522 : f32 to vector<16xf32>
      %neg3A_524 = arith.subf %neg3A_523, %scan3A_495#1 : vector<16xf32>
      %exp3A_525 = math.exp %neg3A_524 : vector<16xf32>
      %add3A_526 = arith.constant 1.000000e+00 : f32
      %add3A_527 = vector.broadcast %add3A_526 : f32 to vector<16xf32>
      %add3A_528 = arith.addf %add3A_527, %exp3A_525 : vector<16xf32>
      %div3A_529 = arith.constant 1.000000e+00 : f32
      %div3A_530 = vector.broadcast %div3A_529 : f32 to vector<16xf32>
      %div3A_531 = arith.divf %div3A_530, %add3A_528 : vector<16xf32>
      %mul3A_532 = arith.constant 1.000000e+04 : f32
      %mul3A_533 = vector.broadcast %mul3A_532 : f32 to vector<16xf32>
      %mul3A_534 = arith.mulf %div3A_531, %mul3A_533 : vector<16xf32>
      %add3A_535 = arith.constant 0x4B000000 : f32
      %add3A_536 = vector.broadcast %add3A_535 : f32 to vector<16xf32>
      %add3A_537 = arith.addf %mul3A_534, %add3A_536 : vector<16xf32>
      %sub3A_538 = arith.constant 0x4B000000 : f32
      %sub3A_539 = vector.broadcast %sub3A_538 : f32 to vector<16xf32>
      %sub3A_540 = arith.subf %add3A_537, %sub3A_539 : vector<16xf32>
      %mul3A_541 = arith.constant 9.99999974E-5 : f32
      %mul3A_542 = vector.broadcast %mul3A_541 : f32 to vector<16xf32>
      %mul3A_543 = arith.mulf %sub3A_540, %mul3A_542 : vector<16xf32>
      %mul3A_544 = arith.constant 256 : i32
      %mul3A_545 = arith.muli %scan3A_8, %mul3A_544 : i32
      %add3A_546 = arith.constant 16 : i32
      %add3A_547 = arith.addi %mul3A_545, %add3A_546 : i32
      %swap3A_548 = arith.index_cast %add3A_547 : i32 to index
      %swap3A_549 = tpu.vector_load %arg7[%swap3A_548] {strides = array<i32>} : memref<512xf32, #tpu.memory_space<vmem>>, vector<16xf32>,
      %swap3A_550 = vector.shape_cast %swap3A_549 : vector<16xf32> to vector<16xf32>
      %swap3A_551 = vector.shape_cast %mul3A_543 : vector<16xf32> to vector<16xf32>
      tpu.vector_store %arg7[%swap3A_548], %swap3A_551 {strides = array<i32>} : memref<512xf32, #tpu.memory_space<vmem>>, vector<16xf32>,
      %neg3A_552 = arith.constant 0.000000e+00 : f32
      %neg3A_553 = vector.broadcast %neg3A_552 : f32 to vector<16xf32>
      %neg3A_554 = arith.subf %neg3A_553, %scan3A_495#2 : vector<16xf32>
      %exp3A_555 = math.exp %neg3A_554 : vector<16xf32>
      %add3A_556 = arith.constant 1.000000e+00 : f32
      %add3A_557 = vector.broadcast %add3A_556 : f32 to vector<16xf32>
      %add3A_558 = arith.addf %add3A_557, %exp3A_555 : vector<16xf32>
      %div3A_559 = arith.constant 1.000000e+00 : f32
      %div3A_560 = vector.broadcast %div3A_559 : f32 to vector<16xf32>
      %div3A_561 = arith.divf %div3A_560, %add3A_558 : vector<16xf32>
      %mul3A_562 = arith.constant 1.000000e+04 : f32
      %mul3A_563 = vector.broadcast %mul3A_562 : f32 to vector<16xf32>
      %mul3A_564 = arith.mulf %div3A_561, %mul3A_563 : vector<16xf32>
      %add3A_565 = arith.constant 0x4B000000 : f32
      %add3A_566 = vector.broadcast %add3A_565 : f32 to vector<16xf32>
      %add3A_567 = arith.addf %mul3A_564, %add3A_566 : vector<16xf32>
      %sub3A_568 = arith.constant 0x4B000000 : f32
      %sub3A_569 = vector.broadcast %sub3A_568 : f32 to vector<16xf32>
      %sub3A_570 = arith.subf %add3A_567, %sub3A_569 : vector<16xf32>
      %mul3A_571 = arith.constant 9.99999974E-5 : f32
      %mul3A_572 = vector.broadcast %mul3A_571 : f32 to vector<16xf32>
      %mul3A_573 = arith.mulf %sub3A_570, %mul3A_572 : vector<16xf32>
      %mul3A_574 = arith.constant 256 : i32
      %mul3A_575 = arith.muli %scan3A_8, %mul3A_574 : i32
      %add3A_576 = arith.constant 32 : i32
      %add3A_577 = arith.addi %mul3A_575, %add3A_576 : i32
      %swap3A_578 = arith.index_cast %add3A_577 : i32 to index
      %swap3A_579 = tpu.vector_load %arg7[%swap3A_578] {strides = array<i32>} : memref<512xf32, #tpu.memory_space<vmem>>, vector<16xf32>,
      %swap3A_580 = vector.shape_cast %swap3A_579 : vector<16xf32> to vector<16xf32>
      %swap3A_581 = vector.shape_cast %mul3A_573 : vector<16xf32> to vector<16xf32>
      tpu.vector_store %arg7[%swap3A_578], %swap3A_581 {strides = array<i32>} : memref<512xf32, #tpu.memory_space<vmem>>, vector<16xf32>,
      %neg3A_582 = arith.constant 0.000000e+00 : f32
      %neg3A_583 = vector.broadcast %neg3A_582 : f32 to vector<16xf32>
      %neg3A_584 = arith.subf %neg3A_583, %scan3A_495#3 : vector<16xf32>
      %exp3A_585 = math.exp %neg3A_584 : vector<16xf32>
      %add3A_586 = arith.constant 1.000000e+00 : f32
      %add3A_587 = vector.broadcast %add3A_586 : f32 to vector<16xf32>
      %add3A_588 = arith.addf %add3A_587, %exp3A_585 : vector<16xf32>
      %div3A_589 = arith.constant 1.000000e+00 : f32
      %div3A_590 = vector.broadcast %div3A_589 : f32 to vector<16xf32>
      %div3A_591 = arith.divf %div3A_590, %add3A_588 : vector<16xf32>
      %mul3A_592 = arith.constant 1.000000e+04 : f32
      %mul3A_593 = vector.broadcast %mul3A_592 : f32 to vector<16xf32>
      %mul3A_594 = arith.mulf %div3A_591, %mul3A_593 : vector<16xf32>
      %add3A_595 = arith.constant 0x4B000000 : f32
      %add3A_596 = vector.broadcast %add3A_595 : f32 to vector<16xf32>
      %add3A_597 = arith.addf %mul3A_594, %add3A_596 : vector<16xf32>
      %sub3A_598 = arith.constant 0x4B000000 : f32
      %sub3A_599 = vector.broadcast %sub3A_598 : f32 to vector<16xf32>
      %sub3A_600 = arith.subf %add3A_597, %sub3A_599 : vector<16xf32>
      %mul3A_601 = arith.constant 9.99999974E-5 : f32
      %mul3A_602 = vector.broadcast %mul3A_601 : f32 to vector<16xf32>
      %mul3A_603 = arith.mulf %sub3A_600, %mul3A_602 : vector<16xf32>
      %mul3A_604 = arith.constant 256 : i32
      %mul3A_605 = arith.muli %scan3A_8, %mul3A_604 : i32
      %add3A_606 = arith.constant 48 : i32
      %add3A_607 = arith.addi %mul3A_605, %add3A_606 : i32
      %swap3A_608 = arith.index_cast %add3A_607 : i32 to index
      %swap3A_609 = tpu.vector_load %arg7[%swap3A_608] {strides = array<i32>} : memref<512xf32, #tpu.memory_space<vmem>>, vector<16xf32>,
      %swap3A_610 = vector.shape_cast %swap3A_609 : vector<16xf32> to vector<16xf32>
      %swap3A_611 = vector.shape_cast %mul3A_603 : vector<16xf32> to vector<16xf32>
      tpu.vector_store %arg7[%swap3A_608], %swap3A_611 {strides = array<i32>} : memref<512xf32, #tpu.memory_space<vmem>>, vector<16xf32>,
      %neg3A_612 = arith.constant 0.000000e+00 : f32
      %neg3A_613 = vector.broadcast %neg3A_612 : f32 to vector<16xf32>
      %neg3A_614 = arith.subf %neg3A_613, %scan3A_495#4 : vector<16xf32>
      %exp3A_615 = math.exp %neg3A_614 : vector<16xf32>
      %add3A_616 = arith.constant 1.000000e+00 : f32
      %add3A_617 = vector.broadcast %add3A_616 : f32 to vector<16xf32>
      %add3A_618 = arith.addf %add3A_617, %exp3A_615 : vector<16xf32>
      %div3A_619 = arith.constant 1.000000e+00 : f32
      %div3A_620 = vector.broadcast %div3A_619 : f32 to vector<16xf32>
      %div3A_621 = arith.divf %div3A_620, %add3A_618 : vector<16xf32>
      %mul3A_622 = arith.constant 1.000000e+04 : f32
      %mul3A_623 = vector.broadcast %mul3A_622 : f32 to vector<16xf32>
      %mul3A_624 = arith.mulf %div3A_621, %mul3A_623 : vector<16xf32>
      %add3A_625 = arith.constant 0x4B000000 : f32
      %add3A_626 = vector.broadcast %add3A_625 : f32 to vector<16xf32>
      %add3A_627 = arith.addf %mul3A_624, %add3A_626 : vector<16xf32>
      %sub3A_628 = arith.constant 0x4B000000 : f32
      %sub3A_629 = vector.broadcast %sub3A_628 : f32 to vector<16xf32>
      %sub3A_630 = arith.subf %add3A_627, %sub3A_629 : vector<16xf32>
      %mul3A_631 = arith.constant 9.99999974E-5 : f32
      %mul3A_632 = vector.broadcast %mul3A_631 : f32 to vector<16xf32>
      %mul3A_633 = arith.mulf %sub3A_630, %mul3A_632 : vector<16xf32>
      %mul3A_634 = arith.constant 256 : i32
      %mul3A_635 = arith.muli %scan3A_8, %mul3A_634 : i32
      %add3A_636 = arith.constant 64 : i32
      %add3A_637 = arith.addi %mul3A_635, %add3A_636 : i32
      %swap3A_638 = arith.index_cast %add3A_637 : i32 to index
      %swap3A_639 = tpu.vector_load %arg7[%swap3A_638] {strides = array<i32>} : memref<512xf32, #tpu.memory_space<vmem>>, vector<16xf32>,
      %swap3A_640 = vector.shape_cast %swap3A_639 : vector<16xf32> to vector<16xf32>
      %swap3A_641 = vector.shape_cast %mul3A_633 : vector<16xf32> to vector<16xf32>
      tpu.vector_store %arg7[%swap3A_638], %swap3A_641 {strides = array<i32>} : memref<512xf32, #tpu.memory_space<vmem>>, vector<16xf32>,
      %neg3A_642 = arith.constant 0.000000e+00 : f32
      %neg3A_643 = vector.broadcast %neg3A_642 : f32 to vector<16xf32>
      %neg3A_644 = arith.subf %neg3A_643, %scan3A_495#5 : vector<16xf32>
      %exp3A_645 = math.exp %neg3A_644 : vector<16xf32>
      %add3A_646 = arith.constant 1.000000e+00 : f32
      %add3A_647 = vector.broadcast %add3A_646 : f32 to vector<16xf32>
      %add3A_648 = arith.addf %add3A_647, %exp3A_645 : vector<16xf32>
      %div3A_649 = arith.constant 1.000000e+00 : f32
      %div3A_650 = vector.broadcast %div3A_649 : f32 to vector<16xf32>
      %div3A_651 = arith.divf %div3A_650, %add3A_648 : vector<16xf32>
      %mul3A_652 = arith.constant 1.000000e+04 : f32
      %mul3A_653 = vector.broadcast %mul3A_652 : f32 to vector<16xf32>
      %mul3A_654 = arith.mulf %div3A_651, %mul3A_653 : vector<16xf32>
      %add3A_655 = arith.constant 0x4B000000 : f32
      %add3A_656 = vector.broadcast %add3A_655 : f32 to vector<16xf32>
      %add3A_657 = arith.addf %mul3A_654, %add3A_656 : vector<16xf32>
      %sub3A_658 = arith.constant 0x4B000000 : f32
      %sub3A_659 = vector.broadcast %sub3A_658 : f32 to vector<16xf32>
      %sub3A_660 = arith.subf %add3A_657, %sub3A_659 : vector<16xf32>
      %mul3A_661 = arith.constant 9.99999974E-5 : f32
      %mul3A_662 = vector.broadcast %mul3A_661 : f32 to vector<16xf32>
      %mul3A_663 = arith.mulf %sub3A_660, %mul3A_662 : vector<16xf32>
      %mul3A_664 = arith.constant 256 : i32
      %mul3A_665 = arith.muli %scan3A_8, %mul3A_664 : i32
      %add3A_666 = arith.constant 80 : i32
      %add3A_667 = arith.addi %mul3A_665, %add3A_666 : i32
      %swap3A_668 = arith.index_cast %add3A_667 : i32 to index
      %swap3A_669 = tpu.vector_load %arg7[%swap3A_668] {strides = array<i32>} : memref<512xf32, #tpu.memory_space<vmem>>, vector<16xf32>,
      %swap3A_670 = vector.shape_cast %swap3A_669 : vector<16xf32> to vector<16xf32>
      %swap3A_671 = vector.shape_cast %mul3A_663 : vector<16xf32> to vector<16xf32>
      tpu.vector_store %arg7[%swap3A_668], %swap3A_671 {strides = array<i32>} : memref<512xf32, #tpu.memory_space<vmem>>, vector<16xf32>,
      %neg3A_672 = arith.constant 0.000000e+00 : f32
      %neg3A_673 = vector.broadcast %neg3A_672 : f32 to vector<16xf32>
      %neg3A_674 = arith.subf %neg3A_673, %scan3A_495#6 : vector<16xf32>
      %exp3A_675 = math.exp %neg3A_674 : vector<16xf32>
      %add3A_676 = arith.constant 1.000000e+00 : f32
      %add3A_677 = vector.broadcast %add3A_676 : f32 to vector<16xf32>
      %add3A_678 = arith.addf %add3A_677, %exp3A_675 : vector<16xf32>
      %div3A_679 = arith.constant 1.000000e+00 : f32
      %div3A_680 = vector.broadcast %div3A_679 : f32 to vector<16xf32>
      %div3A_681 = arith.divf %div3A_680, %add3A_678 : vector<16xf32>
      %mul3A_682 = arith.constant 1.000000e+04 : f32
      %mul3A_683 = vector.broadcast %mul3A_682 : f32 to vector<16xf32>
      %mul3A_684 = arith.mulf %div3A_681, %mul3A_683 : vector<16xf32>
      %add3A_685 = arith.constant 0x4B000000 : f32
      %add3A_686 = vector.broadcast %add3A_685 : f32 to vector<16xf32>
      %add3A_687 = arith.addf %mul3A_684, %add3A_686 : vector<16xf32>
      %sub3A_688 = arith.constant 0x4B000000 : f32
      %sub3A_689 = vector.broadcast %sub3A_688 : f32 to vector<16xf32>
      %sub3A_690 = arith.subf %add3A_687, %sub3A_689 : vector<16xf32>
      %mul3A_691 = arith.constant 9.99999974E-5 : f32
      %mul3A_692 = vector.broadcast %mul3A_691 : f32 to vector<16xf32>
      %mul3A_693 = arith.mulf %sub3A_690, %mul3A_692 : vector<16xf32>
      %mul3A_694 = arith.constant 256 : i32
      %mul3A_695 = arith.muli %scan3A_8, %mul3A_694 : i32
      %add3A_696 = arith.constant 96 : i32
      %add3A_697 = arith.addi %mul3A_695, %add3A_696 : i32
      %swap3A_698 = arith.index_cast %add3A_697 : i32 to index
      %swap3A_699 = tpu.vector_load %arg7[%swap3A_698] {strides = array<i32>} : memref<512xf32, #tpu.memory_space<vmem>>, vector<16xf32>,
      %swap3A_700 = vector.shape_cast %swap3A_699 : vector<16xf32> to vector<16xf32>
      %swap3A_701 = vector.shape_cast %mul3A_693 : vector<16xf32> to vector<16xf32>
      tpu.vector_store %arg7[%swap3A_698], %swap3A_701 {strides = array<i32>} : memref<512xf32, #tpu.memory_space<vmem>>, vector<16xf32>,
      %neg3A_702 = arith.constant 0.000000e+00 : f32
      %neg3A_703 = vector.broadcast %neg3A_702 : f32 to vector<16xf32>
      %neg3A_704 = arith.subf %neg3A_703, %scan3A_495#7 : vector<16xf32>
      %exp3A_705 = math.exp %neg3A_704 : vector<16xf32>
      %add3A_706 = arith.constant 1.000000e+00 : f32
      %add3A_707 = vector.broadcast %add3A_706 : f32 to vector<16xf32>
      %add3A_708 = arith.addf %add3A_707, %exp3A_705 : vector<16xf32>
      %div3A_709 = arith.constant 1.000000e+00 : f32
      %div3A_710 = vector.broadcast %div3A_709 : f32 to vector<16xf32>
      %div3A_711 = arith.divf %div3A_710, %add3A_708 : vector<16xf32>
      %mul3A_712 = arith.constant 1.000000e+04 : f32
      %mul3A_713 = vector.broadcast %mul3A_712 : f32 to vector<16xf32>
      %mul3A_714 = arith.mulf %div3A_711, %mul3A_713 : vector<16xf32>
      %add3A_715 = arith.constant 0x4B000000 : f32
      %add3A_716 = vector.broadcast %add3A_715 : f32 to vector<16xf32>
      %add3A_717 = arith.addf %mul3A_714, %add3A_716 : vector<16xf32>
      %sub3A_718 = arith.constant 0x4B000000 : f32
      %sub3A_719 = vector.broadcast %sub3A_718 : f32 to vector<16xf32>
      %sub3A_720 = arith.subf %add3A_717, %sub3A_719 : vector<16xf32>
      %mul3A_721 = arith.constant 9.99999974E-5 : f32
      %mul3A_722 = vector.broadcast %mul3A_721 : f32 to vector<16xf32>
      %mul3A_723 = arith.mulf %sub3A_720, %mul3A_722 : vector<16xf32>
      %mul3A_724 = arith.constant 256 : i32
      %mul3A_725 = arith.muli %scan3A_8, %mul3A_724 : i32
      %add3A_726 = arith.constant 112 : i32
      %add3A_727 = arith.addi %mul3A_725, %add3A_726 : i32
      %swap3A_728 = arith.index_cast %add3A_727 : i32 to index
      %swap3A_729 = tpu.vector_load %arg7[%swap3A_728] {strides = array<i32>} : memref<512xf32, #tpu.memory_space<vmem>>, vector<16xf32>,
      %swap3A_730 = vector.shape_cast %swap3A_729 : vector<16xf32> to vector<16xf32>
      %swap3A_731 = vector.shape_cast %mul3A_723 : vector<16xf32> to vector<16xf32>
      tpu.vector_store %arg7[%swap3A_728], %swap3A_731 {strides = array<i32>} : memref<512xf32, #tpu.memory_space<vmem>>, vector<16xf32>,
      %neg3A_732 = arith.constant 0.000000e+00 : f32
      %neg3A_733 = vector.broadcast %neg3A_732 : f32 to vector<16xf32>
      %neg3A_734 = arith.subf %neg3A_733, %scan3A_495#8 : vector<16xf32>
      %exp3A_735 = math.exp %neg3A_734 : vector<16xf32>
      %add3A_736 = arith.constant 1.000000e+00 : f32
      %add3A_737 = vector.broadcast %add3A_736 : f32 to vector<16xf32>
      %add3A_738 = arith.addf %add3A_737, %exp3A_735 : vector<16xf32>
      %div3A_739 = arith.constant 1.000000e+00 : f32
      %div3A_740 = vector.broadcast %div3A_739 : f32 to vector<16xf32>
      %div3A_741 = arith.divf %div3A_740, %add3A_738 : vector<16xf32>
      %mul3A_742 = arith.constant 1.000000e+04 : f32
      %mul3A_743 = vector.broadcast %mul3A_742 : f32 to vector<16xf32>
      %mul3A_744 = arith.mulf %div3A_741, %mul3A_743 : vector<16xf32>
      %add3A_745 = arith.constant 0x4B000000 : f32
      %add3A_746 = vector.broadcast %add3A_745 : f32 to vector<16xf32>
      %add3A_747 = arith.addf %mul3A_744, %add3A_746 : vector<16xf32>
      %sub3A_748 = arith.constant 0x4B000000 : f32
      %sub3A_749 = vector.broadcast %sub3A_748 : f32 to vector<16xf32>
      %sub3A_750 = arith.subf %add3A_747, %sub3A_749 : vector<16xf32>
      %mul3A_751 = arith.constant 9.99999974E-5 : f32
      %mul3A_752 = vector.broadcast %mul3A_751 : f32 to vector<16xf32>
      %mul3A_753 = arith.mulf %sub3A_750, %mul3A_752 : vector<16xf32>
      %mul3A_754 = arith.constant 256 : i32
      %mul3A_755 = arith.muli %scan3A_8, %mul3A_754 : i32
      %add3A_756 = arith.constant 128 : i32
      %add3A_757 = arith.addi %mul3A_755, %add3A_756 : i32
      %swap3A_758 = arith.index_cast %add3A_757 : i32 to index
      %swap3A_759 = tpu.vector_load %arg7[%swap3A_758] {strides = array<i32>} : memref<512xf32, #tpu.memory_space<vmem>>, vector<16xf32>,
      %swap3A_760 = vector.shape_cast %swap3A_759 : vector<16xf32> to vector<16xf32>
      %swap3A_761 = vector.shape_cast %mul3A_753 : vector<16xf32> to vector<16xf32>
      tpu.vector_store %arg7[%swap3A_758], %swap3A_761 {strides = array<i32>} : memref<512xf32, #tpu.memory_space<vmem>>, vector<16xf32>,
      %neg3A_762 = arith.constant 0.000000e+00 : f32
      %neg3A_763 = vector.broadcast %neg3A_762 : f32 to vector<16xf32>
      %neg3A_764 = arith.subf %neg3A_763, %scan3A_495#9 : vector<16xf32>
      %exp3A_765 = math.exp %neg3A_764 : vector<16xf32>
      %add3A_766 = arith.constant 1.000000e+00 : f32
      %add3A_767 = vector.broadcast %add3A_766 : f32 to vector<16xf32>
      %add3A_768 = arith.addf %add3A_767, %exp3A_765 : vector<16xf32>
      %div3A_769 = arith.constant 1.000000e+00 : f32
      %div3A_770 = vector.broadcast %div3A_769 : f32 to vector<16xf32>
      %div3A_771 = arith.divf %div3A_770, %add3A_768 : vector<16xf32>
      %mul3A_772 = arith.constant 1.000000e+04 : f32
      %mul3A_773 = vector.broadcast %mul3A_772 : f32 to vector<16xf32>
      %mul3A_774 = arith.mulf %div3A_771, %mul3A_773 : vector<16xf32>
      %add3A_775 = arith.constant 0x4B000000 : f32
      %add3A_776 = vector.broadcast %add3A_775 : f32 to vector<16xf32>
      %add3A_777 = arith.addf %mul3A_774, %add3A_776 : vector<16xf32>
      %sub3A_778 = arith.constant 0x4B000000 : f32
      %sub3A_779 = vector.broadcast %sub3A_778 : f32 to vector<16xf32>
      %sub3A_780 = arith.subf %add3A_777, %sub3A_779 : vector<16xf32>
      %mul3A_781 = arith.constant 9.99999974E-5 : f32
      %mul3A_782 = vector.broadcast %mul3A_781 : f32 to vector<16xf32>
      %mul3A_783 = arith.mulf %sub3A_780, %mul3A_782 : vector<16xf32>
      %mul3A_784 = arith.constant 256 : i32
      %mul3A_785 = arith.muli %scan3A_8, %mul3A_784 : i32
      %add3A_786 = arith.constant 144 : i32
      %add3A_787 = arith.addi %mul3A_785, %add3A_786 : i32
      %swap3A_788 = arith.index_cast %add3A_787 : i32 to index
      %swap3A_789 = tpu.vector_load %arg7[%swap3A_788] {strides = array<i32>} : memref<512xf32, #tpu.memory_space<vmem>>, vector<16xf32>,
      %swap3A_790 = vector.shape_cast %swap3A_789 : vector<16xf32> to vector<16xf32>
      %swap3A_791 = vector.shape_cast %mul3A_783 : vector<16xf32> to vector<16xf32>
      tpu.vector_store %arg7[%swap3A_788], %swap3A_791 {strides = array<i32>} : memref<512xf32, #tpu.memory_space<vmem>>, vector<16xf32>,
      %neg3A_792 = arith.constant 0.000000e+00 : f32
      %neg3A_793 = vector.broadcast %neg3A_792 : f32 to vector<16xf32>
      %neg3A_794 = arith.subf %neg3A_793, %scan3A_495#10 : vector<16xf32>
      %exp3A_795 = math.exp %neg3A_794 : vector<16xf32>
      %add3A_796 = arith.constant 1.000000e+00 : f32
      %add3A_797 = vector.broadcast %add3A_796 : f32 to vector<16xf32>
      %add3A_798 = arith.addf %add3A_797, %exp3A_795 : vector<16xf32>
      %div3A_799 = arith.constant 1.000000e+00 : f32
      %div3A_800 = vector.broadcast %div3A_799 : f32 to vector<16xf32>
      %div3A_801 = arith.divf %div3A_800, %add3A_798 : vector<16xf32>
      %mul3A_802 = arith.constant 1.000000e+04 : f32
      %mul3A_803 = vector.broadcast %mul3A_802 : f32 to vector<16xf32>
      %mul3A_804 = arith.mulf %div3A_801, %mul3A_803 : vector<16xf32>
      %add3A_805 = arith.constant 0x4B000000 : f32
      %add3A_806 = vector.broadcast %add3A_805 : f32 to vector<16xf32>
      %add3A_807 = arith.addf %mul3A_804, %add3A_806 : vector<16xf32>
      %sub3A_808 = arith.constant 0x4B000000 : f32
      %sub3A_809 = vector.broadcast %sub3A_808 : f32 to vector<16xf32>
      %sub3A_810 = arith.subf %add3A_807, %sub3A_809 : vector<16xf32>
      %mul3A_811 = arith.constant 9.99999974E-5 : f32
      %mul3A_812 = vector.broadcast %mul3A_811 : f32 to vector<16xf32>
      %mul3A_813 = arith.mulf %sub3A_810, %mul3A_812 : vector<16xf32>
      %mul3A_814 = arith.constant 256 : i32
      %mul3A_815 = arith.muli %scan3A_8, %mul3A_814 : i32
      %add3A_816 = arith.constant 160 : i32
      %add3A_817 = arith.addi %mul3A_815, %add3A_816 : i32
      %swap3A_818 = arith.index_cast %add3A_817 : i32 to index
      %swap3A_819 = tpu.vector_load %arg7[%swap3A_818] {strides = array<i32>} : memref<512xf32, #tpu.memory_space<vmem>>, vector<16xf32>,
      %swap3A_820 = vector.shape_cast %swap3A_819 : vector<16xf32> to vector<16xf32>
      %swap3A_821 = vector.shape_cast %mul3A_813 : vector<16xf32> to vector<16xf32>
      tpu.vector_store %arg7[%swap3A_818], %swap3A_821 {strides = array<i32>} : memref<512xf32, #tpu.memory_space<vmem>>, vector<16xf32>,
      %neg3A_822 = arith.constant 0.000000e+00 : f32
      %neg3A_823 = vector.broadcast %neg3A_822 : f32 to vector<16xf32>
      %neg3A_824 = arith.subf %neg3A_823, %scan3A_495#11 : vector<16xf32>
      %exp3A_825 = math.exp %neg3A_824 : vector<16xf32>
      %add3A_826 = arith.constant 1.000000e+00 : f32
      %add3A_827 = vector.broadcast %add3A_826 : f32 to vector<16xf32>
      %add3A_828 = arith.addf %add3A_827, %exp3A_825 : vector<16xf32>
      %div3A_829 = arith.constant 1.000000e+00 : f32
      %div3A_830 = vector.broadcast %div3A_829 : f32 to vector<16xf32>
      %div3A_831 = arith.divf %div3A_830, %add3A_828 : vector<16xf32>
      %mul3A_832 = arith.constant 1.000000e+04 : f32
      %mul3A_833 = vector.broadcast %mul3A_832 : f32 to vector<16xf32>
      %mul3A_834 = arith.mulf %div3A_831, %mul3A_833 : vector<16xf32>
      %add3A_835 = arith.constant 0x4B000000 : f32
      %add3A_836 = vector.broadcast %add3A_835 : f32 to vector<16xf32>
      %add3A_837 = arith.addf %mul3A_834, %add3A_836 : vector<16xf32>
      %sub3A_838 = arith.constant 0x4B000000 : f32
      %sub3A_839 = vector.broadcast %sub3A_838 : f32 to vector<16xf32>
      %sub3A_840 = arith.subf %add3A_837, %sub3A_839 : vector<16xf32>
      %mul3A_841 = arith.constant 9.99999974E-5 : f32
      %mul3A_842 = vector.broadcast %mul3A_841 : f32 to vector<16xf32>
      %mul3A_843 = arith.mulf %sub3A_840, %mul3A_842 : vector<16xf32>
      %mul3A_844 = arith.constant 256 : i32
      %mul3A_845 = arith.muli %scan3A_8, %mul3A_844 : i32
      %add3A_846 = arith.constant 176 : i32
      %add3A_847 = arith.addi %mul3A_845, %add3A_846 : i32
      %swap3A_848 = arith.index_cast %add3A_847 : i32 to index
      %swap3A_849 = tpu.vector_load %arg7[%swap3A_848] {strides = array<i32>} : memref<512xf32, #tpu.memory_space<vmem>>, vector<16xf32>,
      %swap3A_850 = vector.shape_cast %swap3A_849 : vector<16xf32> to vector<16xf32>
      %swap3A_851 = vector.shape_cast %mul3A_843 : vector<16xf32> to vector<16xf32>
      tpu.vector_store %arg7[%swap3A_848], %swap3A_851 {strides = array<i32>} : memref<512xf32, #tpu.memory_space<vmem>>, vector<16xf32>,
      %neg3A_852 = arith.constant 0.000000e+00 : f32
      %neg3A_853 = vector.broadcast %neg3A_852 : f32 to vector<16xf32>
      %neg3A_854 = arith.subf %neg3A_853, %scan3A_495#12 : vector<16xf32>
      %exp3A_855 = math.exp %neg3A_854 : vector<16xf32>
      %add3A_856 = arith.constant 1.000000e+00 : f32
      %add3A_857 = vector.broadcast %add3A_856 : f32 to vector<16xf32>
      %add3A_858 = arith.addf %add3A_857, %exp3A_855 : vector<16xf32>
      %div3A_859 = arith.constant 1.000000e+00 : f32
      %div3A_860 = vector.broadcast %div3A_859 : f32 to vector<16xf32>
      %div3A_861 = arith.divf %div3A_860, %add3A_858 : vector<16xf32>
      %mul3A_862 = arith.constant 1.000000e+04 : f32
      %mul3A_863 = vector.broadcast %mul3A_862 : f32 to vector<16xf32>
      %mul3A_864 = arith.mulf %div3A_861, %mul3A_863 : vector<16xf32>
      %add3A_865 = arith.constant 0x4B000000 : f32
      %add3A_866 = vector.broadcast %add3A_865 : f32 to vector<16xf32>
      %add3A_867 = arith.addf %mul3A_864, %add3A_866 : vector<16xf32>
      %sub3A_868 = arith.constant 0x4B000000 : f32
      %sub3A_869 = vector.broadcast %sub3A_868 : f32 to vector<16xf32>
      %sub3A_870 = arith.subf %add3A_867, %sub3A_869 : vector<16xf32>
      %mul3A_871 = arith.constant 9.99999974E-5 : f32
      %mul3A_872 = vector.broadcast %mul3A_871 : f32 to vector<16xf32>
      %mul3A_873 = arith.mulf %sub3A_870, %mul3A_872 : vector<16xf32>
      %mul3A_874 = arith.constant 256 : i32
      %mul3A_875 = arith.muli %scan3A_8, %mul3A_874 : i32
      %add3A_876 = arith.constant 192 : i32
      %add3A_877 = arith.addi %mul3A_875, %add3A_876 : i32
      %swap3A_878 = arith.index_cast %add3A_877 : i32 to index
      %swap3A_879 = tpu.vector_load %arg7[%swap3A_878] {strides = array<i32>} : memref<512xf32, #tpu.memory_space<vmem>>, vector<16xf32>,
      %swap3A_880 = vector.shape_cast %swap3A_879 : vector<16xf32> to vector<16xf32>
      %swap3A_881 = vector.shape_cast %mul3A_873 : vector<16xf32> to vector<16xf32>
      tpu.vector_store %arg7[%swap3A_878], %swap3A_881 {strides = array<i32>} : memref<512xf32, #tpu.memory_space<vmem>>, vector<16xf32>,
      %neg3A_882 = arith.constant 0.000000e+00 : f32
      %neg3A_883 = vector.broadcast %neg3A_882 : f32 to vector<16xf32>
      %neg3A_884 = arith.subf %neg3A_883, %scan3A_495#13 : vector<16xf32>
      %exp3A_885 = math.exp %neg3A_884 : vector<16xf32>
      %add3A_886 = arith.constant 1.000000e+00 : f32
      %add3A_887 = vector.broadcast %add3A_886 : f32 to vector<16xf32>
      %add3A_888 = arith.addf %add3A_887, %exp3A_885 : vector<16xf32>
      %div3A_889 = arith.constant 1.000000e+00 : f32
      %div3A_890 = vector.broadcast %div3A_889 : f32 to vector<16xf32>
      %div3A_891 = arith.divf %div3A_890, %add3A_888 : vector<16xf32>
      %mul3A_892 = arith.constant 1.000000e+04 : f32
      %mul3A_893 = vector.broadcast %mul3A_892 : f32 to vector<16xf32>
      %mul3A_894 = arith.mulf %div3A_891, %mul3A_893 : vector<16xf32>
      %add3A_895 = arith.constant 0x4B000000 : f32
      %add3A_896 = vector.broadcast %add3A_895 : f32 to vector<16xf32>
      %add3A_897 = arith.addf %mul3A_894, %add3A_896 : vector<16xf32>
      %sub3A_898 = arith.constant 0x4B000000 : f32
      %sub3A_899 = vector.broadcast %sub3A_898 : f32 to vector<16xf32>
      %sub3A_900 = arith.subf %add3A_897, %sub3A_899 : vector<16xf32>
      %mul3A_901 = arith.constant 9.99999974E-5 : f32
      %mul3A_902 = vector.broadcast %mul3A_901 : f32 to vector<16xf32>
      %mul3A_903 = arith.mulf %sub3A_900, %mul3A_902 : vector<16xf32>
      %mul3A_904 = arith.constant 256 : i32
      %mul3A_905 = arith.muli %scan3A_8, %mul3A_904 : i32
      %add3A_906 = arith.constant 208 : i32
      %add3A_907 = arith.addi %mul3A_905, %add3A_906 : i32
      %swap3A_908 = arith.index_cast %add3A_907 : i32 to index
      %swap3A_909 = tpu.vector_load %arg7[%swap3A_908] {strides = array<i32>} : memref<512xf32, #tpu.memory_space<vmem>>, vector<16xf32>,
      %swap3A_910 = vector.shape_cast %swap3A_909 : vector<16xf32> to vector<16xf32>
      %swap3A_911 = vector.shape_cast %mul3A_903 : vector<16xf32> to vector<16xf32>
      tpu.vector_store %arg7[%swap3A_908], %swap3A_911 {strides = array<i32>} : memref<512xf32, #tpu.memory_space<vmem>>, vector<16xf32>,
      %neg3A_912 = arith.constant 0.000000e+00 : f32
      %neg3A_913 = vector.broadcast %neg3A_912 : f32 to vector<16xf32>
      %neg3A_914 = arith.subf %neg3A_913, %scan3A_495#14 : vector<16xf32>
      %exp3A_915 = math.exp %neg3A_914 : vector<16xf32>
      %add3A_916 = arith.constant 1.000000e+00 : f32
      %add3A_917 = vector.broadcast %add3A_916 : f32 to vector<16xf32>
      %add3A_918 = arith.addf %add3A_917, %exp3A_915 : vector<16xf32>
      %div3A_919 = arith.constant 1.000000e+00 : f32
      %div3A_920 = vector.broadcast %div3A_919 : f32 to vector<16xf32>
      %div3A_921 = arith.divf %div3A_920, %add3A_918 : vector<16xf32>
      %mul3A_922 = arith.constant 1.000000e+04 : f32
      %mul3A_923 = vector.broadcast %mul3A_922 : f32 to vector<16xf32>
      %mul3A_924 = arith.mulf %div3A_921, %mul3A_923 : vector<16xf32>
      %add3A_925 = arith.constant 0x4B000000 : f32
      %add3A_926 = vector.broadcast %add3A_925 : f32 to vector<16xf32>
      %add3A_927 = arith.addf %mul3A_924, %add3A_926 : vector<16xf32>
      %sub3A_928 = arith.constant 0x4B000000 : f32
      %sub3A_929 = vector.broadcast %sub3A_928 : f32 to vector<16xf32>
      %sub3A_930 = arith.subf %add3A_927, %sub3A_929 : vector<16xf32>
      %mul3A_931 = arith.constant 9.99999974E-5 : f32
      %mul3A_932 = vector.broadcast %mul3A_931 : f32 to vector<16xf32>
      %mul3A_933 = arith.mulf %sub3A_930, %mul3A_932 : vector<16xf32>
      %mul3A_934 = arith.constant 256 : i32
      %mul3A_935 = arith.muli %scan3A_8, %mul3A_934 : i32
      %add3A_936 = arith.constant 224 : i32
      %add3A_937 = arith.addi %mul3A_935, %add3A_936 : i32
      %swap3A_938 = arith.index_cast %add3A_937 : i32 to index
      %swap3A_939 = tpu.vector_load %arg7[%swap3A_938] {strides = array<i32>} : memref<512xf32, #tpu.memory_space<vmem>>, vector<16xf32>,
      %swap3A_940 = vector.shape_cast %swap3A_939 : vector<16xf32> to vector<16xf32>
      %swap3A_941 = vector.shape_cast %mul3A_933 : vector<16xf32> to vector<16xf32>
      tpu.vector_store %arg7[%swap3A_938], %swap3A_941 {strides = array<i32>} : memref<512xf32, #tpu.memory_space<vmem>>, vector<16xf32>,
      %neg3A_942 = arith.constant 0.000000e+00 : f32
      %neg3A_943 = vector.broadcast %neg3A_942 : f32 to vector<16xf32>
      %neg3A_944 = arith.subf %neg3A_943, %scan3A_495#15 : vector<16xf32>
      %exp3A_945 = math.exp %neg3A_944 : vector<16xf32>
      %add3A_946 = arith.constant 1.000000e+00 : f32
      %add3A_947 = vector.broadcast %add3A_946 : f32 to vector<16xf32>
      %add3A_948 = arith.addf %add3A_947, %exp3A_945 : vector<16xf32>
      %div3A_949 = arith.constant 1.000000e+00 : f32
      %div3A_950 = vector.broadcast %div3A_949 : f32 to vector<16xf32>
      %div3A_951 = arith.divf %div3A_950, %add3A_948 : vector<16xf32>
      %mul3A_952 = arith.constant 1.000000e+04 : f32
      %mul3A_953 = vector.broadcast %mul3A_952 : f32 to vector<16xf32>
      %mul3A_954 = arith.mulf %div3A_951, %mul3A_953 : vector<16xf32>
      %add3A_955 = arith.constant 0x4B000000 : f32
      %add3A_956 = vector.broadcast %add3A_955 : f32 to vector<16xf32>
      %add3A_957 = arith.addf %mul3A_954, %add3A_956 : vector<16xf32>
      %sub3A_958 = arith.constant 0x4B000000 : f32
      %sub3A_959 = vector.broadcast %sub3A_958 : f32 to vector<16xf32>
      %sub3A_960 = arith.subf %add3A_957, %sub3A_959 : vector<16xf32>
      %mul3A_961 = arith.constant 9.99999974E-5 : f32
      %mul3A_962 = vector.broadcast %mul3A_961 : f32 to vector<16xf32>
      %mul3A_963 = arith.mulf %sub3A_960, %mul3A_962 : vector<16xf32>
      %mul3A_964 = arith.constant 256 : i32
      %mul3A_965 = arith.muli %scan3A_8, %mul3A_964 : i32
      %add3A_966 = arith.constant 240 : i32
      %add3A_967 = arith.addi %mul3A_965, %add3A_966 : i32
      %swap3A_968 = arith.index_cast %add3A_967 : i32 to index
      %swap3A_969 = tpu.vector_load %arg7[%swap3A_968] {strides = array<i32>} : memref<512xf32, #tpu.memory_space<vmem>>, vector<16xf32>,
      %swap3A_970 = vector.shape_cast %swap3A_969 : vector<16xf32> to vector<16xf32>
      %swap3A_971 = vector.shape_cast %mul3A_963 : vector<16xf32> to vector<16xf32>
      tpu.vector_store %arg7[%swap3A_968], %swap3A_971 {strides = array<i32>} : memref<512xf32, #tpu.memory_space<vmem>>, vector<16xf32>,
    }
    %scan3A_7 = arith.constant 2 : i32
    "tpu.region"() ({
      %run_scoped3A = tpu.sem_alloc : memref<!tpu.dma_semaphore, #tpu.memory_space<semaphore_mem>>
      %dma_start3A = tpu.memref_slice %arg4[%mul3A_2] : memref<16384xf32, #tpu.memory_space<hbm>> -> memref<512xf32, #tpu.memory_space<hbm>>
      %dma_start3A_8 = tpu.memref_slice %arg4[%mul3A_2] : memref<16384xf32, #tpu.memory_space<hbm>> -> memref<512xf32, #tpu.memory_space<hbm>>
      tpu.enqueue_dma source(%arg7 : memref<512xf32, #tpu.memory_space<vmem>>) target(%dma_start3A_8 : memref<512xf32, #tpu.memory_space<hbm>>) target_semaphore(%run_scoped3A : memref<!tpu.dma_semaphore, #tpu.memory_space<semaphore_mem>>)
      %dma_wait3A = tpu.memref_slice %arg4[%mul3A_2] : memref<16384xf32, #tpu.memory_space<hbm>> -> memref<512xf32, #tpu.memory_space<hbm>>
      %dma_wait3A_9 = tpu.memref_slice %arg4[%mul3A_2] : memref<16384xf32, #tpu.memory_space<hbm>> -> memref<512xf32, #tpu.memory_space<hbm>>
      tpu.wait_dma2 semaphore(%run_scoped3A : memref<!tpu.dma_semaphore, #tpu.memory_space<semaphore_mem>>) src(%arg7 : memref<512xf32, #tpu.memory_space<vmem>>) dst(%dma_wait3A_9 : memref<512xf32, #tpu.memory_space<hbm>>)
      tpu.yield
    }) : () -> ()
    return
  }
}

module attributes {stable_mosaic.version = 14 : i64} {
  func.func @_stage1_body(%arg0: i32, %arg1: memref<16x126976xf32, #tpu.memory_space<vmem>>, %arg2: memref<16x1xf32, #tpu.memory_space<vmem>>, %arg3: memref<1x1xf32, #tpu.memory_space<smem>>, %arg4: memref<1x126976xf32, #tpu.memory_space<vmem>>) attributes {dimension_semantics = [#tpu.dimension_semantics<arbitrary>], iteration_bounds = array<i64: 8>, scalar_prefetch = 0 : i64, scratch_operands = 0 : i64, tpu.core_type = #tpu.core_type<tc>, window_params = [{transform_indices = @transform_0, window_bounds = array<i64: 16, 126976>}, {pipeline_mode = #tpu.pipeline_mode<synchronous>, transform_indices = @transform_1, window_bounds = array<i64: 16, 1>}, {transform_indices = @transform_2, window_bounds = array<i64: 1, 1>}, {transform_indices = @transform_3, window_bounds = array<i64: 1, 126976>}]} {
    %get3A = arith.constant 0 : index
    %get3A_0 = arith.constant 0 : index
    %get3A_1 = vector.load %arg1[%get3A, %get3A_0] : memref<16x126976xf32, #tpu.memory_space<vmem>>, vector<16x126976xf32>
    %get3A_2 = arith.constant 0 : index
    %get3A_3 = arith.constant 0 : index
    %get3A_4 = vector.load %arg2[%get3A_2, %get3A_3] : memref<16x1xf32, #tpu.memory_space<vmem>>, vector<16x1xf32>
    %mul3A = vector.broadcast %get3A_4 : vector<16x1xf32> to vector<16x126976xf32>
    %mul3A_5 = arith.mulf %get3A_1, %mul3A : vector<16x126976xf32>
    %reduce_sum3A = arith.constant dense<0.000000e+00> : vector<126976xf32>
    %reduce_sum3A_6 = vector.multi_reduction <add>, %mul3A_5, %reduce_sum3A [0] : vector<16x126976xf32> to vector<126976xf32>
    %broadcast_in_dim3A = vector.shape_cast %reduce_sum3A_6 : vector<126976xf32> to vector<1x126976xf32>
    %get3A_7 = arith.constant 0 : index
    %get3A_8 = arith.constant 0 : index
    %get3A_9 = memref.load %arg3[%get3A_7, %get3A_8] : memref<1x1xf32, #tpu.memory_space<smem>>
    %add3A = vector.broadcast %get3A_9 : f32 to vector<1x126976xf32>
    %add3A_10 = arith.addf %broadcast_in_dim3A, %add3A : vector<1x126976xf32>
    %swap3A = arith.constant 0 : index
    %swap3A_11 = arith.constant 0 : index
    %swap3A_12 = vector.load %arg4[%swap3A, %swap3A_11] : memref<1x126976xf32, #tpu.memory_space<vmem>>, vector<1x126976xf32>
    tpu.vector_store %arg4[%swap3A, %swap3A_11], %add3A_10 {strides = array<i32>} : memref<1x126976xf32, #tpu.memory_space<vmem>>, vector<1x126976xf32>,
    return
  }
  func.func @transform_0(%arg0: i32) -> (i32, i32) {
    %c0_i32 = arith.constant 0 : i32
    %c0_i32_0 = arith.constant 0 : i32
    return %c0_i32, %arg0 : i32, i32
  }
  func.func @transform_1(%arg0: i32) -> (i32, i32) {
    %c0_i32 = arith.constant 0 : i32
    %c0_i32_0 = arith.constant 0 : i32
    %c0_i32_1 = arith.constant 0 : i32
    return %c0_i32, %c0_i32_0 : i32, i32
  }
  func.func @transform_2(%arg0: i32) -> (i32, i32) {
    %c0_i32 = arith.constant 0 : i32
    %c0_i32_0 = arith.constant 0 : i32
    %c0_i32_1 = arith.constant 0 : i32
    return %c0_i32, %c0_i32_0 : i32, i32
  }
  func.func @transform_3(%arg0: i32) -> (i32, i32) {
    %c0_i32 = arith.constant 0 : i32
    %c0_i32_0 = arith.constant 0 : i32
    return %c0_i32, %arg0 : i32, i32
  }
}

</mosaic_0001>

<sc_bundles>
// kernel: kernel.4.cloned.1.call-start
scs
__scs_entry_jumppad:
0x0: {  	(pc) =	sbr.rel $0x88, $3  }
0x1: {  	(tag) =	ssettag $0x0;
	lr =	simm.s32 $0x1  }
0x2: {  	[smem:$0x3F9D] =	sst lr;
	_ =	strace $0xD0000000  }
0x3: {  	_ = 	snop  }
0x4: {  	_ = 	snop  }
0x5: {  	_ = 	snop  }
0x6: {  	_ = 	snop  }
0x7: {  	_ = 	snop  }
__scs_overlays_trampoline_lowered:
0x8: {  	[smem:$0x3FAC] =	sst s0  }
0x9: {  	[smem:$0x3FAD] =	sst s1  }
0xa: {  	[smem:$0x3FAE] =	sst s2  }
0xb: {  	[smem:$0x3FAF] =	sst s3  }
0xc: {  	[smem:$0x3FB0] =	sst s4  }
0xd: {  	[smem:$0x3FB1] =	sst s5  }
0xe: {  	[smem:$0x3FB2] =	sst s6  }
0xf: {  	[smem:$0x3FB3] =	sst s7  }
0x10: {  	[smem:$0x3FB4] =	sst s8  }
0x11: {  	[smem:$0x3FB5] =	sst s9;
	s0 =	simm.s32 @!p0 $0x0  }
0x12: {  	s1 =	sld [smem:$0x3F9B];
	s0 =	simm.s32 @p0 $0x1  }
0x13: {  	[smem:$0x3FB6] =	sst s0;
	s0 =	simm.s32 @!p1 $0x0  }
0x14: {  	s2 =	sld [smem:$0x3F9A];
	s0 =	simm.s32 @p1 $0x1  }
0x15: {  	[smem:$0x3FB7] =	sst s0;
	s0 =	simm.s32 @!p2 $0x0  }
0x16: {  	s3 =	sld [smem:$0x3FDB];
	s0 =	simm.s32 @p2 $0x1  }
0x17: {  	s4 =	simm.s32 $0x1BF5;
	[smem:$0x3FB9] =	sst s0  }
0x18: {  	s0 =	sld [smem:$0x3F9C];
	_ =	swait.ge [sflag:s4], $0x0  }
0x19: {  	s7 =	sld [smem:$0x3F9D]  }
0x1a: {  	s8 =	sadd.s32 $0xFFFFE003, lr  }
0x1b: {  	s9 =	sadd.s32 $0xFFFFFEF7, lr;
	s5 =	simm.s32 $0xFFFFFFFF;
	p2 =	slt.u32 s8, $0xFFFFF086  }
0x1c: {  	p1 =	slt.u32 s9, $0xF7A;
	s5 =	simm.s32 @!p2 $0x0  }
0x1d: {  	s5 =	simm.s32 @p1 $0x1;
	p0 =	seq.s32 s7, s2  }
0x1e: {  	s7 =	smul.u32 @!p0 $0xF7A, s2;
	p2 =	seq.s32 @!p0 s5, $0x0  }
0x1f: {  	s9 =	smul.u32 $0xF7A, s1;
	s8 =	simm.s32 @!p0 $0x1BF5;
	p2 =	por !p2, p0  }
0x20: {  	[sflag:s8] =	ssyncset.s32 @!p0 $0xFFFFF086;
	s6 =	sadd.s32 @!p0 s3, s7;
	s7 =	simm.s32 @!p0 $0x108  }
0x21: {  	s3 =	sadd.s32 s3, s9;
	s6 =	sadd.s32 @!p0 $0x88, s6;
	s7 =	simm.s32 @p2 $0x1082  }
0x22: {  	[simem:s7], [sflag:s8] =	dma.local @!p0 [hbm:s6], $0xF7A  }
0x23: {  	s9 =	sor.u32 $0xD0000000, s2;
	s6 =	simm.s32 $0x108;
	_ =	swait.ge @!p0 [sflag:s8], $0x0  }
0x24: {  	s3 =	sadd.s32 $0x88, s3;
	s6 =	simm.s32 @!p1 $0x1082;
	[sflag:s4] =	ssyncset.s32 $0xFFFFF086  }
0x25: {  	[simem:s6], [sflag:s4] =	dma.local [hbm:s3], $0xF7A  }
0x26: {  	[smem:$0x3F9D] =	sst s1;
	(tag) =	ssettag s2;
	_ =	strace s9  }
0x27: {  	s1 =	sld [smem:$0x3FAD]  }
0x28: {  	s2 =	sld [smem:$0x3FAE]  }
0x29: {  	s4 =	sld [smem:$0x3FB0]  }
0x2a: {  	p0 =	seq.s32 s5, $0x0;
	s5 =	sld [smem:$0x3FB1]  }
0x2b: {  	s6 =	sld [smem:$0x3FB2]  }
0x2c: {  	s7 =	sld [smem:$0x3FB3]  }
0x2d: {  	s3 =	simm.s32 $0x108;
	s8 =	sld [smem:$0x3FB4]  }
0x2e: {  	s3 =	simm.s32 @!p0 $0x1082;
	s9 =	sld [smem:$0x3FB5]  }
0x2f: {  	lr =	sadd.s32 s0, s3;
	s0 =	sld [smem:$0x3FAC]  }
0x30: {  	s3 =	sld [smem:$0x3FAF]  }
0x31: {  	[smem:$0x3FB8] =	sst s10  }
0x32: {  	s10 =	sld [smem:$0x3FB6];
	_ =	sdelay $0x3  }
0x33: {  	p0 =	seq.s32 s10, $0x1;
	s10 =	sld [smem:$0x3FB8];
	_ =	sdelay $0x3  }
0x34: {  	[smem:$0x3FB8] =	sst s10  }
0x35: {  	s10 =	sld [smem:$0x3FB7];
	_ =	sdelay $0x3  }
0x36: {  	p1 =	seq.s32 s10, $0x1;
	s10 =	sld [smem:$0x3FB8];
	_ =	sdelay $0x3  }
0x37: {  	[smem:$0x3FB8] =	sst s10  }
0x38: {  	s10 =	sld [smem:$0x3FB9]  }
0x39: {  	_ = 	snop;
	(pc) =	sbr.ind lr, $3  }
0x3a: {  	_ = 	snop  }
0x3b: {  	_ = 	snop  }
0x3c: {  	p2 =	seq.s32 s10, $0x1;
	s10 =	sld [smem:$0x3FB8]  }
0x3d: {  	_ =	shalt  }
0x3e: {  	_ =	shalt  }
0x3f: {  	_ =	shalt  }
0x40: {  	_ =	shalt  }
0x41: {  	_ =	shalt  }
0x42: {  	_ =	shalt  }
0x43: {  	_ =	shalt  }
0x44: {  	_ =	shalt  }
0x45: {  	_ =	shalt  }
0x46: {  	_ =	shalt  }
0x47: {  	_ =	shalt  }
0x48: {  	_ =	shalt  }
0x49: {  	_ =	shalt  }
0x4a: {  	_ =	shalt  }
0x4b: {  	_ =	shalt  }
0x4c: {  	_ =	shalt  }
0x4d: {  	_ =	shalt  }
0x4e: {  	_ =	shalt  }
0x4f: {  	_ =	shalt  }
0x50: {  	_ =	shalt  }
0x51: {  	_ =	shalt  }
0x52: {  	_ =	shalt  }
0x53: {  	_ =	shalt  }
0x54: {  	_ =	shalt  }
0x55: {  	_ =	shalt  }
0x56: {  	_ =	shalt  }
0x57: {  	_ =	shalt  }
0x58: {  	_ =	shalt  }
0x59: {  	_ =	shalt  }
0x5a: {  	_ =	shalt  }
0x5b: {  	_ =	shalt  }
0x5c: {  	_ =	shalt  }
0x5d: {  	_ =	shalt  }
0x5e: {  	_ =	shalt  }
0x5f: {  	_ =	shalt  }
0x60: {  	_ =	shalt  }
0x61: {  	_ =	shalt  }
0x62: {  	_ =	shalt  }
0x63: {  	_ =	shalt  }
0x64: {  	_ =	shalt  }
0x65: {  	_ =	shalt  }
0x66: {  	_ =	shalt  }
0x67: {  	_ =	shalt  }
0x68: {  	_ =	shalt  }
0x69: {  	_ =	shalt  }
0x6a: {  	_ =	shalt  }
0x6b: {  	_ =	shalt  }
0x6c: {  	_ =	shalt  }
0x6d: {  	_ =	shalt  }
0x6e: {  	_ =	shalt  }
0x6f: {  	_ =	shalt  }
0x70: {  	_ =	shalt  }
0x71: {  	_ =	shalt  }
0x72: {  	_ =	shalt  }
0x73: {  	_ =	shalt  }
0x74: {  	_ =	shalt  }
0x75: {  	_ =	shalt  }
0x76: {  	_ =	shalt  }
0x77: {  	_ =	shalt  }
0x78: {  	_ =	shalt  }
0x79: {  	_ =	shalt  }
0x7a: {  	_ =	shalt  }
0x7b: {  	_ =	shalt  }
0x7c: {  	_ =	shalt  }
0x7d: {  	_ =	shalt  }
0x7e: {  	_ =	shalt  }
0x7f: {  	_ =	shalt  }
0x80: {  	_ =	shalt  }
0x81: {  	_ =	shalt  }
0x82: {  	_ =	shalt  }
0x83: {  	_ =	shalt  }
0x84: {  	_ =	shalt  }
0x85: {  	_ =	shalt  }
0x86: {  	_ =	shalt  }
0x87: {  	_ =	shalt  }
.Lfunc_end0:
.L_simem_size_0:
called_computation_lowered:
.L_overlay_start_0:
0x88: {  	s2 =	sld [smem:$0x3FD9]  }
0x89: {  	s3 =	sld [smem:$0x3FFE];
	_ =	sdelay $0x1  }
0x8a: {  	s1 =	srdreg.scid  }
0x8b: {  	s0 =	sand.u32 $0x1, s1  }
0x8c: {  	s17 =	sshll.u32 s0, $0xA;
	s2 =	sadd.s32 s3, s2  }
0x8d: {  	s2 =	sadd.s32 s2, s17  }
0x8e: {  	[smem:$0x3FC4] =	sst s2  }
0x8f: {  	_ = 	snop  }
0x90: {  	s2 =	sld [smem:$0x3FC9]  }
0x91: {  	s18 =	sld [smem:$0x3FD0];
	(tm) =	ssettm $0x1  }
0x92: {  	s4 =	sld [smem:$0x3FFB];
	_ =	sdelay $0x3  }
0x93: {  	_ =	strace s4  }
0x94: {  	s4 =	sld [smem:$0x3FFC];
	_ =	sdelay $0x3  }
0x95: {  	_ =	strace s4  }
0x96: {  	s4 =	sld [smem:$0x3FFD];
	_ =	sdelay $0x3  }
0x97: {  	_ =	strace s4  }
0x98: {  	_ =	strace $0x8FFFFFFF  }
0x99: {  	s19 =	sld [smem:$0x3FDB];
	_ =	sdelay $0x1  }
0x9a: {  	s5 =	simm.s32 $_scs_section_size  }
0x9b: {  	s6 =	simm.s32 $_size__tile_overlayer_lowered;
	s7 =	simm.s32 $_tile_overlayer_lowered  }
0x9c: {  	s22 =	simm.s32 $0x1BFF;
	s21 =	sshll.u32 s7, $0x1;
	s4 =	sadd.s32 s5, s19  }
0x9d: {  	s8 =	simm.s32 $0x0;
	s20 =	sshll.u32 s6, $0x1;
	s6 =	sadd.s32 s21, s4  }
0x9e: {  	[timem:s8], [sflag:s22] =	dma.local [hbm:s6], s20  }
0x9f: {  	_ =	swait.ge [sflag:s22], s20  }
0xa0: {  	s5 =	ssub.s32 $0x0, s20;
	[sflag:s22] =	ssyncset.done $0x0  }
0xa1: {  	[sflag:s22] =	ssyncadd.s32 s5;
	_ =	sdelay $0x1  }
0xa2: {  	s23 =	simm.s32 $0x1B8B  }
0xa3: {  	_ =	swait.ge [sflag:s23], $0x1  }
0xa4: {  	[sflag:s23] =	ssyncset.done $0x0  }
0xa5: {  	s25 =	simm.s32 $0x1B8E;
	s24 =	sld [smem:$0x3FFE];
	[sflag:s23] =	ssyncadd.s32 $0xFFFFFFFF  }
0xa6: {  	s26 =	simm.s32 $execute0_lowered;
	[smem:$0x3FD2] =	sst s25  }
0xa7: {  	s6 =	sshll.u32 s26, $0x1;
	_ =	strace $0x80000046;
	[dreg:$0x1] =	wrdreg $0xFFFFFFFF  }
0xa8: {  	s28 =	simm.s32 $_size_execute0_lowered;
	s4 =	sadd.s32 s4, s6;
	[dreg:$0x0] =	wrdreg $0x0  }
0xa9: {  	s6 =	sshll.u32 s28, $0x1;
	[dreg:$0x2] =	wrdreg s4  }
0xaa: {  	[dreg:$0x3] =	wrdreg s6  }
0xab: {  	[dreg:$0x4] =	wrdreg $0xC0  }
0xac: {  	_ =	task [dreg:s8], $0x5FFFF  }
0xad: {  	[dreg:$0x1] =	wrdreg $0xFFFFFFFF  }
0xae: {  	[dreg:$0x0] =	wrdreg $0x60  }
0xaf: {  	[dreg:$0x2] =	wrdreg s2  }
0xb0: {  	[dreg:$0x3] =	wrdreg s24  }
0xb1: {  	[dreg:$0x4] =	wrdreg s18  }
0xb2: {  	[dreg:$0x5] =	wrdreg $0x9  }
0xb3: {  	_ =	task.clear_ibuf [dreg:s8], $0x6FFFF;
	_ =	strace $0x90000046  }
0xb4: {  	s29 =	simm.s32 $0x9;
	_ =	strace $0x80000048  }
0xb5: {  	_ =	swait.ge [sflag:s29], $0x1  }
0xb6: {  	[sflag:s29] =	ssyncadd.s32 $0xFFFFFFFF  }
0xb7: {  	_ =	strace $0x90000048  }
0xb8: {  	_ =	sfence  }
0xb9: {  	s30 =	sld [smem:$0x0];
	_ =	sdelay $0x2  }
0xba: {  	s31 =	sshll.u32 s1, $0xD;
	s1 =	sshrl.u32 s1, $0x2  }
0xbb: {  	s3 =	sand.u32 $0x4000, s31;
	s1 =	sadd.s32 s1, s30  }
0xbc: {  	s0 =	sor.u32 s3, s0;
	s1 =	sshll.u32 s1, $0x11  }
0xbd: {  	s0 =	sor.u32 s1, s0  }
0xbe: {  	s0 =	sadd.s32 $0x8F2B, s0  }
0xbf: {  	[sflag:s0] =	ssyncadd.remote.s32 $0x1  }
0xc0: {  	_ =	sfence.sel $0xFFFF  }
0xc1: {  	[dreg:$0x0] =	wrdreg $0xFFFFFFFF;
	(pc) =	sbr.abs _section_cstart, $3  }
0xc2: {  	[dreg:$0x1] =	wrdreg $0xFFFFFFFF  }
0xc3: {  	_ =	task.clear_ibuf [dreg:s8], $0x2FFFF;
	_ =	strace $0x9FFFFFFF  }
0xc4: {  	(tm) =	ssettm $0x7FFFFFFF  }
0xc5: {  	_ =	shalt  }
tec
execute0_lowered:
.L_overlay_start_1:
0x0: {  	(tag) =	ssettag $0x1  }
0x1: {  	s7 =	rddreg [dreg:$0x0]  }
0x2: {  	s0 =	rddreg [dreg:$0x1]  }
0x3: {  	s1 =	rddreg [dreg:$0x2];
	s3 =	simm.s32 $0x0  }
0x4: {  	[smem:$0x7FF] =	sst s3;
	s9 =	sadd.s32 $0x10, s7  }
0x5: {  	s10 =	sadd.s32 $0x20, s7;
	_ =	strace $0x80000047;
	[dreg:$0x5] =	wrdreg s9  }
0x6: {  	s11 =	sadd.s32 $0x30, s7;
	[dreg:$0x6] =	wrdreg s10  }
0x7: {  	s12 =	sadd.s32 $0x40, s7;
	[dreg:$0x7] =	wrdreg s11  }
0x8: {  	s13 =	sadd.s32 $0x50, s7;
	[dreg:$0x8] =	wrdreg s12  }
0x9: {  	s14 =	sadd.s32 $0x60, s7;
	[dreg:$0x9] =	wrdreg s13  }
0xa: {  	s15 =	sadd.s32 $0x70, s7;
	[dreg:$0xa] =	wrdreg s14  }
0xb: {  	s16 =	sadd.s32 $0x4000, s7;
	[dreg:$0xb] =	wrdreg s15  }
0xc: {  	s17 =	sadd.s32 $0x4010, s7;
	[dreg:$0xc] =	wrdreg s16  }
0xd: {  	s18 =	sadd.s32 $0x4020, s7;
	[dreg:$0xd] =	wrdreg s17  }
0xe: {  	s2 =	srdreg.scid;
	s19 =	sadd.s32 $0x4030, s7;
	[dreg:$0xe] =	wrdreg s18  }
0xf: {  	s4 =	stileid.u32;
	s20 =	sadd.s32 $0x4040, s7;
	[dreg:$0xf] =	wrdreg s19  }
0x10: {  	s28 =	simm.s32 $0x80;
	s21 =	sadd.s32 $0x4050, s7;
	[dreg:$0x10] =	wrdreg s20  }
0x11: {  	s29 =	simm.s32 $0x400;
	s22 =	sadd.s32 $0x4060, s7;
	[dreg:$0x11] =	wrdreg s21  }
0x12: {  	s30 =	simm.s32 $0x100;
	s23 =	sadd.s32 $0x4070, s7;
	[dreg:$0x12] =	wrdreg s22  }
0x13: {  	s2 =	sand.u32 $0x1, s2;
	s24 =	sadd.s32 $0x8000, s7;
	[dreg:$0x13] =	wrdreg s23  }
0x14: {  	s6 =	sshll.u32 s4, $0xA;
	s25 =	sadd.s32 $0x8010, s7;
	[dreg:$0x14] =	wrdreg s24  }
0x15: {  	s4 =	sadd.s32 $0x600, s0;
	s26 =	sadd.s32 $0x8020, s7;
	[dreg:$0x15] =	wrdreg s25  }
0x16: {  	s31 =	ssub.s32 $0x2, s2;
	s2 =	sshll.u32 s2, $0x9;
	[dreg:$0x17] =	wrdreg s26  }
0x17: {  	s11 =	simm.s32 $0x7;
	s12 =	simm.s32 $0x8;
	s13 =	simm.s32 $0x9  }
0x18: {  	s14 =	simm.s32 $0xA;
	s15 =	simm.s32 $0xB;
	s16 =	simm.s32 $0xC  }
0x19: {  	s17 =	simm.s32 $0xD;
	s18 =	simm.s32 $0xE;
	s19 =	simm.s32 $0xF  }
0x1a: {  	s20 =	simm.s32 $0x10;
	s21 =	simm.s32 $0x11;
	s5 =	sshrl.u32 s31, $0x1  }
0x1b: {  	s22 =	simm.s32 $0x12;
	s2 =	sor.u32 s2, s6;
	s8 =	ssub.s32 s31, s5  }
0x1c: {  	[dreg:$0x4] =	wrdreg s2;
	s2 =	sshrl.u32 s2, $0x3;
	s31 =	sadd.s32 $0x8030, s7  }
0x1d: {  	s24 =	simm.s32 $0x13;
	s1 =	sadd.s32 s1, s2;
	[dreg:$0x19] =	wrdreg s31  }
0x1e: {  	s26 =	simm.s32 $0x14;
	s0 =	smax.u32 s8, $0x1;
	[dreg:$0x16] =	wrdreg s1  }
0x1f: {  	s9 =	simm.s32 $0x900;
	s2 =	simm.s32 $0x0;
	[dreg:$0x18] =	wrdreg s0  }
.LBB2_1:
0x20: {  	[dreg:$0x1a] =	wrdreg s2;
	p1 =	por $0x1, $0x1;
	s31 =	simm.s32 $0x0  }
.LBB2_2:
0x21: {  	s0 =	rddreg [dreg:$0x4]  }
0x22: {  	s3 =	rddreg [dreg:$0x0];
	s1 =	sor.u32 s0, s31  }
0x23: {  	s2 =	rddreg [dreg:$0x5];
	s0 =	sadd.s32 s3, s1;
	s3 =	simm.s32 $0x0  }
0x24: {  	[tilespmem:s3], [sflag:$0x1] =	stream.strided.gather [hbm4b:s0+s28], $0x100, s29, s28, $0x38;
	[tilespmem:$0x19200] =	vst v63  }
0x25: {  	s5 =	rddreg [dreg:$0x6];
	s2 =	sadd.s32 s1, s2  }
0x26: {  	[tilespmem:s30], [sflag:$0x2] =	stream.strided.gather [hbm4b:s2+s28], $0x100, s29, s28, $0x38;
	[tilespmem:$0x19200] =	vst v63  }
0x27: {  	s6 =	rddreg [dreg:$0x7];
	s2 =	sadd.s32 s1, s5;
	s5 =	simm.s32 $0x200  }
0x28: {  	[tilespmem:s5], [sflag:$0x3] =	stream.strided.gather [hbm4b:s2+s28], $0x100, s29, s28, $0x38;
	[tilespmem:$0x19200] =	vst v63  }
0x29: {  	s7 =	rddreg [dreg:$0x8];
	s2 =	sadd.s32 s1, s6;
	s6 =	simm.s32 $0x300  }
0x2a: {  	[tilespmem:s6], [sflag:$0x4] =	stream.strided.gather [hbm4b:s2+s28], $0x100, s29, s28, $0x38;
	[tilespmem:$0x19200] =	vst v63  }
0x2b: {  	s8 =	rddreg [dreg:$0x9];
	s2 =	sadd.s32 s1, s7  }
0x2c: {  	[tilespmem:s29], [sflag:$0x5] =	stream.strided.gather [hbm4b:s2+s28], $0x100, s29, s28, $0x38;
	[tilespmem:$0x19200] =	vst v63  }
0x2d: {  	s10 =	rddreg [dreg:$0xa];
	s7 =	simm.s32 $0x500;
	s2 =	sadd.s32 s1, s8  }
0x2e: {  	[tilespmem:s7], [sflag:$0x6] =	stream.strided.gather [hbm4b:s2+s28], $0x100, s29, s28, $0x38;
	[tilespmem:$0x19200] =	vst v63  }
0x2f: {  	s23 =	rddreg [dreg:$0xb];
	s8 =	simm.s32 $0x600;
	s2 =	sadd.s32 s1, s10  }
0x30: {  	[tilespmem:s8], [sflag:$0x7] =	stream.strided.gather [hbm4b:s2+s28], $0x100, s29, s28, $0x38;
	[tilespmem:$0x19200] =	vst v63  }
0x31: {  	s25 =	rddreg [dreg:$0xc];
	s2 =	sadd.s32 s1, s23;
	s23 =	simm.s32 $0x700  }
0x32: {  	[tilespmem:s23], [sflag:$0x8] =	stream.strided.gather [hbm4b:s2+s28], $0x100, s29, s28, $0x38;
	[tilespmem:$0x19200] =	vst v63  }
0x33: {  	s10 =	rddreg [dreg:$0xd];
	s2 =	sadd.s32 s1, s25;
	s25 =	simm.s32 $0x800  }
0x34: {  	[tilespmem:s25], [sflag:$0x9] =	stream.strided.gather [hbm4b:s2+s28], $0x100, s29, s28, $0x38;
	[tilespmem:$0x19200] =	vst v63  }
0x35: {  	s2 =	sadd.s32 s1, s10;
	s10 =	simm.s32 $0x1  }
0x36: {  	[tilespmem:s9], [sflag:$0xA] =	stream.strided.gather [hbm4b:s2+s28], $0x100, s29, s28, $0x38;
	[tilespmem:$0x19200] =	vst v63  }
0x37: {  	_ =	swait.ge [sflag:s10], $0x100  }
0x38: {  	[sflag:s10] =	ssyncset.done $0x0  }
0x39: {  	[sflag:s10] =	ssyncadd.s32 $0xFFFFFF00;
	s10 =	simm.s32 $0xC800  }
0x3a: {  	[tilespmem:s10], [sflag:$0xB] =	stream.indirect.gather [hbm4b:s4+s30], $0x1, s3, s30, $0xb8;
	[tilespmem:$0x19200] =	vst v63  }
0x3b: {  	s10 =	rddreg [dreg:$0xe]  }
0x3c: {  	s2 =	sadd.s32 s1, s10;
	s10 =	simm.s32 $0xA00  }
0x3d: {  	[tilespmem:s10], [sflag:$0x1] =	stream.strided.gather [hbm4b:s2+s28], $0x100, s29, s28, $0x38;
	[tilespmem:$0x19200] =	vst v63  }
0x3e: {  	s10 =	simm.s32 $0x2  }
0x3f: {  	_ =	swait.ge [sflag:s10], $0x100  }
0x40: {  	[sflag:s10] =	ssyncset.done $0x0  }
0x41: {  	[sflag:s10] =	ssyncadd.s32 $0xFFFFFF00;
	s10 =	simm.s32 $0xC900  }
0x42: {  	[tilespmem:s10], [sflag:$0xC] =	stream.indirect.gather [hbm4b:s4+s30], $0x1, s30, s30, $0xb8;
	[tilespmem:$0x19200] =	vst v63  }
0x43: {  	s10 =	rddreg [dreg:$0xf]  }
0x44: {  	s2 =	sadd.s32 s1, s10;
	s10 =	simm.s32 $0xB00  }
0x45: {  	[tilespmem:s10], [sflag:$0x2] =	stream.strided.gather [hbm4b:s2+s28], $0x100, s29, s28, $0x38;
	[tilespmem:$0x19200] =	vst v63  }
0x46: {  	s10 =	simm.s32 $0x3  }
0x47: {  	_ =	swait.ge [sflag:s10], $0x100  }
0x48: {  	[sflag:s10] =	ssyncset.done $0x0  }
0x49: {  	[sflag:s10] =	ssyncadd.s32 $0xFFFFFF00;
	s10 =	simm.s32 $0xCA00  }
0x4a: {  	[tilespmem:s10], [sflag:$0xD] =	stream.indirect.gather [hbm4b:s4+s30], $0x1, s5, s30, $0xb8;
	[tilespmem:$0x19200] =	vst v63  }
0x4b: {  	s5 =	rddreg [dreg:$0x10]  }
0x4c: {  	s10 =	simm.s32 $0xC00;
	s2 =	sadd.s32 s1, s5;
	s5 =	simm.s32 $0x4  }
0x4d: {  	[tilespmem:s10], [sflag:$0x3] =	stream.strided.gather [hbm4b:s2+s28], $0x100, s29, s28, $0x38;
	[tilespmem:$0x19200] =	vst v63  }
0x4e: {  	_ =	swait.ge [sflag:s5], $0x100  }
0x4f: {  	[sflag:s5] =	ssyncset.done $0x0  }
0x50: {  	s10 =	simm.s32 $0xCB00;
	[sflag:s5] =	ssyncadd.s32 $0xFFFFFF00;
	s5 =	rddreg [dreg:$0x11]  }
0x51: {  	[tilespmem:s10], [sflag:$0xE] =	stream.indirect.gather [hbm4b:s4+s30], $0x1, s6, s30, $0xb8;
	[tilespmem:$0x19200] =	vst v63  }
0x52: {  	s2 =	sadd.s32 s1, s5;
	s6 =	simm.s32 $0xD00;
	s10 =	simm.s32 $0x5  }
0x53: {  	[tilespmem:s6], [sflag:$0x4] =	stream.strided.gather [hbm4b:s2+s28], $0x100, s29, s28, $0x38;
	[tilespmem:$0x19200] =	vst v63  }
0x54: {  	_ =	swait.ge [sflag:s10], $0x100  }
0x55: {  	[sflag:s10] =	ssyncset.done $0x0  }
0x56: {  	s5 =	simm.s32 $0xCC00;
	s6 =	rddreg [dreg:$0x12];
	[sflag:s10] =	ssyncadd.s32 $0xFFFFFF00  }
0x57: {  	[tilespmem:s5], [sflag:$0xF] =	stream.indirect.gather [hbm4b:s4+s30], $0x1, s29, s30, $0xb8;
	[tilespmem:$0x19200] =	vst v63  }
0x58: {  	s2 =	sadd.s32 s1, s6;
	s10 =	simm.s32 $0xE00;
	s5 =	simm.s32 $0x6  }
0x59: {  	[tilespmem:s10], [sflag:$0x5] =	stream.strided.gather [hbm4b:s2+s28], $0x100, s29, s28, $0x38;
	[tilespmem:$0x19200] =	vst v63  }
0x5a: {  	_ =	swait.ge [sflag:s5], $0x100  }
0x5b: {  	[sflag:s5] =	ssyncset.done $0x0  }
0x5c: {  	s6 =	simm.s32 $0xCD00;
	[sflag:s5] =	ssyncadd.s32 $0xFFFFFF00  }
0x5d: {  	[tilespmem:s6], [sflag:$0x10] =	stream.indirect.gather [hbm4b:s4+s30], $0x1, s7, s30, $0xb8;
	[tilespmem:$0x19200] =	vst v63  }
0x5e: {  	s7 =	rddreg [dreg:$0x13]  }
0x5f: {  	s10 =	simm.s32 $0xF00;
	s2 =	sadd.s32 s1, s7  }
0x60: {  	[tilespmem:s10], [sflag:$0x6] =	stream.strided.gather [hbm4b:s2+s28], $0x100, s29, s28, $0x38;
	[tilespmem:$0x19200] =	vst v63  }
0x61: {  	_ =	swait.ge [sflag:s11], $0x100  }
0x62: {  	[sflag:s11] =	ssyncset.done $0x0  }
0x63: {  	s5 =	simm.s32 $0xCE00;
	s6 =	rddreg [dreg:$0x14];
	[sflag:s11] =	ssyncadd.s32 $0xFFFFFF00  }
0x64: {  	[tilespmem:s5], [sflag:$0x11] =	stream.indirect.gather [hbm4b:s4+s30], $0x1, s8, s30, $0xb8;
	[tilespmem:$0x19200] =	vst v63  }
0x65: {  	s7 =	simm.s32 $0x1000;
	s2 =	sadd.s32 s1, s6  }
0x66: {  	[tilespmem:s7], [sflag:$0x7] =	stream.strided.gather [hbm4b:s2+s28], $0x100, s29, s28, $0x38;
	[tilespmem:$0x19200] =	vst v63  }
0x67: {  	_ =	swait.ge [sflag:s12], $0x100  }
0x68: {  	[sflag:s12] =	ssyncset.done $0x0  }
0x69: {  	s8 =	simm.s32 $0xCF00;
	s10 =	rddreg [dreg:$0x15];
	[sflag:s12] =	ssyncadd.s32 $0xFFFFFF00  }
0x6a: {  	[tilespmem:s8], [sflag:$0x12] =	stream.indirect.gather [hbm4b:s4+s30], $0x1, s23, s30, $0xb8;
	[tilespmem:$0x19200] =	vst v63  }
0x6b: {  	s2 =	sadd.s32 s1, s10;
	s23 =	simm.s32 $0x1100  }
0x6c: {  	[tilespmem:s23], [sflag:$0x8] =	stream.strided.gather [hbm4b:s2+s28], $0x100, s29, s28, $0x38;
	[tilespmem:$0x19200] =	vst v63  }
0x6d: {  	_ =	swait.ge [sflag:s13], $0x100  }
0x6e: {  	[sflag:s13] =	ssyncset.done $0x0  }
0x6f: {  	s6 =	simm.s32 $0xD000;
	s7 =	rddreg [dreg:$0x17];
	[sflag:s13] =	ssyncadd.s32 $0xFFFFFF00  }
0x70: {  	[tilespmem:s6], [sflag:$0x13] =	stream.indirect.gather [hbm4b:s4+s30], $0x1, s25, s30, $0xb8;
	[tilespmem:$0x19200] =	vst v63  }
0x71: {  	s8 =	simm.s32 $0x1200;
	s2 =	sadd.s32 s1, s7  }
0x72: {  	[tilespmem:s8], [sflag:$0x9] =	stream.strided.gather [hbm4b:s2+s28], $0x100, s29, s28, $0x38;
	[tilespmem:$0x19200] =	vst v63  }
0x73: {  	v32 =	vimm.f32 $0.0e+00;
	_ =	swait.ge [sflag:s14], $0x100  }
0x74: {  	v1 =	vimm.f32 $0.0e+00;
	v2 =	vimm.f32 $0.0e+00;
	v3 =	vimm.f32 $0.0e+00;
	[sflag:s14] =	ssyncset.done $0x0  }
0x75: {  	v4 =	vimm.f32 $0.0e+00;
	v5 =	vimm.f32 $0.0e+00;
	v6 =	vimm.f32 $0.0e+00;
	s10 =	simm.s32 $0xD100;
	s23 =	rddreg [dreg:$0x19];
	[sflag:s14] =	ssyncadd.s32 $0xFFFFFF00  }
0x76: {  	v7 =	vimm.f32 $0.0e+00;
	v8 =	vimm.f32 $0.0e+00;
	v9 =	vimm.f32 $0.0e+00;
	[tilespmem:s10], [sflag:$0x14] =	stream.indirect.gather [hbm4b:s4+s30], $0x1, s9, s30, $0xb8;
	[tilespmem:$0x19200] =	vst v63  }
0x77: {  	v10 =	vimm.f32 $0.0e+00;
	v11 =	vimm.f32 $0.0e+00;
	v12 =	vimm.f32 $0.0e+00;
	p0 =	por p1, p1;
	s25 =	simm.s32 $0x1300;
	s1 =	sadd.s32 s1, s23  }
0x78: {  	v13 =	vimm.f32 $0.0e+00;
	v14 =	vimm.f32 $0.0e+00;
	v15 =	vimm.f32 $0.0e+00;
	[tilespmem:s25], [sflag:$0xA] =	stream.strided.gather [hbm4b:s1+s28], $0x100, s29, s28, $0x38;
	[tilespmem:$0x19200] =	vst v63  }
.LBB2_3:
0x79: {  	_ =	swait.ge [sflag:s15], $0x100  }
0x7a: {  	p1 =	seq.s32 s3, $0x13;
	[sflag:s15] =	ssyncset.done $0x0  }
0x7b: {  	s2 =	smul.u32 $0xA00, s3;
	s1 =	simm.s32 @!p1 $0x1;
	[sflag:s15] =	ssyncadd.s32 $0xFFFFFF00  }
0x7c: {  	s23 =	smul.u32 $0xA, s3;
	s25 =	simm.s32 @!p1 $0x100;
	_ =	swait.ge @!p1 [sflag:s1], $0x100  }
0x7d: {  	p2 =	sgt.u32 @!p1 s3, $0x11;
	s5 =	sadd.s32 @!p1 $0xA00, s2;
	[sflag:s1] =	ssyncset.done @!p1 $0x0  }
0x7e: {  	p3 =	por p2, p1;
	[sflag:s1] =	ssyncadd.s32 @!p1 $0xFFFFFF00;
	s1 =	sadd.s32 @!p1 $0xD200, s2  }
0x7f: {  	[tilespmem:s1], [sflag:$0xB] =	stream.indirect.gather @!p1 [hbm4b:s4+s25], $0x1, s5, s25, $0xb8;
	[tilespmem:$0x19200] =	vst v63  }
0x80: {  	s1 =	sadd.s32 @!p3 $0x14, s23  }
0x81: {  	s5 =	sshll.u32 @!p3 s1, $0x4;
	s6 =	sshll.u32 @!p3 s1, $0xB  }
0x82: {  	s5 =	sand.u32 @!p3 $0x60, s5;
	s6 =	sand.u32 @!p3 $0x1FC000, s6  }
0x83: {  	s7 =	simm.s32 @!p3 $0x400;
	s1 =	sshll.u32 @!p3 s1, $0x8;
	s5 =	sor.u32 @!p3 s5, s6  }
0x84: {  	s1 =	sand.u32 @!p3 $0x3FFFFF00, s1;
	s6 =	simm.s32 @!p3 $0x80;
	s5 =	sadd.s32 @!p3 s5, s0  }
0x85: {  	[tilespmem:s1], [sflag:$0x1] =	stream.strided.gather @!p3 [hbm4b:s5+s6], $0x100, s7, s6, $0x38;
	[tilespmem:$0x19200] =	vst v63  }
0x86: {  	v29 =	vld [tilespmem:s2+$0xC800]  }
0x87: {  	v30 =	vld [tilespmem:s2+$0xC810]  }
0x88: {  	v27 =	vld [tilespmem:s2+$0xC820]  }
0x89: {  	v28 =	vld [tilespmem:s2+$0xC830]  }
0x8a: {  	v25 =	vld [tilespmem:s2+$0xC840]  }
0x8b: {  	v26 =	vld [tilespmem:s2+$0xC850]  }
0x8c: {  	v23 =	vld [tilespmem:s2+$0xC860]  }
0x8d: {  	v24 =	vld [tilespmem:s2+$0xC870]  }
0x8e: {  	v21 =	vld [tilespmem:s2+$0xC880]  }
0x8f: {  	v22 =	vld [tilespmem:s2+$0xC890]  }
0x90: {  	v19 =	vld [tilespmem:s2+$0xC8A0]  }
0x91: {  	v20 =	vld [tilespmem:s2+$0xC8B0]  }
0x92: {  	v17 =	vld [tilespmem:s2+$0xC8C0]  }
0x93: {  	v18 =	vld [tilespmem:s2+$0xC8D0]  }
0x94: {  	v0 =	vld [tilespmem:s2+$0xC8E0]  }
0x95: {  	v16 =	vld [tilespmem:s2+$0xC8F0];
	_ =	swait.ge [sflag:s16], $0x100  }
0x96: {  	p4 =	por @!p1 $0x0, $0x0;
	[sflag:s16] =	ssyncset.done $0x0  }
0x97: {  	p2 =	por !p2, p1;
	s1 =	simm.s32 @!p1 $0x2;
	[sflag:s16] =	ssyncadd.s32 $0xFFFFFF00  }
0x98: {  	p3 =	por @!p3 $0x1, $0x1;
	s5 =	sadd.s32 @!p1 $0xB00, s2;
	_ =	swait.ge @!p1 [sflag:s1], $0x100  }
0x99: {  	p3 =	por @!p2 p4, p4;
	p2 =	por $0x0, $0x0;
	[sflag:s1] =	ssyncset.done @!p1 $0x0  }
0x9a: {  	p2 =	por @!p1 p3, p3;
	[sflag:s1] =	ssyncadd.s32 @!p1 $0xFFFFFF00;
	s1 =	sadd.s32 @!p1 $0xD300, s2  }
0x9b: {  	[tilespmem:s1], [sflag:$0xC] =	stream.indirect.gather @!p1 [hbm4b:s4+s25], $0x1, s5, s25, $0xb8;
	[tilespmem:$0x19200] =	vst v63  }
0x9c: {  	s1 =	sadd.s32 @p2 $0x15, s23  }
0x9d: {  	s5 =	sshll.u32 @p2 s1, $0x4;
	s6 =	sshll.u32 @p2 s1, $0xB  }
0x9e: {  	s1 =	sshll.u32 @p2 s1, $0x8;
	s5 =	sand.u32 @p2 $0x70, s5;
	s6 =	sand.u32 @p2 $0x1FC000, s6  }
0x9f: {  	s5 =	sor.u32 @p2 s5, s6;
	s6 =	sand.u32 @p2 $0x3FFFFF00, s1  }
0xa0: {  	s1 =	simm.s32 @p2 $0x80;
	s7 =	sadd.s32 @p2 s5, s0;
	s5 =	simm.s32 @p2 $0x400  }
0xa1: {  	[tilespmem:s6], [sflag:$0x2] =	stream.strided.gather @p2 [hbm4b:s7+s1], $0x100, s5, s1, $0x38;
	[tilespmem:$0x19200] =	vst v63  }
0xa2: {  	v31 =	vld [tilespmem:s2+$0xC900]  }
0xa3: {  	v63 =	vld [tilespmem:s2+$0xC910]  }
0xa4: {  	v33 =	vld [tilespmem:s2+$0xC920]  }
0xa5: {  	v34 =	vld [tilespmem:s2+$0xC930]  }
0xa6: {  	v35 =	vld [tilespmem:s2+$0xC940]  }
0xa7: {  	v36 =	vld [tilespmem:s2+$0xC950];
	[tilespmem:$0x1FB60] =	vst v31  }
0xa8: {  	v37 =	vld [tilespmem:s2+$0xC960];
	[tilespmem:$0x1FB70] =	vst v63  }
0xa9: {  	v38 =	vld [tilespmem:s2+$0xC970];
	[tilespmem:$0x1FB80] =	vst v33  }
0xaa: {  	v39 =	vld [tilespmem:s2+$0xC980];
	[tilespmem:$0x1FB90] =	vst v34  }
0xab: {  	v40 =	vld [tilespmem:s2+$0xC990];
	[tilespmem:$0x1FBA0] =	vst v35  }
0xac: {  	v41 =	vld [tilespmem:s2+$0xC9A0];
	[tilespmem:$0x1FBB0] =	vst v36  }
0xad: {  	v42 =	vld [tilespmem:s2+$0xC9B0];
	[tilespmem:$0x1FBC0] =	vst v37  }
0xae: {  	v43 =	vld [tilespmem:s2+$0xC9C0];
	[tilespmem:$0x1FBD0] =	vst v38  }
0xaf: {  	v44 =	vld [tilespmem:s2+$0xC9D0];
	[tilespmem:$0x1FBE0] =	vst v39  }
0xb0: {  	v45 =	vld [tilespmem:s2+$0xC9E0];
	[tilespmem:$0x1FBF0] =	vst v40  }
0xb1: {  	v46 =	vld [tilespmem:s2+$0xC9F0];
	[tilespmem:$0x1FC00] =	vst v41  }
0xb2: {  	[tilespmem:$0x1FC10] =	vst v42  }
0xb3: {  	[tilespmem:$0x1FC20] =	vst v43  }
0xb4: {  	[tilespmem:$0x1FC30] =	vst v44  }
0xb5: {  	[tilespmem:$0x1FC40] =	vst v45  }
0xb6: {  	[tilespmem:$0x1FC50] =	vst v46  }
0xb7: {  	_ =	swait.ge [sflag:s17], $0x100  }
0xb8: {  	[sflag:s17] =	ssyncset.done $0x0  }
0xb9: {  	s6 =	simm.s32 @!p1 $0x3;
	[sflag:s17] =	ssyncadd.s32 $0xFFFFFF00  }
0xba: {  	_ =	swait.ge @!p1 [sflag:s6], $0x100  }
0xbb: {  	[sflag:s6] =	ssyncset.done @!p1 $0x0  }
0xbc: {  	s7 =	sadd.s32 @!p1 $0xC00, s2;
	[sflag:s6] =	ssyncadd.s32 @!p1 $0xFFFFFF00;
	s6 =	sadd.s32 @!p1 $0xD400, s2  }
0xbd: {  	[tilespmem:s6], [sflag:$0xD] =	stream.indirect.gather @!p1 [hbm4b:s4+s25], $0x1, s7, s25, $0xb8;
	[tilespmem:$0x19200] =	vst v63  }
0xbe: {  	s6 =	sadd.s32 @p2 $0x16, s23  }
0xbf: {  	s7 =	sshll.u32 @p2 s6, $0x4;
	s8 =	sshll.u32 @p2 s6, $0xB  }
0xc0: {  	s7 =	sand.u32 @p2 $0x60, s7;
	s8 =	sand.u32 @p2 $0x1FC000, s8  }
0xc1: {  	s6 =	sshll.u32 @p2 s6, $0x8;
	s7 =	sor.u32 @p2 s7, s8  }
0xc2: {  	s6 =	sand.u32 @p2 $0x3FFFFF00, s6;
	s7 =	sadd.s32 @p2 s7, s0  }
0xc3: {  	[tilespmem:s6], [sflag:$0x3] =	stream.strided.gather @p2 [hbm4b:s7+s1], $0x100, s5, s1, $0x38;
	[tilespmem:$0x19200] =	vst v63  }
0xc4: {  	v47 =	vld [tilespmem:s2+$0xCA00]  }
0xc5: {  	v48 =	vld [tilespmem:s2+$0xCA10]  }
0xc6: {  	v49 =	vld [tilespmem:s2+$0xCA20]  }
0xc7: {  	v50 =	vld [tilespmem:s2+$0xCA30]  }
0xc8: {  	v51 =	vld [tilespmem:s2+$0xCA40]  }
0xc9: {  	v52 =	vld [tilespmem:s2+$0xCA50];
	[tilespmem:$0x1FC60] =	vst v47  }
0xca: {  	v53 =	vld [tilespmem:s2+$0xCA60];
	[tilespmem:$0x1FC70] =	vst v48  }
0xcb: {  	v54 =	vld [tilespmem:s2+$0xCA70];
	[tilespmem:$0x1FC80] =	vst v49  }
0xcc: {  	v55 =	vld [tilespmem:s2+$0xCA80];
	[tilespmem:$0x1FC90] =	vst v50  }
0xcd: {  	v56 =	vld [tilespmem:s2+$0xCA90];
	[tilespmem:$0x1FCA0] =	vst v51  }
0xce: {  	v57 =	vld [tilespmem:s2+$0xCAA0];
	[tilespmem:$0x1FCB0] =	vst v52  }
0xcf: {  	v58 =	vld [tilespmem:s2+$0xCAB0];
	[tilespmem:$0x1FCC0] =	vst v53  }
0xd0: {  	v59 =	vld [tilespmem:s2+$0xCAC0];
	[tilespmem:$0x1FCD0] =	vst v54  }
0xd1: {  	v60 =	vld [tilespmem:s2+$0xCAD0];
	[tilespmem:$0x1FCE0] =	vst v55  }
0xd2: {  	v61 =	vld [tilespmem:s2+$0xCAE0];
	[tilespmem:$0x1FCF0] =	vst v56  }
0xd3: {  	v62 =	vld [tilespmem:s2+$0xCAF0];
	[tilespmem:$0x1FD00] =	vst v57  }
0xd4: {  	[tilespmem:$0x1FD10] =	vst v58  }
0xd5: {  	[tilespmem:$0x1FD20] =	vst v59  }
0xd6: {  	[tilespmem:$0x1FD30] =	vst v60  }
0xd7: {  	[tilespmem:$0x1FD40] =	vst v61  }
0xd8: {  	[tilespmem:$0x1FD50] =	vst v62  }
0xd9: {  	_ =	swait.ge [sflag:s18], $0x100  }
0xda: {  	[sflag:s18] =	ssyncset.done $0x0  }
0xdb: {  	s6 =	simm.s32 @!p1 $0x4;
	[sflag:s18] =	ssyncadd.s32 $0xFFFFFF00  }
0xdc: {  	_ =	swait.ge @!p1 [sflag:s6], $0x100  }
0xdd: {  	[sflag:s6] =	ssyncset.done @!p1 $0x0  }
0xde: {  	s7 =	sadd.s32 @!p1 $0xD00, s2;
	[sflag:s6] =	ssyncadd.s32 @!p1 $0xFFFFFF00;
	s6 =	sadd.s32 @!p1 $0xD500, s2  }
0xdf: {  	[tilespmem:s6], [sflag:$0xE] =	stream.indirect.gather @!p1 [hbm4b:s4+s25], $0x1, s7, s25, $0xb8;
	[tilespmem:$0x19200] =	vst v63  }
0xe0: {  	s6 =	sadd.s32 @p2 $0x17, s23  }
0xe1: {  	s7 =	sshll.u32 @p2 s6, $0x4;
	s8 =	sshll.u32 @p2 s6, $0xB  }
0xe2: {  	s7 =	sand.u32 @p2 $0x70, s7;
	s8 =	sand.u32 @p2 $0x1FC000, s8  }
0xe3: {  	s6 =	sshll.u32 @p2 s6, $0x8;
	s7 =	sor.u32 @p2 s7, s8  }
0xe4: {  	s6 =	sand.u32 @p2 $0x3FFFFF00, s6;
	s7 =	sadd.s32 @p2 s7, s0  }
0xe5: {  	[tilespmem:s6], [sflag:$0x4] =	stream.strided.gather @p2 [hbm4b:s7+s1], $0x100, s5, s1, $0x38;
	[tilespmem:$0x19200] =	vst v63  }
0xe6: {  	v63 =	vld [tilespmem:s2+$0xCB00]  }
0xe7: {  	v33 =	vld [tilespmem:s2+$0xCB10]  }
0xe8: {  	v34 =	vld [tilespmem:s2+$0xCB20]  }
0xe9: {  	v35 =	vld [tilespmem:s2+$0xCB30]  }
0xea: {  	v36 =	vld [tilespmem:s2+$0xCB40]  }
0xeb: {  	v37 =	vld [tilespmem:s2+$0xCB50];
	[tilespmem:$0x1FD60] =	vst v63  }
0xec: {  	v38 =	vld [tilespmem:s2+$0xCB60];
	[tilespmem:$0x1FD70] =	vst v33  }
0xed: {  	v39 =	vld [tilespmem:s2+$0xCB70];
	[tilespmem:$0x1FD80] =	vst v34  }
0xee: {  	v40 =	vld [tilespmem:s2+$0xCB80];
	[tilespmem:$0x1FD90] =	vst v35  }
0xef: {  	v41 =	vld [tilespmem:s2+$0xCB90];
	[tilespmem:$0x1FDA0] =	vst v36  }
0xf0: {  	v42 =	vld [tilespmem:s2+$0xCBA0];
	[tilespmem:$0x1FDB0] =	vst v37  }
0xf1: {  	v43 =	vld [tilespmem:s2+$0xCBB0];
	[tilespmem:$0x1FDC0] =	vst v38  }
0xf2: {  	v44 =	vld [tilespmem:s2+$0xCBC0];
	[tilespmem:$0x1FDD0] =	vst v39  }
0xf3: {  	v45 =	vld [tilespmem:s2+$0xCBD0];
	[tilespmem:$0x1FDE0] =	vst v40  }
0xf4: {  	v46 =	vld [tilespmem:s2+$0xCBE0];
	[tilespmem:$0x1FDF0] =	vst v41  }
0xf5: {  	v47 =	vld [tilespmem:s2+$0xCBF0];
	[tilespmem:$0x1FE00] =	vst v42  }
0xf6: {  	[tilespmem:$0x1FE10] =	vst v43  }
0xf7: {  	[tilespmem:$0x1FE20] =	vst v44  }
0xf8: {  	[tilespmem:$0x1FE30] =	vst v45  }
0xf9: {  	[tilespmem:$0x1FE40] =	vst v46  }
0xfa: {  	[tilespmem:$0x1FE50] =	vst v47  }
0xfb: {  	_ =	swait.ge [sflag:s19], $0x100  }
0xfc: {  	[sflag:s19] =	ssyncset.done $0x0  }
0xfd: {  	s6 =	simm.s32 @!p1 $0x5;
	[sflag:s19] =	ssyncadd.s32 $0xFFFFFF00  }
0xfe: {  	_ =	swait.ge @!p1 [sflag:s6], $0x100  }
0xff: {  	[sflag:s6] =	ssyncset.done @!p1 $0x0  }
0x100: {  	s7 =	sadd.s32 @!p1 $0xE00, s2;
	[sflag:s6] =	ssyncadd.s32 @!p1 $0xFFFFFF00;
	s6 =	sadd.s32 @!p1 $0xD600, s2  }
0x101: {  	[tilespmem:s6], [sflag:$0xF] =	stream.indirect.gather @!p1 [hbm4b:s4+s25], $0x1, s7, s25, $0xb8;
	[tilespmem:$0x19200] =	vst v63  }
0x102: {  	s6 =	sadd.s32 @p2 $0x18, s23  }
0x103: {  	s7 =	sshll.u32 @p2 s3, $0x5;
	s8 =	sshll.u32 @p2 s6, $0xB  }
0x104: {  	s7 =	sand.u32 @p2 $0x60, s7;
	s8 =	sand.u32 @p2 $0x1FC000, s8  }
0x105: {  	s6 =	sshll.u32 @p2 s6, $0x8;
	s7 =	sor.u32 @p2 s8, s7  }
0x106: {  	s6 =	sand.u32 @p2 $0x3FFFFF00, s6;
	s7 =	sadd.s32 @p2 s7, s0  }
0x107: {  	[tilespmem:s6], [sflag:$0x5] =	stream.strided.gather @p2 [hbm4b:s7+s1], $0x100, s5, s1, $0x38;
	[tilespmem:$0x19200] =	vst v63  }
0x108: {  	v48 =	vld [tilespmem:s2+$0xCC00]  }
0x109: {  	v49 =	vld [tilespmem:s2+$0xCC10]  }
0x10a: {  	v50 =	vld [tilespmem:s2+$0xCC20]  }
0x10b: {  	v51 =	vld [tilespmem:s2+$0xCC30]  }
0x10c: {  	v52 =	vld [tilespmem:s2+$0xCC40]  }
0x10d: {  	v53 =	vld [tilespmem:s2+$0xCC50];
	[tilespmem:$0x1FE60] =	vst v48  }
0x10e: {  	v54 =	vld [tilespmem:s2+$0xCC60];
	[tilespmem:$0x1FE70] =	vst v49  }
0x10f: {  	v55 =	vld [tilespmem:s2+$0xCC70];
	[tilespmem:$0x1FE80] =	vst v50  }
0x110: {  	v56 =	vld [tilespmem:s2+$0xCC80];
	[tilespmem:$0x1FE90] =	vst v51  }
0x111: {  	v57 =	vld [tilespmem:s2+$0xCC90];
	[tilespmem:$0x1FEA0] =	vst v52  }
0x112: {  	v58 =	vld [tilespmem:s2+$0xCCA0];
	[tilespmem:$0x1FEB0] =	vst v53  }
0x113: {  	v59 =	vld [tilespmem:s2+$0xCCB0];
	[tilespmem:$0x1FEC0] =	vst v54  }
0x114: {  	v60 =	vld [tilespmem:s2+$0xCCC0];
	[tilespmem:$0x1FED0] =	vst v55  }
0x115: {  	v61 =	vld [tilespmem:s2+$0xCCD0];
	[tilespmem:$0x1FEE0] =	vst v56  }
0x116: {  	v62 =	vld [tilespmem:s2+$0xCCE0];
	[tilespmem:$0x1FEF0] =	vst v57  }
0x117: {  	v63 =	vld [tilespmem:s2+$0xCCF0];
	[tilespmem:$0x1FF00] =	vst v58  }
0x118: {  	[tilespmem:$0x1FF10] =	vst v59  }
0x119: {  	[tilespmem:$0x1FF20] =	vst v60  }
0x11a: {  	[tilespmem:$0x1FF30] =	vst v61  }
0x11b: {  	[tilespmem:$0x1FF40] =	vst v62  }
0x11c: {  	[tilespmem:$0x1FF50] =	vst v63  }
0x11d: {  	_ =	swait.ge [sflag:s20], $0x100  }
0x11e: {  	[sflag:s20] =	ssyncset.done $0x0  }
0x11f: {  	s6 =	simm.s32 @!p1 $0x6;
	[sflag:s20] =	ssyncadd.s32 $0xFFFFFF00  }
0x120: {  	_ =	swait.ge @!p1 [sflag:s6], $0x100  }
0x121: {  	[sflag:s6] =	ssyncset.done @!p1 $0x0  }
0x122: {  	s7 =	sadd.s32 @!p1 $0xF00, s2;
	[sflag:s6] =	ssyncadd.s32 @!p1 $0xFFFFFF00;
	s6 =	sadd.s32 @!p1 $0xD700, s2  }
0x123: {  	[tilespmem:s6], [sflag:$0x10] =	stream.indirect.gather @!p1 [hbm4b:s4+s25], $0x1, s7, s25, $0xb8;
	[tilespmem:$0x19200] =	vst v63  }
0x124: {  	s6 =	sadd.s32 @p2 $0x19, s23  }
0x125: {  	s7 =	sshll.u32 @p2 s6, $0x4;
	s8 =	sshll.u32 @p2 s6, $0xB  }
0x126: {  	s7 =	sand.u32 @p2 $0x70, s7;
	s8 =	sand.u32 @p2 $0x1FC000, s8  }
0x127: {  	s6 =	sshll.u32 @p2 s6, $0x8;
	s7 =	sor.u32 @p2 s7, s8  }
0x128: {  	s6 =	sand.u32 @p2 $0x3FFFFF00, s6;
	s7 =	sadd.s32 @p2 s7, s0  }
0x129: {  	[tilespmem:s6], [sflag:$0x6] =	stream.strided.gather @p2 [hbm4b:s7+s1], $0x100, s5, s1, $0x38;
	[tilespmem:$0x19200] =	vst v63  }
0x12a: {  	v61 =	vld [tilespmem:s2+$0xCD00]  }
0x12b: {  	v33 =	vld [tilespmem:s2+$0xCD60]  }
0x12c: {  	v34 =	vld [tilespmem:s2+$0xCD70]  }
0x12d: {  	v35 =	vld [tilespmem:s2+$0xCD80]  }
0x12e: {  	v36 =	vld [tilespmem:s2+$0xCD90]  }
0x12f: {  	v37 =	vld [tilespmem:s2+$0xCDA0]  }
0x130: {  	v38 =	vld [tilespmem:s2+$0xCDB0];
	[tilespmem:$0x1FF60] =	vst v33  }
0x131: {  	v39 =	vld [tilespmem:s2+$0xCDD0];
	[tilespmem:$0x1FF70] =	vst v34  }
0x132: {  	v40 =	vld [tilespmem:s2+$0xCDE0];
	[tilespmem:$0x1FF80] =	vst v35  }
0x133: {  	v41 =	vld [tilespmem:s2+$0xCDF0];
	[tilespmem:$0x1FF90] =	vst v36  }
0x134: {  	v55 =	vld [tilespmem:s2+$0xCD10];
	[tilespmem:$0x1FFA0] =	vst v37  }
0x135: {  	v59 =	vld [tilespmem:s2+$0xCD20];
	[tilespmem:$0x1FFB0] =	vst v38  }
0x136: {  	v60 =	vld [tilespmem:s2+$0xCD30];
	[tilespmem:$0x1FFC0] =	vst v39  }
0x137: {  	v56 =	vld [tilespmem:s2+$0xCD40];
	[tilespmem:$0x1FFD0] =	vst v40  }
0x138: {  	v58 =	vld [tilespmem:s2+$0xCD50];
	[tilespmem:$0x1FFE0] =	vst v41  }
0x139: {  	v57 =	vld [tilespmem:s2+$0xCDC0];
	_ =	swait.ge [sflag:s21], $0x100  }
0x13a: {  	[sflag:s21] =	ssyncset.done $0x0  }
0x13b: {  	s6 =	simm.s32 @!p1 $0x7;
	[sflag:s21] =	ssyncadd.s32 $0xFFFFFF00  }
0x13c: {  	_ =	swait.ge @!p1 [sflag:s6], $0x100  }
0x13d: {  	[sflag:s6] =	ssyncset.done @!p1 $0x0  }
0x13e: {  	s7 =	sadd.s32 @!p1 $0x1000, s2;
	[sflag:s6] =	ssyncadd.s32 @!p1 $0xFFFFFF00;
	s6 =	sadd.s32 @!p1 $0xD800, s2  }
0x13f: {  	[tilespmem:s6], [sflag:$0x11] =	stream.indirect.gather @!p1 [hbm4b:s4+s25], $0x1, s7, s25, $0xb8;
	[tilespmem:$0x19200] =	vst v63  }
0x140: {  	s6 =	sadd.s32 @p2 $0x1A, s23  }
0x141: {  	s7 =	sshll.u32 @p2 s6, $0x4;
	s8 =	sshll.u32 @p2 s6, $0xB  }
0x142: {  	s7 =	sand.u32 @p2 $0x60, s7;
	s8 =	sand.u32 @p2 $0x1FC000, s8  }
0x143: {  	s6 =	sshll.u32 @p2 s6, $0x8;
	s7 =	sor.u32 @p2 s7, s8  }
0x144: {  	s6 =	sand.u32 @p2 $0x3FFFFF00, s6;
	s7 =	sadd.s32 @p2 s7, s0  }
0x145: {  	[tilespmem:s6], [sflag:$0x7] =	stream.strided.gather @p2 [hbm4b:s7+s1], $0x100, s5, s1, $0x38;
	[tilespmem:$0x19200] =	vst v63  }
0x146: {  	v44 =	vld [tilespmem:s2+$0xCE00]  }
0x147: {  	v41 =	vld [tilespmem:s2+$0xCE10]  }
0x148: {  	v46 =	vld [tilespmem:s2+$0xCE20]  }
0x149: {  	v43 =	vld [tilespmem:s2+$0xCE30]  }
0x14a: {  	v48 =	vld [tilespmem:s2+$0xCE40]  }
0x14b: {  	v45 =	vld [tilespmem:s2+$0xCE50]  }
0x14c: {  	v50 =	vld [tilespmem:s2+$0xCE60]  }
0x14d: {  	v47 =	vld [tilespmem:s2+$0xCE70]  }
0x14e: {  	v54 =	vld [tilespmem:s2+$0xCE80]  }
0x14f: {  	v42 =	vld [tilespmem:s2+$0xCEE0]  }
0x150: {  	v49 =	vld [tilespmem:s2+$0xCE90]  }
0x151: {  	v52 =	vld [tilespmem:s2+$0xCEA0]  }
0x152: {  	v53 =	vld [tilespmem:s2+$0xCEB0]  }
0x153: {  	v63 =	vld [tilespmem:s2+$0xCEC0]  }
0x154: {  	v51 =	vld [tilespmem:s2+$0xCED0];
	[tilespmem:$0x1FFF0] =	vst v42  }
0x155: {  	v62 =	vld [tilespmem:s2+$0xCEF0];
	_ =	swait.ge [sflag:s22], $0x100  }
0x156: {  	[sflag:s22] =	ssyncset.done $0x0  }
0x157: {  	s6 =	simm.s32 @!p1 $0x8;
	[sflag:s22] =	ssyncadd.s32 $0xFFFFFF00  }
0x158: {  	_ =	swait.ge @!p1 [sflag:s6], $0x100  }
0x159: {  	v38 =	vadd.f32 v22, v6;
	v6 =	vld [tilespmem:$0x1FBD0];
	_ =	sdelay $0x2  }
0x15a: {  	v40 =	vadd.f32 v24, v8;
	_ =	sdelay $0x1  }
0x15b: {  	v40 =	vadd.f32 v6, v40;
	v6 =	vld [tilespmem:$0x1FBE0];
	_ =	sdelay $0x2  }
0x15c: {  	v37 =	vadd.f32 v21, v7;
	_ =	sdelay $0x1  }
0x15d: {  	v37 =	vadd.f32 v6, v37;
	v6 =	vld [tilespmem:$0x1FBF0];
	_ =	sdelay $0x4  }
0x15e: {  	v38 =	vadd.f32 v6, v38;
	v6 =	vld [tilespmem:$0x1FC00];
	_ =	sdelay $0x2  }
0x15f: {  	v35 =	vadd.f32 v19, v5;
	_ =	sdelay $0x1  }
0x160: {  	v35 =	vadd.f32 v6, v35;
	v6 =	vld [tilespmem:$0x1FC10];
	_ =	sdelay $0x2  }
0x161: {  	v36 =	vadd.f32 v20, v4;
	_ =	sdelay $0x1  }
0x162: {  	v36 =	vadd.f32 v6, v36;
	v6 =	vld [tilespmem:$0x1FC20];
	_ =	sdelay $0x2  }
0x163: {  	v33 =	vadd.f32 v17, v3;
	_ =	sdelay $0x1  }
0x164: {  	v33 =	vadd.f32 v6, v33;
	v6 =	vld [tilespmem:$0x1FC30];
	_ =	sdelay $0x2  }
0x165: {  	v34 =	vadd.f32 v18, v2;
	_ =	sdelay $0x1  }
0x166: {  	v34 =	vadd.f32 v6, v34;
	v6 =	vld [tilespmem:$0x1FC40];
	_ =	sdelay $0x1  }
0x167: {  	v31 =	vadd.f32 v0, v1;
	[sflag:s6] =	ssyncset.done @!p1 $0x0;
	v0 =	vld [tilespmem:$0x1FB60]  }
0x168: {  	s7 =	sadd.s32 @!p1 $0x1100, s2;
	v1 =	vld [tilespmem:$0x1FB70];
	[sflag:s6] =	ssyncadd.s32 @!p1 $0xFFFFFF00;
	s6 =	sadd.s32 @!p1 $0xD900, s2  }
0x169: {  	v5 =	vld [tilespmem:$0x1FBB0];
	[tilespmem:s6], [sflag:$0x12] =	stream.indirect.gather @!p1 [hbm4b:s4+s25], $0x1, s7, s25, $0xb8  }
0x16a: {  	s6 =	sadd.s32 @p2 $0x1B, s23;
	v31 =	vadd.f32 v6, v31;
	v6 =	vld [tilespmem:$0x1FC50]  }
0x16b: {  	v2 =	vld [tilespmem:$0x1FB80];
	s7 =	sshll.u32 @p2 s6, $0x4;
	s8 =	sshll.u32 @p2 s6, $0xB  }
0x16c: {  	v39 =	vadd.f32 v26, v10;
	v3 =	vld [tilespmem:$0x1FB90];
	s7 =	sand.u32 @p2 $0x70, s7;
	s8 =	sand.u32 @p2 $0x1FC000, s8  }
0x16d: {  	v32 =	vadd.f32 v16, v32;
	v4 =	vld [tilespmem:$0x1FBA0];
	s6 =	sshll.u32 @p2 s6, $0x8;
	s7 =	sor.u32 @p2 s7, s8  }
0x16e: {  	s6 =	sand.u32 @p2 $0x3FFFFF00, s6;
	v39 =	vadd.f32 v5, v39;
	v5 =	vld [tilespmem:$0x1FBC0];
	s7 =	sadd.s32 @p2 s7, s0  }
0x16f: {  	[tilespmem:s6], [sflag:$0x8] =	stream.strided.gather @p2 [hbm4b:s7+s1], $0x100, s5, s1, $0x38;
	v32 =	vadd.f32 v6, v32;
	v6 =	vld [tilespmem:$0x1FC60]  }
0x170: {  	v15 =	vadd.f32 v29, v15;
	v14 =	vadd.f32 v30, v14;
	v30 =	vld [tilespmem:s2+$0xCF00]  }
0x171: {  	v42 =	vadd.f32 v28, v12;
	v28 =	vld [tilespmem:s2+$0xCF10]  }
0x172: {  	v0 =	vadd.f32 v0, v15;
	v29 =	vld [tilespmem:s2+$0xCF20]  }
0x173: {  	v26 =	vld [tilespmem:s2+$0xCF30]  }
0x174: {  	v0 =	vadd.f32 v6, v0;
	v6 =	vld [tilespmem:$0x1FC70]  }
0x175: {  	v13 =	vadd.f32 v27, v13;
	v27 =	vld [tilespmem:s2+$0xCF40]  }
0x176: {  	v11 =	vadd.f32 v25, v11;
	v25 =	vld [tilespmem:s2+$0xCF50]  }
0x177: {  	v1 =	vadd.f32 v1, v14;
	v24 =	vld [tilespmem:s2+$0xCF60]  }
0x178: {  	v9 =	vadd.f32 v23, v9;
	v23 =	vld [tilespmem:s2+$0xCF70]  }
0x179: {  	v1 =	vadd.f32 v6, v1;
	v6 =	vld [tilespmem:$0x1FC80]  }
0x17a: {  	v22 =	vld [tilespmem:s2+$0xCF80]  }
0x17b: {  	v21 =	vld [tilespmem:s2+$0xCF90]  }
0x17c: {  	v2 =	vadd.f32 v2, v13;
	v20 =	vld [tilespmem:s2+$0xCFA0]  }
0x17d: {  	v19 =	vld [tilespmem:s2+$0xCFB0]  }
0x17e: {  	v2 =	vadd.f32 v6, v2;
	v6 =	vld [tilespmem:$0x1FC90]  }
0x17f: {  	v18 =	vld [tilespmem:s2+$0xCFC0]  }
0x180: {  	v17 =	vld [tilespmem:s2+$0xCFD0]  }
0x181: {  	v3 =	vadd.f32 v3, v42;
	v16 =	vld [tilespmem:s2+$0xCFE0]  }
0x182: {  	v42 =	vld [tilespmem:s2+$0xCFF0];
	_ =	swait.ge [sflag:s24], $0x100  }
0x183: {  	v3 =	vadd.f32 v6, v3;
	v6 =	vld [tilespmem:$0x1FCA0];
	_ =	sdelay $0x2  }
0x184: {  	v4 =	vadd.f32 v4, v11;
	_ =	sdelay $0x1  }
0x185: {  	v4 =	vadd.f32 v6, v4;
	v6 =	vld [tilespmem:$0x1FCB0];
	_ =	sdelay $0x4  }
0x186: {  	v39 =	vadd.f32 v6, v39;
	v6 =	vld [tilespmem:$0x1FCC0];
	_ =	sdelay $0x2  }
0x187: {  	v5 =	vadd.f32 v5, v9;
	_ =	sdelay $0x1  }
0x188: {  	v5 =	vadd.f32 v6, v5;
	v6 =	vld [tilespmem:$0x1FCD0];
	_ =	sdelay $0x4  }
0x189: {  	v40 =	vadd.f32 v6, v40;
	v6 =	vld [tilespmem:$0x1FCE0];
	_ =	sdelay $0x4  }
0x18a: {  	v37 =	vadd.f32 v6, v37;
	v6 =	vld [tilespmem:$0x1FCF0];
	_ =	sdelay $0x1  }
0x18b: {  	[sflag:s24] =	ssyncset.done $0x0  }
0x18c: {  	s6 =	simm.s32 @!p1 $0x9;
	[sflag:s24] =	ssyncadd.s32 $0xFFFFFF00  }
0x18d: {  	_ =	swait.ge @!p1 [sflag:s6], $0x100  }
0x18e: {  	v38 =	vadd.f32 v6, v38;
	v6 =	vld [tilespmem:$0x1FD00];
	_ =	sdelay $0x4  }
0x18f: {  	v35 =	vadd.f32 v6, v35;
	v6 =	vld [tilespmem:$0x1FD10];
	_ =	sdelay $0x4  }
0x190: {  	v36 =	vadd.f32 v6, v36;
	v6 =	vld [tilespmem:$0x1FD20];
	_ =	sdelay $0x4  }
0x191: {  	v33 =	vadd.f32 v6, v33;
	v6 =	vld [tilespmem:$0x1FD30];
	_ =	sdelay $0x4  }
0x192: {  	v34 =	vadd.f32 v6, v34;
	v6 =	vld [tilespmem:$0x1FD40];
	_ =	sdelay $0x4  }
0x193: {  	v31 =	vadd.f32 v6, v31;
	v6 =	vld [tilespmem:$0x1FD50];
	_ =	sdelay $0x4  }
0x194: {  	v32 =	vadd.f32 v6, v32;
	v6 =	vld [tilespmem:$0x1FD60];
	_ =	sdelay $0x4  }
0x195: {  	v0 =	vadd.f32 v6, v0;
	v6 =	vld [tilespmem:$0x1FD70];
	_ =	sdelay $0x4  }
0x196: {  	v1 =	vadd.f32 v6, v1;
	v6 =	vld [tilespmem:$0x1FD80];
	_ =	sdelay $0x4  }
0x197: {  	v2 =	vadd.f32 v6, v2;
	v6 =	vld [tilespmem:$0x1FD90];
	_ =	sdelay $0x4  }
0x198: {  	v3 =	vadd.f32 v6, v3;
	v6 =	vld [tilespmem:$0x1FDA0];
	_ =	sdelay $0x4  }
0x199: {  	v4 =	vadd.f32 v6, v4;
	v6 =	vld [tilespmem:$0x1FDB0];
	_ =	sdelay $0x4  }
0x19a: {  	v39 =	vadd.f32 v6, v39;
	v6 =	vld [tilespmem:$0x1FDC0];
	_ =	sdelay $0x4  }
0x19b: {  	v5 =	vadd.f32 v6, v5;
	v6 =	vld [tilespmem:$0x1FDD0];
	_ =	sdelay $0x4  }
0x19c: {  	v40 =	vadd.f32 v6, v40;
	v6 =	vld [tilespmem:$0x1FDE0];
	_ =	sdelay $0x4  }
0x19d: {  	v37 =	vadd.f32 v6, v37;
	v6 =	vld [tilespmem:$0x1FDF0];
	_ =	sdelay $0x4  }
0x19e: {  	v38 =	vadd.f32 v6, v38;
	v6 =	vld [tilespmem:$0x1FE00];
	_ =	sdelay $0x4  }
0x19f: {  	v35 =	vadd.f32 v6, v35;
	v6 =	vld [tilespmem:$0x1FE10];
	_ =	sdelay $0x4  }
0x1a0: {  	v36 =	vadd.f32 v6, v36;
	v6 =	vld [tilespmem:$0x1FE20];
	_ =	sdelay $0x4  }
0x1a1: {  	v33 =	vadd.f32 v6, v33;
	v6 =	vld [tilespmem:$0x1FE30];
	_ =	sdelay $0x4  }
0x1a2: {  	v34 =	vadd.f32 v6, v34;
	v6 =	vld [tilespmem:$0x1FE40];
	_ =	sdelay $0x4  }
0x1a3: {  	v31 =	vadd.f32 v6, v31;
	v6 =	vld [tilespmem:$0x1FE50];
	_ =	sdelay $0x4  }
0x1a4: {  	v32 =	vadd.f32 v6, v32;
	v6 =	vld [tilespmem:$0x1FE60];
	_ =	sdelay $0x4  }
0x1a5: {  	v0 =	vadd.f32 v6, v0;
	v6 =	vld [tilespmem:$0x1FE70];
	_ =	sdelay $0x4  }
0x1a6: {  	v1 =	vadd.f32 v6, v1;
	v6 =	vld [tilespmem:$0x1FE80];
	_ =	sdelay $0x4  }
0x1a7: {  	v2 =	vadd.f32 v6, v2;
	v6 =	vld [tilespmem:$0x1FE90];
	_ =	sdelay $0x4  }
0x1a8: {  	v3 =	vadd.f32 v6, v3;
	v6 =	vld [tilespmem:$0x1FEA0];
	_ =	sdelay $0x4  }
0x1a9: {  	v4 =	vadd.f32 v6, v4;
	v6 =	vld [tilespmem:$0x1FEB0];
	_ =	sdelay $0x4  }
0x1aa: {  	v39 =	vadd.f32 v6, v39;
	v6 =	vld [tilespmem:$0x1FEC0];
	_ =	sdelay $0x4  }
0x1ab: {  	v5 =	vadd.f32 v6, v5;
	v6 =	vld [tilespmem:$0x1FED0];
	_ =	sdelay $0x4  }
0x1ac: {  	v40 =	vadd.f32 v6, v40;
	v6 =	vld [tilespmem:$0x1FEE0];
	_ =	sdelay $0x3  }
0x1ad: {  	[sflag:s6] =	ssyncset.done @!p1 $0x0  }
0x1ae: {  	s7 =	sadd.s32 @!p1 $0x1200, s2;
	[sflag:s6] =	ssyncadd.s32 @!p1 $0xFFFFFF00;
	s6 =	sadd.s32 @!p1 $0xDA00, s2;
	v37 =	vadd.f32 v6, v37;
	v6 =	vld [tilespmem:$0x1FEF0]  }
0x1af: {  	[tilespmem:s6], [sflag:$0x13] =	stream.indirect.gather @!p1 [hbm4b:s4+s25], $0x1, s7, s25, $0xb8;
	[tilespmem:$0x19200] =	vst v63  }
0x1b0: {  	s6 =	sadd.s32 @p2 $0x1C, s23  }
0x1b1: {  	s7 =	sshll.u32 @p2 s6, $0x4;
	s8 =	sshll.u32 @p2 s6, $0xB  }
0x1b2: {  	s7 =	sand.u32 @p2 $0x60, s7;
	s8 =	sand.u32 @p2 $0x1FC000, s8  }
0x1b3: {  	s6 =	sshll.u32 @p2 s6, $0x8;
	s7 =	sor.u32 @p2 s7, s8;
	v38 =	vadd.f32 v6, v38;
	v6 =	vld [tilespmem:$0x1FF00]  }
0x1b4: {  	s6 =	sand.u32 @p2 $0x3FFFFF00, s6;
	s7 =	sadd.s32 @p2 s7, s0  }
0x1b5: {  	[tilespmem:s6], [sflag:$0x9] =	stream.strided.gather @p2 [hbm4b:s7+s1], $0x100, s5, s1, $0x38;
	[tilespmem:$0x19200] =	vst v63  }
0x1b6: {  	v15 =	vld [tilespmem:s2+$0xD000]  }
0x1b7: {  	v14 =	vld [tilespmem:s2+$0xD010]  }
0x1b8: {  	v35 =	vadd.f32 v6, v35;
	v6 =	vld [tilespmem:$0x1FF10]  }
0x1b9: {  	v13 =	vld [tilespmem:s2+$0xD020]  }
0x1ba: {  	v12 =	vld [tilespmem:s2+$0xD030]  }
0x1bb: {  	v11 =	vld [tilespmem:s2+$0xD040]  }
0x1bc: {  	v10 =	vld [tilespmem:s2+$0xD050]  }
0x1bd: {  	v36 =	vadd.f32 v6, v36;
	v6 =	vld [tilespmem:$0x1FF20]  }
0x1be: {  	v9 =	vld [tilespmem:s2+$0xD060]  }
0x1bf: {  	v8 =	vld [tilespmem:s2+$0xD070]  }
0x1c0: {  	v3 =	vadd.f32 v60, v3;
	v60 =	vld [tilespmem:$0x1FF60]  }
0x1c1: {  	v0 =	vadd.f32 v61, v0;
	v61 =	vld [tilespmem:$0x1FF70]  }
0x1c2: {  	v33 =	vadd.f32 v6, v33;
	v6 =	vld [tilespmem:$0x1FF30]  }
0x1c3: {  	v7 =	vld [tilespmem:s2+$0xD080]  }
0x1c4: {  	v1 =	vadd.f32 v55, v1;
	v55 =	vld [tilespmem:s2+$0xD0A0]  }
0x1c5: {  	v5 =	vadd.f32 v60, v5;
	v60 =	vld [tilespmem:$0x1FF80]  }
0x1c6: {  	v40 =	vadd.f32 v61, v40;
	v61 =	vld [tilespmem:$0x1FFA0]  }
0x1c7: {  	v34 =	vadd.f32 v6, v34;
	v6 =	vld [tilespmem:$0x1FF40]  }
0x1c8: {  	v2 =	vadd.f32 v59, v2;
	v59 =	vld [tilespmem:s2+$0xD0B0]  }
0x1c9: {  	v4 =	vadd.f32 v56, v4;
	v56 =	vld [tilespmem:s2+$0xD0C0]  }
0x1ca: {  	v37 =	vadd.f32 v60, v37;
	v60 =	vld [tilespmem:$0x1FF90]  }
0x1cb: {  	v35 =	vadd.f32 v61, v35;
	v61 =	vld [tilespmem:$0x1FFB0]  }
0x1cc: {  	v31 =	vadd.f32 v6, v31;
	v6 =	vld [tilespmem:$0x1FF50]  }
0x1cd: {  	v33 =	vadd.f32 v57, v33;
	v57 =	vld [tilespmem:$0x1FFC0]  }
0x1ce: {  	v39 =	vadd.f32 v58, v39;
	v58 =	vld [tilespmem:s2+$0xD0D0]  }
0x1cf: {  	v38 =	vadd.f32 v60, v38;
	v60 =	vld [tilespmem:s2+$0xD0E0]  }
0x1d0: {  	v36 =	vadd.f32 v61, v36;
	v61 =	vld [tilespmem:s2+$0xD0F0]  }
0x1d1: {  	v32 =	vadd.f32 v6, v32;
	v6 =	vld [tilespmem:s2+$0xD090];
	_ =	swait.ge [sflag:s26], $0x100  }
0x1d2: {  	v34 =	vadd.f32 v57, v34;
	v57 =	vld [tilespmem:$0x1FFD0];
	_ =	sdelay $0x1  }
0x1d3: {  	v0 =	vadd.f32 v44, v0;
	v1 =	vadd.f32 v41, v1  }
0x1d4: {  	[sflag:s26] =	ssyncset.done $0x0  }
0x1d5: {  	s6 =	simm.s32 @!p1 $0xA;
	v0 =	vadd.f32 v30, v0;
	v1 =	vadd.f32 v28, v1;
	[sflag:s26] =	ssyncadd.s32 $0xFFFFFF00  }
0x1d6: {  	v2 =	vadd.f32 v46, v2;
	v31 =	vadd.f32 v57, v31;
	v57 =	vld [tilespmem:$0x1FFE0];
	_ =	swait.ge @!p1 [sflag:s6], $0x100  }
0x1d7: {  	v0 =	vadd.f32 v15, v0;
	v3 =	vadd.f32 v43, v3;
	[sflag:s6] =	ssyncset.done @!p1 $0x0  }
0x1d8: {  	s7 =	sadd.s32 @!p1 $0x1300, s2;
	v1 =	vadd.f32 v14, v1;
	v2 =	vadd.f32 v29, v2;
	[sflag:s6] =	ssyncadd.s32 @!p1 $0xFFFFFF00;
	s6 =	sadd.s32 @!p1 $0xDB00, s2  }
0x1d9: {  	v3 =	vadd.f32 v26, v3;
	v4 =	vadd.f32 v48, v4;
	[tilespmem:s6], [sflag:$0x14] =	stream.indirect.gather @!p1 [hbm4b:s4+s25], $0x1, s7, s25, $0xb8;
	[tilespmem:$0x19200] =	vst v63  }
0x1da: {  	v2 =	vadd.f32 v13, v2;
	v39 =	vadd.f32 v45, v39;
	s6 =	sadd.s32 @p2 $0x1D, s23  }
0x1db: {  	v3 =	vadd.f32 v12, v3;
	v4 =	vadd.f32 v27, v4;
	s7 =	sshll.u32 @p2 s6, $0xB;
	s8 =	sshll.u32 @p2 s6, $0x4  }
0x1dc: {  	v25 =	vadd.f32 v25, v39;
	v5 =	vadd.f32 v50, v5;
	s7 =	sand.u32 @p2 $0x1FC000, s7;
	s8 =	sand.u32 @p2 $0x70, s8  }
0x1dd: {  	v4 =	vadd.f32 v11, v4;
	v40 =	vadd.f32 v47, v40;
	s6 =	sshll.u32 @p2 s6, $0x8;
	s7 =	sor.u32 @p2 s8, s7  }
0x1de: {  	v10 =	vadd.f32 v10, v25;
	v5 =	vadd.f32 v24, v5;
	s6 =	sand.u32 @p2 $0x3FFFFF00, s6;
	s7 =	sadd.s32 @p2 s7, s0  }
0x1df: {  	v23 =	vadd.f32 v23, v40;
	v33 =	vadd.f32 v63, v33;
	v63 =	vld [tilespmem:$0x1FFF0];
	[tilespmem:s6], [sflag:$0xA] =	stream.strided.gather @p2 [hbm4b:s7+s1], $0x100, s5, s1, $0x38  }
0x1e0: {  	v5 =	vadd.f32 v9, v5;
	v37 =	vadd.f32 v54, v37;
	v44 =	vld [tilespmem:s2+$0xD100]  }
0x1e1: {  	v8 =	vadd.f32 v8, v23;
	v35 =	vadd.f32 v52, v35;
	v45 =	vld [tilespmem:s2+$0xD110]  }
0x1e2: {  	v22 =	vadd.f32 v22, v37;
	v38 =	vadd.f32 v49, v38;
	v46 =	vld [tilespmem:s2+$0xD120]  }
0x1e3: {  	v20 =	vadd.f32 v20, v35;
	v36 =	vadd.f32 v53, v36;
	v47 =	vld [tilespmem:s2+$0xD130]  }
0x1e4: {  	v7 =	vadd.f32 v7, v22;
	v21 =	vadd.f32 v21, v38;
	v49 =	vld [tilespmem:s2+$0xD140]  }
0x1e5: {  	v20 =	vadd.f32 v55, v20;
	v19 =	vadd.f32 v19, v36;
	v50 =	vld [tilespmem:s2+$0xD150]  }
0x1e6: {  	v34 =	vadd.f32 v51, v34;
	v32 =	vadd.f32 v57, v32;
	v51 =	vld [tilespmem:s2+$0xD160]  }
0x1e7: {  	v19 =	vadd.f32 v59, v19;
	v18 =	vadd.f32 v18, v33;
	v52 =	vld [tilespmem:s2+$0xD170]  }
0x1e8: {  	v31 =	vadd.f32 v63, v31;
	v32 =	vadd.f32 v62, v32;
	v53 =	vld [tilespmem:s2+$0xD180]  }
0x1e9: {  	v18 =	vadd.f32 v56, v18;
	v17 =	vadd.f32 v17, v34;
	v54 =	vld [tilespmem:s2+$0xD190]  }
0x1ea: {  	v16 =	vadd.f32 v16, v31;
	v48 =	vadd.f32 v42, v32;
	v57 =	vld [tilespmem:s2+$0xD1A0]  }
0x1eb: {  	v17 =	vadd.f32 v58, v17;
	v6 =	vadd.f32 v6, v21;
	v59 =	vld [tilespmem:s2+$0xD1B0]  }
0x1ec: {  	v62 =	vld [tilespmem:s2+$0xD1C0];
	v16 =	vadd.f32 v60, v16;
	v29 =	vadd.f32 v61, v48  }
0x1ed: {  	v63 =	vld [tilespmem:s2+$0xD1F0];
	v15 =	vadd.f32 v44, v0;
	v14 =	vadd.f32 v45, v1  }
0x1ee: {  	s3 =	sadd.s32 $0x1, s3;
	v0 =	vld [tilespmem:s2+$0xD1D0];
	v13 =	vadd.f32 v46, v2;
	v12 =	vadd.f32 v47, v3  }
0x1ef: {  	p1 =	sne.s32 s3, $0x14;
	v1 =	vld [tilespmem:s2+$0xD1E0];
	v11 =	vadd.f32 v49, v4;
	v10 =	vadd.f32 v50, v10  }
.Ltmp0:
0x1f0: {  	v9 =	vadd.f32 v51, v5;
	v8 =	vadd.f32 v52, v8;
	(pc) =	sbr.rel @p1 .LBB2_3-.Ltmp0, $4  }
0x1f1: {  	v7 =	vadd.f32 v53, v7;
	v6 =	vadd.f32 v54, v6  }
0x1f2: {  	v5 =	vadd.f32 v57, v20;
	v4 =	vadd.f32 v59, v19  }
0x1f3: {  	v3 =	vadd.f32 v62, v18;
	v32 =	vadd.f32 v63, v29  }
0x1f4: {  	v2 =	vadd.f32 v0, v17;
	v1 =	vadd.f32 v1, v16  }
0x1f5: {  	v0 =	vsub.f32 $0.0e+00, v15;
	_ =	sdelay $0x1  }
0x1f6: {  	v0 =	vmul.f32 $1.442695020e+00, v0;
	_ =	sdelay $0x1  }
0x1f7: {  	(erf) = vpow2.f32 v0;
	_ =	sdelay $0x8  }
0x1f8: {  	v14 =	vsub.f32 $0.0e+00, v14;
	v0 =	vpop (erf)  }
0x1f9: {  	v0 =	vadd.f32 $1.000000000e+00, v0  }
0x1fa: {  	v14 =	vmul.f32 $1.442695020e+00, v14  }
0x1fb: {  	(erf) = vrcp.f32 v0  }
0x1fc: {  	(erf) = vpow2.f32 v14;
	_ =	sdelay $0x7  }
0x1fd: {  	v0 =	vpop (erf)  }
0x1fe: {  	v13 =	vsub.f32 $0.0e+00, v13;
	v14 =	vpop (erf)  }
0x1ff: {  	v14 =	vadd.f32 $1.000000000e+00, v14  }
0x200: {  	v13 =	vmul.f32 $1.442695020e+00, v13  }
0x201: {  	(erf) = vrcp.f32 v14  }
0x202: {  	(erf) = vpow2.f32 v13;
	_ =	sdelay $0x7  }
0x203: {  	v23 =	vpop (erf)  }
0x204: {  	v12 =	vsub.f32 $0.0e+00, v12;
	v24 =	vpop (erf)  }
0x205: {  	v14 =	vadd.f32 $1.000000000e+00, v24  }
0x206: {  	v12 =	vmul.f32 $1.442695020e+00, v12  }
0x207: {  	(erf) = vrcp.f32 v14  }
0x208: {  	(erf) = vpow2.f32 v12;
	_ =	sdelay $0x7  }
0x209: {  	v25 =	vpop (erf)  }
0x20a: {  	v11 =	vsub.f32 $0.0e+00, v11;
	v26 =	vpop (erf)  }
0x20b: {  	v14 =	vadd.f32 $1.000000000e+00, v26  }
0x20c: {  	v11 =	vmul.f32 $1.442695020e+00, v11  }
0x20d: {  	(erf) = vrcp.f32 v14  }
0x20e: {  	(erf) = vpow2.f32 v11;
	_ =	sdelay $0x7  }
0x20f: {  	v27 =	vpop (erf)  }
0x210: {  	v10 =	vsub.f32 $0.0e+00, v10;
	v28 =	vpop (erf)  }
0x211: {  	v14 =	vadd.f32 $1.000000000e+00, v28  }
0x212: {  	v10 =	vmul.f32 $1.442695020e+00, v10  }
0x213: {  	(erf) = vrcp.f32 v14  }
0x214: {  	(erf) = vpow2.f32 v10;
	_ =	sdelay $0x7  }
0x215: {  	v29 =	vpop (erf)  }
0x216: {  	v9 =	vsub.f32 $0.0e+00, v9;
	v30 =	vpop (erf)  }
0x217: {  	v14 =	vadd.f32 $1.000000000e+00, v30  }
0x218: {  	v9 =	vmul.f32 $1.442695020e+00, v9  }
0x219: {  	(erf) = vrcp.f32 v14  }
0x21a: {  	(erf) = vpow2.f32 v9;
	_ =	sdelay $0x7  }
0x21b: {  	v31 =	vpop (erf)  }
0x21c: {  	v8 =	vsub.f32 $0.0e+00, v8;
	v33 =	vpop (erf)  }
0x21d: {  	v14 =	vadd.f32 $1.000000000e+00, v33  }
0x21e: {  	v8 =	vmul.f32 $1.442695020e+00, v8  }
0x21f: {  	(erf) = vrcp.f32 v14  }
0x220: {  	(erf) = vpow2.f32 v8;
	_ =	sdelay $0x7  }
0x221: {  	v34 =	vpop (erf)  }
0x222: {  	v7 =	vsub.f32 $0.0e+00, v7;
	v35 =	vpop (erf)  }
0x223: {  	v14 =	vadd.f32 $1.000000000e+00, v35  }
0x224: {  	v7 =	vmul.f32 $1.442695020e+00, v7  }
0x225: {  	(erf) = vrcp.f32 v14  }
0x226: {  	(erf) = vpow2.f32 v7;
	_ =	sdelay $0x7  }
0x227: {  	v36 =	vpop (erf)  }
0x228: {  	v6 =	vsub.f32 $0.0e+00, v6;
	v37 =	vpop (erf)  }
0x229: {  	v14 =	vadd.f32 $1.000000000e+00, v37  }
0x22a: {  	v6 =	vmul.f32 $1.442695020e+00, v6  }
0x22b: {  	(erf) = vrcp.f32 v14  }
0x22c: {  	(erf) = vpow2.f32 v6;
	_ =	sdelay $0x7  }
0x22d: {  	v38 =	vpop (erf)  }
0x22e: {  	v5 =	vsub.f32 $0.0e+00, v5;
	v39 =	vpop (erf)  }
0x22f: {  	v14 =	vadd.f32 $1.000000000e+00, v39  }
0x230: {  	v5 =	vmul.f32 $1.442695020e+00, v5  }
0x231: {  	(erf) = vrcp.f32 v14  }
0x232: {  	(erf) = vpow2.f32 v5;
	_ =	sdelay $0x7  }
0x233: {  	v40 =	vpop (erf)  }
0x234: {  	v4 =	vsub.f32 $0.0e+00, v4;
	v41 =	vpop (erf)  }
0x235: {  	v14 =	vadd.f32 $1.000000000e+00, v41  }
0x236: {  	v4 =	vmul.f32 $1.442695020e+00, v4  }
0x237: {  	(erf) = vrcp.f32 v14  }
0x238: {  	(erf) = vpow2.f32 v4;
	_ =	sdelay $0x7  }
0x239: {  	v42 =	vpop (erf)  }
0x23a: {  	v3 =	vsub.f32 $0.0e+00, v3;
	v43 =	vpop (erf)  }
0x23b: {  	v14 =	vadd.f32 $1.000000000e+00, v43  }
0x23c: {  	v3 =	vmul.f32 $1.442695020e+00, v3  }
0x23d: {  	(erf) = vrcp.f32 v14  }
0x23e: {  	(erf) = vpow2.f32 v3;
	_ =	sdelay $0x7  }
0x23f: {  	v44 =	vpop (erf)  }
0x240: {  	v2 =	vsub.f32 $0.0e+00, v2;
	v45 =	vpop (erf)  }
0x241: {  	v14 =	vadd.f32 $1.000000000e+00, v45  }
0x242: {  	v2 =	vmul.f32 $1.442695020e+00, v2  }
0x243: {  	(erf) = vrcp.f32 v14  }
0x244: {  	(erf) = vpow2.f32 v2;
	_ =	sdelay $0x7  }
0x245: {  	v46 =	vpop (erf)  }
0x246: {  	v1 =	vsub.f32 $0.0e+00, v1;
	v47 =	vpop (erf)  }
0x247: {  	v14 =	vadd.f32 $1.000000000e+00, v47  }
0x248: {  	v1 =	vmul.f32 $1.442695020e+00, v1  }
0x249: {  	(erf) = vrcp.f32 v14  }
0x24a: {  	(erf) = vpow2.f32 v1;
	_ =	sdelay $0x7  }
0x24b: {  	v48 =	vpop (erf)  }
0x24c: {  	v50 =	vsub.f32 $0.0e+00, v32;
	v49 =	vpop (erf)  }
0x24d: {  	v14 =	vadd.f32 $1.000000000e+00, v49  }
0x24e: {  	v15 =	vmul.f32 $1.442695020e+00, v50  }
0x24f: {  	(erf) = vrcp.f32 v14  }
0x250: {  	(erf) = vpow2.f32 v15;
	_ =	sdelay $0x1  }
0x251: {  	v0 =	vmul.f32 $1.000000000e+04, v0  }
0x252: {  	v13 =	vmul.f32 $1.000000000e+04, v23  }
0x253: {  	v0 =	vadd.f32 $8.388608000e+06, v0;
	v12 =	vmul.f32 $1.000000000e+04, v25  }
0x254: {  	v13 =	vadd.f32 $8.388608000e+06, v13;
	v11 =	vmul.f32 $1.000000000e+04, v27  }
0x255: {  	v0 =	vadd.f32 $-8.388608000e+06, v0;
	v12 =	vadd.f32 $8.388608000e+06, v12  }
0x256: {  	v13 =	vadd.f32 $-8.388608000e+06, v13;
	v11 =	vadd.f32 $8.388608000e+06, v11  }
0x257: {  	v0 =	vmul.f32 $9.999999740e-05, v0;
	v12 =	vadd.f32 $-8.388608000e+06, v12;
	v14 =	vpop (erf)  }
0x258: {  	v13 =	vmul.f32 $9.999999740e-05, v13;
	v11 =	vadd.f32 $-8.388608000e+06, v11;
	v10 =	vmul.f32 $1.000000000e+04, v29;
	v15 =	vpop (erf)  }
0x259: {  	v12 =	vmul.f32 $9.999999740e-05, v12;
	v9 =	vmul.f32 $1.000000000e+04, v31;
	v15 =	vadd.f32 $1.000000000e+00, v15  }
0x25a: {  	v11 =	vmul.f32 $9.999999740e-05, v11;
	v10 =	vadd.f32 $8.388608000e+06, v10;
	v8 =	vmul.f32 $1.000000000e+04, v34  }
0x25b: {  	v9 =	vadd.f32 $8.388608000e+06, v9;
	v7 =	vmul.f32 $1.000000000e+04, v36;
	(erf) = vrcp.f32 v15  }
0x25c: {  	v10 =	vadd.f32 $-8.388608000e+06, v10;
	v8 =	vadd.f32 $8.388608000e+06, v8;
	v6 =	vmul.f32 $1.000000000e+04, v38  }
0x25d: {  	v9 =	vadd.f32 $-8.388608000e+06, v9;
	v7 =	vadd.f32 $8.388608000e+06, v7;
	v5 =	vmul.f32 $1.000000000e+04, v40  }
0x25e: {  	[tilespmem:s31+$0x19000] =	vst v0;
	v51 =	vmul.f32 $9.999999740e-05, v10;
	v8 =	vadd.f32 $-8.388608000e+06, v8;
	v6 =	vadd.f32 $8.388608000e+06, v6  }
0x25f: {  	[tilespmem:s31+$0x19010] =	vst v13;
	v9 =	vmul.f32 $9.999999740e-05, v9;
	v7 =	vadd.f32 $-8.388608000e+06, v7;
	v5 =	vadd.f32 $8.388608000e+06, v5  }
0x260: {  	[tilespmem:s31+$0x19020] =	vst v12;
	v8 =	vmul.f32 $9.999999740e-05, v8;
	v6 =	vadd.f32 $-8.388608000e+06, v6;
	v4 =	vmul.f32 $1.000000000e+04, v42  }
0x261: {  	[tilespmem:s31+$0x19030] =	vst v11;
	v7 =	vmul.f32 $9.999999740e-05, v7;
	v5 =	vadd.f32 $-8.388608000e+06, v5;
	v3 =	vmul.f32 $1.000000000e+04, v44  }
0x262: {  	[tilespmem:s31+$0x19040] =	vst v51;
	v52 =	vmul.f32 $9.999999740e-05, v6;
	v4 =	vadd.f32 $8.388608000e+06, v4;
	v2 =	vmul.f32 $1.000000000e+04, v46  }
0x263: {  	[tilespmem:s31+$0x19050] =	vst v9;
	v5 =	vmul.f32 $9.999999740e-05, v5;
	v3 =	vadd.f32 $8.388608000e+06, v3;
	v1 =	vmul.f32 $1.000000000e+04, v48  }
0x264: {  	[tilespmem:s31+$0x19060] =	vst v8;
	v4 =	vadd.f32 $-8.388608000e+06, v4;
	v2 =	vadd.f32 $8.388608000e+06, v2;
	v53 =	vmul.f32 $1.000000000e+04, v14;
	v54 =	vpop (erf)  }
0x265: {  	[tilespmem:s31+$0x19070] =	vst v7;
	v3 =	vadd.f32 $-8.388608000e+06, v3;
	v1 =	vadd.f32 $8.388608000e+06, v1;
	v55 =	vmul.f32 $1.000000000e+04, v54  }
0x266: {  	[tilespmem:s31+$0x19080] =	vst v52;
	v56 =	vmul.f32 $9.999999740e-05, v4;
	v2 =	vadd.f32 $-8.388608000e+06, v2;
	v57 =	vadd.f32 $8.388608000e+06, v53  }
0x267: {  	[tilespmem:s31+$0x19090] =	vst v5;
	v3 =	vmul.f32 $9.999999740e-05, v3;
	v1 =	vadd.f32 $-8.388608000e+06, v1;
	v58 =	vadd.f32 $8.388608000e+06, v55  }
0x268: {  	[tilespmem:s31+$0x190A0] =	vst v56;
	v59 =	vmul.f32 $9.999999740e-05, v2;
	v60 =	vadd.f32 $-8.388608000e+06, v57  }
.Ltmp1:
0x269: {  	[tilespmem:s31+$0x190B0] =	vst v3;
	v1 =	vmul.f32 $9.999999740e-05, v1;
	v61 =	vadd.f32 $-8.388608000e+06, v58;
	(pc) =	sbr.rel @p0 .LBB2_2-.Ltmp1, $4  }
0x26a: {  	[tilespmem:s31+$0x190C0] =	vst v59;
	v62 =	vmul.f32 $9.999999740e-05, v60  }
0x26b: {  	[tilespmem:s31+$0x190D0] =	vst v1;
	v63 =	vmul.f32 $9.999999740e-05, v61  }
0x26c: {  	[tilespmem:s31+$0x190E0] =	vst v62  }
0x26d: {  	p1 =	por $0x0, $0x0;
	[tilespmem:s31+$0x190F0] =	vst v63;
	s31 =	simm.s32 $0x100  }
0x26e: {  	s0 =	simm.s32 $0x0  }
0x26f: {  	s1 =	rddreg [dreg:$0x16];
	s2 =	simm.s32 $0x19000;
	s23 =	simm.s32 $0x15  }
0x270: {  	[hbm4b:s1+s0] =	stream.linear.scatter [tilespmem:s2], [sflag:$0x15], $0x200, $0x38;
	[tilespmem:$0x19200] =	vst v63  }
0x271: {  	_ =	swait.ge [sflag:s23], $0x200  }
0x272: {  	s25 =	rddreg [dreg:$0x1a]  }
0x273: {  	s31 =	rddreg [dreg:$0x18];
	s2 =	sadd.s32 $0x1, s25  }
0x274: {  	p0 =	sne.s32 s2, s31  }
.Ltmp2:
0x275: {  	_ = 	snop;
	(pc) =	sbr.rel @p0 .LBB2_1-.Ltmp2, $3  }
0x276: {  	_ =	sdelay $0x1  }
0x277: {  	[sflag:s23] =	ssyncset.done $0x0  }
0x278: {  	[sflag:s23] =	ssyncadd.s32 $0xFFFFFE00  }
0x279: {  	_ =	sfence.sel $0x180000  }
0x27a: {  	[bflag:$0x0] =	sbarrier.arrive $0xFFFF  }
0x27b: {  	_ =	strace $0x90000047  }
0x27c: {  	s0 =	stileid.u32;
	[bflag:$0x2] =	sbarrier.arrive $0xFFFF  }
0x27d: {  	p0 =	sne.s32 s0, $0x0;
	s0 =	rddreg [dreg:$0x3]  }
0x27e: {  	s0 =	sadd.s32 @!p0 $0x100000, s0  }
0x27f: {  	[sflag:s0] =	ssyncadd.tile.s32 @!p0 $0x1;
	_ =	shalt  }
.Lfunc_end2:
_tile_overlayer_lowered:
.L_overlay_start_2:
0x280: {  	(tag) =	ssettag $0x2  }
0x281: {  	s0 =	rddreg [dreg:$0x0];
	s2 =	stileid.u32  }
0x282: {  	s1 =	rddreg [dreg:$0x1];
	p0 =	sne.s32 s2, $0x0  }
0x283: {  	s3 =	rddreg [dreg:$0x2];
	[bflag:$0x3] =	sbarrier.arrive $0xFFFF;
	s2 =	simm.s32 @!p0 $0x1C15  }
0x284: {  	[timem:s3], [sflag:s2] =	dma.local @!p0 [hbm:s0], s1  }
0x285: {  	s0 =	simm.s32 @!p0 $0x15  }
0x286: {  	_ =	swait.ge @!p0 [sflag:s0], s1  }
0x287: {  	s1 =	ssub.s32 @!p0 $0x0, s1;
	[sflag:s0] =	ssyncset.done @!p0 $0x0  }
0x288: {  	[sflag:s0] =	ssyncadd.s32 @!p0 s1  }
0x289: {  	[bflag:$0x3] =	sbarrier.arrive $0xFFFF  }
0x28a: {  	_ =	shalt  }

</sc_bundles>
